<compile_context>
chip_gen: v7x
topology: tpu7x:2x2x1
jax: 0.10.2.dev20260603
libtpu: 0.0.44.dev20260713+nightly
codegen_flags: <defaults>
</compile_context>

<pallas_src>
import functools

import jax
import jax.numpy as jnp
from jax import lax
from jax.experimental import pallas as pl
from jax.experimental.pallas import tpu as pltpu
from jax.experimental.pallas import tpu_sc as plsc

B, N, D = 2, 2048, 1024
H, P, DH = 16, 4, 64
INNER = H * DH
TWO_N = 2 * N
SCALE = DH ** -0.5

NC, NS = 2, 16
NW = NC * NS
ROWS = B * H * N * P
ROWS_PER_W = ROWS // NW
CHUNK = 128
NCHUNK = ROWS_PER_W // CHUNK

NB1 = 256
NB3 = 256
NB4 = 512


def _norm(xb):
    m = jnp.mean(xb, axis=-1, keepdims=True)
    v = jnp.mean((xb - m) ** 2, axis=-1, keepdims=True)
    return (xb - m) / jnp.sqrt(v + 1e-5)


def _dot_t(a, w):
    return lax.dot_general(a, w, (((1,), (1,)), ((), ())),
                           preferred_element_type=jnp.float32)


def _stage1_body(x_ref, px_ref, nqg_ref, nqb_ref, nkg_ref, nkb_ref,
                 nvg_ref, nvb_ref, wq_ref, wk_ref, wv_ref, ow_ref, ob_ref,
                 ow2_ref, ob2_ref, q_ref, off_ref, idx_ref, k_ref, v_ref):
    nb = pl.program_id(0)
    xb = x_ref[0]
    pb = px_ref[0]

    qin = jnp.concatenate([xb, pb], axis=-1)
    qin = _norm(qin) * nqg_ref[...][None, :] + nqb_ref[...][None, :]
    q = _dot_t(qin, wq_ref[...])
    q_ref[0] = q
    off = _dot_t(q, ow_ref[...]) + ob_ref[...][None, :]
    off2 = _dot_t(q, ow2_ref[...]) + ob2_ref[...][None, :]
    off_ref[0] = jnp.transpose(off2)

    n_iota = (lax.broadcasted_iota(jnp.int32, (NB1, H * P), 0)
              + nb * NB1).astype(jnp.float32)
    sample = jnp.clip(n_iota + off, 0.0, float(TWO_N - 1))
    j = sample.astype(jnp.int32)
    m = (j >= N).astype(jnp.int32)
    pos = j - m * N
    h_lane = lax.broadcasted_iota(jnp.int32, (NB1, H * P), 1) % H
    idx_ref[0] = (pos * 2 + m) * H + h_lane

    xn = _norm(xb)
    pn = _norm(pb)
    nkg = nkg_ref[...][None, :]
    nkb = nkb_ref[...][None, :]
    nvg = nvg_ref[...][None, :]
    nvb = nvb_ref[...][None, :]

    def pack(a, bm):
        a4 = a.reshape(NB1, 8, 128)[:, None]
        b4 = bm.reshape(NB1, 8, 128)[:, None]
        return jnp.concatenate([a4, b4], axis=1).reshape(NB1, 16, 128)

    k_ref[0] = pack(_dot_t(xn * nkg + nkb, wk_ref[...]),
                    _dot_t(pn * nkg + nkb, wk_ref[...]))
    v_ref[0] = pack(_dot_t(xn * nvg + nvb, wv_ref[...]),
                    _dot_t(pn * nvg + nvb, wv_ref[...]))


def _stage1(x, prev_x, nqg, nqb, nkg, nkb, nvg, nvb, W_q, W_k, W_v, off_w,
            off_b, off_w2, off_b2, b0):
    grid = (N // NB1,)
    full = lambda shape: pl.BlockSpec(shape, lambda nb: (0,) * len(shape))
    return pl.pallas_call(
        _stage1_body,
        grid=grid,
        in_specs=[
            pl.BlockSpec((1, NB1, D), lambda nb: (b0, nb, 0)),
            pl.BlockSpec((1, NB1, D), lambda nb: (b0, nb, 0)),
            full((2 * D,)), full((2 * D,)), full((D,)), full((D,)),
            full((D,)), full((D,)),
            full((INNER, 2 * D)), full((INNER, D)), full((INNER, D)),
            full((H * P, INNER)), full((H * P,)),
            full((H * P, INNER)), full((H * P,)),
        ],
        out_specs=[
            pl.BlockSpec((1, NB1, INNER), lambda nb: (0, nb, 0)),
            pl.BlockSpec((1, H * P, NB1), lambda nb: (0, 0, nb)),
            pl.BlockSpec((1, NB1, H * P), lambda nb: (0, nb, 0)),
            pl.BlockSpec((1, NB1, 16, 128), lambda nb: (0, nb, 0, 0)),
            pl.BlockSpec((1, NB1, 16, 128), lambda nb: (0, nb, 0, 0)),
        ],
        out_shape=[
            jax.ShapeDtypeStruct((1, N, INNER), jnp.float32),
            jax.ShapeDtypeStruct((1, H * P, N), jnp.float32),
            jax.ShapeDtypeStruct((1, N, H * P), jnp.int32),
            jax.ShapeDtypeStruct((1, N, 16, 128), jnp.float32),
            jax.ShapeDtypeStruct((1, N, 16, 128), jnp.float32),
        ],
    )(x, prev_x, nqg, nqb, nkg, nkb, nvg, nvb, W_q, W_k, W_v, off_w, off_b,
      off_w2, off_b2)


NBUF = 4


def _make_gather_body(nchunk):
    ngroups = 2 * nchunk // NBUF

    def _gather_body(k_tab, v_tab, idx_hbm, ks_out, vs_out,
                     idx_v, buf, gsem, wsem):
        wid = lax.axis_index("s") * NC + lax.axis_index("c")
        pltpu.sync_copy(idx_hbm.at[pl.ds(wid * nchunk, nchunk)], idx_v)
        obase = wid * nchunk

        def jobs(g, bank):
            out = []
            for s in range(NBUF):
                chunk = 2 * g + s // 2
                tab = k_tab if s % 2 == 0 else v_tab
                dst = ks_out if s % 2 == 0 else vs_out
                out.append((tab.at[idx_v.at[chunk]], buf.at[bank, s],
                            dst.at[obase + chunk]))
            return out

        def fire_gathers(g, bank):
            for src, b, _ in jobs(g, bank):
                pltpu.async_copy(src, b, gsem)

        def wait_gathers(g, bank):
            for src, b, _ in jobs(g, bank):
                pltpu.make_async_copy(src, b, gsem).wait()

        def fire_writes(g, bank):
            for _, b, dst in jobs(g, bank):
                pltpu.async_copy(b, dst, wsem)

        def wait_writes(g, bank):
            for _, b, dst in jobs(g, bank):
                pltpu.make_async_copy(b, dst, wsem).wait()

        fire_gathers(0, 0)

        def outer(t, carry):
            for bank in range(2):
                g = 2 * t + bank
                wait_gathers(g, bank)
                if bank == 0:
                    @pl.when(t >= 1)
                    def _():
                        wait_writes(g - 1, 1)
                    fire_gathers(g + 1, 1)
                else:
                    @pl.when(t < ngroups // 2 - 1)
                    def _():
                        wait_writes(g - 1, 0)
                        fire_gathers(g + 1, 0)
                fire_writes(g, bank)
            return carry

        lax.fori_loop(0, ngroups // 2, outer, 0)
        wait_writes(ngroups - 2, 0)
        wait_writes(ngroups - 1, 1)

    return _gather_body


def _gather(k_tab, v_tab, idx):
    rows = idx.size
    nchunk = rows // NW // CHUNK
    mesh = plsc.VectorSubcoreMesh(core_axis_name="c", subcore_axis_name="s",
                                  num_cores=NC, num_subcores=NS)
    f = functools.partial(
        pl.kernel,
        out_type=[
            jax.ShapeDtypeStruct((rows // CHUNK, CHUNK, DH), jnp.float32),
            jax.ShapeDtypeStruct((rows // CHUNK, CHUNK, DH), jnp.float32),
        ],
        mesh=mesh,
        scratch_types=[
            pltpu.VMEM((nchunk, CHUNK), jnp.int32),
            pltpu.VMEM((2, NBUF, CHUNK, DH), jnp.float32),
            pltpu.SemaphoreType.DMA,
            pltpu.SemaphoreType.DMA,
        ],
        compiler_params=pltpu.CompilerParams(use_tc_tiling_on_sc=False),
    )(_make_gather_body(nchunk))
    return f(k_tab.reshape(k_tab.size // DH, DH),
             v_tab.reshape(v_tab.size // DH, DH),
             idx.reshape(rows // CHUNK, CHUNK))


def _unflatten(v):
    return (v.reshape(NB3 * P, 8, 128).reshape(NB3 * P, INNER)
            .reshape(NB3, P, INNER))


def _attn_body(q_ref, ks_ref, vs_ref, ow_ref, ob_ref, out_ref):
    q = q_ref[0]
    ks = _unflatten(ks_ref[0])
    vs = _unflatten(vs_ref[0])
    seg = (lax.broadcasted_iota(jnp.int32, (INNER, H), 0) // DH
           == lax.broadcasted_iota(jnp.int32, (INNER, H), 1)
           ).astype(jnp.float32)
    qk = q[:, None, :] * ks
    sim = lax.dot_general(qk.reshape(NB3 * P, INNER), seg,
                          (((1,), (0,)), ((), ())),
                          preferred_element_type=jnp.float32) * SCALE
    sim = sim.reshape(NB3, P, H)
    sim = sim - jnp.max(sim, axis=1, keepdims=True)
    e = jnp.exp(sim)
    attn = e / jnp.sum(e, axis=1, keepdims=True)
    a_exp = lax.dot_general(attn.reshape(NB3 * P, H), seg,
                            (((1,), (1,)), ((), ())),
                            preferred_element_type=jnp.float32)
    o = jnp.sum(a_exp.reshape(NB3, P, INNER) * vs, axis=1)
    out_ref[0] = _dot_t(o, ow_ref[...]) + ob_ref[...][None, :]


def _attn(q, ks, vs, out_w, out_b):
    grid = (N // NB3,)
    return pl.pallas_call(
        _attn_body,
        grid=grid,
        in_specs=[
            pl.BlockSpec((1, NB3, INNER), lambda nb: (0, nb, 0)),
            pl.BlockSpec((1, NB3 * P * 8, 128), lambda nb: (0, nb, 0)),
            pl.BlockSpec((1, NB3 * P * 8, 128), lambda nb: (0, nb, 0)),
            pl.BlockSpec((D, INNER), lambda nb: (0, 0)),
            pl.BlockSpec((D,), lambda nb: (0,)),
        ],
        out_specs=pl.BlockSpec((1, NB3, D), lambda nb: (0, nb, 0)),
        out_shape=jax.ShapeDtypeStruct((1, N, D), jnp.float32),
    )(q, ks.reshape(1, N * P * 8, 128), vs.reshape(1, N * P * 8, 128),
      out_w, out_b)


def kernel(x, prev_x, norm_q_g, norm_q_b, norm_k_g, norm_k_b, norm_v_g,
           norm_v_b, W_q, W_k, W_v, off_w, off_b, aw_w, aw_b, out_w, out_b):
    off_w_p = off_w.reshape(H, P, INNER).transpose(1, 0, 2).reshape(H * P, INNER)
    off_b_p = off_b.reshape(H, P).transpose(1, 0).reshape(H * P)
    stage1 = [
        _stage1(x, prev_x, norm_q_g, norm_q_b, norm_k_g, norm_k_b, norm_v_g,
                norm_v_b, W_q, W_k, W_v, off_w_p, off_b_p, off_w, off_b, b0)
        for b0 in range(B)
    ]
    outs, offs = [], []
    for q, off, idx, k_tab, v_tab in stage1:
        ks, vs = _gather(k_tab, v_tab, idx)
        outs.append(_attn(q, ks, vs, out_w, out_b))
        offs.append(off)
    out = jnp.concatenate(outs, axis=0)
    off = jnp.concatenate(offs, axis=0)
    offsets = off.reshape(B, H, P, N)
    return (out, offsets)

# --- scband reference (transcript-rebuilt; emitter-appended) ---
"""Pipeline reference for scband-deformable-attention1-d-15367392985760 (READ-ONLY COPY).

The authoritative reference and input builder live on the scoring server;
editing this copy changes nothing except your own understanding.
"""

import jax, jax.numpy as jnp
import numpy as np

B, N, D = 2, 2048, 1024
H, P, DH = 16, 4, 64
INNER = H * DH


def _ln(x, g, b, eps=1e-5):
    m = jnp.mean(x, axis=-1, keepdims=True)
    v = jnp.mean((x - m) ** 2, axis=-1, keepdims=True)
    return (x - m) / jnp.sqrt(v + eps) * g + b


def setup_inputs(seed: int = 0):
    key = jax.random.key(seed)
    ks = jax.random.split(key, 10)

    def nrm(k, shape, sc):
        return jax.random.normal(k, shape, dtype=jnp.float32) * sc

    return {
        "x": nrm(ks[0], (B, N, D), 1.0),
        "prev_x": nrm(ks[1], (B, N, D), 1.0),
        "norm_q_g": jnp.ones((2 * D,), jnp.float32),
        "norm_q_b": jnp.zeros((2 * D,), jnp.float32),
        "norm_k_g": jnp.ones((D,), jnp.float32),
        "norm_k_b": jnp.zeros((D,), jnp.float32),
        "norm_v_g": jnp.ones((D,), jnp.float32),
        "norm_v_b": jnp.zeros((D,), jnp.float32),
        "W_q": nrm(ks[2], (INNER, 2 * D), (2.0 / (2 * D + INNER)) ** 0.5),
        "W_k": nrm(ks[3], (INNER, D), (2.0 / (D + INNER)) ** 0.5),
        "W_v": nrm(ks[4], (INNER, D), (2.0 / (D + INNER)) ** 0.5),
        "off_w": nrm(ks[5], (H * P, INNER), INNER ** -0.5),
        "off_b": jax.random.uniform(ks[6], (H * P,), jnp.float32, -1.0, 1.0),
        "aw_w": nrm(ks[7], (H * P, INNER), INNER ** -0.5),
        "aw_b": jnp.zeros((H * P,), jnp.float32),
        "out_w": nrm(ks[8], (D, INNER), INNER ** -0.5),
        "out_b": jnp.zeros((D,), jnp.float32),
    }


def reference(x, prev_x, norm_q_g, norm_q_b, norm_k_g, norm_k_b, norm_v_g, norm_v_b, W_q, W_k, W_v, off_w, off_b, aw_w, aw_b, out_w, out_b):
    scale = DH ** -0.5
    # query path
    q_input = _ln(jnp.concatenate([x, prev_x], axis=-1), norm_q_g, norm_q_b)
    q = jnp.einsum('bnd,od->bon', q_input, W_q)  # (B, INNER, N)
    offsets = (jnp.einsum('oi,bin->bon', off_w, q) + off_b[None, :, None]).reshape(B, H, P, N)
    attn_weights = jax.nn.softmax(
        (jnp.einsum('oi,bin->bon', aw_w, q) + aw_b[None, :, None]).reshape(B, H, P, N), axis=2)
    del attn_weights  # computed in original forward but unused when use_learned_weights=False
    # key/value path over concatenated [x; prev_x] along batch -> length 2N per (b, h)
    kv = jnp.concatenate([x, prev_x], axis=0)  # (2B, N, D)
    k = _ln(kv, norm_k_g, norm_k_b) @ W_k.T  # (2B, N, INNER)
    v = _ln(kv, norm_v_g, norm_v_b) @ W_v.T
    k = k.reshape(2, B, N, H, DH).transpose(1, 3, 4, 0, 2).reshape(B, H, DH, 2 * N)
    v = v.reshape(2, B, N, H, DH).transpose(1, 3, 4, 0, 2).reshape(B, H, DH, 2 * N)
    # deformable sample positions
    pos = jnp.arange(N, dtype=jnp.float32).reshape(1, 1, 1, N)
    sample_pos = jnp.clip(pos + offsets, 0.0, float(2 * N - 1))  # (B, H, P, N)
    idx = sample_pos.transpose(0, 1, 3, 2).astype(jnp.int32)  # (B, H, N, P), trunc like .long()
    idx_b = jnp.broadcast_to(idx.reshape(B, H, 1, N * P), (B, H, DH, N * P))
    k_s = jnp.take_along_axis(k, idx_b, axis=3).reshape(B, H, DH, N, P)
    v_s = jnp.take_along_axis(v, idx_b, axis=3).reshape(B, H, DH, N, P)
    qh = q.reshape(B, H, DH, N).transpose(0, 1, 3, 2) * scale  # (B, H, N, DH)
    sim = jnp.einsum('bhnd,bhdnp->bhnp', qh, k_s)
    attn = jax.nn.softmax(sim, axis=-1)  # (B, H, N, P)
    out = jnp.einsum('bhnp,bhdnp->bhnd', attn, v_s)  # (B, H, N, DH)
    out = out.transpose(0, 1, 3, 2).reshape(B, INNER, N)
    out = jnp.einsum('oi,bin->bon', out_w, out) + out_b[None, :, None]
    out = out.transpose(0, 2, 1)  # (B, N, D)
    return (out, offsets)


if False:  # reference __main__ guard neutralized (emitter)
    o = reference(**setup_inputs())
    print(o[0].shape, o[1].shape)

if __name__ == "__main__":
    import jax
    _d = setup_inputs()
    print(jax.jit(kernel)(*tuple(_d.values())))

</pallas_src>

<mosaic_0001>
#map = affine_map<(d0, d1) -> (0, 0)>
#map1 = affine_map<(d0, d1) -> (0, 0, 0)>
module attributes {stable_mosaic.version = 14 : i64} {
  func.func @_gather_body(%arg0: i32, %arg1: i32, %arg2: memref<65536x64xf32, #tpu.memory_space<hbm>>, %arg3: memref<65536x64xf32, #tpu.memory_space<hbm>>, %arg4: memref<1024x128xi32, #tpu.memory_space<hbm>>, %arg5: memref<1024x128x64xf32, #tpu.memory_space<hbm>>, %arg6: memref<1024x128x64xf32, #tpu.memory_space<hbm>>, %arg7: memref<32x128xi32, #tpu.memory_space<vmem>>, %arg8: memref<2x4x128x64xf32, #tpu.memory_space<vmem>>, %arg9: memref<!tpu.dma_semaphore, #tpu.memory_space<semaphore_mem>>, %arg10: memref<!tpu.dma_semaphore, #tpu.memory_space<semaphore_mem>>) attributes {dimension_semantics = [#tpu.dimension_semantics<core_parallel>, #tpu.dimension_semantics<subcore_parallel>], iteration_bounds = array<i64: 2, 16>, scalar_prefetch = 0 : i64, scratch_operands = 4 : i64, tpu.core_type = #tpu.core_type<sc_vector_subcore>, window_params = [{transform_indices = #map}, {transform_indices = #map}, {transform_indices = #map}, {transform_indices = #map1}, {transform_indices = #map1}]} {
    %mul3A = arith.constant 2 : i32
    %mul3A_0 = arith.muli %arg1, %mul3A : i32
    %add3A = arith.addi %mul3A_0, %arg0 : i32
    %mul3A_1 = arith.constant 32 : i32
    %mul3A_2 = arith.muli %add3A, %mul3A_1 : i32
    "tpu.region"() ({
      %run_scoped3A = tpu.sem_alloc : memref<!tpu.dma_semaphore, #tpu.memory_space<semaphore_mem>>
      %dma_start3A_228 = arith.constant 0 : i32
      %dma_start3A_229 = tpu.memref_slice %arg4[%mul3A_2, %dma_start3A_228] : memref<1024x128xi32, #tpu.memory_space<hbm>> -> memref<32x128xi32, #tpu.memory_space<hbm>>
      %dma_start3A_230 = arith.constant 0 : i32
      %dma_start3A_231 = tpu.memref_slice %arg4[%mul3A_2, %dma_start3A_230] : memref<1024x128xi32, #tpu.memory_space<hbm>> -> memref<32x128xi32, #tpu.memory_space<hbm>>
      tpu.enqueue_dma source(%dma_start3A_231 : memref<32x128xi32, #tpu.memory_space<hbm>>) target(%arg7 : memref<32x128xi32, #tpu.memory_space<vmem>>) target_semaphore(%run_scoped3A : memref<!tpu.dma_semaphore, #tpu.memory_space<semaphore_mem>>)
      %dma_wait3A_232 = arith.constant 0 : i32
      %dma_wait3A_233 = tpu.memref_slice %arg4[%mul3A_2, %dma_wait3A_232] : memref<1024x128xi32, #tpu.memory_space<hbm>> -> memref<32x128xi32, #tpu.memory_space<hbm>>
      %dma_wait3A_234 = arith.constant 0 : i32
      %dma_wait3A_235 = tpu.memref_slice %arg4[%mul3A_2, %dma_wait3A_234] : memref<1024x128xi32, #tpu.memory_space<hbm>> -> memref<32x128xi32, #tpu.memory_space<hbm>>
      tpu.wait_dma2 semaphore(%run_scoped3A : memref<!tpu.dma_semaphore, #tpu.memory_space<semaphore_mem>>) src(%dma_wait3A_235 : memref<32x128xi32, #tpu.memory_space<hbm>>) dst(%arg7 : memref<32x128xi32, #tpu.memory_space<vmem>>)
      tpu.yield
    }) : () -> ()
    %mul3A_3 = arith.constant 32 : i32
    %mul3A_4 = arith.muli %add3A, %mul3A_3 : i32
    %add3A_5 = arith.constant 0 : i32
    %add3A_6 = arith.addi %mul3A_4, %add3A_5 : i32
    %add3A_7 = arith.constant 0 : i32
    %add3A_8 = arith.addi %mul3A_4, %add3A_7 : i32
    %add3A_9 = arith.constant 1 : i32
    %add3A_10 = arith.addi %mul3A_4, %add3A_9 : i32
    %add3A_11 = arith.constant 1 : i32
    %add3A_12 = arith.addi %mul3A_4, %add3A_11 : i32
    %dma_start3A = arith.constant 0 : i32
    %dma_start3A_13 = arith.constant 0 : i32
    %dma_start3A_14 = arith.constant 0 : i32
    %dma_start3A_15 = arith.constant 0 : i32
    %dma_start3A_16 = arith.constant 0 : i32
    %dma_start3A_17 = tpu.memref_slice %arg8[%dma_start3A_13, %dma_start3A_14, %dma_start3A_15, %dma_start3A_16] : memref<2x4x128x64xf32, #tpu.memory_space<vmem>> -> memref<1x1x128x64xf32, #tpu.memory_space<vmem>>
    %dma_start3A_18 = tpu.memref_squeeze %dma_start3A_17 : memref<1x1x128x64xf32, #tpu.memory_space<vmem>> -> memref<128x64xf32, #tpu.memory_space<vmem>>
    %dma_start3A_19 = arith.constant 0 : i32
    %dma_start3A_20 = tpu.memref_slice %arg7[%dma_start3A, %dma_start3A_19] : memref<32x128xi32, #tpu.memory_space<vmem>> -> memref<1x128xi32, #tpu.memory_space<vmem>>
    %dma_start3A_21 = tpu.memref_squeeze %dma_start3A_20 : memref<1x128xi32, #tpu.memory_space<vmem>> -> memref<128xi32, #tpu.memory_space<vmem>>
    %dma_start3A_22 = arith.constant 0 : i32
    %dma_start3A_23 = arith.constant 0 : i32
    %dma_start3A_24 = tpu.memref_slice %arg2[%dma_start3A_22, %dma_start3A_23] : memref<65536x64xf32, #tpu.memory_space<hbm>> -> memref<65536x64xf32, #tpu.memory_space<hbm>>
    tpu.enqueue_indirect_dma source(%dma_start3A_24 : memref<65536x64xf32, #tpu.memory_space<hbm>>) target(%dma_start3A_18 : memref<128x64xf32, #tpu.memory_space<vmem>>) offsets(%dma_start3A_21 : memref<128xi32, #tpu.memory_space<vmem>>) semaphore(%arg9 : memref<!tpu.dma_semaphore, #tpu.memory_space<semaphore_mem>>)
    %dma_start3A_25 = arith.constant 0 : i32
    %dma_start3A_26 = arith.constant 0 : i32
    %dma_start3A_27 = arith.constant 1 : i32
    %dma_start3A_28 = arith.constant 0 : i32
    %dma_start3A_29 = arith.constant 0 : i32
    %dma_start3A_30 = tpu.memref_slice %arg8[%dma_start3A_26, %dma_start3A_27, %dma_start3A_28, %dma_start3A_29] : memref<2x4x128x64xf32, #tpu.memory_space<vmem>> -> memref<1x1x128x64xf32, #tpu.memory_space<vmem>>
    %dma_start3A_31 = tpu.memref_squeeze %dma_start3A_30 : memref<1x1x128x64xf32, #tpu.memory_space<vmem>> -> memref<128x64xf32, #tpu.memory_space<vmem>>
    %dma_start3A_32 = arith.constant 0 : i32
    %dma_start3A_33 = tpu.memref_slice %arg7[%dma_start3A_25, %dma_start3A_32] : memref<32x128xi32, #tpu.memory_space<vmem>> -> memref<1x128xi32, #tpu.memory_space<vmem>>
    %dma_start3A_34 = tpu.memref_squeeze %dma_start3A_33 : memref<1x128xi32, #tpu.memory_space<vmem>> -> memref<128xi32, #tpu.memory_space<vmem>>
    %dma_start3A_35 = arith.constant 0 : i32
    %dma_start3A_36 = arith.constant 0 : i32
    %dma_start3A_37 = tpu.memref_slice %arg3[%dma_start3A_35, %dma_start3A_36] : memref<65536x64xf32, #tpu.memory_space<hbm>> -> memref<65536x64xf32, #tpu.memory_space<hbm>>
    tpu.enqueue_indirect_dma source(%dma_start3A_37 : memref<65536x64xf32, #tpu.memory_space<hbm>>) target(%dma_start3A_31 : memref<128x64xf32, #tpu.memory_space<vmem>>) offsets(%dma_start3A_34 : memref<128xi32, #tpu.memory_space<vmem>>) semaphore(%arg9 : memref<!tpu.dma_semaphore, #tpu.memory_space<semaphore_mem>>)
    %dma_start3A_38 = arith.constant 1 : i32
    %dma_start3A_39 = arith.constant 0 : i32
    %dma_start3A_40 = arith.constant 2 : i32
    %dma_start3A_41 = arith.constant 0 : i32
    %dma_start3A_42 = arith.constant 0 : i32
    %dma_start3A_43 = tpu.memref_slice %arg8[%dma_start3A_39, %dma_start3A_40, %dma_start3A_41, %dma_start3A_42] : memref<2x4x128x64xf32, #tpu.memory_space<vmem>> -> memref<1x1x128x64xf32, #tpu.memory_space<vmem>>
    %dma_start3A_44 = tpu.memref_squeeze %dma_start3A_43 : memref<1x1x128x64xf32, #tpu.memory_space<vmem>> -> memref<128x64xf32, #tpu.memory_space<vmem>>
    %dma_start3A_45 = arith.constant 0 : i32
    %dma_start3A_46 = tpu.memref_slice %arg7[%dma_start3A_38, %dma_start3A_45] : memref<32x128xi32, #tpu.memory_space<vmem>> -> memref<1x128xi32, #tpu.memory_space<vmem>>
    %dma_start3A_47 = tpu.memref_squeeze %dma_start3A_46 : memref<1x128xi32, #tpu.memory_space<vmem>> -> memref<128xi32, #tpu.memory_space<vmem>>
    %dma_start3A_48 = arith.constant 0 : i32
    %dma_start3A_49 = arith.constant 0 : i32
    %dma_start3A_50 = tpu.memref_slice %arg2[%dma_start3A_48, %dma_start3A_49] : memref<65536x64xf32, #tpu.memory_space<hbm>> -> memref<65536x64xf32, #tpu.memory_space<hbm>>
    tpu.enqueue_indirect_dma source(%dma_start3A_50 : memref<65536x64xf32, #tpu.memory_space<hbm>>) target(%dma_start3A_44 : memref<128x64xf32, #tpu.memory_space<vmem>>) offsets(%dma_start3A_47 : memref<128xi32, #tpu.memory_space<vmem>>) semaphore(%arg9 : memref<!tpu.dma_semaphore, #tpu.memory_space<semaphore_mem>>)
    %dma_start3A_51 = arith.constant 1 : i32
    %dma_start3A_52 = arith.constant 0 : i32
    %dma_start3A_53 = arith.constant 3 : i32
    %dma_start3A_54 = arith.constant 0 : i32
    %dma_start3A_55 = arith.constant 0 : i32
    %dma_start3A_56 = tpu.memref_slice %arg8[%dma_start3A_52, %dma_start3A_53, %dma_start3A_54, %dma_start3A_55] : memref<2x4x128x64xf32, #tpu.memory_space<vmem>> -> memref<1x1x128x64xf32, #tpu.memory_space<vmem>>
    %dma_start3A_57 = tpu.memref_squeeze %dma_start3A_56 : memref<1x1x128x64xf32, #tpu.memory_space<vmem>> -> memref<128x64xf32, #tpu.memory_space<vmem>>
    %dma_start3A_58 = arith.constant 0 : i32
    %dma_start3A_59 = tpu.memref_slice %arg7[%dma_start3A_51, %dma_start3A_58] : memref<32x128xi32, #tpu.memory_space<vmem>> -> memref<1x128xi32, #tpu.memory_space<vmem>>
    %dma_start3A_60 = tpu.memref_squeeze %dma_start3A_59 : memref<1x128xi32, #tpu.memory_space<vmem>> -> memref<128xi32, #tpu.memory_space<vmem>>
    %dma_start3A_61 = arith.constant 0 : i32
    %dma_start3A_62 = arith.constant 0 : i32
    %dma_start3A_63 = tpu.memref_slice %arg3[%dma_start3A_61, %dma_start3A_62] : memref<65536x64xf32, #tpu.memory_space<hbm>> -> memref<65536x64xf32, #tpu.memory_space<hbm>>
    tpu.enqueue_indirect_dma source(%dma_start3A_63 : memref<65536x64xf32, #tpu.memory_space<hbm>>) target(%dma_start3A_57 : memref<128x64xf32, #tpu.memory_space<vmem>>) offsets(%dma_start3A_60 : memref<128xi32, #tpu.memory_space<vmem>>) semaphore(%arg9 : memref<!tpu.dma_semaphore, #tpu.memory_space<semaphore_mem>>)
    %scan3A = arith.constant 0 : i32
    %scan3A_64 = arith.constant 0 : i32
    %scan3A_65 = arith.constant 8 : i32
    %scan3A_66 = arith.addi %scan3A_64, %scan3A_65 : i32
    %scan3A_67 = arith.constant 1 : i32
    scf.for %scan3A_228 = %scan3A_64 to %scan3A_66 step %scan3A_67  : i32 {
      %mul3A_229 = arith.constant 2 : i32
      %mul3A_230 = arith.muli %mul3A_229, %scan3A_228 : i32
      %add3A_231 = arith.constant 0 : i32
      %add3A_232 = arith.addi %mul3A_230, %add3A_231 : i32
      %mul3A_233 = arith.constant 2 : i32
      %mul3A_234 = arith.muli %mul3A_233, %add3A_232 : i32
      %add3A_235 = arith.constant 0 : i32
      %add3A_236 = arith.addi %mul3A_234, %add3A_235 : i32
      %add3A_237 = arith.addi %mul3A_4, %add3A_236 : i32
      %mul3A_238 = arith.constant 2 : i32
      %mul3A_239 = arith.muli %mul3A_238, %add3A_232 : i32
      %add3A_240 = arith.constant 0 : i32
      %add3A_241 = arith.addi %mul3A_239, %add3A_240 : i32
      %add3A_242 = arith.addi %mul3A_4, %add3A_241 : i32
      %mul3A_243 = arith.constant 2 : i32
      %mul3A_244 = arith.muli %mul3A_243, %add3A_232 : i32
      %add3A_245 = arith.constant 1 : i32
      %add3A_246 = arith.addi %mul3A_244, %add3A_245 : i32
      %add3A_247 = arith.addi %mul3A_4, %add3A_246 : i32
      %mul3A_248 = arith.constant 2 : i32
      %mul3A_249 = arith.muli %mul3A_248, %add3A_232 : i32
      %add3A_250 = arith.constant 1 : i32
      %add3A_251 = arith.addi %mul3A_249, %add3A_250 : i32
      %add3A_252 = arith.addi %mul3A_4, %add3A_251 : i32
      %dma_wait3A_253 = arith.constant 0 : i32
      %dma_wait3A_254 = arith.constant 0 : i32
      %dma_wait3A_255 = arith.constant 0 : i32
      %dma_wait3A_256 = arith.constant 0 : i32
      %dma_wait3A_257 = tpu.memref_slice %arg8[%dma_wait3A_253, %dma_wait3A_254, %dma_wait3A_255, %dma_wait3A_256] : memref<2x4x128x64xf32, #tpu.memory_space<vmem>> -> memref<1x1x128x64xf32, #tpu.memory_space<vmem>>
      %dma_wait3A_258 = tpu.memref_squeeze %dma_wait3A_257 : memref<1x1x128x64xf32, #tpu.memory_space<vmem>> -> memref<128x64xf32, #tpu.memory_space<vmem>>
      %dma_wait3A_259 = arith.constant 0 : i32
      %dma_wait3A_260 = tpu.memref_slice %arg7[%add3A_236, %dma_wait3A_259] : memref<32x128xi32, #tpu.memory_space<vmem>> -> memref<1x128xi32, #tpu.memory_space<vmem>>
      %dma_wait3A_261 = tpu.memref_squeeze %dma_wait3A_260 : memref<1x128xi32, #tpu.memory_space<vmem>> -> memref<128xi32, #tpu.memory_space<vmem>>
      %dma_wait3A_262 = arith.constant 0 : i32
      %dma_wait3A_263 = arith.constant 0 : i32
      %dma_wait3A_264 = tpu.memref_slice %arg2[%dma_wait3A_262, %dma_wait3A_263] : memref<65536x64xf32, #tpu.memory_space<hbm>> -> memref<65536x64xf32, #tpu.memory_space<hbm>>
      tpu.wait_indirect_dma semaphore(%arg9 : memref<!tpu.dma_semaphore, #tpu.memory_space<semaphore_mem>>) src(%dma_wait3A_264 : memref<65536x64xf32, #tpu.memory_space<hbm>>) dst(%dma_wait3A_258 : memref<128x64xf32, #tpu.memory_space<vmem>>)
      %dma_wait3A_265 = arith.constant 0 : i32
      %dma_wait3A_266 = arith.constant 1 : i32
      %dma_wait3A_267 = arith.constant 0 : i32
      %dma_wait3A_268 = arith.constant 0 : i32
      %dma_wait3A_269 = tpu.memref_slice %arg8[%dma_wait3A_265, %dma_wait3A_266, %dma_wait3A_267, %dma_wait3A_268] : memref<2x4x128x64xf32, #tpu.memory_space<vmem>> -> memref<1x1x128x64xf32, #tpu.memory_space<vmem>>
      %dma_wait3A_270 = tpu.memref_squeeze %dma_wait3A_269 : memref<1x1x128x64xf32, #tpu.memory_space<vmem>> -> memref<128x64xf32, #tpu.memory_space<vmem>>
      %dma_wait3A_271 = arith.constant 0 : i32
      %dma_wait3A_272 = tpu.memref_slice %arg7[%add3A_241, %dma_wait3A_271] : memref<32x128xi32, #tpu.memory_space<vmem>> -> memref<1x128xi32, #tpu.memory_space<vmem>>
      %dma_wait3A_273 = tpu.memref_squeeze %dma_wait3A_272 : memref<1x128xi32, #tpu.memory_space<vmem>> -> memref<128xi32, #tpu.memory_space<vmem>>
      %dma_wait3A_274 = arith.constant 0 : i32
      %dma_wait3A_275 = arith.constant 0 : i32
      %dma_wait3A_276 = tpu.memref_slice %arg3[%dma_wait3A_274, %dma_wait3A_275] : memref<65536x64xf32, #tpu.memory_space<hbm>> -> memref<65536x64xf32, #tpu.memory_space<hbm>>
      tpu.wait_indirect_dma semaphore(%arg9 : memref<!tpu.dma_semaphore, #tpu.memory_space<semaphore_mem>>) src(%dma_wait3A_276 : memref<65536x64xf32, #tpu.memory_space<hbm>>) dst(%dma_wait3A_270 : memref<128x64xf32, #tpu.memory_space<vmem>>)
      %dma_wait3A_277 = arith.constant 0 : i32
      %dma_wait3A_278 = arith.constant 2 : i32
      %dma_wait3A_279 = arith.constant 0 : i32
      %dma_wait3A_280 = arith.constant 0 : i32
      %dma_wait3A_281 = tpu.memref_slice %arg8[%dma_wait3A_277, %dma_wait3A_278, %dma_wait3A_279, %dma_wait3A_280] : memref<2x4x128x64xf32, #tpu.memory_space<vmem>> -> memref<1x1x128x64xf32, #tpu.memory_space<vmem>>
      %dma_wait3A_282 = tpu.memref_squeeze %dma_wait3A_281 : memref<1x1x128x64xf32, #tpu.memory_space<vmem>> -> memref<128x64xf32, #tpu.memory_space<vmem>>
      %dma_wait3A_283 = arith.constant 0 : i32
      %dma_wait3A_284 = tpu.memref_slice %arg7[%add3A_246, %dma_wait3A_283] : memref<32x128xi32, #tpu.memory_space<vmem>> -> memref<1x128xi32, #tpu.memory_space<vmem>>
      %dma_wait3A_285 = tpu.memref_squeeze %dma_wait3A_284 : memref<1x128xi32, #tpu.memory_space<vmem>> -> memref<128xi32, #tpu.memory_space<vmem>>
      %dma_wait3A_286 = arith.constant 0 : i32
      %dma_wait3A_287 = arith.constant 0 : i32
      %dma_wait3A_288 = tpu.memref_slice %arg2[%dma_wait3A_286, %dma_wait3A_287] : memref<65536x64xf32, #tpu.memory_space<hbm>> -> memref<65536x64xf32, #tpu.memory_space<hbm>>
      tpu.wait_indirect_dma semaphore(%arg9 : memref<!tpu.dma_semaphore, #tpu.memory_space<semaphore_mem>>) src(%dma_wait3A_288 : memref<65536x64xf32, #tpu.memory_space<hbm>>) dst(%dma_wait3A_282 : memref<128x64xf32, #tpu.memory_space<vmem>>)
      %dma_wait3A_289 = arith.constant 0 : i32
      %dma_wait3A_290 = arith.constant 3 : i32
      %dma_wait3A_291 = arith.constant 0 : i32
      %dma_wait3A_292 = arith.constant 0 : i32
      %dma_wait3A_293 = tpu.memref_slice %arg8[%dma_wait3A_289, %dma_wait3A_290, %dma_wait3A_291, %dma_wait3A_292] : memref<2x4x128x64xf32, #tpu.memory_space<vmem>> -> memref<1x1x128x64xf32, #tpu.memory_space<vmem>>
      %dma_wait3A_294 = tpu.memref_squeeze %dma_wait3A_293 : memref<1x1x128x64xf32, #tpu.memory_space<vmem>> -> memref<128x64xf32, #tpu.memory_space<vmem>>
      %dma_wait3A_295 = arith.constant 0 : i32
      %dma_wait3A_296 = tpu.memref_slice %arg7[%add3A_251, %dma_wait3A_295] : memref<32x128xi32, #tpu.memory_space<vmem>> -> memref<1x128xi32, #tpu.memory_space<vmem>>
      %dma_wait3A_297 = tpu.memref_squeeze %dma_wait3A_296 : memref<1x128xi32, #tpu.memory_space<vmem>> -> memref<128xi32, #tpu.memory_space<vmem>>
      %dma_wait3A_298 = arith.constant 0 : i32
      %dma_wait3A_299 = arith.constant 0 : i32
      %dma_wait3A_300 = tpu.memref_slice %arg3[%dma_wait3A_298, %dma_wait3A_299] : memref<65536x64xf32, #tpu.memory_space<hbm>> -> memref<65536x64xf32, #tpu.memory_space<hbm>>
      tpu.wait_indirect_dma semaphore(%arg9 : memref<!tpu.dma_semaphore, #tpu.memory_space<semaphore_mem>>) src(%dma_wait3A_300 : memref<65536x64xf32, #tpu.memory_space<hbm>>) dst(%dma_wait3A_294 : memref<128x64xf32, #tpu.memory_space<vmem>>)
      %ge3A = arith.constant 1 : i32
      %ge3A_301 = arith.cmpi sge, %scan3A_228, %ge3A : i32
      %convert_element_type3A = arith.extui %ge3A_301 : i1 to i32
      %cond3A = arith.constant 0 : i32
      %cond3A_302 = arith.cmpi ne, %convert_element_type3A, %cond3A : i32
      scf.if %cond3A_302 {
        %sub3A = arith.constant 1 : i32
        %sub3A_633 = arith.subi %add3A_232, %sub3A : i32
        %mul3A_634 = arith.constant 2 : i32
        %mul3A_635 = arith.muli %mul3A_634, %sub3A_633 : i32
        %add3A_636 = arith.constant 0 : i32
        %add3A_637 = arith.addi %mul3A_635, %add3A_636 : i32
        %add3A_638 = arith.addi %mul3A_4, %add3A_637 : i32
        %mul3A_639 = arith.constant 2 : i32
        %mul3A_640 = arith.muli %mul3A_639, %sub3A_633 : i32
        %add3A_641 = arith.constant 0 : i32
        %add3A_642 = arith.addi %mul3A_640, %add3A_641 : i32
        %add3A_643 = arith.addi %mul3A_4, %add3A_642 : i32
        %mul3A_644 = arith.constant 2 : i32
        %mul3A_645 = arith.muli %mul3A_644, %sub3A_633 : i32
        %add3A_646 = arith.constant 1 : i32
        %add3A_647 = arith.addi %mul3A_645, %add3A_646 : i32
        %add3A_648 = arith.addi %mul3A_4, %add3A_647 : i32
        %mul3A_649 = arith.constant 2 : i32
        %mul3A_650 = arith.muli %mul3A_649, %sub3A_633 : i32
        %add3A_651 = arith.constant 1 : i32
        %add3A_652 = arith.addi %mul3A_650, %add3A_651 : i32
        %add3A_653 = arith.addi %mul3A_4, %add3A_652 : i32
        %dma_wait3A_654 = arith.constant 1 : i32
        %dma_wait3A_655 = arith.constant 0 : i32
        %dma_wait3A_656 = arith.constant 0 : i32
        %dma_wait3A_657 = arith.constant 0 : i32
        %dma_wait3A_658 = tpu.memref_slice %arg8[%dma_wait3A_654, %dma_wait3A_655, %dma_wait3A_656, %dma_wait3A_657] : memref<2x4x128x64xf32, #tpu.memory_space<vmem>> -> memref<1x1x128x64xf32, #tpu.memory_space<vmem>>
        %dma_wait3A_659 = tpu.memref_squeeze %dma_wait3A_658 : memref<1x1x128x64xf32, #tpu.memory_space<vmem>> -> memref<128x64xf32, #tpu.memory_space<vmem>>
        %dma_wait3A_660 = arith.constant 0 : i32
        %dma_wait3A_661 = arith.constant 0 : i32
        %dma_wait3A_662 = tpu.memref_slice %arg5[%add3A_638, %dma_wait3A_660, %dma_wait3A_661] : memref<1024x128x64xf32, #tpu.memory_space<hbm>> -> memref<1x128x64xf32, #tpu.memory_space<hbm>>
        %dma_wait3A_663 = tpu.memref_squeeze %dma_wait3A_662 : memref<1x128x64xf32, #tpu.memory_space<hbm>> -> memref<128x64xf32, #tpu.memory_space<hbm>>
        %dma_wait3A_664 = arith.constant 0 : i32
        %dma_wait3A_665 = arith.constant 0 : i32
        %dma_wait3A_666 = tpu.memref_slice %arg5[%add3A_638, %dma_wait3A_664, %dma_wait3A_665] : memref<1024x128x64xf32, #tpu.memory_space<hbm>> -> memref<1x128x64xf32, #tpu.memory_space<hbm>>
        %dma_wait3A_667 = tpu.memref_squeeze %dma_wait3A_666 : memref<1x128x64xf32, #tpu.memory_space<hbm>> -> memref<128x64xf32, #tpu.memory_space<hbm>>
        %dma_wait3A_668 = arith.constant 0 : i32
        %dma_wait3A_669 = arith.constant 0 : i32
        %dma_wait3A_670 = tpu.memref_slice %arg8[%dma_wait3A_654, %dma_wait3A_655, %dma_wait3A_668, %dma_wait3A_669] : memref<2x4x128x64xf32, #tpu.memory_space<vmem>> -> memref<1x1x128x64xf32, #tpu.memory_space<vmem>>
        %dma_wait3A_671 = tpu.memref_squeeze %dma_wait3A_670 : memref<1x1x128x64xf32, #tpu.memory_space<vmem>> -> memref<128x64xf32, #tpu.memory_space<vmem>>
        tpu.wait_dma2 semaphore(%arg10 : memref<!tpu.dma_semaphore, #tpu.memory_space<semaphore_mem>>) src(%dma_wait3A_671 : memref<128x64xf32, #tpu.memory_space<vmem>>) dst(%dma_wait3A_667 : memref<128x64xf32, #tpu.memory_space<hbm>>)
        %dma_wait3A_672 = arith.constant 1 : i32
        %dma_wait3A_673 = arith.constant 1 : i32
        %dma_wait3A_674 = arith.constant 0 : i32
        %dma_wait3A_675 = arith.constant 0 : i32
        %dma_wait3A_676 = tpu.memref_slice %arg8[%dma_wait3A_672, %dma_wait3A_673, %dma_wait3A_674, %dma_wait3A_675] : memref<2x4x128x64xf32, #tpu.memory_space<vmem>> -> memref<1x1x128x64xf32, #tpu.memory_space<vmem>>
        %dma_wait3A_677 = tpu.memref_squeeze %dma_wait3A_676 : memref<1x1x128x64xf32, #tpu.memory_space<vmem>> -> memref<128x64xf32, #tpu.memory_space<vmem>>
        %dma_wait3A_678 = arith.constant 0 : i32
        %dma_wait3A_679 = arith.constant 0 : i32
        %dma_wait3A_680 = tpu.memref_slice %arg6[%add3A_643, %dma_wait3A_678, %dma_wait3A_679] : memref<1024x128x64xf32, #tpu.memory_space<hbm>> -> memref<1x128x64xf32, #tpu.memory_space<hbm>>
        %dma_wait3A_681 = tpu.memref_squeeze %dma_wait3A_680 : memref<1x128x64xf32, #tpu.memory_space<hbm>> -> memref<128x64xf32, #tpu.memory_space<hbm>>
        %dma_wait3A_682 = arith.constant 0 : i32
        %dma_wait3A_683 = arith.constant 0 : i32
        %dma_wait3A_684 = tpu.memref_slice %arg6[%add3A_643, %dma_wait3A_682, %dma_wait3A_683] : memref<1024x128x64xf32, #tpu.memory_space<hbm>> -> memref<1x128x64xf32, #tpu.memory_space<hbm>>
        %dma_wait3A_685 = tpu.memref_squeeze %dma_wait3A_684 : memref<1x128x64xf32, #tpu.memory_space<hbm>> -> memref<128x64xf32, #tpu.memory_space<hbm>>
        %dma_wait3A_686 = arith.constant 0 : i32
        %dma_wait3A_687 = arith.constant 0 : i32
        %dma_wait3A_688 = tpu.memref_slice %arg8[%dma_wait3A_672, %dma_wait3A_673, %dma_wait3A_686, %dma_wait3A_687] : memref<2x4x128x64xf32, #tpu.memory_space<vmem>> -> memref<1x1x128x64xf32, #tpu.memory_space<vmem>>
        %dma_wait3A_689 = tpu.memref_squeeze %dma_wait3A_688 : memref<1x1x128x64xf32, #tpu.memory_space<vmem>> -> memref<128x64xf32, #tpu.memory_space<vmem>>
        tpu.wait_dma2 semaphore(%arg10 : memref<!tpu.dma_semaphore, #tpu.memory_space<semaphore_mem>>) src(%dma_wait3A_689 : memref<128x64xf32, #tpu.memory_space<vmem>>) dst(%dma_wait3A_685 : memref<128x64xf32, #tpu.memory_space<hbm>>)
        %dma_wait3A_690 = arith.constant 1 : i32
        %dma_wait3A_691 = arith.constant 2 : i32
        %dma_wait3A_692 = arith.constant 0 : i32
        %dma_wait3A_693 = arith.constant 0 : i32
        %dma_wait3A_694 = tpu.memref_slice %arg8[%dma_wait3A_690, %dma_wait3A_691, %dma_wait3A_692, %dma_wait3A_693] : memref<2x4x128x64xf32, #tpu.memory_space<vmem>> -> memref<1x1x128x64xf32, #tpu.memory_space<vmem>>
        %dma_wait3A_695 = tpu.memref_squeeze %dma_wait3A_694 : memref<1x1x128x64xf32, #tpu.memory_space<vmem>> -> memref<128x64xf32, #tpu.memory_space<vmem>>
        %dma_wait3A_696 = arith.constant 0 : i32
        %dma_wait3A_697 = arith.constant 0 : i32
        %dma_wait3A_698 = tpu.memref_slice %arg5[%add3A_648, %dma_wait3A_696, %dma_wait3A_697] : memref<1024x128x64xf32, #tpu.memory_space<hbm>> -> memref<1x128x64xf32, #tpu.memory_space<hbm>>
        %dma_wait3A_699 = tpu.memref_squeeze %dma_wait3A_698 : memref<1x128x64xf32, #tpu.memory_space<hbm>> -> memref<128x64xf32, #tpu.memory_space<hbm>>
        %dma_wait3A_700 = arith.constant 0 : i32
        %dma_wait3A_701 = arith.constant 0 : i32
        %dma_wait3A_702 = tpu.memref_slice %arg5[%add3A_648, %dma_wait3A_700, %dma_wait3A_701] : memref<1024x128x64xf32, #tpu.memory_space<hbm>> -> memref<1x128x64xf32, #tpu.memory_space<hbm>>
        %dma_wait3A_703 = tpu.memref_squeeze %dma_wait3A_702 : memref<1x128x64xf32, #tpu.memory_space<hbm>> -> memref<128x64xf32, #tpu.memory_space<hbm>>
        %dma_wait3A_704 = arith.constant 0 : i32
        %dma_wait3A_705 = arith.constant 0 : i32
        %dma_wait3A_706 = tpu.memref_slice %arg8[%dma_wait3A_690, %dma_wait3A_691, %dma_wait3A_704, %dma_wait3A_705] : memref<2x4x128x64xf32, #tpu.memory_space<vmem>> -> memref<1x1x128x64xf32, #tpu.memory_space<vmem>>
        %dma_wait3A_707 = tpu.memref_squeeze %dma_wait3A_706 : memref<1x1x128x64xf32, #tpu.memory_space<vmem>> -> memref<128x64xf32, #tpu.memory_space<vmem>>
        tpu.wait_dma2 semaphore(%arg10 : memref<!tpu.dma_semaphore, #tpu.memory_space<semaphore_mem>>) src(%dma_wait3A_707 : memref<128x64xf32, #tpu.memory_space<vmem>>) dst(%dma_wait3A_703 : memref<128x64xf32, #tpu.memory_space<hbm>>)
        %dma_wait3A_708 = arith.constant 1 : i32
        %dma_wait3A_709 = arith.constant 3 : i32
        %dma_wait3A_710 = arith.constant 0 : i32
        %dma_wait3A_711 = arith.constant 0 : i32
        %dma_wait3A_712 = tpu.memref_slice %arg8[%dma_wait3A_708, %dma_wait3A_709, %dma_wait3A_710, %dma_wait3A_711] : memref<2x4x128x64xf32, #tpu.memory_space<vmem>> -> memref<1x1x128x64xf32, #tpu.memory_space<vmem>>
        %dma_wait3A_713 = tpu.memref_squeeze %dma_wait3A_712 : memref<1x1x128x64xf32, #tpu.memory_space<vmem>> -> memref<128x64xf32, #tpu.memory_space<vmem>>
        %dma_wait3A_714 = arith.constant 0 : i32
        %dma_wait3A_715 = arith.constant 0 : i32
        %dma_wait3A_716 = tpu.memref_slice %arg6[%add3A_653, %dma_wait3A_714, %dma_wait3A_715] : memref<1024x128x64xf32, #tpu.memory_space<hbm>> -> memref<1x128x64xf32, #tpu.memory_space<hbm>>
        %dma_wait3A_717 = tpu.memref_squeeze %dma_wait3A_716 : memref<1x128x64xf32, #tpu.memory_space<hbm>> -> memref<128x64xf32, #tpu.memory_space<hbm>>
        %dma_wait3A_718 = arith.constant 0 : i32
        %dma_wait3A_719 = arith.constant 0 : i32
        %dma_wait3A_720 = tpu.memref_slice %arg6[%add3A_653, %dma_wait3A_718, %dma_wait3A_719] : memref<1024x128x64xf32, #tpu.memory_space<hbm>> -> memref<1x128x64xf32, #tpu.memory_space<hbm>>
        %dma_wait3A_721 = tpu.memref_squeeze %dma_wait3A_720 : memref<1x128x64xf32, #tpu.memory_space<hbm>> -> memref<128x64xf32, #tpu.memory_space<hbm>>
        %dma_wait3A_722 = arith.constant 0 : i32
        %dma_wait3A_723 = arith.constant 0 : i32
        %dma_wait3A_724 = tpu.memref_slice %arg8[%dma_wait3A_708, %dma_wait3A_709, %dma_wait3A_722, %dma_wait3A_723] : memref<2x4x128x64xf32, #tpu.memory_space<vmem>> -> memref<1x1x128x64xf32, #tpu.memory_space<vmem>>
        %dma_wait3A_725 = tpu.memref_squeeze %dma_wait3A_724 : memref<1x1x128x64xf32, #tpu.memory_space<vmem>> -> memref<128x64xf32, #tpu.memory_space<vmem>>
        tpu.wait_dma2 semaphore(%arg10 : memref<!tpu.dma_semaphore, #tpu.memory_space<semaphore_mem>>) src(%dma_wait3A_725 : memref<128x64xf32, #tpu.memory_space<vmem>>) dst(%dma_wait3A_721 : memref<128x64xf32, #tpu.memory_space<hbm>>)
      } else {
      }
      %add3A_303 = arith.constant 1 : i32
      %add3A_304 = arith.addi %add3A_232, %add3A_303 : i32
      %mul3A_305 = arith.constant 2 : i32
      %mul3A_306 = arith.muli %mul3A_305, %add3A_304 : i32
      %add3A_307 = arith.constant 0 : i32
      %add3A_308 = arith.addi %mul3A_306, %add3A_307 : i32
      %add3A_309 = arith.addi %mul3A_4, %add3A_308 : i32
      %mul3A_310 = arith.constant 2 : i32
      %mul3A_311 = arith.muli %mul3A_310, %add3A_304 : i32
      %add3A_312 = arith.constant 0 : i32
      %add3A_313 = arith.addi %mul3A_311, %add3A_312 : i32
      %add3A_314 = arith.addi %mul3A_4, %add3A_313 : i32
      %mul3A_315 = arith.constant 2 : i32
      %mul3A_316 = arith.muli %mul3A_315, %add3A_304 : i32
      %add3A_317 = arith.constant 1 : i32
      %add3A_318 = arith.addi %mul3A_316, %add3A_317 : i32
      %add3A_319 = arith.addi %mul3A_4, %add3A_318 : i32
      %mul3A_320 = arith.constant 2 : i32
      %mul3A_321 = arith.muli %mul3A_320, %add3A_304 : i32
      %add3A_322 = arith.constant 1 : i32
      %add3A_323 = arith.addi %mul3A_321, %add3A_322 : i32
      %add3A_324 = arith.addi %mul3A_4, %add3A_323 : i32
      %dma_start3A_325 = arith.constant 1 : i32
      %dma_start3A_326 = arith.constant 0 : i32
      %dma_start3A_327 = arith.constant 0 : i32
      %dma_start3A_328 = arith.constant 0 : i32
      %dma_start3A_329 = tpu.memref_slice %arg8[%dma_start3A_325, %dma_start3A_326, %dma_start3A_327, %dma_start3A_328] : memref<2x4x128x64xf32, #tpu.memory_space<vmem>> -> memref<1x1x128x64xf32, #tpu.memory_space<vmem>>
      %dma_start3A_330 = tpu.memref_squeeze %dma_start3A_329 : memref<1x1x128x64xf32, #tpu.memory_space<vmem>> -> memref<128x64xf32, #tpu.memory_space<vmem>>
      %dma_start3A_331 = arith.constant 0 : i32
      %dma_start3A_332 = tpu.memref_slice %arg7[%add3A_308, %dma_start3A_331] : memref<32x128xi32, #tpu.memory_space<vmem>> -> memref<1x128xi32, #tpu.memory_space<vmem>>
      %dma_start3A_333 = tpu.memref_squeeze %dma_start3A_332 : memref<1x128xi32, #tpu.memory_space<vmem>> -> memref<128xi32, #tpu.memory_space<vmem>>
      %dma_start3A_334 = arith.constant 0 : i32
      %dma_start3A_335 = arith.constant 0 : i32
      %dma_start3A_336 = tpu.memref_slice %arg2[%dma_start3A_334, %dma_start3A_335] : memref<65536x64xf32, #tpu.memory_space<hbm>> -> memref<65536x64xf32, #tpu.memory_space<hbm>>
      tpu.enqueue_indirect_dma source(%dma_start3A_336 : memref<65536x64xf32, #tpu.memory_space<hbm>>) target(%dma_start3A_330 : memref<128x64xf32, #tpu.memory_space<vmem>>) offsets(%dma_start3A_333 : memref<128xi32, #tpu.memory_space<vmem>>) semaphore(%arg9 : memref<!tpu.dma_semaphore, #tpu.memory_space<semaphore_mem>>)
      %dma_start3A_337 = arith.constant 1 : i32
      %dma_start3A_338 = arith.constant 1 : i32
      %dma_start3A_339 = arith.constant 0 : i32
      %dma_start3A_340 = arith.constant 0 : i32
      %dma_start3A_341 = tpu.memref_slice %arg8[%dma_start3A_337, %dma_start3A_338, %dma_start3A_339, %dma_start3A_340] : memref<2x4x128x64xf32, #tpu.memory_space<vmem>> -> memref<1x1x128x64xf32, #tpu.memory_space<vmem>>
      %dma_start3A_342 = tpu.memref_squeeze %dma_start3A_341 : memref<1x1x128x64xf32, #tpu.memory_space<vmem>> -> memref<128x64xf32, #tpu.memory_space<vmem>>
      %dma_start3A_343 = arith.constant 0 : i32
      %dma_start3A_344 = tpu.memref_slice %arg7[%add3A_313, %dma_start3A_343] : memref<32x128xi32, #tpu.memory_space<vmem>> -> memref<1x128xi32, #tpu.memory_space<vmem>>
      %dma_start3A_345 = tpu.memref_squeeze %dma_start3A_344 : memref<1x128xi32, #tpu.memory_space<vmem>> -> memref<128xi32, #tpu.memory_space<vmem>>
      %dma_start3A_346 = arith.constant 0 : i32
      %dma_start3A_347 = arith.constant 0 : i32
      %dma_start3A_348 = tpu.memref_slice %arg3[%dma_start3A_346, %dma_start3A_347] : memref<65536x64xf32, #tpu.memory_space<hbm>> -> memref<65536x64xf32, #tpu.memory_space<hbm>>
      tpu.enqueue_indirect_dma source(%dma_start3A_348 : memref<65536x64xf32, #tpu.memory_space<hbm>>) target(%dma_start3A_342 : memref<128x64xf32, #tpu.memory_space<vmem>>) offsets(%dma_start3A_345 : memref<128xi32, #tpu.memory_space<vmem>>) semaphore(%arg9 : memref<!tpu.dma_semaphore, #tpu.memory_space<semaphore_mem>>)
      %dma_start3A_349 = arith.constant 1 : i32
      %dma_start3A_350 = arith.constant 2 : i32
      %dma_start3A_351 = arith.constant 0 : i32
      %dma_start3A_352 = arith.constant 0 : i32
      %dma_start3A_353 = tpu.memref_slice %arg8[%dma_start3A_349, %dma_start3A_350, %dma_start3A_351, %dma_start3A_352] : memref<2x4x128x64xf32, #tpu.memory_space<vmem>> -> memref<1x1x128x64xf32, #tpu.memory_space<vmem>>
      %dma_start3A_354 = tpu.memref_squeeze %dma_start3A_353 : memref<1x1x128x64xf32, #tpu.memory_space<vmem>> -> memref<128x64xf32, #tpu.memory_space<vmem>>
      %dma_start3A_355 = arith.constant 0 : i32
      %dma_start3A_356 = tpu.memref_slice %arg7[%add3A_318, %dma_start3A_355] : memref<32x128xi32, #tpu.memory_space<vmem>> -> memref<1x128xi32, #tpu.memory_space<vmem>>
      %dma_start3A_357 = tpu.memref_squeeze %dma_start3A_356 : memref<1x128xi32, #tpu.memory_space<vmem>> -> memref<128xi32, #tpu.memory_space<vmem>>
      %dma_start3A_358 = arith.constant 0 : i32
      %dma_start3A_359 = arith.constant 0 : i32
      %dma_start3A_360 = tpu.memref_slice %arg2[%dma_start3A_358, %dma_start3A_359] : memref<65536x64xf32, #tpu.memory_space<hbm>> -> memref<65536x64xf32, #tpu.memory_space<hbm>>
      tpu.enqueue_indirect_dma source(%dma_start3A_360 : memref<65536x64xf32, #tpu.memory_space<hbm>>) target(%dma_start3A_354 : memref<128x64xf32, #tpu.memory_space<vmem>>) offsets(%dma_start3A_357 : memref<128xi32, #tpu.memory_space<vmem>>) semaphore(%arg9 : memref<!tpu.dma_semaphore, #tpu.memory_space<semaphore_mem>>)
      %dma_start3A_361 = arith.constant 1 : i32
      %dma_start3A_362 = arith.constant 3 : i32
      %dma_start3A_363 = arith.constant 0 : i32
      %dma_start3A_364 = arith.constant 0 : i32
      %dma_start3A_365 = tpu.memref_slice %arg8[%dma_start3A_361, %dma_start3A_362, %dma_start3A_363, %dma_start3A_364] : memref<2x4x128x64xf32, #tpu.memory_space<vmem>> -> memref<1x1x128x64xf32, #tpu.memory_space<vmem>>
      %dma_start3A_366 = tpu.memref_squeeze %dma_start3A_365 : memref<1x1x128x64xf32, #tpu.memory_space<vmem>> -> memref<128x64xf32, #tpu.memory_space<vmem>>
      %dma_start3A_367 = arith.constant 0 : i32
      %dma_start3A_368 = tpu.memref_slice %arg7[%add3A_323, %dma_start3A_367] : memref<32x128xi32, #tpu.memory_space<vmem>> -> memref<1x128xi32, #tpu.memory_space<vmem>>
      %dma_start3A_369 = tpu.memref_squeeze %dma_start3A_368 : memref<1x128xi32, #tpu.memory_space<vmem>> -> memref<128xi32, #tpu.memory_space<vmem>>
      %dma_start3A_370 = arith.constant 0 : i32
      %dma_start3A_371 = arith.constant 0 : i32
      %dma_start3A_372 = tpu.memref_slice %arg3[%dma_start3A_370, %dma_start3A_371] : memref<65536x64xf32, #tpu.memory_space<hbm>> -> memref<65536x64xf32, #tpu.memory_space<hbm>>
      tpu.enqueue_indirect_dma source(%dma_start3A_372 : memref<65536x64xf32, #tpu.memory_space<hbm>>) target(%dma_start3A_366 : memref<128x64xf32, #tpu.memory_space<vmem>>) offsets(%dma_start3A_369 : memref<128xi32, #tpu.memory_space<vmem>>) semaphore(%arg9 : memref<!tpu.dma_semaphore, #tpu.memory_space<semaphore_mem>>)
      %mul3A_373 = arith.constant 2 : i32
      %mul3A_374 = arith.muli %mul3A_373, %add3A_232 : i32
      %add3A_375 = arith.constant 0 : i32
      %add3A_376 = arith.addi %mul3A_374, %add3A_375 : i32
      %add3A_377 = arith.addi %mul3A_4, %add3A_376 : i32
      %mul3A_378 = arith.constant 2 : i32
      %mul3A_379 = arith.muli %mul3A_378, %add3A_232 : i32
      %add3A_380 = arith.constant 0 : i32
      %add3A_381 = arith.addi %mul3A_379, %add3A_380 : i32
      %add3A_382 = arith.addi %mul3A_4, %add3A_381 : i32
      %mul3A_383 = arith.constant 2 : i32
      %mul3A_384 = arith.muli %mul3A_383, %add3A_232 : i32
      %add3A_385 = arith.constant 1 : i32
      %add3A_386 = arith.addi %mul3A_384, %add3A_385 : i32
      %add3A_387 = arith.addi %mul3A_4, %add3A_386 : i32
      %mul3A_388 = arith.constant 2 : i32
      %mul3A_389 = arith.muli %mul3A_388, %add3A_232 : i32
      %add3A_390 = arith.constant 1 : i32
      %add3A_391 = arith.addi %mul3A_389, %add3A_390 : i32
      %add3A_392 = arith.addi %mul3A_4, %add3A_391 : i32
      %dma_start3A_393 = arith.constant 0 : i32
      %dma_start3A_394 = arith.constant 0 : i32
      %dma_start3A_395 = arith.constant 0 : i32
      %dma_start3A_396 = arith.constant 0 : i32
      %dma_start3A_397 = tpu.memref_slice %arg8[%dma_start3A_393, %dma_start3A_394, %dma_start3A_395, %dma_start3A_396] : memref<2x4x128x64xf32, #tpu.memory_space<vmem>> -> memref<1x1x128x64xf32, #tpu.memory_space<vmem>>
      %dma_start3A_398 = tpu.memref_squeeze %dma_start3A_397 : memref<1x1x128x64xf32, #tpu.memory_space<vmem>> -> memref<128x64xf32, #tpu.memory_space<vmem>>
      %dma_start3A_399 = arith.constant 0 : i32
      %dma_start3A_400 = arith.constant 0 : i32
      %dma_start3A_401 = tpu.memref_slice %arg5[%add3A_377, %dma_start3A_399, %dma_start3A_400] : memref<1024x128x64xf32, #tpu.memory_space<hbm>> -> memref<1x128x64xf32, #tpu.memory_space<hbm>>
      %dma_start3A_402 = tpu.memref_squeeze %dma_start3A_401 : memref<1x128x64xf32, #tpu.memory_space<hbm>> -> memref<128x64xf32, #tpu.memory_space<hbm>>
      %dma_start3A_403 = arith.constant 0 : i32
      %dma_start3A_404 = arith.constant 0 : i32
      %dma_start3A_405 = tpu.memref_slice %arg5[%add3A_377, %dma_start3A_403, %dma_start3A_404] : memref<1024x128x64xf32, #tpu.memory_space<hbm>> -> memref<1x128x64xf32, #tpu.memory_space<hbm>>
      %dma_start3A_406 = tpu.memref_squeeze %dma_start3A_405 : memref<1x128x64xf32, #tpu.memory_space<hbm>> -> memref<128x64xf32, #tpu.memory_space<hbm>>
      %dma_start3A_407 = arith.constant 0 : i32
      %dma_start3A_408 = arith.constant 0 : i32
      %dma_start3A_409 = tpu.memref_slice %arg8[%dma_start3A_393, %dma_start3A_394, %dma_start3A_407, %dma_start3A_408] : memref<2x4x128x64xf32, #tpu.memory_space<vmem>> -> memref<1x1x128x64xf32, #tpu.memory_space<vmem>>
      %dma_start3A_410 = tpu.memref_squeeze %dma_start3A_409 : memref<1x1x128x64xf32, #tpu.memory_space<vmem>> -> memref<128x64xf32, #tpu.memory_space<vmem>>
      tpu.enqueue_dma source(%dma_start3A_410 : memref<128x64xf32, #tpu.memory_space<vmem>>) target(%dma_start3A_406 : memref<128x64xf32, #tpu.memory_space<hbm>>) target_semaphore(%arg10 : memref<!tpu.dma_semaphore, #tpu.memory_space<semaphore_mem>>)
      %dma_start3A_411 = arith.constant 0 : i32
      %dma_start3A_412 = arith.constant 1 : i32
      %dma_start3A_413 = arith.constant 0 : i32
      %dma_start3A_414 = arith.constant 0 : i32
      %dma_start3A_415 = tpu.memref_slice %arg8[%dma_start3A_411, %dma_start3A_412, %dma_start3A_413, %dma_start3A_414] : memref<2x4x128x64xf32, #tpu.memory_space<vmem>> -> memref<1x1x128x64xf32, #tpu.memory_space<vmem>>
      %dma_start3A_416 = tpu.memref_squeeze %dma_start3A_415 : memref<1x1x128x64xf32, #tpu.memory_space<vmem>> -> memref<128x64xf32, #tpu.memory_space<vmem>>
      %dma_start3A_417 = arith.constant 0 : i32
      %dma_start3A_418 = arith.constant 0 : i32
      %dma_start3A_419 = tpu.memref_slice %arg6[%add3A_382, %dma_start3A_417, %dma_start3A_418] : memref<1024x128x64xf32, #tpu.memory_space<hbm>> -> memref<1x128x64xf32, #tpu.memory_space<hbm>>
      %dma_start3A_420 = tpu.memref_squeeze %dma_start3A_419 : memref<1x128x64xf32, #tpu.memory_space<hbm>> -> memref<128x64xf32, #tpu.memory_space<hbm>>
      %dma_start3A_421 = arith.constant 0 : i32
      %dma_start3A_422 = arith.constant 0 : i32
      %dma_start3A_423 = tpu.memref_slice %arg6[%add3A_382, %dma_start3A_421, %dma_start3A_422] : memref<1024x128x64xf32, #tpu.memory_space<hbm>> -> memref<1x128x64xf32, #tpu.memory_space<hbm>>
      %dma_start3A_424 = tpu.memref_squeeze %dma_start3A_423 : memref<1x128x64xf32, #tpu.memory_space<hbm>> -> memref<128x64xf32, #tpu.memory_space<hbm>>
      %dma_start3A_425 = arith.constant 0 : i32
      %dma_start3A_426 = arith.constant 0 : i32
      %dma_start3A_427 = tpu.memref_slice %arg8[%dma_start3A_411, %dma_start3A_412, %dma_start3A_425, %dma_start3A_426] : memref<2x4x128x64xf32, #tpu.memory_space<vmem>> -> memref<1x1x128x64xf32, #tpu.memory_space<vmem>>
      %dma_start3A_428 = tpu.memref_squeeze %dma_start3A_427 : memref<1x1x128x64xf32, #tpu.memory_space<vmem>> -> memref<128x64xf32, #tpu.memory_space<vmem>>
      tpu.enqueue_dma source(%dma_start3A_428 : memref<128x64xf32, #tpu.memory_space<vmem>>) target(%dma_start3A_424 : memref<128x64xf32, #tpu.memory_space<hbm>>) target_semaphore(%arg10 : memref<!tpu.dma_semaphore, #tpu.memory_space<semaphore_mem>>)
      %dma_start3A_429 = arith.constant 0 : i32
      %dma_start3A_430 = arith.constant 2 : i32
      %dma_start3A_431 = arith.constant 0 : i32
      %dma_start3A_432 = arith.constant 0 : i32
      %dma_start3A_433 = tpu.memref_slice %arg8[%dma_start3A_429, %dma_start3A_430, %dma_start3A_431, %dma_start3A_432] : memref<2x4x128x64xf32, #tpu.memory_space<vmem>> -> memref<1x1x128x64xf32, #tpu.memory_space<vmem>>
      %dma_start3A_434 = tpu.memref_squeeze %dma_start3A_433 : memref<1x1x128x64xf32, #tpu.memory_space<vmem>> -> memref<128x64xf32, #tpu.memory_space<vmem>>
      %dma_start3A_435 = arith.constant 0 : i32
      %dma_start3A_436 = arith.constant 0 : i32
      %dma_start3A_437 = tpu.memref_slice %arg5[%add3A_387, %dma_start3A_435, %dma_start3A_436] : memref<1024x128x64xf32, #tpu.memory_space<hbm>> -> memref<1x128x64xf32, #tpu.memory_space<hbm>>
      %dma_start3A_438 = tpu.memref_squeeze %dma_start3A_437 : memref<1x128x64xf32, #tpu.memory_space<hbm>> -> memref<128x64xf32, #tpu.memory_space<hbm>>
      %dma_start3A_439 = arith.constant 0 : i32
      %dma_start3A_440 = arith.constant 0 : i32
      %dma_start3A_441 = tpu.memref_slice %arg5[%add3A_387, %dma_start3A_439, %dma_start3A_440] : memref<1024x128x64xf32, #tpu.memory_space<hbm>> -> memref<1x128x64xf32, #tpu.memory_space<hbm>>
      %dma_start3A_442 = tpu.memref_squeeze %dma_start3A_441 : memref<1x128x64xf32, #tpu.memory_space<hbm>> -> memref<128x64xf32, #tpu.memory_space<hbm>>
      %dma_start3A_443 = arith.constant 0 : i32
      %dma_start3A_444 = arith.constant 0 : i32
      %dma_start3A_445 = tpu.memref_slice %arg8[%dma_start3A_429, %dma_start3A_430, %dma_start3A_443, %dma_start3A_444] : memref<2x4x128x64xf32, #tpu.memory_space<vmem>> -> memref<1x1x128x64xf32, #tpu.memory_space<vmem>>
      %dma_start3A_446 = tpu.memref_squeeze %dma_start3A_445 : memref<1x1x128x64xf32, #tpu.memory_space<vmem>> -> memref<128x64xf32, #tpu.memory_space<vmem>>
      tpu.enqueue_dma source(%dma_start3A_446 : memref<128x64xf32, #tpu.memory_space<vmem>>) target(%dma_start3A_442 : memref<128x64xf32, #tpu.memory_space<hbm>>) target_semaphore(%arg10 : memref<!tpu.dma_semaphore, #tpu.memory_space<semaphore_mem>>)
      %dma_start3A_447 = arith.constant 0 : i32
      %dma_start3A_448 = arith.constant 3 : i32
      %dma_start3A_449 = arith.constant 0 : i32
      %dma_start3A_450 = arith.constant 0 : i32
      %dma_start3A_451 = tpu.memref_slice %arg8[%dma_start3A_447, %dma_start3A_448, %dma_start3A_449, %dma_start3A_450] : memref<2x4x128x64xf32, #tpu.memory_space<vmem>> -> memref<1x1x128x64xf32, #tpu.memory_space<vmem>>
      %dma_start3A_452 = tpu.memref_squeeze %dma_start3A_451 : memref<1x1x128x64xf32, #tpu.memory_space<vmem>> -> memref<128x64xf32, #tpu.memory_space<vmem>>
      %dma_start3A_453 = arith.constant 0 : i32
      %dma_start3A_454 = arith.constant 0 : i32
      %dma_start3A_455 = tpu.memref_slice %arg6[%add3A_392, %dma_start3A_453, %dma_start3A_454] : memref<1024x128x64xf32, #tpu.memory_space<hbm>> -> memref<1x128x64xf32, #tpu.memory_space<hbm>>
      %dma_start3A_456 = tpu.memref_squeeze %dma_start3A_455 : memref<1x128x64xf32, #tpu.memory_space<hbm>> -> memref<128x64xf32, #tpu.memory_space<hbm>>
      %dma_start3A_457 = arith.constant 0 : i32
      %dma_start3A_458 = arith.constant 0 : i32
      %dma_start3A_459 = tpu.memref_slice %arg6[%add3A_392, %dma_start3A_457, %dma_start3A_458] : memref<1024x128x64xf32, #tpu.memory_space<hbm>> -> memref<1x128x64xf32, #tpu.memory_space<hbm>>
      %dma_start3A_460 = tpu.memref_squeeze %dma_start3A_459 : memref<1x128x64xf32, #tpu.memory_space<hbm>> -> memref<128x64xf32, #tpu.memory_space<hbm>>
      %dma_start3A_461 = arith.constant 0 : i32
      %dma_start3A_462 = arith.constant 0 : i32
      %dma_start3A_463 = tpu.memref_slice %arg8[%dma_start3A_447, %dma_start3A_448, %dma_start3A_461, %dma_start3A_462] : memref<2x4x128x64xf32, #tpu.memory_space<vmem>> -> memref<1x1x128x64xf32, #tpu.memory_space<vmem>>
      %dma_start3A_464 = tpu.memref_squeeze %dma_start3A_463 : memref<1x1x128x64xf32, #tpu.memory_space<vmem>> -> memref<128x64xf32, #tpu.memory_space<vmem>>
      tpu.enqueue_dma source(%dma_start3A_464 : memref<128x64xf32, #tpu.memory_space<vmem>>) target(%dma_start3A_460 : memref<128x64xf32, #tpu.memory_space<hbm>>) target_semaphore(%arg10 : memref<!tpu.dma_semaphore, #tpu.memory_space<semaphore_mem>>)
      %mul3A_465 = arith.constant 2 : i32
      %mul3A_466 = arith.muli %mul3A_465, %scan3A_228 : i32
      %add3A_467 = arith.constant 1 : i32
      %add3A_468 = arith.addi %mul3A_466, %add3A_467 : i32
      %mul3A_469 = arith.constant 2 : i32
      %mul3A_470 = arith.muli %mul3A_469, %add3A_468 : i32
      %add3A_471 = arith.constant 0 : i32
      %add3A_472 = arith.addi %mul3A_470, %add3A_471 : i32
      %add3A_473 = arith.addi %mul3A_4, %add3A_472 : i32
      %mul3A_474 = arith.constant 2 : i32
      %mul3A_475 = arith.muli %mul3A_474, %add3A_468 : i32
      %add3A_476 = arith.constant 0 : i32
      %add3A_477 = arith.addi %mul3A_475, %add3A_476 : i32
      %add3A_478 = arith.addi %mul3A_4, %add3A_477 : i32
      %mul3A_479 = arith.constant 2 : i32
      %mul3A_480 = arith.muli %mul3A_479, %add3A_468 : i32
      %add3A_481 = arith.constant 1 : i32
      %add3A_482 = arith.addi %mul3A_480, %add3A_481 : i32
      %add3A_483 = arith.addi %mul3A_4, %add3A_482 : i32
      %mul3A_484 = arith.constant 2 : i32
      %mul3A_485 = arith.muli %mul3A_484, %add3A_468 : i32
      %add3A_486 = arith.constant 1 : i32
      %add3A_487 = arith.addi %mul3A_485, %add3A_486 : i32
      %add3A_488 = arith.addi %mul3A_4, %add3A_487 : i32
      %dma_wait3A_489 = arith.constant 1 : i32
      %dma_wait3A_490 = arith.constant 0 : i32
      %dma_wait3A_491 = arith.constant 0 : i32
      %dma_wait3A_492 = arith.constant 0 : i32
      %dma_wait3A_493 = tpu.memref_slice %arg8[%dma_wait3A_489, %dma_wait3A_490, %dma_wait3A_491, %dma_wait3A_492] : memref<2x4x128x64xf32, #tpu.memory_space<vmem>> -> memref<1x1x128x64xf32, #tpu.memory_space<vmem>>
      %dma_wait3A_494 = tpu.memref_squeeze %dma_wait3A_493 : memref<1x1x128x64xf32, #tpu.memory_space<vmem>> -> memref<128x64xf32, #tpu.memory_space<vmem>>
      %dma_wait3A_495 = arith.constant 0 : i32
      %dma_wait3A_496 = tpu.memref_slice %arg7[%add3A_472, %dma_wait3A_495] : memref<32x128xi32, #tpu.memory_space<vmem>> -> memref<1x128xi32, #tpu.memory_space<vmem>>
      %dma_wait3A_497 = tpu.memref_squeeze %dma_wait3A_496 : memref<1x128xi32, #tpu.memory_space<vmem>> -> memref<128xi32, #tpu.memory_space<vmem>>
      %dma_wait3A_498 = arith.constant 0 : i32
      %dma_wait3A_499 = arith.constant 0 : i32
      %dma_wait3A_500 = tpu.memref_slice %arg2[%dma_wait3A_498, %dma_wait3A_499] : memref<65536x64xf32, #tpu.memory_space<hbm>> -> memref<65536x64xf32, #tpu.memory_space<hbm>>
      tpu.wait_indirect_dma semaphore(%arg9 : memref<!tpu.dma_semaphore, #tpu.memory_space<semaphore_mem>>) src(%dma_wait3A_500 : memref<65536x64xf32, #tpu.memory_space<hbm>>) dst(%dma_wait3A_494 : memref<128x64xf32, #tpu.memory_space<vmem>>)
      %dma_wait3A_501 = arith.constant 1 : i32
      %dma_wait3A_502 = arith.constant 1 : i32
      %dma_wait3A_503 = arith.constant 0 : i32
      %dma_wait3A_504 = arith.constant 0 : i32
      %dma_wait3A_505 = tpu.memref_slice %arg8[%dma_wait3A_501, %dma_wait3A_502, %dma_wait3A_503, %dma_wait3A_504] : memref<2x4x128x64xf32, #tpu.memory_space<vmem>> -> memref<1x1x128x64xf32, #tpu.memory_space<vmem>>
      %dma_wait3A_506 = tpu.memref_squeeze %dma_wait3A_505 : memref<1x1x128x64xf32, #tpu.memory_space<vmem>> -> memref<128x64xf32, #tpu.memory_space<vmem>>
      %dma_wait3A_507 = arith.constant 0 : i32
      %dma_wait3A_508 = tpu.memref_slice %arg7[%add3A_477, %dma_wait3A_507] : memref<32x128xi32, #tpu.memory_space<vmem>> -> memref<1x128xi32, #tpu.memory_space<vmem>>
      %dma_wait3A_509 = tpu.memref_squeeze %dma_wait3A_508 : memref<1x128xi32, #tpu.memory_space<vmem>> -> memref<128xi32, #tpu.memory_space<vmem>>
      %dma_wait3A_510 = arith.constant 0 : i32
      %dma_wait3A_511 = arith.constant 0 : i32
      %dma_wait3A_512 = tpu.memref_slice %arg3[%dma_wait3A_510, %dma_wait3A_511] : memref<65536x64xf32, #tpu.memory_space<hbm>> -> memref<65536x64xf32, #tpu.memory_space<hbm>>
      tpu.wait_indirect_dma semaphore(%arg9 : memref<!tpu.dma_semaphore, #tpu.memory_space<semaphore_mem>>) src(%dma_wait3A_512 : memref<65536x64xf32, #tpu.memory_space<hbm>>) dst(%dma_wait3A_506 : memref<128x64xf32, #tpu.memory_space<vmem>>)
      %dma_wait3A_513 = arith.constant 1 : i32
      %dma_wait3A_514 = arith.constant 2 : i32
      %dma_wait3A_515 = arith.constant 0 : i32
      %dma_wait3A_516 = arith.constant 0 : i32
      %dma_wait3A_517 = tpu.memref_slice %arg8[%dma_wait3A_513, %dma_wait3A_514, %dma_wait3A_515, %dma_wait3A_516] : memref<2x4x128x64xf32, #tpu.memory_space<vmem>> -> memref<1x1x128x64xf32, #tpu.memory_space<vmem>>
      %dma_wait3A_518 = tpu.memref_squeeze %dma_wait3A_517 : memref<1x1x128x64xf32, #tpu.memory_space<vmem>> -> memref<128x64xf32, #tpu.memory_space<vmem>>
      %dma_wait3A_519 = arith.constant 0 : i32
      %dma_wait3A_520 = tpu.memref_slice %arg7[%add3A_482, %dma_wait3A_519] : memref<32x128xi32, #tpu.memory_space<vmem>> -> memref<1x128xi32, #tpu.memory_space<vmem>>
      %dma_wait3A_521 = tpu.memref_squeeze %dma_wait3A_520 : memref<1x128xi32, #tpu.memory_space<vmem>> -> memref<128xi32, #tpu.memory_space<vmem>>
      %dma_wait3A_522 = arith.constant 0 : i32
      %dma_wait3A_523 = arith.constant 0 : i32
      %dma_wait3A_524 = tpu.memref_slice %arg2[%dma_wait3A_522, %dma_wait3A_523] : memref<65536x64xf32, #tpu.memory_space<hbm>> -> memref<65536x64xf32, #tpu.memory_space<hbm>>
      tpu.wait_indirect_dma semaphore(%arg9 : memref<!tpu.dma_semaphore, #tpu.memory_space<semaphore_mem>>) src(%dma_wait3A_524 : memref<65536x64xf32, #tpu.memory_space<hbm>>) dst(%dma_wait3A_518 : memref<128x64xf32, #tpu.memory_space<vmem>>)
      %dma_wait3A_525 = arith.constant 1 : i32
      %dma_wait3A_526 = arith.constant 3 : i32
      %dma_wait3A_527 = arith.constant 0 : i32
      %dma_wait3A_528 = arith.constant 0 : i32
      %dma_wait3A_529 = tpu.memref_slice %arg8[%dma_wait3A_525, %dma_wait3A_526, %dma_wait3A_527, %dma_wait3A_528] : memref<2x4x128x64xf32, #tpu.memory_space<vmem>> -> memref<1x1x128x64xf32, #tpu.memory_space<vmem>>
      %dma_wait3A_530 = tpu.memref_squeeze %dma_wait3A_529 : memref<1x1x128x64xf32, #tpu.memory_space<vmem>> -> memref<128x64xf32, #tpu.memory_space<vmem>>
      %dma_wait3A_531 = arith.constant 0 : i32
      %dma_wait3A_532 = tpu.memref_slice %arg7[%add3A_487, %dma_wait3A_531] : memref<32x128xi32, #tpu.memory_space<vmem>> -> memref<1x128xi32, #tpu.memory_space<vmem>>
      %dma_wait3A_533 = tpu.memref_squeeze %dma_wait3A_532 : memref<1x128xi32, #tpu.memory_space<vmem>> -> memref<128xi32, #tpu.memory_space<vmem>>
      %dma_wait3A_534 = arith.constant 0 : i32
      %dma_wait3A_535 = arith.constant 0 : i32
      %dma_wait3A_536 = tpu.memref_slice %arg3[%dma_wait3A_534, %dma_wait3A_535] : memref<65536x64xf32, #tpu.memory_space<hbm>> -> memref<65536x64xf32, #tpu.memory_space<hbm>>
      tpu.wait_indirect_dma semaphore(%arg9 : memref<!tpu.dma_semaphore, #tpu.memory_space<semaphore_mem>>) src(%dma_wait3A_536 : memref<65536x64xf32, #tpu.memory_space<hbm>>) dst(%dma_wait3A_530 : memref<128x64xf32, #tpu.memory_space<vmem>>)
      %lt3A = arith.constant 7 : i32
      %lt3A_537 = arith.cmpi slt, %scan3A_228, %lt3A : i32
      %convert_element_type3A_538 = arith.extui %lt3A_537 : i1 to i32
      %cond3A_539 = arith.constant 0 : i32
      %cond3A_540 = arith.cmpi ne, %convert_element_type3A_538, %cond3A_539 : i32
      scf.if %cond3A_540 {
        %sub3A = arith.constant 1 : i32
        %sub3A_633 = arith.subi %add3A_468, %sub3A : i32
        %mul3A_634 = arith.constant 2 : i32
        %mul3A_635 = arith.muli %mul3A_634, %sub3A_633 : i32
        %add3A_636 = arith.constant 0 : i32
        %add3A_637 = arith.addi %mul3A_635, %add3A_636 : i32
        %add3A_638 = arith.addi %mul3A_4, %add3A_637 : i32
        %mul3A_639 = arith.constant 2 : i32
        %mul3A_640 = arith.muli %mul3A_639, %sub3A_633 : i32
        %add3A_641 = arith.constant 0 : i32
        %add3A_642 = arith.addi %mul3A_640, %add3A_641 : i32
        %add3A_643 = arith.addi %mul3A_4, %add3A_642 : i32
        %mul3A_644 = arith.constant 2 : i32
        %mul3A_645 = arith.muli %mul3A_644, %sub3A_633 : i32
        %add3A_646 = arith.constant 1 : i32
        %add3A_647 = arith.addi %mul3A_645, %add3A_646 : i32
        %add3A_648 = arith.addi %mul3A_4, %add3A_647 : i32
        %mul3A_649 = arith.constant 2 : i32
        %mul3A_650 = arith.muli %mul3A_649, %sub3A_633 : i32
        %add3A_651 = arith.constant 1 : i32
        %add3A_652 = arith.addi %mul3A_650, %add3A_651 : i32
        %add3A_653 = arith.addi %mul3A_4, %add3A_652 : i32
        %dma_wait3A_654 = arith.constant 0 : i32
        %dma_wait3A_655 = arith.constant 0 : i32
        %dma_wait3A_656 = arith.constant 0 : i32
        %dma_wait3A_657 = arith.constant 0 : i32
        %dma_wait3A_658 = tpu.memref_slice %arg8[%dma_wait3A_654, %dma_wait3A_655, %dma_wait3A_656, %dma_wait3A_657] : memref<2x4x128x64xf32, #tpu.memory_space<vmem>> -> memref<1x1x128x64xf32, #tpu.memory_space<vmem>>
        %dma_wait3A_659 = tpu.memref_squeeze %dma_wait3A_658 : memref<1x1x128x64xf32, #tpu.memory_space<vmem>> -> memref<128x64xf32, #tpu.memory_space<vmem>>
        %dma_wait3A_660 = arith.constant 0 : i32
        %dma_wait3A_661 = arith.constant 0 : i32
        %dma_wait3A_662 = tpu.memref_slice %arg5[%add3A_638, %dma_wait3A_660, %dma_wait3A_661] : memref<1024x128x64xf32, #tpu.memory_space<hbm>> -> memref<1x128x64xf32, #tpu.memory_space<hbm>>
        %dma_wait3A_663 = tpu.memref_squeeze %dma_wait3A_662 : memref<1x128x64xf32, #tpu.memory_space<hbm>> -> memref<128x64xf32, #tpu.memory_space<hbm>>
        %dma_wait3A_664 = arith.constant 0 : i32
        %dma_wait3A_665 = arith.constant 0 : i32
        %dma_wait3A_666 = tpu.memref_slice %arg5[%add3A_638, %dma_wait3A_664, %dma_wait3A_665] : memref<1024x128x64xf32, #tpu.memory_space<hbm>> -> memref<1x128x64xf32, #tpu.memory_space<hbm>>
        %dma_wait3A_667 = tpu.memref_squeeze %dma_wait3A_666 : memref<1x128x64xf32, #tpu.memory_space<hbm>> -> memref<128x64xf32, #tpu.memory_space<hbm>>
        %dma_wait3A_668 = arith.constant 0 : i32
        %dma_wait3A_669 = arith.constant 0 : i32
        %dma_wait3A_670 = tpu.memref_slice %arg8[%dma_wait3A_654, %dma_wait3A_655, %dma_wait3A_668, %dma_wait3A_669] : memref<2x4x128x64xf32, #tpu.memory_space<vmem>> -> memref<1x1x128x64xf32, #tpu.memory_space<vmem>>
        %dma_wait3A_671 = tpu.memref_squeeze %dma_wait3A_670 : memref<1x1x128x64xf32, #tpu.memory_space<vmem>> -> memref<128x64xf32, #tpu.memory_space<vmem>>
        tpu.wait_dma2 semaphore(%arg10 : memref<!tpu.dma_semaphore, #tpu.memory_space<semaphore_mem>>) src(%dma_wait3A_671 : memref<128x64xf32, #tpu.memory_space<vmem>>) dst(%dma_wait3A_667 : memref<128x64xf32, #tpu.memory_space<hbm>>)
        %dma_wait3A_672 = arith.constant 0 : i32
        %dma_wait3A_673 = arith.constant 1 : i32
        %dma_wait3A_674 = arith.constant 0 : i32
        %dma_wait3A_675 = arith.constant 0 : i32
        %dma_wait3A_676 = tpu.memref_slice %arg8[%dma_wait3A_672, %dma_wait3A_673, %dma_wait3A_674, %dma_wait3A_675] : memref<2x4x128x64xf32, #tpu.memory_space<vmem>> -> memref<1x1x128x64xf32, #tpu.memory_space<vmem>>
        %dma_wait3A_677 = tpu.memref_squeeze %dma_wait3A_676 : memref<1x1x128x64xf32, #tpu.memory_space<vmem>> -> memref<128x64xf32, #tpu.memory_space<vmem>>
        %dma_wait3A_678 = arith.constant 0 : i32
        %dma_wait3A_679 = arith.constant 0 : i32
        %dma_wait3A_680 = tpu.memref_slice %arg6[%add3A_643, %dma_wait3A_678, %dma_wait3A_679] : memref<1024x128x64xf32, #tpu.memory_space<hbm>> -> memref<1x128x64xf32, #tpu.memory_space<hbm>>
        %dma_wait3A_681 = tpu.memref_squeeze %dma_wait3A_680 : memref<1x128x64xf32, #tpu.memory_space<hbm>> -> memref<128x64xf32, #tpu.memory_space<hbm>>
        %dma_wait3A_682 = arith.constant 0 : i32
        %dma_wait3A_683 = arith.constant 0 : i32
        %dma_wait3A_684 = tpu.memref_slice %arg6[%add3A_643, %dma_wait3A_682, %dma_wait3A_683] : memref<1024x128x64xf32, #tpu.memory_space<hbm>> -> memref<1x128x64xf32, #tpu.memory_space<hbm>>
        %dma_wait3A_685 = tpu.memref_squeeze %dma_wait3A_684 : memref<1x128x64xf32, #tpu.memory_space<hbm>> -> memref<128x64xf32, #tpu.memory_space<hbm>>
        %dma_wait3A_686 = arith.constant 0 : i32
        %dma_wait3A_687 = arith.constant 0 : i32
        %dma_wait3A_688 = tpu.memref_slice %arg8[%dma_wait3A_672, %dma_wait3A_673, %dma_wait3A_686, %dma_wait3A_687] : memref<2x4x128x64xf32, #tpu.memory_space<vmem>> -> memref<1x1x128x64xf32, #tpu.memory_space<vmem>>
        %dma_wait3A_689 = tpu.memref_squeeze %dma_wait3A_688 : memref<1x1x128x64xf32, #tpu.memory_space<vmem>> -> memref<128x64xf32, #tpu.memory_space<vmem>>
        tpu.wait_dma2 semaphore(%arg10 : memref<!tpu.dma_semaphore, #tpu.memory_space<semaphore_mem>>) src(%dma_wait3A_689 : memref<128x64xf32, #tpu.memory_space<vmem>>) dst(%dma_wait3A_685 : memref<128x64xf32, #tpu.memory_space<hbm>>)
        %dma_wait3A_690 = arith.constant 0 : i32
        %dma_wait3A_691 = arith.constant 2 : i32
        %dma_wait3A_692 = arith.constant 0 : i32
        %dma_wait3A_693 = arith.constant 0 : i32
        %dma_wait3A_694 = tpu.memref_slice %arg8[%dma_wait3A_690, %dma_wait3A_691, %dma_wait3A_692, %dma_wait3A_693] : memref<2x4x128x64xf32, #tpu.memory_space<vmem>> -> memref<1x1x128x64xf32, #tpu.memory_space<vmem>>
        %dma_wait3A_695 = tpu.memref_squeeze %dma_wait3A_694 : memref<1x1x128x64xf32, #tpu.memory_space<vmem>> -> memref<128x64xf32, #tpu.memory_space<vmem>>
        %dma_wait3A_696 = arith.constant 0 : i32
        %dma_wait3A_697 = arith.constant 0 : i32
        %dma_wait3A_698 = tpu.memref_slice %arg5[%add3A_648, %dma_wait3A_696, %dma_wait3A_697] : memref<1024x128x64xf32, #tpu.memory_space<hbm>> -> memref<1x128x64xf32, #tpu.memory_space<hbm>>
        %dma_wait3A_699 = tpu.memref_squeeze %dma_wait3A_698 : memref<1x128x64xf32, #tpu.memory_space<hbm>> -> memref<128x64xf32, #tpu.memory_space<hbm>>
        %dma_wait3A_700 = arith.constant 0 : i32
        %dma_wait3A_701 = arith.constant 0 : i32
        %dma_wait3A_702 = tpu.memref_slice %arg5[%add3A_648, %dma_wait3A_700, %dma_wait3A_701] : memref<1024x128x64xf32, #tpu.memory_space<hbm>> -> memref<1x128x64xf32, #tpu.memory_space<hbm>>
        %dma_wait3A_703 = tpu.memref_squeeze %dma_wait3A_702 : memref<1x128x64xf32, #tpu.memory_space<hbm>> -> memref<128x64xf32, #tpu.memory_space<hbm>>
        %dma_wait3A_704 = arith.constant 0 : i32
        %dma_wait3A_705 = arith.constant 0 : i32
        %dma_wait3A_706 = tpu.memref_slice %arg8[%dma_wait3A_690, %dma_wait3A_691, %dma_wait3A_704, %dma_wait3A_705] : memref<2x4x128x64xf32, #tpu.memory_space<vmem>> -> memref<1x1x128x64xf32, #tpu.memory_space<vmem>>
        %dma_wait3A_707 = tpu.memref_squeeze %dma_wait3A_706 : memref<1x1x128x64xf32, #tpu.memory_space<vmem>> -> memref<128x64xf32, #tpu.memory_space<vmem>>
        tpu.wait_dma2 semaphore(%arg10 : memref<!tpu.dma_semaphore, #tpu.memory_space<semaphore_mem>>) src(%dma_wait3A_707 : memref<128x64xf32, #tpu.memory_space<vmem>>) dst(%dma_wait3A_703 : memref<128x64xf32, #tpu.memory_space<hbm>>)
        %dma_wait3A_708 = arith.constant 0 : i32
        %dma_wait3A_709 = arith.constant 3 : i32
        %dma_wait3A_710 = arith.constant 0 : i32
        %dma_wait3A_711 = arith.constant 0 : i32
        %dma_wait3A_712 = tpu.memref_slice %arg8[%dma_wait3A_708, %dma_wait3A_709, %dma_wait3A_710, %dma_wait3A_711] : memref<2x4x128x64xf32, #tpu.memory_space<vmem>> -> memref<1x1x128x64xf32, #tpu.memory_space<vmem>>
        %dma_wait3A_713 = tpu.memref_squeeze %dma_wait3A_712 : memref<1x1x128x64xf32, #tpu.memory_space<vmem>> -> memref<128x64xf32, #tpu.memory_space<vmem>>
        %dma_wait3A_714 = arith.constant 0 : i32
        %dma_wait3A_715 = arith.constant 0 : i32
        %dma_wait3A_716 = tpu.memref_slice %arg6[%add3A_653, %dma_wait3A_714, %dma_wait3A_715] : memref<1024x128x64xf32, #tpu.memory_space<hbm>> -> memref<1x128x64xf32, #tpu.memory_space<hbm>>
        %dma_wait3A_717 = tpu.memref_squeeze %dma_wait3A_716 : memref<1x128x64xf32, #tpu.memory_space<hbm>> -> memref<128x64xf32, #tpu.memory_space<hbm>>
        %dma_wait3A_718 = arith.constant 0 : i32
        %dma_wait3A_719 = arith.constant 0 : i32
        %dma_wait3A_720 = tpu.memref_slice %arg6[%add3A_653, %dma_wait3A_718, %dma_wait3A_719] : memref<1024x128x64xf32, #tpu.memory_space<hbm>> -> memref<1x128x64xf32, #tpu.memory_space<hbm>>
        %dma_wait3A_721 = tpu.memref_squeeze %dma_wait3A_720 : memref<1x128x64xf32, #tpu.memory_space<hbm>> -> memref<128x64xf32, #tpu.memory_space<hbm>>
        %dma_wait3A_722 = arith.constant 0 : i32
        %dma_wait3A_723 = arith.constant 0 : i32
        %dma_wait3A_724 = tpu.memref_slice %arg8[%dma_wait3A_708, %dma_wait3A_709, %dma_wait3A_722, %dma_wait3A_723] : memref<2x4x128x64xf32, #tpu.memory_space<vmem>> -> memref<1x1x128x64xf32, #tpu.memory_space<vmem>>
        %dma_wait3A_725 = tpu.memref_squeeze %dma_wait3A_724 : memref<1x1x128x64xf32, #tpu.memory_space<vmem>> -> memref<128x64xf32, #tpu.memory_space<vmem>>
        tpu.wait_dma2 semaphore(%arg10 : memref<!tpu.dma_semaphore, #tpu.memory_space<semaphore_mem>>) src(%dma_wait3A_725 : memref<128x64xf32, #tpu.memory_space<vmem>>) dst(%dma_wait3A_721 : memref<128x64xf32, #tpu.memory_space<hbm>>)
        %add3A_726 = arith.constant 1 : i32
        %add3A_727 = arith.addi %add3A_468, %add3A_726 : i32
        %mul3A_728 = arith.constant 2 : i32
        %mul3A_729 = arith.muli %mul3A_728, %add3A_727 : i32
        %add3A_730 = arith.constant 0 : i32
        %add3A_731 = arith.addi %mul3A_729, %add3A_730 : i32
        %add3A_732 = arith.addi %mul3A_4, %add3A_731 : i32
        %mul3A_733 = arith.constant 2 : i32
        %mul3A_734 = arith.muli %mul3A_733, %add3A_727 : i32
        %add3A_735 = arith.constant 0 : i32
        %add3A_736 = arith.addi %mul3A_734, %add3A_735 : i32
        %add3A_737 = arith.addi %mul3A_4, %add3A_736 : i32
        %mul3A_738 = arith.constant 2 : i32
        %mul3A_739 = arith.muli %mul3A_738, %add3A_727 : i32
        %add3A_740 = arith.constant 1 : i32
        %add3A_741 = arith.addi %mul3A_739, %add3A_740 : i32
        %add3A_742 = arith.addi %mul3A_4, %add3A_741 : i32
        %mul3A_743 = arith.constant 2 : i32
        %mul3A_744 = arith.muli %mul3A_743, %add3A_727 : i32
        %add3A_745 = arith.constant 1 : i32
        %add3A_746 = arith.addi %mul3A_744, %add3A_745 : i32
        %add3A_747 = arith.addi %mul3A_4, %add3A_746 : i32
        %dma_start3A_748 = arith.constant 0 : i32
        %dma_start3A_749 = arith.constant 0 : i32
        %dma_start3A_750 = arith.constant 0 : i32
        %dma_start3A_751 = arith.constant 0 : i32
        %dma_start3A_752 = tpu.memref_slice %arg8[%dma_start3A_748, %dma_start3A_749, %dma_start3A_750, %dma_start3A_751] : memref<2x4x128x64xf32, #tpu.memory_space<vmem>> -> memref<1x1x128x64xf32, #tpu.memory_space<vmem>>
        %dma_start3A_753 = tpu.memref_squeeze %dma_start3A_752 : memref<1x1x128x64xf32, #tpu.memory_space<vmem>> -> memref<128x64xf32, #tpu.memory_space<vmem>>
        %dma_start3A_754 = arith.constant 0 : i32
        %dma_start3A_755 = tpu.memref_slice %arg7[%add3A_731, %dma_start3A_754] : memref<32x128xi32, #tpu.memory_space<vmem>> -> memref<1x128xi32, #tpu.memory_space<vmem>>
        %dma_start3A_756 = tpu.memref_squeeze %dma_start3A_755 : memref<1x128xi32, #tpu.memory_space<vmem>> -> memref<128xi32, #tpu.memory_space<vmem>>
        %dma_start3A_757 = arith.constant 0 : i32
        %dma_start3A_758 = arith.constant 0 : i32
        %dma_start3A_759 = tpu.memref_slice %arg2[%dma_start3A_757, %dma_start3A_758] : memref<65536x64xf32, #tpu.memory_space<hbm>> -> memref<65536x64xf32, #tpu.memory_space<hbm>>
        tpu.enqueue_indirect_dma source(%dma_start3A_759 : memref<65536x64xf32, #tpu.memory_space<hbm>>) target(%dma_start3A_753 : memref<128x64xf32, #tpu.memory_space<vmem>>) offsets(%dma_start3A_756 : memref<128xi32, #tpu.memory_space<vmem>>) semaphore(%arg9 : memref<!tpu.dma_semaphore, #tpu.memory_space<semaphore_mem>>)
        %dma_start3A_760 = arith.constant 0 : i32
        %dma_start3A_761 = arith.constant 1 : i32
        %dma_start3A_762 = arith.constant 0 : i32
        %dma_start3A_763 = arith.constant 0 : i32
        %dma_start3A_764 = tpu.memref_slice %arg8[%dma_start3A_760, %dma_start3A_761, %dma_start3A_762, %dma_start3A_763] : memref<2x4x128x64xf32, #tpu.memory_space<vmem>> -> memref<1x1x128x64xf32, #tpu.memory_space<vmem>>
        %dma_start3A_765 = tpu.memref_squeeze %dma_start3A_764 : memref<1x1x128x64xf32, #tpu.memory_space<vmem>> -> memref<128x64xf32, #tpu.memory_space<vmem>>
        %dma_start3A_766 = arith.constant 0 : i32
        %dma_start3A_767 = tpu.memref_slice %arg7[%add3A_736, %dma_start3A_766] : memref<32x128xi32, #tpu.memory_space<vmem>> -> memref<1x128xi32, #tpu.memory_space<vmem>>
        %dma_start3A_768 = tpu.memref_squeeze %dma_start3A_767 : memref<1x128xi32, #tpu.memory_space<vmem>> -> memref<128xi32, #tpu.memory_space<vmem>>
        %dma_start3A_769 = arith.constant 0 : i32
        %dma_start3A_770 = arith.constant 0 : i32
        %dma_start3A_771 = tpu.memref_slice %arg3[%dma_start3A_769, %dma_start3A_770] : memref<65536x64xf32, #tpu.memory_space<hbm>> -> memref<65536x64xf32, #tpu.memory_space<hbm>>
        tpu.enqueue_indirect_dma source(%dma_start3A_771 : memref<65536x64xf32, #tpu.memory_space<hbm>>) target(%dma_start3A_765 : memref<128x64xf32, #tpu.memory_space<vmem>>) offsets(%dma_start3A_768 : memref<128xi32, #tpu.memory_space<vmem>>) semaphore(%arg9 : memref<!tpu.dma_semaphore, #tpu.memory_space<semaphore_mem>>)
        %dma_start3A_772 = arith.constant 0 : i32
        %dma_start3A_773 = arith.constant 2 : i32
        %dma_start3A_774 = arith.constant 0 : i32
        %dma_start3A_775 = arith.constant 0 : i32
        %dma_start3A_776 = tpu.memref_slice %arg8[%dma_start3A_772, %dma_start3A_773, %dma_start3A_774, %dma_start3A_775] : memref<2x4x128x64xf32, #tpu.memory_space<vmem>> -> memref<1x1x128x64xf32, #tpu.memory_space<vmem>>
        %dma_start3A_777 = tpu.memref_squeeze %dma_start3A_776 : memref<1x1x128x64xf32, #tpu.memory_space<vmem>> -> memref<128x64xf32, #tpu.memory_space<vmem>>
        %dma_start3A_778 = arith.constant 0 : i32
        %dma_start3A_779 = tpu.memref_slice %arg7[%add3A_741, %dma_start3A_778] : memref<32x128xi32, #tpu.memory_space<vmem>> -> memref<1x128xi32, #tpu.memory_space<vmem>>
        %dma_start3A_780 = tpu.memref_squeeze %dma_start3A_779 : memref<1x128xi32, #tpu.memory_space<vmem>> -> memref<128xi32, #tpu.memory_space<vmem>>
        %dma_start3A_781 = arith.constant 0 : i32
        %dma_start3A_782 = arith.constant 0 : i32
        %dma_start3A_783 = tpu.memref_slice %arg2[%dma_start3A_781, %dma_start3A_782] : memref<65536x64xf32, #tpu.memory_space<hbm>> -> memref<65536x64xf32, #tpu.memory_space<hbm>>
        tpu.enqueue_indirect_dma source(%dma_start3A_783 : memref<65536x64xf32, #tpu.memory_space<hbm>>) target(%dma_start3A_777 : memref<128x64xf32, #tpu.memory_space<vmem>>) offsets(%dma_start3A_780 : memref<128xi32, #tpu.memory_space<vmem>>) semaphore(%arg9 : memref<!tpu.dma_semaphore, #tpu.memory_space<semaphore_mem>>)
        %dma_start3A_784 = arith.constant 0 : i32
        %dma_start3A_785 = arith.constant 3 : i32
        %dma_start3A_786 = arith.constant 0 : i32
        %dma_start3A_787 = arith.constant 0 : i32
        %dma_start3A_788 = tpu.memref_slice %arg8[%dma_start3A_784, %dma_start3A_785, %dma_start3A_786, %dma_start3A_787] : memref<2x4x128x64xf32, #tpu.memory_space<vmem>> -> memref<1x1x128x64xf32, #tpu.memory_space<vmem>>
        %dma_start3A_789 = tpu.memref_squeeze %dma_start3A_788 : memref<1x1x128x64xf32, #tpu.memory_space<vmem>> -> memref<128x64xf32, #tpu.memory_space<vmem>>
        %dma_start3A_790 = arith.constant 0 : i32
        %dma_start3A_791 = tpu.memref_slice %arg7[%add3A_746, %dma_start3A_790] : memref<32x128xi32, #tpu.memory_space<vmem>> -> memref<1x128xi32, #tpu.memory_space<vmem>>
        %dma_start3A_792 = tpu.memref_squeeze %dma_start3A_791 : memref<1x128xi32, #tpu.memory_space<vmem>> -> memref<128xi32, #tpu.memory_space<vmem>>
        %dma_start3A_793 = arith.constant 0 : i32
        %dma_start3A_794 = arith.constant 0 : i32
        %dma_start3A_795 = tpu.memref_slice %arg3[%dma_start3A_793, %dma_start3A_794] : memref<65536x64xf32, #tpu.memory_space<hbm>> -> memref<65536x64xf32, #tpu.memory_space<hbm>>
        tpu.enqueue_indirect_dma source(%dma_start3A_795 : memref<65536x64xf32, #tpu.memory_space<hbm>>) target(%dma_start3A_789 : memref<128x64xf32, #tpu.memory_space<vmem>>) offsets(%dma_start3A_792 : memref<128xi32, #tpu.memory_space<vmem>>) semaphore(%arg9 : memref<!tpu.dma_semaphore, #tpu.memory_space<semaphore_mem>>)
      } else {
      }
      %mul3A_541 = arith.constant 2 : i32
      %mul3A_542 = arith.muli %mul3A_541, %add3A_468 : i32
      %add3A_543 = arith.constant 0 : i32
      %add3A_544 = arith.addi %mul3A_542, %add3A_543 : i32
      %add3A_545 = arith.addi %mul3A_4, %add3A_544 : i32
      %mul3A_546 = arith.constant 2 : i32
      %mul3A_547 = arith.muli %mul3A_546, %add3A_468 : i32
      %add3A_548 = arith.constant 0 : i32
      %add3A_549 = arith.addi %mul3A_547, %add3A_548 : i32
      %add3A_550 = arith.addi %mul3A_4, %add3A_549 : i32
      %mul3A_551 = arith.constant 2 : i32
      %mul3A_552 = arith.muli %mul3A_551, %add3A_468 : i32
      %add3A_553 = arith.constant 1 : i32
      %add3A_554 = arith.addi %mul3A_552, %add3A_553 : i32
      %add3A_555 = arith.addi %mul3A_4, %add3A_554 : i32
      %mul3A_556 = arith.constant 2 : i32
      %mul3A_557 = arith.muli %mul3A_556, %add3A_468 : i32
      %add3A_558 = arith.constant 1 : i32
      %add3A_559 = arith.addi %mul3A_557, %add3A_558 : i32
      %add3A_560 = arith.addi %mul3A_4, %add3A_559 : i32
      %dma_start3A_561 = arith.constant 1 : i32
      %dma_start3A_562 = arith.constant 0 : i32
      %dma_start3A_563 = arith.constant 0 : i32
      %dma_start3A_564 = arith.constant 0 : i32
      %dma_start3A_565 = tpu.memref_slice %arg8[%dma_start3A_561, %dma_start3A_562, %dma_start3A_563, %dma_start3A_564] : memref<2x4x128x64xf32, #tpu.memory_space<vmem>> -> memref<1x1x128x64xf32, #tpu.memory_space<vmem>>
      %dma_start3A_566 = tpu.memref_squeeze %dma_start3A_565 : memref<1x1x128x64xf32, #tpu.memory_space<vmem>> -> memref<128x64xf32, #tpu.memory_space<vmem>>
      %dma_start3A_567 = arith.constant 0 : i32
      %dma_start3A_568 = arith.constant 0 : i32
      %dma_start3A_569 = tpu.memref_slice %arg5[%add3A_545, %dma_start3A_567, %dma_start3A_568] : memref<1024x128x64xf32, #tpu.memory_space<hbm>> -> memref<1x128x64xf32, #tpu.memory_space<hbm>>
      %dma_start3A_570 = tpu.memref_squeeze %dma_start3A_569 : memref<1x128x64xf32, #tpu.memory_space<hbm>> -> memref<128x64xf32, #tpu.memory_space<hbm>>
      %dma_start3A_571 = arith.constant 0 : i32
      %dma_start3A_572 = arith.constant 0 : i32
      %dma_start3A_573 = tpu.memref_slice %arg5[%add3A_545, %dma_start3A_571, %dma_start3A_572] : memref<1024x128x64xf32, #tpu.memory_space<hbm>> -> memref<1x128x64xf32, #tpu.memory_space<hbm>>
      %dma_start3A_574 = tpu.memref_squeeze %dma_start3A_573 : memref<1x128x64xf32, #tpu.memory_space<hbm>> -> memref<128x64xf32, #tpu.memory_space<hbm>>
      %dma_start3A_575 = arith.constant 0 : i32
      %dma_start3A_576 = arith.constant 0 : i32
      %dma_start3A_577 = tpu.memref_slice %arg8[%dma_start3A_561, %dma_start3A_562, %dma_start3A_575, %dma_start3A_576] : memref<2x4x128x64xf32, #tpu.memory_space<vmem>> -> memref<1x1x128x64xf32, #tpu.memory_space<vmem>>
      %dma_start3A_578 = tpu.memref_squeeze %dma_start3A_577 : memref<1x1x128x64xf32, #tpu.memory_space<vmem>> -> memref<128x64xf32, #tpu.memory_space<vmem>>
      tpu.enqueue_dma source(%dma_start3A_578 : memref<128x64xf32, #tpu.memory_space<vmem>>) target(%dma_start3A_574 : memref<128x64xf32, #tpu.memory_space<hbm>>) target_semaphore(%arg10 : memref<!tpu.dma_semaphore, #tpu.memory_space<semaphore_mem>>)
      %dma_start3A_579 = arith.constant 1 : i32
      %dma_start3A_580 = arith.constant 1 : i32
      %dma_start3A_581 = arith.constant 0 : i32
      %dma_start3A_582 = arith.constant 0 : i32
      %dma_start3A_583 = tpu.memref_slice %arg8[%dma_start3A_579, %dma_start3A_580, %dma_start3A_581, %dma_start3A_582] : memref<2x4x128x64xf32, #tpu.memory_space<vmem>> -> memref<1x1x128x64xf32, #tpu.memory_space<vmem>>
      %dma_start3A_584 = tpu.memref_squeeze %dma_start3A_583 : memref<1x1x128x64xf32, #tpu.memory_space<vmem>> -> memref<128x64xf32, #tpu.memory_space<vmem>>
      %dma_start3A_585 = arith.constant 0 : i32
      %dma_start3A_586 = arith.constant 0 : i32
      %dma_start3A_587 = tpu.memref_slice %arg6[%add3A_550, %dma_start3A_585, %dma_start3A_586] : memref<1024x128x64xf32, #tpu.memory_space<hbm>> -> memref<1x128x64xf32, #tpu.memory_space<hbm>>
      %dma_start3A_588 = tpu.memref_squeeze %dma_start3A_587 : memref<1x128x64xf32, #tpu.memory_space<hbm>> -> memref<128x64xf32, #tpu.memory_space<hbm>>
      %dma_start3A_589 = arith.constant 0 : i32
      %dma_start3A_590 = arith.constant 0 : i32
      %dma_start3A_591 = tpu.memref_slice %arg6[%add3A_550, %dma_start3A_589, %dma_start3A_590] : memref<1024x128x64xf32, #tpu.memory_space<hbm>> -> memref<1x128x64xf32, #tpu.memory_space<hbm>>
      %dma_start3A_592 = tpu.memref_squeeze %dma_start3A_591 : memref<1x128x64xf32, #tpu.memory_space<hbm>> -> memref<128x64xf32, #tpu.memory_space<hbm>>
      %dma_start3A_593 = arith.constant 0 : i32
      %dma_start3A_594 = arith.constant 0 : i32
      %dma_start3A_595 = tpu.memref_slice %arg8[%dma_start3A_579, %dma_start3A_580, %dma_start3A_593, %dma_start3A_594] : memref<2x4x128x64xf32, #tpu.memory_space<vmem>> -> memref<1x1x128x64xf32, #tpu.memory_space<vmem>>
      %dma_start3A_596 = tpu.memref_squeeze %dma_start3A_595 : memref<1x1x128x64xf32, #tpu.memory_space<vmem>> -> memref<128x64xf32, #tpu.memory_space<vmem>>
      tpu.enqueue_dma source(%dma_start3A_596 : memref<128x64xf32, #tpu.memory_space<vmem>>) target(%dma_start3A_592 : memref<128x64xf32, #tpu.memory_space<hbm>>) target_semaphore(%arg10 : memref<!tpu.dma_semaphore, #tpu.memory_space<semaphore_mem>>)
      %dma_start3A_597 = arith.constant 1 : i32
      %dma_start3A_598 = arith.constant 2 : i32
      %dma_start3A_599 = arith.constant 0 : i32
      %dma_start3A_600 = arith.constant 0 : i32
      %dma_start3A_601 = tpu.memref_slice %arg8[%dma_start3A_597, %dma_start3A_598, %dma_start3A_599, %dma_start3A_600] : memref<2x4x128x64xf32, #tpu.memory_space<vmem>> -> memref<1x1x128x64xf32, #tpu.memory_space<vmem>>
      %dma_start3A_602 = tpu.memref_squeeze %dma_start3A_601 : memref<1x1x128x64xf32, #tpu.memory_space<vmem>> -> memref<128x64xf32, #tpu.memory_space<vmem>>
      %dma_start3A_603 = arith.constant 0 : i32
      %dma_start3A_604 = arith.constant 0 : i32
      %dma_start3A_605 = tpu.memref_slice %arg5[%add3A_555, %dma_start3A_603, %dma_start3A_604] : memref<1024x128x64xf32, #tpu.memory_space<hbm>> -> memref<1x128x64xf32, #tpu.memory_space<hbm>>
      %dma_start3A_606 = tpu.memref_squeeze %dma_start3A_605 : memref<1x128x64xf32, #tpu.memory_space<hbm>> -> memref<128x64xf32, #tpu.memory_space<hbm>>
      %dma_start3A_607 = arith.constant 0 : i32
      %dma_start3A_608 = arith.constant 0 : i32
      %dma_start3A_609 = tpu.memref_slice %arg5[%add3A_555, %dma_start3A_607, %dma_start3A_608] : memref<1024x128x64xf32, #tpu.memory_space<hbm>> -> memref<1x128x64xf32, #tpu.memory_space<hbm>>
      %dma_start3A_610 = tpu.memref_squeeze %dma_start3A_609 : memref<1x128x64xf32, #tpu.memory_space<hbm>> -> memref<128x64xf32, #tpu.memory_space<hbm>>
      %dma_start3A_611 = arith.constant 0 : i32
      %dma_start3A_612 = arith.constant 0 : i32
      %dma_start3A_613 = tpu.memref_slice %arg8[%dma_start3A_597, %dma_start3A_598, %dma_start3A_611, %dma_start3A_612] : memref<2x4x128x64xf32, #tpu.memory_space<vmem>> -> memref<1x1x128x64xf32, #tpu.memory_space<vmem>>
      %dma_start3A_614 = tpu.memref_squeeze %dma_start3A_613 : memref<1x1x128x64xf32, #tpu.memory_space<vmem>> -> memref<128x64xf32, #tpu.memory_space<vmem>>
      tpu.enqueue_dma source(%dma_start3A_614 : memref<128x64xf32, #tpu.memory_space<vmem>>) target(%dma_start3A_610 : memref<128x64xf32, #tpu.memory_space<hbm>>) target_semaphore(%arg10 : memref<!tpu.dma_semaphore, #tpu.memory_space<semaphore_mem>>)
      %dma_start3A_615 = arith.constant 1 : i32
      %dma_start3A_616 = arith.constant 3 : i32
      %dma_start3A_617 = arith.constant 0 : i32
      %dma_start3A_618 = arith.constant 0 : i32
      %dma_start3A_619 = tpu.memref_slice %arg8[%dma_start3A_615, %dma_start3A_616, %dma_start3A_617, %dma_start3A_618] : memref<2x4x128x64xf32, #tpu.memory_space<vmem>> -> memref<1x1x128x64xf32, #tpu.memory_space<vmem>>
      %dma_start3A_620 = tpu.memref_squeeze %dma_start3A_619 : memref<1x1x128x64xf32, #tpu.memory_space<vmem>> -> memref<128x64xf32, #tpu.memory_space<vmem>>
      %dma_start3A_621 = arith.constant 0 : i32
      %dma_start3A_622 = arith.constant 0 : i32
      %dma_start3A_623 = tpu.memref_slice %arg6[%add3A_560, %dma_start3A_621, %dma_start3A_622] : memref<1024x128x64xf32, #tpu.memory_space<hbm>> -> memref<1x128x64xf32, #tpu.memory_space<hbm>>
      %dma_start3A_624 = tpu.memref_squeeze %dma_start3A_623 : memref<1x128x64xf32, #tpu.memory_space<hbm>> -> memref<128x64xf32, #tpu.memory_space<hbm>>
      %dma_start3A_625 = arith.constant 0 : i32
      %dma_start3A_626 = arith.constant 0 : i32
      %dma_start3A_627 = tpu.memref_slice %arg6[%add3A_560, %dma_start3A_625, %dma_start3A_626] : memref<1024x128x64xf32, #tpu.memory_space<hbm>> -> memref<1x128x64xf32, #tpu.memory_space<hbm>>
      %dma_start3A_628 = tpu.memref_squeeze %dma_start3A_627 : memref<1x128x64xf32, #tpu.memory_space<hbm>> -> memref<128x64xf32, #tpu.memory_space<hbm>>
      %dma_start3A_629 = arith.constant 0 : i32
      %dma_start3A_630 = arith.constant 0 : i32
      %dma_start3A_631 = tpu.memref_slice %arg8[%dma_start3A_615, %dma_start3A_616, %dma_start3A_629, %dma_start3A_630] : memref<2x4x128x64xf32, #tpu.memory_space<vmem>> -> memref<1x1x128x64xf32, #tpu.memory_space<vmem>>
      %dma_start3A_632 = tpu.memref_squeeze %dma_start3A_631 : memref<1x1x128x64xf32, #tpu.memory_space<vmem>> -> memref<128x64xf32, #tpu.memory_space<vmem>>
      tpu.enqueue_dma source(%dma_start3A_632 : memref<128x64xf32, #tpu.memory_space<vmem>>) target(%dma_start3A_628 : memref<128x64xf32, #tpu.memory_space<hbm>>) target_semaphore(%arg10 : memref<!tpu.dma_semaphore, #tpu.memory_space<semaphore_mem>>)
    }
    %scan3A_68 = arith.constant 8 : i32
    %add3A_69 = arith.constant 28 : i32
    %add3A_70 = arith.addi %mul3A_4, %add3A_69 : i32
    %add3A_71 = arith.constant 28 : i32
    %add3A_72 = arith.addi %mul3A_4, %add3A_71 : i32
    %add3A_73 = arith.constant 29 : i32
    %add3A_74 = arith.addi %mul3A_4, %add3A_73 : i32
    %add3A_75 = arith.constant 29 : i32
    %add3A_76 = arith.addi %mul3A_4, %add3A_75 : i32
    %dma_wait3A = arith.constant 0 : i32
    %dma_wait3A_77 = arith.constant 0 : i32
    %dma_wait3A_78 = arith.constant 0 : i32
    %dma_wait3A_79 = arith.constant 0 : i32
    %dma_wait3A_80 = tpu.memref_slice %arg8[%dma_wait3A, %dma_wait3A_77, %dma_wait3A_78, %dma_wait3A_79] : memref<2x4x128x64xf32, #tpu.memory_space<vmem>> -> memref<1x1x128x64xf32, #tpu.memory_space<vmem>>
    %dma_wait3A_81 = tpu.memref_squeeze %dma_wait3A_80 : memref<1x1x128x64xf32, #tpu.memory_space<vmem>> -> memref<128x64xf32, #tpu.memory_space<vmem>>
    %dma_wait3A_82 = arith.constant 0 : i32
    %dma_wait3A_83 = arith.constant 0 : i32
    %dma_wait3A_84 = tpu.memref_slice %arg5[%add3A_70, %dma_wait3A_82, %dma_wait3A_83] : memref<1024x128x64xf32, #tpu.memory_space<hbm>> -> memref<1x128x64xf32, #tpu.memory_space<hbm>>
    %dma_wait3A_85 = tpu.memref_squeeze %dma_wait3A_84 : memref<1x128x64xf32, #tpu.memory_space<hbm>> -> memref<128x64xf32, #tpu.memory_space<hbm>>
    %dma_wait3A_86 = arith.constant 0 : i32
    %dma_wait3A_87 = arith.constant 0 : i32
    %dma_wait3A_88 = tpu.memref_slice %arg5[%add3A_70, %dma_wait3A_86, %dma_wait3A_87] : memref<1024x128x64xf32, #tpu.memory_space<hbm>> -> memref<1x128x64xf32, #tpu.memory_space<hbm>>
    %dma_wait3A_89 = tpu.memref_squeeze %dma_wait3A_88 : memref<1x128x64xf32, #tpu.memory_space<hbm>> -> memref<128x64xf32, #tpu.memory_space<hbm>>
    %dma_wait3A_90 = arith.constant 0 : i32
    %dma_wait3A_91 = arith.constant 0 : i32
    %dma_wait3A_92 = tpu.memref_slice %arg8[%dma_wait3A, %dma_wait3A_77, %dma_wait3A_90, %dma_wait3A_91] : memref<2x4x128x64xf32, #tpu.memory_space<vmem>> -> memref<1x1x128x64xf32, #tpu.memory_space<vmem>>
    %dma_wait3A_93 = tpu.memref_squeeze %dma_wait3A_92 : memref<1x1x128x64xf32, #tpu.memory_space<vmem>> -> memref<128x64xf32, #tpu.memory_space<vmem>>
    tpu.wait_dma2 semaphore(%arg10 : memref<!tpu.dma_semaphore, #tpu.memory_space<semaphore_mem>>) src(%dma_wait3A_93 : memref<128x64xf32, #tpu.memory_space<vmem>>) dst(%dma_wait3A_89 : memref<128x64xf32, #tpu.memory_space<hbm>>)
    %dma_wait3A_94 = arith.constant 0 : i32
    %dma_wait3A_95 = arith.constant 1 : i32
    %dma_wait3A_96 = arith.constant 0 : i32
    %dma_wait3A_97 = arith.constant 0 : i32
    %dma_wait3A_98 = tpu.memref_slice %arg8[%dma_wait3A_94, %dma_wait3A_95, %dma_wait3A_96, %dma_wait3A_97] : memref<2x4x128x64xf32, #tpu.memory_space<vmem>> -> memref<1x1x128x64xf32, #tpu.memory_space<vmem>>
    %dma_wait3A_99 = tpu.memref_squeeze %dma_wait3A_98 : memref<1x1x128x64xf32, #tpu.memory_space<vmem>> -> memref<128x64xf32, #tpu.memory_space<vmem>>
    %dma_wait3A_100 = arith.constant 0 : i32
    %dma_wait3A_101 = arith.constant 0 : i32
    %dma_wait3A_102 = tpu.memref_slice %arg6[%add3A_72, %dma_wait3A_100, %dma_wait3A_101] : memref<1024x128x64xf32, #tpu.memory_space<hbm>> -> memref<1x128x64xf32, #tpu.memory_space<hbm>>
    %dma_wait3A_103 = tpu.memref_squeeze %dma_wait3A_102 : memref<1x128x64xf32, #tpu.memory_space<hbm>> -> memref<128x64xf32, #tpu.memory_space<hbm>>
    %dma_wait3A_104 = arith.constant 0 : i32
    %dma_wait3A_105 = arith.constant 0 : i32
    %dma_wait3A_106 = tpu.memref_slice %arg6[%add3A_72, %dma_wait3A_104, %dma_wait3A_105] : memref<1024x128x64xf32, #tpu.memory_space<hbm>> -> memref<1x128x64xf32, #tpu.memory_space<hbm>>
    %dma_wait3A_107 = tpu.memref_squeeze %dma_wait3A_106 : memref<1x128x64xf32, #tpu.memory_space<hbm>> -> memref<128x64xf32, #tpu.memory_space<hbm>>
    %dma_wait3A_108 = arith.constant 0 : i32
    %dma_wait3A_109 = arith.constant 0 : i32
    %dma_wait3A_110 = tpu.memref_slice %arg8[%dma_wait3A_94, %dma_wait3A_95, %dma_wait3A_108, %dma_wait3A_109] : memref<2x4x128x64xf32, #tpu.memory_space<vmem>> -> memref<1x1x128x64xf32, #tpu.memory_space<vmem>>
    %dma_wait3A_111 = tpu.memref_squeeze %dma_wait3A_110 : memref<1x1x128x64xf32, #tpu.memory_space<vmem>> -> memref<128x64xf32, #tpu.memory_space<vmem>>
    tpu.wait_dma2 semaphore(%arg10 : memref<!tpu.dma_semaphore, #tpu.memory_space<semaphore_mem>>) src(%dma_wait3A_111 : memref<128x64xf32, #tpu.memory_space<vmem>>) dst(%dma_wait3A_107 : memref<128x64xf32, #tpu.memory_space<hbm>>)
    %dma_wait3A_112 = arith.constant 0 : i32
    %dma_wait3A_113 = arith.constant 2 : i32
    %dma_wait3A_114 = arith.constant 0 : i32
    %dma_wait3A_115 = arith.constant 0 : i32
    %dma_wait3A_116 = tpu.memref_slice %arg8[%dma_wait3A_112, %dma_wait3A_113, %dma_wait3A_114, %dma_wait3A_115] : memref<2x4x128x64xf32, #tpu.memory_space<vmem>> -> memref<1x1x128x64xf32, #tpu.memory_space<vmem>>
    %dma_wait3A_117 = tpu.memref_squeeze %dma_wait3A_116 : memref<1x1x128x64xf32, #tpu.memory_space<vmem>> -> memref<128x64xf32, #tpu.memory_space<vmem>>
    %dma_wait3A_118 = arith.constant 0 : i32
    %dma_wait3A_119 = arith.constant 0 : i32
    %dma_wait3A_120 = tpu.memref_slice %arg5[%add3A_74, %dma_wait3A_118, %dma_wait3A_119] : memref<1024x128x64xf32, #tpu.memory_space<hbm>> -> memref<1x128x64xf32, #tpu.memory_space<hbm>>
    %dma_wait3A_121 = tpu.memref_squeeze %dma_wait3A_120 : memref<1x128x64xf32, #tpu.memory_space<hbm>> -> memref<128x64xf32, #tpu.memory_space<hbm>>
    %dma_wait3A_122 = arith.constant 0 : i32
    %dma_wait3A_123 = arith.constant 0 : i32
    %dma_wait3A_124 = tpu.memref_slice %arg5[%add3A_74, %dma_wait3A_122, %dma_wait3A_123] : memref<1024x128x64xf32, #tpu.memory_space<hbm>> -> memref<1x128x64xf32, #tpu.memory_space<hbm>>
    %dma_wait3A_125 = tpu.memref_squeeze %dma_wait3A_124 : memref<1x128x64xf32, #tpu.memory_space<hbm>> -> memref<128x64xf32, #tpu.memory_space<hbm>>
    %dma_wait3A_126 = arith.constant 0 : i32
    %dma_wait3A_127 = arith.constant 0 : i32
    %dma_wait3A_128 = tpu.memref_slice %arg8[%dma_wait3A_112, %dma_wait3A_113, %dma_wait3A_126, %dma_wait3A_127] : memref<2x4x128x64xf32, #tpu.memory_space<vmem>> -> memref<1x1x128x64xf32, #tpu.memory_space<vmem>>
    %dma_wait3A_129 = tpu.memref_squeeze %dma_wait3A_128 : memref<1x1x128x64xf32, #tpu.memory_space<vmem>> -> memref<128x64xf32, #tpu.memory_space<vmem>>
    tpu.wait_dma2 semaphore(%arg10 : memref<!tpu.dma_semaphore, #tpu.memory_space<semaphore_mem>>) src(%dma_wait3A_129 : memref<128x64xf32, #tpu.memory_space<vmem>>) dst(%dma_wait3A_125 : memref<128x64xf32, #tpu.memory_space<hbm>>)
    %dma_wait3A_130 = arith.constant 0 : i32
    %dma_wait3A_131 = arith.constant 3 : i32
    %dma_wait3A_132 = arith.constant 0 : i32
    %dma_wait3A_133 = arith.constant 0 : i32
    %dma_wait3A_134 = tpu.memref_slice %arg8[%dma_wait3A_130, %dma_wait3A_131, %dma_wait3A_132, %dma_wait3A_133] : memref<2x4x128x64xf32, #tpu.memory_space<vmem>> -> memref<1x1x128x64xf32, #tpu.memory_space<vmem>>
    %dma_wait3A_135 = tpu.memref_squeeze %dma_wait3A_134 : memref<1x1x128x64xf32, #tpu.memory_space<vmem>> -> memref<128x64xf32, #tpu.memory_space<vmem>>
    %dma_wait3A_136 = arith.constant 0 : i32
    %dma_wait3A_137 = arith.constant 0 : i32
    %dma_wait3A_138 = tpu.memref_slice %arg6[%add3A_76, %dma_wait3A_136, %dma_wait3A_137] : memref<1024x128x64xf32, #tpu.memory_space<hbm>> -> memref<1x128x64xf32, #tpu.memory_space<hbm>>
    %dma_wait3A_139 = tpu.memref_squeeze %dma_wait3A_138 : memref<1x128x64xf32, #tpu.memory_space<hbm>> -> memref<128x64xf32, #tpu.memory_space<hbm>>
    %dma_wait3A_140 = arith.constant 0 : i32
    %dma_wait3A_141 = arith.constant 0 : i32
    %dma_wait3A_142 = tpu.memref_slice %arg6[%add3A_76, %dma_wait3A_140, %dma_wait3A_141] : memref<1024x128x64xf32, #tpu.memory_space<hbm>> -> memref<1x128x64xf32, #tpu.memory_space<hbm>>
    %dma_wait3A_143 = tpu.memref_squeeze %dma_wait3A_142 : memref<1x128x64xf32, #tpu.memory_space<hbm>> -> memref<128x64xf32, #tpu.memory_space<hbm>>
    %dma_wait3A_144 = arith.constant 0 : i32
    %dma_wait3A_145 = arith.constant 0 : i32
    %dma_wait3A_146 = tpu.memref_slice %arg8[%dma_wait3A_130, %dma_wait3A_131, %dma_wait3A_144, %dma_wait3A_145] : memref<2x4x128x64xf32, #tpu.memory_space<vmem>> -> memref<1x1x128x64xf32, #tpu.memory_space<vmem>>
    %dma_wait3A_147 = tpu.memref_squeeze %dma_wait3A_146 : memref<1x1x128x64xf32, #tpu.memory_space<vmem>> -> memref<128x64xf32, #tpu.memory_space<vmem>>
    tpu.wait_dma2 semaphore(%arg10 : memref<!tpu.dma_semaphore, #tpu.memory_space<semaphore_mem>>) src(%dma_wait3A_147 : memref<128x64xf32, #tpu.memory_space<vmem>>) dst(%dma_wait3A_143 : memref<128x64xf32, #tpu.memory_space<hbm>>)
    %add3A_148 = arith.constant 30 : i32
    %add3A_149 = arith.addi %mul3A_4, %add3A_148 : i32
    %add3A_150 = arith.constant 30 : i32
    %add3A_151 = arith.addi %mul3A_4, %add3A_150 : i32
    %add3A_152 = arith.constant 31 : i32
    %add3A_153 = arith.addi %mul3A_4, %add3A_152 : i32
    %add3A_154 = arith.constant 31 : i32
    %add3A_155 = arith.addi %mul3A_4, %add3A_154 : i32
    %dma_wait3A_156 = arith.constant 1 : i32
    %dma_wait3A_157 = arith.constant 0 : i32
    %dma_wait3A_158 = arith.constant 0 : i32
    %dma_wait3A_159 = arith.constant 0 : i32
    %dma_wait3A_160 = tpu.memref_slice %arg8[%dma_wait3A_156, %dma_wait3A_157, %dma_wait3A_158, %dma_wait3A_159] : memref<2x4x128x64xf32, #tpu.memory_space<vmem>> -> memref<1x1x128x64xf32, #tpu.memory_space<vmem>>
    %dma_wait3A_161 = tpu.memref_squeeze %dma_wait3A_160 : memref<1x1x128x64xf32, #tpu.memory_space<vmem>> -> memref<128x64xf32, #tpu.memory_space<vmem>>
    %dma_wait3A_162 = arith.constant 0 : i32
    %dma_wait3A_163 = arith.constant 0 : i32
    %dma_wait3A_164 = tpu.memref_slice %arg5[%add3A_149, %dma_wait3A_162, %dma_wait3A_163] : memref<1024x128x64xf32, #tpu.memory_space<hbm>> -> memref<1x128x64xf32, #tpu.memory_space<hbm>>
    %dma_wait3A_165 = tpu.memref_squeeze %dma_wait3A_164 : memref<1x128x64xf32, #tpu.memory_space<hbm>> -> memref<128x64xf32, #tpu.memory_space<hbm>>
    %dma_wait3A_166 = arith.constant 0 : i32
    %dma_wait3A_167 = arith.constant 0 : i32
    %dma_wait3A_168 = tpu.memref_slice %arg5[%add3A_149, %dma_wait3A_166, %dma_wait3A_167] : memref<1024x128x64xf32, #tpu.memory_space<hbm>> -> memref<1x128x64xf32, #tpu.memory_space<hbm>>
    %dma_wait3A_169 = tpu.memref_squeeze %dma_wait3A_168 : memref<1x128x64xf32, #tpu.memory_space<hbm>> -> memref<128x64xf32, #tpu.memory_space<hbm>>
    %dma_wait3A_170 = arith.constant 0 : i32
    %dma_wait3A_171 = arith.constant 0 : i32
    %dma_wait3A_172 = tpu.memref_slice %arg8[%dma_wait3A_156, %dma_wait3A_157, %dma_wait3A_170, %dma_wait3A_171] : memref<2x4x128x64xf32, #tpu.memory_space<vmem>> -> memref<1x1x128x64xf32, #tpu.memory_space<vmem>>
    %dma_wait3A_173 = tpu.memref_squeeze %dma_wait3A_172 : memref<1x1x128x64xf32, #tpu.memory_space<vmem>> -> memref<128x64xf32, #tpu.memory_space<vmem>>
    tpu.wait_dma2 semaphore(%arg10 : memref<!tpu.dma_semaphore, #tpu.memory_space<semaphore_mem>>) src(%dma_wait3A_173 : memref<128x64xf32, #tpu.memory_space<vmem>>) dst(%dma_wait3A_169 : memref<128x64xf32, #tpu.memory_space<hbm>>)
    %dma_wait3A_174 = arith.constant 1 : i32
    %dma_wait3A_175 = arith.constant 1 : i32
    %dma_wait3A_176 = arith.constant 0 : i32
    %dma_wait3A_177 = arith.constant 0 : i32
    %dma_wait3A_178 = tpu.memref_slice %arg8[%dma_wait3A_174, %dma_wait3A_175, %dma_wait3A_176, %dma_wait3A_177] : memref<2x4x128x64xf32, #tpu.memory_space<vmem>> -> memref<1x1x128x64xf32, #tpu.memory_space<vmem>>
    %dma_wait3A_179 = tpu.memref_squeeze %dma_wait3A_178 : memref<1x1x128x64xf32, #tpu.memory_space<vmem>> -> memref<128x64xf32, #tpu.memory_space<vmem>>
    %dma_wait3A_180 = arith.constant 0 : i32
    %dma_wait3A_181 = arith.constant 0 : i32
    %dma_wait3A_182 = tpu.memref_slice %arg6[%add3A_151, %dma_wait3A_180, %dma_wait3A_181] : memref<1024x128x64xf32, #tpu.memory_space<hbm>> -> memref<1x128x64xf32, #tpu.memory_space<hbm>>
    %dma_wait3A_183 = tpu.memref_squeeze %dma_wait3A_182 : memref<1x128x64xf32, #tpu.memory_space<hbm>> -> memref<128x64xf32, #tpu.memory_space<hbm>>
    %dma_wait3A_184 = arith.constant 0 : i32
    %dma_wait3A_185 = arith.constant 0 : i32
    %dma_wait3A_186 = tpu.memref_slice %arg6[%add3A_151, %dma_wait3A_184, %dma_wait3A_185] : memref<1024x128x64xf32, #tpu.memory_space<hbm>> -> memref<1x128x64xf32, #tpu.memory_space<hbm>>
    %dma_wait3A_187 = tpu.memref_squeeze %dma_wait3A_186 : memref<1x128x64xf32, #tpu.memory_space<hbm>> -> memref<128x64xf32, #tpu.memory_space<hbm>>
    %dma_wait3A_188 = arith.constant 0 : i32
    %dma_wait3A_189 = arith.constant 0 : i32
    %dma_wait3A_190 = tpu.memref_slice %arg8[%dma_wait3A_174, %dma_wait3A_175, %dma_wait3A_188, %dma_wait3A_189] : memref<2x4x128x64xf32, #tpu.memory_space<vmem>> -> memref<1x1x128x64xf32, #tpu.memory_space<vmem>>
    %dma_wait3A_191 = tpu.memref_squeeze %dma_wait3A_190 : memref<1x1x128x64xf32, #tpu.memory_space<vmem>> -> memref<128x64xf32, #tpu.memory_space<vmem>>
    tpu.wait_dma2 semaphore(%arg10 : memref<!tpu.dma_semaphore, #tpu.memory_space<semaphore_mem>>) src(%dma_wait3A_191 : memref<128x64xf32, #tpu.memory_space<vmem>>) dst(%dma_wait3A_187 : memref<128x64xf32, #tpu.memory_space<hbm>>)
    %dma_wait3A_192 = arith.constant 1 : i32
    %dma_wait3A_193 = arith.constant 2 : i32
    %dma_wait3A_194 = arith.constant 0 : i32
    %dma_wait3A_195 = arith.constant 0 : i32
    %dma_wait3A_196 = tpu.memref_slice %arg8[%dma_wait3A_192, %dma_wait3A_193, %dma_wait3A_194, %dma_wait3A_195] : memref<2x4x128x64xf32, #tpu.memory_space<vmem>> -> memref<1x1x128x64xf32, #tpu.memory_space<vmem>>
    %dma_wait3A_197 = tpu.memref_squeeze %dma_wait3A_196 : memref<1x1x128x64xf32, #tpu.memory_space<vmem>> -> memref<128x64xf32, #tpu.memory_space<vmem>>
    %dma_wait3A_198 = arith.constant 0 : i32
    %dma_wait3A_199 = arith.constant 0 : i32
    %dma_wait3A_200 = tpu.memref_slice %arg5[%add3A_153, %dma_wait3A_198, %dma_wait3A_199] : memref<1024x128x64xf32, #tpu.memory_space<hbm>> -> memref<1x128x64xf32, #tpu.memory_space<hbm>>
    %dma_wait3A_201 = tpu.memref_squeeze %dma_wait3A_200 : memref<1x128x64xf32, #tpu.memory_space<hbm>> -> memref<128x64xf32, #tpu.memory_space<hbm>>
    %dma_wait3A_202 = arith.constant 0 : i32
    %dma_wait3A_203 = arith.constant 0 : i32
    %dma_wait3A_204 = tpu.memref_slice %arg5[%add3A_153, %dma_wait3A_202, %dma_wait3A_203] : memref<1024x128x64xf32, #tpu.memory_space<hbm>> -> memref<1x128x64xf32, #tpu.memory_space<hbm>>
    %dma_wait3A_205 = tpu.memref_squeeze %dma_wait3A_204 : memref<1x128x64xf32, #tpu.memory_space<hbm>> -> memref<128x64xf32, #tpu.memory_space<hbm>>
    %dma_wait3A_206 = arith.constant 0 : i32
    %dma_wait3A_207 = arith.constant 0 : i32
    %dma_wait3A_208 = tpu.memref_slice %arg8[%dma_wait3A_192, %dma_wait3A_193, %dma_wait3A_206, %dma_wait3A_207] : memref<2x4x128x64xf32, #tpu.memory_space<vmem>> -> memref<1x1x128x64xf32, #tpu.memory_space<vmem>>
    %dma_wait3A_209 = tpu.memref_squeeze %dma_wait3A_208 : memref<1x1x128x64xf32, #tpu.memory_space<vmem>> -> memref<128x64xf32, #tpu.memory_space<vmem>>
    tpu.wait_dma2 semaphore(%arg10 : memref<!tpu.dma_semaphore, #tpu.memory_space<semaphore_mem>>) src(%dma_wait3A_209 : memref<128x64xf32, #tpu.memory_space<vmem>>) dst(%dma_wait3A_205 : memref<128x64xf32, #tpu.memory_space<hbm>>)
    %dma_wait3A_210 = arith.constant 1 : i32
    %dma_wait3A_211 = arith.constant 3 : i32
    %dma_wait3A_212 = arith.constant 0 : i32
    %dma_wait3A_213 = arith.constant 0 : i32
    %dma_wait3A_214 = tpu.memref_slice %arg8[%dma_wait3A_210, %dma_wait3A_211, %dma_wait3A_212, %dma_wait3A_213] : memref<2x4x128x64xf32, #tpu.memory_space<vmem>> -> memref<1x1x128x64xf32, #tpu.memory_space<vmem>>
    %dma_wait3A_215 = tpu.memref_squeeze %dma_wait3A_214 : memref<1x1x128x64xf32, #tpu.memory_space<vmem>> -> memref<128x64xf32, #tpu.memory_space<vmem>>
    %dma_wait3A_216 = arith.constant 0 : i32
    %dma_wait3A_217 = arith.constant 0 : i32
    %dma_wait3A_218 = tpu.memref_slice %arg6[%add3A_155, %dma_wait3A_216, %dma_wait3A_217] : memref<1024x128x64xf32, #tpu.memory_space<hbm>> -> memref<1x128x64xf32, #tpu.memory_space<hbm>>
    %dma_wait3A_219 = tpu.memref_squeeze %dma_wait3A_218 : memref<1x128x64xf32, #tpu.memory_space<hbm>> -> memref<128x64xf32, #tpu.memory_space<hbm>>
    %dma_wait3A_220 = arith.constant 0 : i32
    %dma_wait3A_221 = arith.constant 0 : i32
    %dma_wait3A_222 = tpu.memref_slice %arg6[%add3A_155, %dma_wait3A_220, %dma_wait3A_221] : memref<1024x128x64xf32, #tpu.memory_space<hbm>> -> memref<1x128x64xf32, #tpu.memory_space<hbm>>
    %dma_wait3A_223 = tpu.memref_squeeze %dma_wait3A_222 : memref<1x128x64xf32, #tpu.memory_space<hbm>> -> memref<128x64xf32, #tpu.memory_space<hbm>>
    %dma_wait3A_224 = arith.constant 0 : i32
    %dma_wait3A_225 = arith.constant 0 : i32
    %dma_wait3A_226 = tpu.memref_slice %arg8[%dma_wait3A_210, %dma_wait3A_211, %dma_wait3A_224, %dma_wait3A_225] : memref<2x4x128x64xf32, #tpu.memory_space<vmem>> -> memref<1x1x128x64xf32, #tpu.memory_space<vmem>>
    %dma_wait3A_227 = tpu.memref_squeeze %dma_wait3A_226 : memref<1x1x128x64xf32, #tpu.memory_space<vmem>> -> memref<128x64xf32, #tpu.memory_space<vmem>>
    tpu.wait_dma2 semaphore(%arg10 : memref<!tpu.dma_semaphore, #tpu.memory_space<semaphore_mem>>) src(%dma_wait3A_227 : memref<128x64xf32, #tpu.memory_space<vmem>>) dst(%dma_wait3A_223 : memref<128x64xf32, #tpu.memory_space<hbm>>)
    return
  }
}

#map = affine_map<(d0, d1) -> (0, 0)>
#map1 = affine_map<(d0, d1) -> (0, 0, 0)>
module attributes {stable_mosaic.version = 14 : i64} {
  func.func @_gather_body(%arg0: i32, %arg1: i32, %arg2: memref<65536x64xf32, #tpu.memory_space<hbm>>, %arg3: memref<65536x64xf32, #tpu.memory_space<hbm>>, %arg4: memref<1024x128xi32, #tpu.memory_space<hbm>>, %arg5: memref<1024x128x64xf32, #tpu.memory_space<hbm>>, %arg6: memref<1024x128x64xf32, #tpu.memory_space<hbm>>, %arg7: memref<32x128xi32, #tpu.memory_space<vmem>>, %arg8: memref<2x4x128x64xf32, #tpu.memory_space<vmem>>, %arg9: memref<!tpu.dma_semaphore, #tpu.memory_space<semaphore_mem>>, %arg10: memref<!tpu.dma_semaphore, #tpu.memory_space<semaphore_mem>>) attributes {dimension_semantics = [#tpu.dimension_semantics<core_parallel>, #tpu.dimension_semantics<subcore_parallel>], iteration_bounds = array<i64: 2, 16>, scalar_prefetch = 0 : i64, scratch_operands = 4 : i64, tpu.core_type = #tpu.core_type<sc_vector_subcore>, window_params = [{transform_indices = #map}, {transform_indices = #map}, {transform_indices = #map}, {transform_indices = #map1}, {transform_indices = #map1}]} {
    %mul3A = arith.constant 2 : i32
    %mul3A_0 = arith.muli %arg1, %mul3A : i32
    %add3A = arith.addi %mul3A_0, %arg0 : i32
    %mul3A_1 = arith.constant 32 : i32
    %mul3A_2 = arith.muli %add3A, %mul3A_1 : i32
    "tpu.region"() ({
      %run_scoped3A = tpu.sem_alloc : memref<!tpu.dma_semaphore, #tpu.memory_space<semaphore_mem>>
      %dma_start3A_228 = arith.constant 0 : i32
      %dma_start3A_229 = tpu.memref_slice %arg4[%mul3A_2, %dma_start3A_228] : memref<1024x128xi32, #tpu.memory_space<hbm>> -> memref<32x128xi32, #tpu.memory_space<hbm>>
      %dma_start3A_230 = arith.constant 0 : i32
      %dma_start3A_231 = tpu.memref_slice %arg4[%mul3A_2, %dma_start3A_230] : memref<1024x128xi32, #tpu.memory_space<hbm>> -> memref<32x128xi32, #tpu.memory_space<hbm>>
      tpu.enqueue_dma source(%dma_start3A_231 : memref<32x128xi32, #tpu.memory_space<hbm>>) target(%arg7 : memref<32x128xi32, #tpu.memory_space<vmem>>) target_semaphore(%run_scoped3A : memref<!tpu.dma_semaphore, #tpu.memory_space<semaphore_mem>>)
      %dma_wait3A_232 = arith.constant 0 : i32
      %dma_wait3A_233 = tpu.memref_slice %arg4[%mul3A_2, %dma_wait3A_232] : memref<1024x128xi32, #tpu.memory_space<hbm>> -> memref<32x128xi32, #tpu.memory_space<hbm>>
      %dma_wait3A_234 = arith.constant 0 : i32
      %dma_wait3A_235 = tpu.memref_slice %arg4[%mul3A_2, %dma_wait3A_234] : memref<1024x128xi32, #tpu.memory_space<hbm>> -> memref<32x128xi32, #tpu.memory_space<hbm>>
      tpu.wait_dma2 semaphore(%run_scoped3A : memref<!tpu.dma_semaphore, #tpu.memory_space<semaphore_mem>>) src(%dma_wait3A_235 : memref<32x128xi32, #tpu.memory_space<hbm>>) dst(%arg7 : memref<32x128xi32, #tpu.memory_space<vmem>>)
      tpu.yield
    }) : () -> ()
    %mul3A_3 = arith.constant 32 : i32
    %mul3A_4 = arith.muli %add3A, %mul3A_3 : i32
    %add3A_5 = arith.constant 0 : i32
    %add3A_6 = arith.addi %mul3A_4, %add3A_5 : i32
    %add3A_7 = arith.constant 0 : i32
    %add3A_8 = arith.addi %mul3A_4, %add3A_7 : i32
    %add3A_9 = arith.constant 1 : i32
    %add3A_10 = arith.addi %mul3A_4, %add3A_9 : i32
    %add3A_11 = arith.constant 1 : i32
    %add3A_12 = arith.addi %mul3A_4, %add3A_11 : i32
    %dma_start3A = arith.constant 0 : i32
    %dma_start3A_13 = arith.constant 0 : i32
    %dma_start3A_14 = arith.constant 0 : i32
    %dma_start3A_15 = arith.constant 0 : i32
    %dma_start3A_16 = arith.constant 0 : i32
    %dma_start3A_17 = tpu.memref_slice %arg8[%dma_start3A_13, %dma_start3A_14, %dma_start3A_15, %dma_start3A_16] : memref<2x4x128x64xf32, #tpu.memory_space<vmem>> -> memref<1x1x128x64xf32, #tpu.memory_space<vmem>>
    %dma_start3A_18 = tpu.memref_squeeze %dma_start3A_17 : memref<1x1x128x64xf32, #tpu.memory_space<vmem>> -> memref<128x64xf32, #tpu.memory_space<vmem>>
    %dma_start3A_19 = arith.constant 0 : i32
    %dma_start3A_20 = tpu.memref_slice %arg7[%dma_start3A, %dma_start3A_19] : memref<32x128xi32, #tpu.memory_space<vmem>> -> memref<1x128xi32, #tpu.memory_space<vmem>>
    %dma_start3A_21 = tpu.memref_squeeze %dma_start3A_20 : memref<1x128xi32, #tpu.memory_space<vmem>> -> memref<128xi32, #tpu.memory_space<vmem>>
    %dma_start3A_22 = arith.constant 0 : i32
    %dma_start3A_23 = arith.constant 0 : i32
    %dma_start3A_24 = tpu.memref_slice %arg2[%dma_start3A_22, %dma_start3A_23] : memref<65536x64xf32, #tpu.memory_space<hbm>> -> memref<65536x64xf32, #tpu.memory_space<hbm>>
    tpu.enqueue_indirect_dma source(%dma_start3A_24 : memref<65536x64xf32, #tpu.memory_space<hbm>>) target(%dma_start3A_18 : memref<128x64xf32, #tpu.memory_space<vmem>>) offsets(%dma_start3A_21 : memref<128xi32, #tpu.memory_space<vmem>>) semaphore(%arg9 : memref<!tpu.dma_semaphore, #tpu.memory_space<semaphore_mem>>)
    %dma_start3A_25 = arith.constant 0 : i32
    %dma_start3A_26 = arith.constant 0 : i32
    %dma_start3A_27 = arith.constant 1 : i32
    %dma_start3A_28 = arith.constant 0 : i32
    %dma_start3A_29 = arith.constant 0 : i32
    %dma_start3A_30 = tpu.memref_slice %arg8[%dma_start3A_26, %dma_start3A_27, %dma_start3A_28, %dma_start3A_29] : memref<2x4x128x64xf32, #tpu.memory_space<vmem>> -> memref<1x1x128x64xf32, #tpu.memory_space<vmem>>
    %dma_start3A_31 = tpu.memref_squeeze %dma_start3A_30 : memref<1x1x128x64xf32, #tpu.memory_space<vmem>> -> memref<128x64xf32, #tpu.memory_space<vmem>>
    %dma_start3A_32 = arith.constant 0 : i32
    %dma_start3A_33 = tpu.memref_slice %arg7[%dma_start3A_25, %dma_start3A_32] : memref<32x128xi32, #tpu.memory_space<vmem>> -> memref<1x128xi32, #tpu.memory_space<vmem>>
    %dma_start3A_34 = tpu.memref_squeeze %dma_start3A_33 : memref<1x128xi32, #tpu.memory_space<vmem>> -> memref<128xi32, #tpu.memory_space<vmem>>
    %dma_start3A_35 = arith.constant 0 : i32
    %dma_start3A_36 = arith.constant 0 : i32
    %dma_start3A_37 = tpu.memref_slice %arg3[%dma_start3A_35, %dma_start3A_36] : memref<65536x64xf32, #tpu.memory_space<hbm>> -> memref<65536x64xf32, #tpu.memory_space<hbm>>
    tpu.enqueue_indirect_dma source(%dma_start3A_37 : memref<65536x64xf32, #tpu.memory_space<hbm>>) target(%dma_start3A_31 : memref<128x64xf32, #tpu.memory_space<vmem>>) offsets(%dma_start3A_34 : memref<128xi32, #tpu.memory_space<vmem>>) semaphore(%arg9 : memref<!tpu.dma_semaphore, #tpu.memory_space<semaphore_mem>>)
    %dma_start3A_38 = arith.constant 1 : i32
    %dma_start3A_39 = arith.constant 0 : i32
    %dma_start3A_40 = arith.constant 2 : i32
    %dma_start3A_41 = arith.constant 0 : i32
    %dma_start3A_42 = arith.constant 0 : i32
    %dma_start3A_43 = tpu.memref_slice %arg8[%dma_start3A_39, %dma_start3A_40, %dma_start3A_41, %dma_start3A_42] : memref<2x4x128x64xf32, #tpu.memory_space<vmem>> -> memref<1x1x128x64xf32, #tpu.memory_space<vmem>>
    %dma_start3A_44 = tpu.memref_squeeze %dma_start3A_43 : memref<1x1x128x64xf32, #tpu.memory_space<vmem>> -> memref<128x64xf32, #tpu.memory_space<vmem>>
    %dma_start3A_45 = arith.constant 0 : i32
    %dma_start3A_46 = tpu.memref_slice %arg7[%dma_start3A_38, %dma_start3A_45] : memref<32x128xi32, #tpu.memory_space<vmem>> -> memref<1x128xi32, #tpu.memory_space<vmem>>
    %dma_start3A_47 = tpu.memref_squeeze %dma_start3A_46 : memref<1x128xi32, #tpu.memory_space<vmem>> -> memref<128xi32, #tpu.memory_space<vmem>>
    %dma_start3A_48 = arith.constant 0 : i32
    %dma_start3A_49 = arith.constant 0 : i32
    %dma_start3A_50 = tpu.memref_slice %arg2[%dma_start3A_48, %dma_start3A_49] : memref<65536x64xf32, #tpu.memory_space<hbm>> -> memref<65536x64xf32, #tpu.memory_space<hbm>>
    tpu.enqueue_indirect_dma source(%dma_start3A_50 : memref<65536x64xf32, #tpu.memory_space<hbm>>) target(%dma_start3A_44 : memref<128x64xf32, #tpu.memory_space<vmem>>) offsets(%dma_start3A_47 : memref<128xi32, #tpu.memory_space<vmem>>) semaphore(%arg9 : memref<!tpu.dma_semaphore, #tpu.memory_space<semaphore_mem>>)
    %dma_start3A_51 = arith.constant 1 : i32
    %dma_start3A_52 = arith.constant 0 : i32
    %dma_start3A_53 = arith.constant 3 : i32
    %dma_start3A_54 = arith.constant 0 : i32
    %dma_start3A_55 = arith.constant 0 : i32
    %dma_start3A_56 = tpu.memref_slice %arg8[%dma_start3A_52, %dma_start3A_53, %dma_start3A_54, %dma_start3A_55] : memref<2x4x128x64xf32, #tpu.memory_space<vmem>> -> memref<1x1x128x64xf32, #tpu.memory_space<vmem>>
    %dma_start3A_57 = tpu.memref_squeeze %dma_start3A_56 : memref<1x1x128x64xf32, #tpu.memory_space<vmem>> -> memref<128x64xf32, #tpu.memory_space<vmem>>
    %dma_start3A_58 = arith.constant 0 : i32
    %dma_start3A_59 = tpu.memref_slice %arg7[%dma_start3A_51, %dma_start3A_58] : memref<32x128xi32, #tpu.memory_space<vmem>> -> memref<1x128xi32, #tpu.memory_space<vmem>>
    %dma_start3A_60 = tpu.memref_squeeze %dma_start3A_59 : memref<1x128xi32, #tpu.memory_space<vmem>> -> memref<128xi32, #tpu.memory_space<vmem>>
    %dma_start3A_61 = arith.constant 0 : i32
    %dma_start3A_62 = arith.constant 0 : i32
    %dma_start3A_63 = tpu.memref_slice %arg3[%dma_start3A_61, %dma_start3A_62] : memref<65536x64xf32, #tpu.memory_space<hbm>> -> memref<65536x64xf32, #tpu.memory_space<hbm>>
    tpu.enqueue_indirect_dma source(%dma_start3A_63 : memref<65536x64xf32, #tpu.memory_space<hbm>>) target(%dma_start3A_57 : memref<128x64xf32, #tpu.memory_space<vmem>>) offsets(%dma_start3A_60 : memref<128xi32, #tpu.memory_space<vmem>>) semaphore(%arg9 : memref<!tpu.dma_semaphore, #tpu.memory_space<semaphore_mem>>)
    %scan3A = arith.constant 0 : i32
    %scan3A_64 = arith.constant 0 : i32
    %scan3A_65 = arith.constant 8 : i32
    %scan3A_66 = arith.addi %scan3A_64, %scan3A_65 : i32
    %scan3A_67 = arith.constant 1 : i32
    scf.for %scan3A_228 = %scan3A_64 to %scan3A_66 step %scan3A_67  : i32 {
      %mul3A_229 = arith.constant 2 : i32
      %mul3A_230 = arith.muli %mul3A_229, %scan3A_228 : i32
      %add3A_231 = arith.constant 0 : i32
      %add3A_232 = arith.addi %mul3A_230, %add3A_231 : i32
      %mul3A_233 = arith.constant 2 : i32
      %mul3A_234 = arith.muli %mul3A_233, %add3A_232 : i32
      %add3A_235 = arith.constant 0 : i32
      %add3A_236 = arith.addi %mul3A_234, %add3A_235 : i32
      %add3A_237 = arith.addi %mul3A_4, %add3A_236 : i32
      %mul3A_238 = arith.constant 2 : i32
      %mul3A_239 = arith.muli %mul3A_238, %add3A_232 : i32
      %add3A_240 = arith.constant 0 : i32
      %add3A_241 = arith.addi %mul3A_239, %add3A_240 : i32
      %add3A_242 = arith.addi %mul3A_4, %add3A_241 : i32
      %mul3A_243 = arith.constant 2 : i32
      %mul3A_244 = arith.muli %mul3A_243, %add3A_232 : i32
      %add3A_245 = arith.constant 1 : i32
      %add3A_246 = arith.addi %mul3A_244, %add3A_245 : i32
      %add3A_247 = arith.addi %mul3A_4, %add3A_246 : i32
      %mul3A_248 = arith.constant 2 : i32
      %mul3A_249 = arith.muli %mul3A_248, %add3A_232 : i32
      %add3A_250 = arith.constant 1 : i32
      %add3A_251 = arith.addi %mul3A_249, %add3A_250 : i32
      %add3A_252 = arith.addi %mul3A_4, %add3A_251 : i32
      %dma_wait3A_253 = arith.constant 0 : i32
      %dma_wait3A_254 = arith.constant 0 : i32
      %dma_wait3A_255 = arith.constant 0 : i32
      %dma_wait3A_256 = arith.constant 0 : i32
      %dma_wait3A_257 = tpu.memref_slice %arg8[%dma_wait3A_253, %dma_wait3A_254, %dma_wait3A_255, %dma_wait3A_256] : memref<2x4x128x64xf32, #tpu.memory_space<vmem>> -> memref<1x1x128x64xf32, #tpu.memory_space<vmem>>
      %dma_wait3A_258 = tpu.memref_squeeze %dma_wait3A_257 : memref<1x1x128x64xf32, #tpu.memory_space<vmem>> -> memref<128x64xf32, #tpu.memory_space<vmem>>
      %dma_wait3A_259 = arith.constant 0 : i32
      %dma_wait3A_260 = tpu.memref_slice %arg7[%add3A_236, %dma_wait3A_259] : memref<32x128xi32, #tpu.memory_space<vmem>> -> memref<1x128xi32, #tpu.memory_space<vmem>>
      %dma_wait3A_261 = tpu.memref_squeeze %dma_wait3A_260 : memref<1x128xi32, #tpu.memory_space<vmem>> -> memref<128xi32, #tpu.memory_space<vmem>>
      %dma_wait3A_262 = arith.constant 0 : i32
      %dma_wait3A_263 = arith.constant 0 : i32
      %dma_wait3A_264 = tpu.memref_slice %arg2[%dma_wait3A_262, %dma_wait3A_263] : memref<65536x64xf32, #tpu.memory_space<hbm>> -> memref<65536x64xf32, #tpu.memory_space<hbm>>
      tpu.wait_indirect_dma semaphore(%arg9 : memref<!tpu.dma_semaphore, #tpu.memory_space<semaphore_mem>>) src(%dma_wait3A_264 : memref<65536x64xf32, #tpu.memory_space<hbm>>) dst(%dma_wait3A_258 : memref<128x64xf32, #tpu.memory_space<vmem>>)
      %dma_wait3A_265 = arith.constant 0 : i32
      %dma_wait3A_266 = arith.constant 1 : i32
      %dma_wait3A_267 = arith.constant 0 : i32
      %dma_wait3A_268 = arith.constant 0 : i32
      %dma_wait3A_269 = tpu.memref_slice %arg8[%dma_wait3A_265, %dma_wait3A_266, %dma_wait3A_267, %dma_wait3A_268] : memref<2x4x128x64xf32, #tpu.memory_space<vmem>> -> memref<1x1x128x64xf32, #tpu.memory_space<vmem>>
      %dma_wait3A_270 = tpu.memref_squeeze %dma_wait3A_269 : memref<1x1x128x64xf32, #tpu.memory_space<vmem>> -> memref<128x64xf32, #tpu.memory_space<vmem>>
      %dma_wait3A_271 = arith.constant 0 : i32
      %dma_wait3A_272 = tpu.memref_slice %arg7[%add3A_241, %dma_wait3A_271] : memref<32x128xi32, #tpu.memory_space<vmem>> -> memref<1x128xi32, #tpu.memory_space<vmem>>
      %dma_wait3A_273 = tpu.memref_squeeze %dma_wait3A_272 : memref<1x128xi32, #tpu.memory_space<vmem>> -> memref<128xi32, #tpu.memory_space<vmem>>
      %dma_wait3A_274 = arith.constant 0 : i32
      %dma_wait3A_275 = arith.constant 0 : i32
      %dma_wait3A_276 = tpu.memref_slice %arg3[%dma_wait3A_274, %dma_wait3A_275] : memref<65536x64xf32, #tpu.memory_space<hbm>> -> memref<65536x64xf32, #tpu.memory_space<hbm>>
      tpu.wait_indirect_dma semaphore(%arg9 : memref<!tpu.dma_semaphore, #tpu.memory_space<semaphore_mem>>) src(%dma_wait3A_276 : memref<65536x64xf32, #tpu.memory_space<hbm>>) dst(%dma_wait3A_270 : memref<128x64xf32, #tpu.memory_space<vmem>>)
      %dma_wait3A_277 = arith.constant 0 : i32
      %dma_wait3A_278 = arith.constant 2 : i32
      %dma_wait3A_279 = arith.constant 0 : i32
      %dma_wait3A_280 = arith.constant 0 : i32
      %dma_wait3A_281 = tpu.memref_slice %arg8[%dma_wait3A_277, %dma_wait3A_278, %dma_wait3A_279, %dma_wait3A_280] : memref<2x4x128x64xf32, #tpu.memory_space<vmem>> -> memref<1x1x128x64xf32, #tpu.memory_space<vmem>>
      %dma_wait3A_282 = tpu.memref_squeeze %dma_wait3A_281 : memref<1x1x128x64xf32, #tpu.memory_space<vmem>> -> memref<128x64xf32, #tpu.memory_space<vmem>>
      %dma_wait3A_283 = arith.constant 0 : i32
      %dma_wait3A_284 = tpu.memref_slice %arg7[%add3A_246, %dma_wait3A_283] : memref<32x128xi32, #tpu.memory_space<vmem>> -> memref<1x128xi32, #tpu.memory_space<vmem>>
      %dma_wait3A_285 = tpu.memref_squeeze %dma_wait3A_284 : memref<1x128xi32, #tpu.memory_space<vmem>> -> memref<128xi32, #tpu.memory_space<vmem>>
      %dma_wait3A_286 = arith.constant 0 : i32
      %dma_wait3A_287 = arith.constant 0 : i32
      %dma_wait3A_288 = tpu.memref_slice %arg2[%dma_wait3A_286, %dma_wait3A_287] : memref<65536x64xf32, #tpu.memory_space<hbm>> -> memref<65536x64xf32, #tpu.memory_space<hbm>>
      tpu.wait_indirect_dma semaphore(%arg9 : memref<!tpu.dma_semaphore, #tpu.memory_space<semaphore_mem>>) src(%dma_wait3A_288 : memref<65536x64xf32, #tpu.memory_space<hbm>>) dst(%dma_wait3A_282 : memref<128x64xf32, #tpu.memory_space<vmem>>)
      %dma_wait3A_289 = arith.constant 0 : i32
      %dma_wait3A_290 = arith.constant 3 : i32
      %dma_wait3A_291 = arith.constant 0 : i32
      %dma_wait3A_292 = arith.constant 0 : i32
      %dma_wait3A_293 = tpu.memref_slice %arg8[%dma_wait3A_289, %dma_wait3A_290, %dma_wait3A_291, %dma_wait3A_292] : memref<2x4x128x64xf32, #tpu.memory_space<vmem>> -> memref<1x1x128x64xf32, #tpu.memory_space<vmem>>
      %dma_wait3A_294 = tpu.memref_squeeze %dma_wait3A_293 : memref<1x1x128x64xf32, #tpu.memory_space<vmem>> -> memref<128x64xf32, #tpu.memory_space<vmem>>
      %dma_wait3A_295 = arith.constant 0 : i32
      %dma_wait3A_296 = tpu.memref_slice %arg7[%add3A_251, %dma_wait3A_295] : memref<32x128xi32, #tpu.memory_space<vmem>> -> memref<1x128xi32, #tpu.memory_space<vmem>>
      %dma_wait3A_297 = tpu.memref_squeeze %dma_wait3A_296 : memref<1x128xi32, #tpu.memory_space<vmem>> -> memref<128xi32, #tpu.memory_space<vmem>>
      %dma_wait3A_298 = arith.constant 0 : i32
      %dma_wait3A_299 = arith.constant 0 : i32
      %dma_wait3A_300 = tpu.memref_slice %arg3[%dma_wait3A_298, %dma_wait3A_299] : memref<65536x64xf32, #tpu.memory_space<hbm>> -> memref<65536x64xf32, #tpu.memory_space<hbm>>
      tpu.wait_indirect_dma semaphore(%arg9 : memref<!tpu.dma_semaphore, #tpu.memory_space<semaphore_mem>>) src(%dma_wait3A_300 : memref<65536x64xf32, #tpu.memory_space<hbm>>) dst(%dma_wait3A_294 : memref<128x64xf32, #tpu.memory_space<vmem>>)
      %ge3A = arith.constant 1 : i32
      %ge3A_301 = arith.cmpi sge, %scan3A_228, %ge3A : i32
      %convert_element_type3A = arith.extui %ge3A_301 : i1 to i32
      %cond3A = arith.constant 0 : i32
      %cond3A_302 = arith.cmpi ne, %convert_element_type3A, %cond3A : i32
      scf.if %cond3A_302 {
        %sub3A = arith.constant 1 : i32
        %sub3A_633 = arith.subi %add3A_232, %sub3A : i32
        %mul3A_634 = arith.constant 2 : i32
        %mul3A_635 = arith.muli %mul3A_634, %sub3A_633 : i32
        %add3A_636 = arith.constant 0 : i32
        %add3A_637 = arith.addi %mul3A_635, %add3A_636 : i32
        %add3A_638 = arith.addi %mul3A_4, %add3A_637 : i32
        %mul3A_639 = arith.constant 2 : i32
        %mul3A_640 = arith.muli %mul3A_639, %sub3A_633 : i32
        %add3A_641 = arith.constant 0 : i32
        %add3A_642 = arith.addi %mul3A_640, %add3A_641 : i32
        %add3A_643 = arith.addi %mul3A_4, %add3A_642 : i32
        %mul3A_644 = arith.constant 2 : i32
        %mul3A_645 = arith.muli %mul3A_644, %sub3A_633 : i32
        %add3A_646 = arith.constant 1 : i32
        %add3A_647 = arith.addi %mul3A_645, %add3A_646 : i32
        %add3A_648 = arith.addi %mul3A_4, %add3A_647 : i32
        %mul3A_649 = arith.constant 2 : i32
        %mul3A_650 = arith.muli %mul3A_649, %sub3A_633 : i32
        %add3A_651 = arith.constant 1 : i32
        %add3A_652 = arith.addi %mul3A_650, %add3A_651 : i32
        %add3A_653 = arith.addi %mul3A_4, %add3A_652 : i32
        %dma_wait3A_654 = arith.constant 1 : i32
        %dma_wait3A_655 = arith.constant 0 : i32
        %dma_wait3A_656 = arith.constant 0 : i32
        %dma_wait3A_657 = arith.constant 0 : i32
        %dma_wait3A_658 = tpu.memref_slice %arg8[%dma_wait3A_654, %dma_wait3A_655, %dma_wait3A_656, %dma_wait3A_657] : memref<2x4x128x64xf32, #tpu.memory_space<vmem>> -> memref<1x1x128x64xf32, #tpu.memory_space<vmem>>
        %dma_wait3A_659 = tpu.memref_squeeze %dma_wait3A_658 : memref<1x1x128x64xf32, #tpu.memory_space<vmem>> -> memref<128x64xf32, #tpu.memory_space<vmem>>
        %dma_wait3A_660 = arith.constant 0 : i32
        %dma_wait3A_661 = arith.constant 0 : i32
        %dma_wait3A_662 = tpu.memref_slice %arg5[%add3A_638, %dma_wait3A_660, %dma_wait3A_661] : memref<1024x128x64xf32, #tpu.memory_space<hbm>> -> memref<1x128x64xf32, #tpu.memory_space<hbm>>
        %dma_wait3A_663 = tpu.memref_squeeze %dma_wait3A_662 : memref<1x128x64xf32, #tpu.memory_space<hbm>> -> memref<128x64xf32, #tpu.memory_space<hbm>>
        %dma_wait3A_664 = arith.constant 0 : i32
        %dma_wait3A_665 = arith.constant 0 : i32
        %dma_wait3A_666 = tpu.memref_slice %arg5[%add3A_638, %dma_wait3A_664, %dma_wait3A_665] : memref<1024x128x64xf32, #tpu.memory_space<hbm>> -> memref<1x128x64xf32, #tpu.memory_space<hbm>>
        %dma_wait3A_667 = tpu.memref_squeeze %dma_wait3A_666 : memref<1x128x64xf32, #tpu.memory_space<hbm>> -> memref<128x64xf32, #tpu.memory_space<hbm>>
        %dma_wait3A_668 = arith.constant 0 : i32
        %dma_wait3A_669 = arith.constant 0 : i32
        %dma_wait3A_670 = tpu.memref_slice %arg8[%dma_wait3A_654, %dma_wait3A_655, %dma_wait3A_668, %dma_wait3A_669] : memref<2x4x128x64xf32, #tpu.memory_space<vmem>> -> memref<1x1x128x64xf32, #tpu.memory_space<vmem>>
        %dma_wait3A_671 = tpu.memref_squeeze %dma_wait3A_670 : memref<1x1x128x64xf32, #tpu.memory_space<vmem>> -> memref<128x64xf32, #tpu.memory_space<vmem>>
        tpu.wait_dma2 semaphore(%arg10 : memref<!tpu.dma_semaphore, #tpu.memory_space<semaphore_mem>>) src(%dma_wait3A_671 : memref<128x64xf32, #tpu.memory_space<vmem>>) dst(%dma_wait3A_667 : memref<128x64xf32, #tpu.memory_space<hbm>>)
        %dma_wait3A_672 = arith.constant 1 : i32
        %dma_wait3A_673 = arith.constant 1 : i32
        %dma_wait3A_674 = arith.constant 0 : i32
        %dma_wait3A_675 = arith.constant 0 : i32
        %dma_wait3A_676 = tpu.memref_slice %arg8[%dma_wait3A_672, %dma_wait3A_673, %dma_wait3A_674, %dma_wait3A_675] : memref<2x4x128x64xf32, #tpu.memory_space<vmem>> -> memref<1x1x128x64xf32, #tpu.memory_space<vmem>>
        %dma_wait3A_677 = tpu.memref_squeeze %dma_wait3A_676 : memref<1x1x128x64xf32, #tpu.memory_space<vmem>> -> memref<128x64xf32, #tpu.memory_space<vmem>>
        %dma_wait3A_678 = arith.constant 0 : i32
        %dma_wait3A_679 = arith.constant 0 : i32
        %dma_wait3A_680 = tpu.memref_slice %arg6[%add3A_643, %dma_wait3A_678, %dma_wait3A_679] : memref<1024x128x64xf32, #tpu.memory_space<hbm>> -> memref<1x128x64xf32, #tpu.memory_space<hbm>>
        %dma_wait3A_681 = tpu.memref_squeeze %dma_wait3A_680 : memref<1x128x64xf32, #tpu.memory_space<hbm>> -> memref<128x64xf32, #tpu.memory_space<hbm>>
        %dma_wait3A_682 = arith.constant 0 : i32
        %dma_wait3A_683 = arith.constant 0 : i32
        %dma_wait3A_684 = tpu.memref_slice %arg6[%add3A_643, %dma_wait3A_682, %dma_wait3A_683] : memref<1024x128x64xf32, #tpu.memory_space<hbm>> -> memref<1x128x64xf32, #tpu.memory_space<hbm>>
        %dma_wait3A_685 = tpu.memref_squeeze %dma_wait3A_684 : memref<1x128x64xf32, #tpu.memory_space<hbm>> -> memref<128x64xf32, #tpu.memory_space<hbm>>
        %dma_wait3A_686 = arith.constant 0 : i32
        %dma_wait3A_687 = arith.constant 0 : i32
        %dma_wait3A_688 = tpu.memref_slice %arg8[%dma_wait3A_672, %dma_wait3A_673, %dma_wait3A_686, %dma_wait3A_687] : memref<2x4x128x64xf32, #tpu.memory_space<vmem>> -> memref<1x1x128x64xf32, #tpu.memory_space<vmem>>
        %dma_wait3A_689 = tpu.memref_squeeze %dma_wait3A_688 : memref<1x1x128x64xf32, #tpu.memory_space<vmem>> -> memref<128x64xf32, #tpu.memory_space<vmem>>
        tpu.wait_dma2 semaphore(%arg10 : memref<!tpu.dma_semaphore, #tpu.memory_space<semaphore_mem>>) src(%dma_wait3A_689 : memref<128x64xf32, #tpu.memory_space<vmem>>) dst(%dma_wait3A_685 : memref<128x64xf32, #tpu.memory_space<hbm>>)
        %dma_wait3A_690 = arith.constant 1 : i32
        %dma_wait3A_691 = arith.constant 2 : i32
        %dma_wait3A_692 = arith.constant 0 : i32
        %dma_wait3A_693 = arith.constant 0 : i32
        %dma_wait3A_694 = tpu.memref_slice %arg8[%dma_wait3A_690, %dma_wait3A_691, %dma_wait3A_692, %dma_wait3A_693] : memref<2x4x128x64xf32, #tpu.memory_space<vmem>> -> memref<1x1x128x64xf32, #tpu.memory_space<vmem>>
        %dma_wait3A_695 = tpu.memref_squeeze %dma_wait3A_694 : memref<1x1x128x64xf32, #tpu.memory_space<vmem>> -> memref<128x64xf32, #tpu.memory_space<vmem>>
        %dma_wait3A_696 = arith.constant 0 : i32
        %dma_wait3A_697 = arith.constant 0 : i32
        %dma_wait3A_698 = tpu.memref_slice %arg5[%add3A_648, %dma_wait3A_696, %dma_wait3A_697] : memref<1024x128x64xf32, #tpu.memory_space<hbm>> -> memref<1x128x64xf32, #tpu.memory_space<hbm>>
        %dma_wait3A_699 = tpu.memref_squeeze %dma_wait3A_698 : memref<1x128x64xf32, #tpu.memory_space<hbm>> -> memref<128x64xf32, #tpu.memory_space<hbm>>
        %dma_wait3A_700 = arith.constant 0 : i32
        %dma_wait3A_701 = arith.constant 0 : i32
        %dma_wait3A_702 = tpu.memref_slice %arg5[%add3A_648, %dma_wait3A_700, %dma_wait3A_701] : memref<1024x128x64xf32, #tpu.memory_space<hbm>> -> memref<1x128x64xf32, #tpu.memory_space<hbm>>
        %dma_wait3A_703 = tpu.memref_squeeze %dma_wait3A_702 : memref<1x128x64xf32, #tpu.memory_space<hbm>> -> memref<128x64xf32, #tpu.memory_space<hbm>>
        %dma_wait3A_704 = arith.constant 0 : i32
        %dma_wait3A_705 = arith.constant 0 : i32
        %dma_wait3A_706 = tpu.memref_slice %arg8[%dma_wait3A_690, %dma_wait3A_691, %dma_wait3A_704, %dma_wait3A_705] : memref<2x4x128x64xf32, #tpu.memory_space<vmem>> -> memref<1x1x128x64xf32, #tpu.memory_space<vmem>>
        %dma_wait3A_707 = tpu.memref_squeeze %dma_wait3A_706 : memref<1x1x128x64xf32, #tpu.memory_space<vmem>> -> memref<128x64xf32, #tpu.memory_space<vmem>>
        tpu.wait_dma2 semaphore(%arg10 : memref<!tpu.dma_semaphore, #tpu.memory_space<semaphore_mem>>) src(%dma_wait3A_707 : memref<128x64xf32, #tpu.memory_space<vmem>>) dst(%dma_wait3A_703 : memref<128x64xf32, #tpu.memory_space<hbm>>)
        %dma_wait3A_708 = arith.constant 1 : i32
        %dma_wait3A_709 = arith.constant 3 : i32
        %dma_wait3A_710 = arith.constant 0 : i32
        %dma_wait3A_711 = arith.constant 0 : i32
        %dma_wait3A_712 = tpu.memref_slice %arg8[%dma_wait3A_708, %dma_wait3A_709, %dma_wait3A_710, %dma_wait3A_711] : memref<2x4x128x64xf32, #tpu.memory_space<vmem>> -> memref<1x1x128x64xf32, #tpu.memory_space<vmem>>
        %dma_wait3A_713 = tpu.memref_squeeze %dma_wait3A_712 : memref<1x1x128x64xf32, #tpu.memory_space<vmem>> -> memref<128x64xf32, #tpu.memory_space<vmem>>
        %dma_wait3A_714 = arith.constant 0 : i32
        %dma_wait3A_715 = arith.constant 0 : i32
        %dma_wait3A_716 = tpu.memref_slice %arg6[%add3A_653, %dma_wait3A_714, %dma_wait3A_715] : memref<1024x128x64xf32, #tpu.memory_space<hbm>> -> memref<1x128x64xf32, #tpu.memory_space<hbm>>
        %dma_wait3A_717 = tpu.memref_squeeze %dma_wait3A_716 : memref<1x128x64xf32, #tpu.memory_space<hbm>> -> memref<128x64xf32, #tpu.memory_space<hbm>>
        %dma_wait3A_718 = arith.constant 0 : i32
        %dma_wait3A_719 = arith.constant 0 : i32
        %dma_wait3A_720 = tpu.memref_slice %arg6[%add3A_653, %dma_wait3A_718, %dma_wait3A_719] : memref<1024x128x64xf32, #tpu.memory_space<hbm>> -> memref<1x128x64xf32, #tpu.memory_space<hbm>>
        %dma_wait3A_721 = tpu.memref_squeeze %dma_wait3A_720 : memref<1x128x64xf32, #tpu.memory_space<hbm>> -> memref<128x64xf32, #tpu.memory_space<hbm>>
        %dma_wait3A_722 = arith.constant 0 : i32
        %dma_wait3A_723 = arith.constant 0 : i32
        %dma_wait3A_724 = tpu.memref_slice %arg8[%dma_wait3A_708, %dma_wait3A_709, %dma_wait3A_722, %dma_wait3A_723] : memref<2x4x128x64xf32, #tpu.memory_space<vmem>> -> memref<1x1x128x64xf32, #tpu.memory_space<vmem>>
        %dma_wait3A_725 = tpu.memref_squeeze %dma_wait3A_724 : memref<1x1x128x64xf32, #tpu.memory_space<vmem>> -> memref<128x64xf32, #tpu.memory_space<vmem>>
        tpu.wait_dma2 semaphore(%arg10 : memref<!tpu.dma_semaphore, #tpu.memory_space<semaphore_mem>>) src(%dma_wait3A_725 : memref<128x64xf32, #tpu.memory_space<vmem>>) dst(%dma_wait3A_721 : memref<128x64xf32, #tpu.memory_space<hbm>>)
      } else {
      }
      %add3A_303 = arith.constant 1 : i32
      %add3A_304 = arith.addi %add3A_232, %add3A_303 : i32
      %mul3A_305 = arith.constant 2 : i32
      %mul3A_306 = arith.muli %mul3A_305, %add3A_304 : i32
      %add3A_307 = arith.constant 0 : i32
      %add3A_308 = arith.addi %mul3A_306, %add3A_307 : i32
      %add3A_309 = arith.addi %mul3A_4, %add3A_308 : i32
      %mul3A_310 = arith.constant 2 : i32
      %mul3A_311 = arith.muli %mul3A_310, %add3A_304 : i32
      %add3A_312 = arith.constant 0 : i32
      %add3A_313 = arith.addi %mul3A_311, %add3A_312 : i32
      %add3A_314 = arith.addi %mul3A_4, %add3A_313 : i32
      %mul3A_315 = arith.constant 2 : i32
      %mul3A_316 = arith.muli %mul3A_315, %add3A_304 : i32
      %add3A_317 = arith.constant 1 : i32
      %add3A_318 = arith.addi %mul3A_316, %add3A_317 : i32
      %add3A_319 = arith.addi %mul3A_4, %add3A_318 : i32
      %mul3A_320 = arith.constant 2 : i32
      %mul3A_321 = arith.muli %mul3A_320, %add3A_304 : i32
      %add3A_322 = arith.constant 1 : i32
      %add3A_323 = arith.addi %mul3A_321, %add3A_322 : i32
      %add3A_324 = arith.addi %mul3A_4, %add3A_323 : i32
      %dma_start3A_325 = arith.constant 1 : i32
      %dma_start3A_326 = arith.constant 0 : i32
      %dma_start3A_327 = arith.constant 0 : i32
      %dma_start3A_328 = arith.constant 0 : i32
      %dma_start3A_329 = tpu.memref_slice %arg8[%dma_start3A_325, %dma_start3A_326, %dma_start3A_327, %dma_start3A_328] : memref<2x4x128x64xf32, #tpu.memory_space<vmem>> -> memref<1x1x128x64xf32, #tpu.memory_space<vmem>>
      %dma_start3A_330 = tpu.memref_squeeze %dma_start3A_329 : memref<1x1x128x64xf32, #tpu.memory_space<vmem>> -> memref<128x64xf32, #tpu.memory_space<vmem>>
      %dma_start3A_331 = arith.constant 0 : i32
      %dma_start3A_332 = tpu.memref_slice %arg7[%add3A_308, %dma_start3A_331] : memref<32x128xi32, #tpu.memory_space<vmem>> -> memref<1x128xi32, #tpu.memory_space<vmem>>
      %dma_start3A_333 = tpu.memref_squeeze %dma_start3A_332 : memref<1x128xi32, #tpu.memory_space<vmem>> -> memref<128xi32, #tpu.memory_space<vmem>>
      %dma_start3A_334 = arith.constant 0 : i32
      %dma_start3A_335 = arith.constant 0 : i32
      %dma_start3A_336 = tpu.memref_slice %arg2[%dma_start3A_334, %dma_start3A_335] : memref<65536x64xf32, #tpu.memory_space<hbm>> -> memref<65536x64xf32, #tpu.memory_space<hbm>>
      tpu.enqueue_indirect_dma source(%dma_start3A_336 : memref<65536x64xf32, #tpu.memory_space<hbm>>) target(%dma_start3A_330 : memref<128x64xf32, #tpu.memory_space<vmem>>) offsets(%dma_start3A_333 : memref<128xi32, #tpu.memory_space<vmem>>) semaphore(%arg9 : memref<!tpu.dma_semaphore, #tpu.memory_space<semaphore_mem>>)
      %dma_start3A_337 = arith.constant 1 : i32
      %dma_start3A_338 = arith.constant 1 : i32
      %dma_start3A_339 = arith.constant 0 : i32
      %dma_start3A_340 = arith.constant 0 : i32
      %dma_start3A_341 = tpu.memref_slice %arg8[%dma_start3A_337, %dma_start3A_338, %dma_start3A_339, %dma_start3A_340] : memref<2x4x128x64xf32, #tpu.memory_space<vmem>> -> memref<1x1x128x64xf32, #tpu.memory_space<vmem>>
      %dma_start3A_342 = tpu.memref_squeeze %dma_start3A_341 : memref<1x1x128x64xf32, #tpu.memory_space<vmem>> -> memref<128x64xf32, #tpu.memory_space<vmem>>
      %dma_start3A_343 = arith.constant 0 : i32
      %dma_start3A_344 = tpu.memref_slice %arg7[%add3A_313, %dma_start3A_343] : memref<32x128xi32, #tpu.memory_space<vmem>> -> memref<1x128xi32, #tpu.memory_space<vmem>>
      %dma_start3A_345 = tpu.memref_squeeze %dma_start3A_344 : memref<1x128xi32, #tpu.memory_space<vmem>> -> memref<128xi32, #tpu.memory_space<vmem>>
      %dma_start3A_346 = arith.constant 0 : i32
      %dma_start3A_347 = arith.constant 0 : i32
      %dma_start3A_348 = tpu.memref_slice %arg3[%dma_start3A_346, %dma_start3A_347] : memref<65536x64xf32, #tpu.memory_space<hbm>> -> memref<65536x64xf32, #tpu.memory_space<hbm>>
      tpu.enqueue_indirect_dma source(%dma_start3A_348 : memref<65536x64xf32, #tpu.memory_space<hbm>>) target(%dma_start3A_342 : memref<128x64xf32, #tpu.memory_space<vmem>>) offsets(%dma_start3A_345 : memref<128xi32, #tpu.memory_space<vmem>>) semaphore(%arg9 : memref<!tpu.dma_semaphore, #tpu.memory_space<semaphore_mem>>)
      %dma_start3A_349 = arith.constant 1 : i32
      %dma_start3A_350 = arith.constant 2 : i32
      %dma_start3A_351 = arith.constant 0 : i32
      %dma_start3A_352 = arith.constant 0 : i32
      %dma_start3A_353 = tpu.memref_slice %arg8[%dma_start3A_349, %dma_start3A_350, %dma_start3A_351, %dma_start3A_352] : memref<2x4x128x64xf32, #tpu.memory_space<vmem>> -> memref<1x1x128x64xf32, #tpu.memory_space<vmem>>
      %dma_start3A_354 = tpu.memref_squeeze %dma_start3A_353 : memref<1x1x128x64xf32, #tpu.memory_space<vmem>> -> memref<128x64xf32, #tpu.memory_space<vmem>>
      %dma_start3A_355 = arith.constant 0 : i32
      %dma_start3A_356 = tpu.memref_slice %arg7[%add3A_318, %dma_start3A_355] : memref<32x128xi32, #tpu.memory_space<vmem>> -> memref<1x128xi32, #tpu.memory_space<vmem>>
      %dma_start3A_357 = tpu.memref_squeeze %dma_start3A_356 : memref<1x128xi32, #tpu.memory_space<vmem>> -> memref<128xi32, #tpu.memory_space<vmem>>
      %dma_start3A_358 = arith.constant 0 : i32
      %dma_start3A_359 = arith.constant 0 : i32
      %dma_start3A_360 = tpu.memref_slice %arg2[%dma_start3A_358, %dma_start3A_359] : memref<65536x64xf32, #tpu.memory_space<hbm>> -> memref<65536x64xf32, #tpu.memory_space<hbm>>
      tpu.enqueue_indirect_dma source(%dma_start3A_360 : memref<65536x64xf32, #tpu.memory_space<hbm>>) target(%dma_start3A_354 : memref<128x64xf32, #tpu.memory_space<vmem>>) offsets(%dma_start3A_357 : memref<128xi32, #tpu.memory_space<vmem>>) semaphore(%arg9 : memref<!tpu.dma_semaphore, #tpu.memory_space<semaphore_mem>>)
      %dma_start3A_361 = arith.constant 1 : i32
      %dma_start3A_362 = arith.constant 3 : i32
      %dma_start3A_363 = arith.constant 0 : i32
      %dma_start3A_364 = arith.constant 0 : i32
      %dma_start3A_365 = tpu.memref_slice %arg8[%dma_start3A_361, %dma_start3A_362, %dma_start3A_363, %dma_start3A_364] : memref<2x4x128x64xf32, #tpu.memory_space<vmem>> -> memref<1x1x128x64xf32, #tpu.memory_space<vmem>>
      %dma_start3A_366 = tpu.memref_squeeze %dma_start3A_365 : memref<1x1x128x64xf32, #tpu.memory_space<vmem>> -> memref<128x64xf32, #tpu.memory_space<vmem>>
      %dma_start3A_367 = arith.constant 0 : i32
      %dma_start3A_368 = tpu.memref_slice %arg7[%add3A_323, %dma_start3A_367] : memref<32x128xi32, #tpu.memory_space<vmem>> -> memref<1x128xi32, #tpu.memory_space<vmem>>
      %dma_start3A_369 = tpu.memref_squeeze %dma_start3A_368 : memref<1x128xi32, #tpu.memory_space<vmem>> -> memref<128xi32, #tpu.memory_space<vmem>>
      %dma_start3A_370 = arith.constant 0 : i32
      %dma_start3A_371 = arith.constant 0 : i32
      %dma_start3A_372 = tpu.memref_slice %arg3[%dma_start3A_370, %dma_start3A_371] : memref<65536x64xf32, #tpu.memory_space<hbm>> -> memref<65536x64xf32, #tpu.memory_space<hbm>>
      tpu.enqueue_indirect_dma source(%dma_start3A_372 : memref<65536x64xf32, #tpu.memory_space<hbm>>) target(%dma_start3A_366 : memref<128x64xf32, #tpu.memory_space<vmem>>) offsets(%dma_start3A_369 : memref<128xi32, #tpu.memory_space<vmem>>) semaphore(%arg9 : memref<!tpu.dma_semaphore, #tpu.memory_space<semaphore_mem>>)
      %mul3A_373 = arith.constant 2 : i32
      %mul3A_374 = arith.muli %mul3A_373, %add3A_232 : i32
      %add3A_375 = arith.constant 0 : i32
      %add3A_376 = arith.addi %mul3A_374, %add3A_375 : i32
      %add3A_377 = arith.addi %mul3A_4, %add3A_376 : i32
      %mul3A_378 = arith.constant 2 : i32
      %mul3A_379 = arith.muli %mul3A_378, %add3A_232 : i32
      %add3A_380 = arith.constant 0 : i32
      %add3A_381 = arith.addi %mul3A_379, %add3A_380 : i32
      %add3A_382 = arith.addi %mul3A_4, %add3A_381 : i32
      %mul3A_383 = arith.constant 2 : i32
      %mul3A_384 = arith.muli %mul3A_383, %add3A_232 : i32
      %add3A_385 = arith.constant 1 : i32
      %add3A_386 = arith.addi %mul3A_384, %add3A_385 : i32
      %add3A_387 = arith.addi %mul3A_4, %add3A_386 : i32
      %mul3A_388 = arith.constant 2 : i32
      %mul3A_389 = arith.muli %mul3A_388, %add3A_232 : i32
      %add3A_390 = arith.constant 1 : i32
      %add3A_391 = arith.addi %mul3A_389, %add3A_390 : i32
      %add3A_392 = arith.addi %mul3A_4, %add3A_391 : i32
      %dma_start3A_393 = arith.constant 0 : i32
      %dma_start3A_394 = arith.constant 0 : i32
      %dma_start3A_395 = arith.constant 0 : i32
      %dma_start3A_396 = arith.constant 0 : i32
      %dma_start3A_397 = tpu.memref_slice %arg8[%dma_start3A_393, %dma_start3A_394, %dma_start3A_395, %dma_start3A_396] : memref<2x4x128x64xf32, #tpu.memory_space<vmem>> -> memref<1x1x128x64xf32, #tpu.memory_space<vmem>>
      %dma_start3A_398 = tpu.memref_squeeze %dma_start3A_397 : memref<1x1x128x64xf32, #tpu.memory_space<vmem>> -> memref<128x64xf32, #tpu.memory_space<vmem>>
      %dma_start3A_399 = arith.constant 0 : i32
      %dma_start3A_400 = arith.constant 0 : i32
      %dma_start3A_401 = tpu.memref_slice %arg5[%add3A_377, %dma_start3A_399, %dma_start3A_400] : memref<1024x128x64xf32, #tpu.memory_space<hbm>> -> memref<1x128x64xf32, #tpu.memory_space<hbm>>
      %dma_start3A_402 = tpu.memref_squeeze %dma_start3A_401 : memref<1x128x64xf32, #tpu.memory_space<hbm>> -> memref<128x64xf32, #tpu.memory_space<hbm>>
      %dma_start3A_403 = arith.constant 0 : i32
      %dma_start3A_404 = arith.constant 0 : i32
      %dma_start3A_405 = tpu.memref_slice %arg5[%add3A_377, %dma_start3A_403, %dma_start3A_404] : memref<1024x128x64xf32, #tpu.memory_space<hbm>> -> memref<1x128x64xf32, #tpu.memory_space<hbm>>
      %dma_start3A_406 = tpu.memref_squeeze %dma_start3A_405 : memref<1x128x64xf32, #tpu.memory_space<hbm>> -> memref<128x64xf32, #tpu.memory_space<hbm>>
      %dma_start3A_407 = arith.constant 0 : i32
      %dma_start3A_408 = arith.constant 0 : i32
      %dma_start3A_409 = tpu.memref_slice %arg8[%dma_start3A_393, %dma_start3A_394, %dma_start3A_407, %dma_start3A_408] : memref<2x4x128x64xf32, #tpu.memory_space<vmem>> -> memref<1x1x128x64xf32, #tpu.memory_space<vmem>>
      %dma_start3A_410 = tpu.memref_squeeze %dma_start3A_409 : memref<1x1x128x64xf32, #tpu.memory_space<vmem>> -> memref<128x64xf32, #tpu.memory_space<vmem>>
      tpu.enqueue_dma source(%dma_start3A_410 : memref<128x64xf32, #tpu.memory_space<vmem>>) target(%dma_start3A_406 : memref<128x64xf32, #tpu.memory_space<hbm>>) target_semaphore(%arg10 : memref<!tpu.dma_semaphore, #tpu.memory_space<semaphore_mem>>)
      %dma_start3A_411 = arith.constant 0 : i32
      %dma_start3A_412 = arith.constant 1 : i32
      %dma_start3A_413 = arith.constant 0 : i32
      %dma_start3A_414 = arith.constant 0 : i32
      %dma_start3A_415 = tpu.memref_slice %arg8[%dma_start3A_411, %dma_start3A_412, %dma_start3A_413, %dma_start3A_414] : memref<2x4x128x64xf32, #tpu.memory_space<vmem>> -> memref<1x1x128x64xf32, #tpu.memory_space<vmem>>
      %dma_start3A_416 = tpu.memref_squeeze %dma_start3A_415 : memref<1x1x128x64xf32, #tpu.memory_space<vmem>> -> memref<128x64xf32, #tpu.memory_space<vmem>>
      %dma_start3A_417 = arith.constant 0 : i32
      %dma_start3A_418 = arith.constant 0 : i32
      %dma_start3A_419 = tpu.memref_slice %arg6[%add3A_382, %dma_start3A_417, %dma_start3A_418] : memref<1024x128x64xf32, #tpu.memory_space<hbm>> -> memref<1x128x64xf32, #tpu.memory_space<hbm>>
      %dma_start3A_420 = tpu.memref_squeeze %dma_start3A_419 : memref<1x128x64xf32, #tpu.memory_space<hbm>> -> memref<128x64xf32, #tpu.memory_space<hbm>>
      %dma_start3A_421 = arith.constant 0 : i32
      %dma_start3A_422 = arith.constant 0 : i32
      %dma_start3A_423 = tpu.memref_slice %arg6[%add3A_382, %dma_start3A_421, %dma_start3A_422] : memref<1024x128x64xf32, #tpu.memory_space<hbm>> -> memref<1x128x64xf32, #tpu.memory_space<hbm>>
      %dma_start3A_424 = tpu.memref_squeeze %dma_start3A_423 : memref<1x128x64xf32, #tpu.memory_space<hbm>> -> memref<128x64xf32, #tpu.memory_space<hbm>>
      %dma_start3A_425 = arith.constant 0 : i32
      %dma_start3A_426 = arith.constant 0 : i32
      %dma_start3A_427 = tpu.memref_slice %arg8[%dma_start3A_411, %dma_start3A_412, %dma_start3A_425, %dma_start3A_426] : memref<2x4x128x64xf32, #tpu.memory_space<vmem>> -> memref<1x1x128x64xf32, #tpu.memory_space<vmem>>
      %dma_start3A_428 = tpu.memref_squeeze %dma_start3A_427 : memref<1x1x128x64xf32, #tpu.memory_space<vmem>> -> memref<128x64xf32, #tpu.memory_space<vmem>>
      tpu.enqueue_dma source(%dma_start3A_428 : memref<128x64xf32, #tpu.memory_space<vmem>>) target(%dma_start3A_424 : memref<128x64xf32, #tpu.memory_space<hbm>>) target_semaphore(%arg10 : memref<!tpu.dma_semaphore, #tpu.memory_space<semaphore_mem>>)
      %dma_start3A_429 = arith.constant 0 : i32
      %dma_start3A_430 = arith.constant 2 : i32
      %dma_start3A_431 = arith.constant 0 : i32
      %dma_start3A_432 = arith.constant 0 : i32
      %dma_start3A_433 = tpu.memref_slice %arg8[%dma_start3A_429, %dma_start3A_430, %dma_start3A_431, %dma_start3A_432] : memref<2x4x128x64xf32, #tpu.memory_space<vmem>> -> memref<1x1x128x64xf32, #tpu.memory_space<vmem>>
      %dma_start3A_434 = tpu.memref_squeeze %dma_start3A_433 : memref<1x1x128x64xf32, #tpu.memory_space<vmem>> -> memref<128x64xf32, #tpu.memory_space<vmem>>
      %dma_start3A_435 = arith.constant 0 : i32
      %dma_start3A_436 = arith.constant 0 : i32
      %dma_start3A_437 = tpu.memref_slice %arg5[%add3A_387, %dma_start3A_435, %dma_start3A_436] : memref<1024x128x64xf32, #tpu.memory_space<hbm>> -> memref<1x128x64xf32, #tpu.memory_space<hbm>>
      %dma_start3A_438 = tpu.memref_squeeze %dma_start3A_437 : memref<1x128x64xf32, #tpu.memory_space<hbm>> -> memref<128x64xf32, #tpu.memory_space<hbm>>
      %dma_start3A_439 = arith.constant 0 : i32
      %dma_start3A_440 = arith.constant 0 : i32
      %dma_start3A_441 = tpu.memref_slice %arg5[%add3A_387, %dma_start3A_439, %dma_start3A_440] : memref<1024x128x64xf32, #tpu.memory_space<hbm>> -> memref<1x128x64xf32, #tpu.memory_space<hbm>>
      %dma_start3A_442 = tpu.memref_squeeze %dma_start3A_441 : memref<1x128x64xf32, #tpu.memory_space<hbm>> -> memref<128x64xf32, #tpu.memory_space<hbm>>
      %dma_start3A_443 = arith.constant 0 : i32
      %dma_start3A_444 = arith.constant 0 : i32
      %dma_start3A_445 = tpu.memref_slice %arg8[%dma_start3A_429, %dma_start3A_430, %dma_start3A_443, %dma_start3A_444] : memref<2x4x128x64xf32, #tpu.memory_space<vmem>> -> memref<1x1x128x64xf32, #tpu.memory_space<vmem>>
      %dma_start3A_446 = tpu.memref_squeeze %dma_start3A_445 : memref<1x1x128x64xf32, #tpu.memory_space<vmem>> -> memref<128x64xf32, #tpu.memory_space<vmem>>
      tpu.enqueue_dma source(%dma_start3A_446 : memref<128x64xf32, #tpu.memory_space<vmem>>) target(%dma_start3A_442 : memref<128x64xf32, #tpu.memory_space<hbm>>) target_semaphore(%arg10 : memref<!tpu.dma_semaphore, #tpu.memory_space<semaphore_mem>>)
      %dma_start3A_447 = arith.constant 0 : i32
      %dma_start3A_448 = arith.constant 3 : i32
      %dma_start3A_449 = arith.constant 0 : i32
      %dma_start3A_450 = arith.constant 0 : i32
      %dma_start3A_451 = tpu.memref_slice %arg8[%dma_start3A_447, %dma_start3A_448, %dma_start3A_449, %dma_start3A_450] : memref<2x4x128x64xf32, #tpu.memory_space<vmem>> -> memref<1x1x128x64xf32, #tpu.memory_space<vmem>>
      %dma_start3A_452 = tpu.memref_squeeze %dma_start3A_451 : memref<1x1x128x64xf32, #tpu.memory_space<vmem>> -> memref<128x64xf32, #tpu.memory_space<vmem>>
      %dma_start3A_453 = arith.constant 0 : i32
      %dma_start3A_454 = arith.constant 0 : i32
      %dma_start3A_455 = tpu.memref_slice %arg6[%add3A_392, %dma_start3A_453, %dma_start3A_454] : memref<1024x128x64xf32, #tpu.memory_space<hbm>> -> memref<1x128x64xf32, #tpu.memory_space<hbm>>
      %dma_start3A_456 = tpu.memref_squeeze %dma_start3A_455 : memref<1x128x64xf32, #tpu.memory_space<hbm>> -> memref<128x64xf32, #tpu.memory_space<hbm>>
      %dma_start3A_457 = arith.constant 0 : i32
      %dma_start3A_458 = arith.constant 0 : i32
      %dma_start3A_459 = tpu.memref_slice %arg6[%add3A_392, %dma_start3A_457, %dma_start3A_458] : memref<1024x128x64xf32, #tpu.memory_space<hbm>> -> memref<1x128x64xf32, #tpu.memory_space<hbm>>
      %dma_start3A_460 = tpu.memref_squeeze %dma_start3A_459 : memref<1x128x64xf32, #tpu.memory_space<hbm>> -> memref<128x64xf32, #tpu.memory_space<hbm>>
      %dma_start3A_461 = arith.constant 0 : i32
      %dma_start3A_462 = arith.constant 0 : i32
      %dma_start3A_463 = tpu.memref_slice %arg8[%dma_start3A_447, %dma_start3A_448, %dma_start3A_461, %dma_start3A_462] : memref<2x4x128x64xf32, #tpu.memory_space<vmem>> -> memref<1x1x128x64xf32, #tpu.memory_space<vmem>>
      %dma_start3A_464 = tpu.memref_squeeze %dma_start3A_463 : memref<1x1x128x64xf32, #tpu.memory_space<vmem>> -> memref<128x64xf32, #tpu.memory_space<vmem>>
      tpu.enqueue_dma source(%dma_start3A_464 : memref<128x64xf32, #tpu.memory_space<vmem>>) target(%dma_start3A_460 : memref<128x64xf32, #tpu.memory_space<hbm>>) target_semaphore(%arg10 : memref<!tpu.dma_semaphore, #tpu.memory_space<semaphore_mem>>)
      %mul3A_465 = arith.constant 2 : i32
      %mul3A_466 = arith.muli %mul3A_465, %scan3A_228 : i32
      %add3A_467 = arith.constant 1 : i32
      %add3A_468 = arith.addi %mul3A_466, %add3A_467 : i32
      %mul3A_469 = arith.constant 2 : i32
      %mul3A_470 = arith.muli %mul3A_469, %add3A_468 : i32
      %add3A_471 = arith.constant 0 : i32
      %add3A_472 = arith.addi %mul3A_470, %add3A_471 : i32
      %add3A_473 = arith.addi %mul3A_4, %add3A_472 : i32
      %mul3A_474 = arith.constant 2 : i32
      %mul3A_475 = arith.muli %mul3A_474, %add3A_468 : i32
      %add3A_476 = arith.constant 0 : i32
      %add3A_477 = arith.addi %mul3A_475, %add3A_476 : i32
      %add3A_478 = arith.addi %mul3A_4, %add3A_477 : i32
      %mul3A_479 = arith.constant 2 : i32
      %mul3A_480 = arith.muli %mul3A_479, %add3A_468 : i32
      %add3A_481 = arith.constant 1 : i32
      %add3A_482 = arith.addi %mul3A_480, %add3A_481 : i32
      %add3A_483 = arith.addi %mul3A_4, %add3A_482 : i32
      %mul3A_484 = arith.constant 2 : i32
      %mul3A_485 = arith.muli %mul3A_484, %add3A_468 : i32
      %add3A_486 = arith.constant 1 : i32
      %add3A_487 = arith.addi %mul3A_485, %add3A_486 : i32
      %add3A_488 = arith.addi %mul3A_4, %add3A_487 : i32
      %dma_wait3A_489 = arith.constant 1 : i32
      %dma_wait3A_490 = arith.constant 0 : i32
      %dma_wait3A_491 = arith.constant 0 : i32
      %dma_wait3A_492 = arith.constant 0 : i32
      %dma_wait3A_493 = tpu.memref_slice %arg8[%dma_wait3A_489, %dma_wait3A_490, %dma_wait3A_491, %dma_wait3A_492] : memref<2x4x128x64xf32, #tpu.memory_space<vmem>> -> memref<1x1x128x64xf32, #tpu.memory_space<vmem>>
      %dma_wait3A_494 = tpu.memref_squeeze %dma_wait3A_493 : memref<1x1x128x64xf32, #tpu.memory_space<vmem>> -> memref<128x64xf32, #tpu.memory_space<vmem>>
      %dma_wait3A_495 = arith.constant 0 : i32
      %dma_wait3A_496 = tpu.memref_slice %arg7[%add3A_472, %dma_wait3A_495] : memref<32x128xi32, #tpu.memory_space<vmem>> -> memref<1x128xi32, #tpu.memory_space<vmem>>
      %dma_wait3A_497 = tpu.memref_squeeze %dma_wait3A_496 : memref<1x128xi32, #tpu.memory_space<vmem>> -> memref<128xi32, #tpu.memory_space<vmem>>
      %dma_wait3A_498 = arith.constant 0 : i32
      %dma_wait3A_499 = arith.constant 0 : i32
      %dma_wait3A_500 = tpu.memref_slice %arg2[%dma_wait3A_498, %dma_wait3A_499] : memref<65536x64xf32, #tpu.memory_space<hbm>> -> memref<65536x64xf32, #tpu.memory_space<hbm>>
      tpu.wait_indirect_dma semaphore(%arg9 : memref<!tpu.dma_semaphore, #tpu.memory_space<semaphore_mem>>) src(%dma_wait3A_500 : memref<65536x64xf32, #tpu.memory_space<hbm>>) dst(%dma_wait3A_494 : memref<128x64xf32, #tpu.memory_space<vmem>>)
      %dma_wait3A_501 = arith.constant 1 : i32
      %dma_wait3A_502 = arith.constant 1 : i32
      %dma_wait3A_503 = arith.constant 0 : i32
      %dma_wait3A_504 = arith.constant 0 : i32
      %dma_wait3A_505 = tpu.memref_slice %arg8[%dma_wait3A_501, %dma_wait3A_502, %dma_wait3A_503, %dma_wait3A_504] : memref<2x4x128x64xf32, #tpu.memory_space<vmem>> -> memref<1x1x128x64xf32, #tpu.memory_space<vmem>>
      %dma_wait3A_506 = tpu.memref_squeeze %dma_wait3A_505 : memref<1x1x128x64xf32, #tpu.memory_space<vmem>> -> memref<128x64xf32, #tpu.memory_space<vmem>>
      %dma_wait3A_507 = arith.constant 0 : i32
      %dma_wait3A_508 = tpu.memref_slice %arg7[%add3A_477, %dma_wait3A_507] : memref<32x128xi32, #tpu.memory_space<vmem>> -> memref<1x128xi32, #tpu.memory_space<vmem>>
      %dma_wait3A_509 = tpu.memref_squeeze %dma_wait3A_508 : memref<1x128xi32, #tpu.memory_space<vmem>> -> memref<128xi32, #tpu.memory_space<vmem>>
      %dma_wait3A_510 = arith.constant 0 : i32
      %dma_wait3A_511 = arith.constant 0 : i32
      %dma_wait3A_512 = tpu.memref_slice %arg3[%dma_wait3A_510, %dma_wait3A_511] : memref<65536x64xf32, #tpu.memory_space<hbm>> -> memref<65536x64xf32, #tpu.memory_space<hbm>>
      tpu.wait_indirect_dma semaphore(%arg9 : memref<!tpu.dma_semaphore, #tpu.memory_space<semaphore_mem>>) src(%dma_wait3A_512 : memref<65536x64xf32, #tpu.memory_space<hbm>>) dst(%dma_wait3A_506 : memref<128x64xf32, #tpu.memory_space<vmem>>)
      %dma_wait3A_513 = arith.constant 1 : i32
      %dma_wait3A_514 = arith.constant 2 : i32
      %dma_wait3A_515 = arith.constant 0 : i32
      %dma_wait3A_516 = arith.constant 0 : i32
      %dma_wait3A_517 = tpu.memref_slice %arg8[%dma_wait3A_513, %dma_wait3A_514, %dma_wait3A_515, %dma_wait3A_516] : memref<2x4x128x64xf32, #tpu.memory_space<vmem>> -> memref<1x1x128x64xf32, #tpu.memory_space<vmem>>
      %dma_wait3A_518 = tpu.memref_squeeze %dma_wait3A_517 : memref<1x1x128x64xf32, #tpu.memory_space<vmem>> -> memref<128x64xf32, #tpu.memory_space<vmem>>
      %dma_wait3A_519 = arith.constant 0 : i32
      %dma_wait3A_520 = tpu.memref_slice %arg7[%add3A_482, %dma_wait3A_519] : memref<32x128xi32, #tpu.memory_space<vmem>> -> memref<1x128xi32, #tpu.memory_space<vmem>>
      %dma_wait3A_521 = tpu.memref_squeeze %dma_wait3A_520 : memref<1x128xi32, #tpu.memory_space<vmem>> -> memref<128xi32, #tpu.memory_space<vmem>>
      %dma_wait3A_522 = arith.constant 0 : i32
      %dma_wait3A_523 = arith.constant 0 : i32
      %dma_wait3A_524 = tpu.memref_slice %arg2[%dma_wait3A_522, %dma_wait3A_523] : memref<65536x64xf32, #tpu.memory_space<hbm>> -> memref<65536x64xf32, #tpu.memory_space<hbm>>
      tpu.wait_indirect_dma semaphore(%arg9 : memref<!tpu.dma_semaphore, #tpu.memory_space<semaphore_mem>>) src(%dma_wait3A_524 : memref<65536x64xf32, #tpu.memory_space<hbm>>) dst(%dma_wait3A_518 : memref<128x64xf32, #tpu.memory_space<vmem>>)
      %dma_wait3A_525 = arith.constant 1 : i32
      %dma_wait3A_526 = arith.constant 3 : i32
      %dma_wait3A_527 = arith.constant 0 : i32
      %dma_wait3A_528 = arith.constant 0 : i32
      %dma_wait3A_529 = tpu.memref_slice %arg8[%dma_wait3A_525, %dma_wait3A_526, %dma_wait3A_527, %dma_wait3A_528] : memref<2x4x128x64xf32, #tpu.memory_space<vmem>> -> memref<1x1x128x64xf32, #tpu.memory_space<vmem>>
      %dma_wait3A_530 = tpu.memref_squeeze %dma_wait3A_529 : memref<1x1x128x64xf32, #tpu.memory_space<vmem>> -> memref<128x64xf32, #tpu.memory_space<vmem>>
      %dma_wait3A_531 = arith.constant 0 : i32
      %dma_wait3A_532 = tpu.memref_slice %arg7[%add3A_487, %dma_wait3A_531] : memref<32x128xi32, #tpu.memory_space<vmem>> -> memref<1x128xi32, #tpu.memory_space<vmem>>
      %dma_wait3A_533 = tpu.memref_squeeze %dma_wait3A_532 : memref<1x128xi32, #tpu.memory_space<vmem>> -> memref<128xi32, #tpu.memory_space<vmem>>
      %dma_wait3A_534 = arith.constant 0 : i32
      %dma_wait3A_535 = arith.constant 0 : i32
      %dma_wait3A_536 = tpu.memref_slice %arg3[%dma_wait3A_534, %dma_wait3A_535] : memref<65536x64xf32, #tpu.memory_space<hbm>> -> memref<65536x64xf32, #tpu.memory_space<hbm>>
      tpu.wait_indirect_dma semaphore(%arg9 : memref<!tpu.dma_semaphore, #tpu.memory_space<semaphore_mem>>) src(%dma_wait3A_536 : memref<65536x64xf32, #tpu.memory_space<hbm>>) dst(%dma_wait3A_530 : memref<128x64xf32, #tpu.memory_space<vmem>>)
      %lt3A = arith.constant 7 : i32
      %lt3A_537 = arith.cmpi slt, %scan3A_228, %lt3A : i32
      %convert_element_type3A_538 = arith.extui %lt3A_537 : i1 to i32
      %cond3A_539 = arith.constant 0 : i32
      %cond3A_540 = arith.cmpi ne, %convert_element_type3A_538, %cond3A_539 : i32
      scf.if %cond3A_540 {
        %sub3A = arith.constant 1 : i32
        %sub3A_633 = arith.subi %add3A_468, %sub3A : i32
        %mul3A_634 = arith.constant 2 : i32
        %mul3A_635 = arith.muli %mul3A_634, %sub3A_633 : i32
        %add3A_636 = arith.constant 0 : i32
        %add3A_637 = arith.addi %mul3A_635, %add3A_636 : i32
        %add3A_638 = arith.addi %mul3A_4, %add3A_637 : i32
        %mul3A_639 = arith.constant 2 : i32
        %mul3A_640 = arith.muli %mul3A_639, %sub3A_633 : i32
        %add3A_641 = arith.constant 0 : i32
        %add3A_642 = arith.addi %mul3A_640, %add3A_641 : i32
        %add3A_643 = arith.addi %mul3A_4, %add3A_642 : i32
        %mul3A_644 = arith.constant 2 : i32
        %mul3A_645 = arith.muli %mul3A_644, %sub3A_633 : i32
        %add3A_646 = arith.constant 1 : i32
        %add3A_647 = arith.addi %mul3A_645, %add3A_646 : i32
        %add3A_648 = arith.addi %mul3A_4, %add3A_647 : i32
        %mul3A_649 = arith.constant 2 : i32
        %mul3A_650 = arith.muli %mul3A_649, %sub3A_633 : i32
        %add3A_651 = arith.constant 1 : i32
        %add3A_652 = arith.addi %mul3A_650, %add3A_651 : i32
        %add3A_653 = arith.addi %mul3A_4, %add3A_652 : i32
        %dma_wait3A_654 = arith.constant 0 : i32
        %dma_wait3A_655 = arith.constant 0 : i32
        %dma_wait3A_656 = arith.constant 0 : i32
        %dma_wait3A_657 = arith.constant 0 : i32
        %dma_wait3A_658 = tpu.memref_slice %arg8[%dma_wait3A_654, %dma_wait3A_655, %dma_wait3A_656, %dma_wait3A_657] : memref<2x4x128x64xf32, #tpu.memory_space<vmem>> -> memref<1x1x128x64xf32, #tpu.memory_space<vmem>>
        %dma_wait3A_659 = tpu.memref_squeeze %dma_wait3A_658 : memref<1x1x128x64xf32, #tpu.memory_space<vmem>> -> memref<128x64xf32, #tpu.memory_space<vmem>>
        %dma_wait3A_660 = arith.constant 0 : i32
        %dma_wait3A_661 = arith.constant 0 : i32
        %dma_wait3A_662 = tpu.memref_slice %arg5[%add3A_638, %dma_wait3A_660, %dma_wait3A_661] : memref<1024x128x64xf32, #tpu.memory_space<hbm>> -> memref<1x128x64xf32, #tpu.memory_space<hbm>>
        %dma_wait3A_663 = tpu.memref_squeeze %dma_wait3A_662 : memref<1x128x64xf32, #tpu.memory_space<hbm>> -> memref<128x64xf32, #tpu.memory_space<hbm>>
        %dma_wait3A_664 = arith.constant 0 : i32
        %dma_wait3A_665 = arith.constant 0 : i32
        %dma_wait3A_666 = tpu.memref_slice %arg5[%add3A_638, %dma_wait3A_664, %dma_wait3A_665] : memref<1024x128x64xf32, #tpu.memory_space<hbm>> -> memref<1x128x64xf32, #tpu.memory_space<hbm>>
        %dma_wait3A_667 = tpu.memref_squeeze %dma_wait3A_666 : memref<1x128x64xf32, #tpu.memory_space<hbm>> -> memref<128x64xf32, #tpu.memory_space<hbm>>
        %dma_wait3A_668 = arith.constant 0 : i32
        %dma_wait3A_669 = arith.constant 0 : i32
        %dma_wait3A_670 = tpu.memref_slice %arg8[%dma_wait3A_654, %dma_wait3A_655, %dma_wait3A_668, %dma_wait3A_669] : memref<2x4x128x64xf32, #tpu.memory_space<vmem>> -> memref<1x1x128x64xf32, #tpu.memory_space<vmem>>
        %dma_wait3A_671 = tpu.memref_squeeze %dma_wait3A_670 : memref<1x1x128x64xf32, #tpu.memory_space<vmem>> -> memref<128x64xf32, #tpu.memory_space<vmem>>
        tpu.wait_dma2 semaphore(%arg10 : memref<!tpu.dma_semaphore, #tpu.memory_space<semaphore_mem>>) src(%dma_wait3A_671 : memref<128x64xf32, #tpu.memory_space<vmem>>) dst(%dma_wait3A_667 : memref<128x64xf32, #tpu.memory_space<hbm>>)
        %dma_wait3A_672 = arith.constant 0 : i32
        %dma_wait3A_673 = arith.constant 1 : i32
        %dma_wait3A_674 = arith.constant 0 : i32
        %dma_wait3A_675 = arith.constant 0 : i32
        %dma_wait3A_676 = tpu.memref_slice %arg8[%dma_wait3A_672, %dma_wait3A_673, %dma_wait3A_674, %dma_wait3A_675] : memref<2x4x128x64xf32, #tpu.memory_space<vmem>> -> memref<1x1x128x64xf32, #tpu.memory_space<vmem>>
        %dma_wait3A_677 = tpu.memref_squeeze %dma_wait3A_676 : memref<1x1x128x64xf32, #tpu.memory_space<vmem>> -> memref<128x64xf32, #tpu.memory_space<vmem>>
        %dma_wait3A_678 = arith.constant 0 : i32
        %dma_wait3A_679 = arith.constant 0 : i32
        %dma_wait3A_680 = tpu.memref_slice %arg6[%add3A_643, %dma_wait3A_678, %dma_wait3A_679] : memref<1024x128x64xf32, #tpu.memory_space<hbm>> -> memref<1x128x64xf32, #tpu.memory_space<hbm>>
        %dma_wait3A_681 = tpu.memref_squeeze %dma_wait3A_680 : memref<1x128x64xf32, #tpu.memory_space<hbm>> -> memref<128x64xf32, #tpu.memory_space<hbm>>
        %dma_wait3A_682 = arith.constant 0 : i32
        %dma_wait3A_683 = arith.constant 0 : i32
        %dma_wait3A_684 = tpu.memref_slice %arg6[%add3A_643, %dma_wait3A_682, %dma_wait3A_683] : memref<1024x128x64xf32, #tpu.memory_space<hbm>> -> memref<1x128x64xf32, #tpu.memory_space<hbm>>
        %dma_wait3A_685 = tpu.memref_squeeze %dma_wait3A_684 : memref<1x128x64xf32, #tpu.memory_space<hbm>> -> memref<128x64xf32, #tpu.memory_space<hbm>>
        %dma_wait3A_686 = arith.constant 0 : i32
        %dma_wait3A_687 = arith.constant 0 : i32
        %dma_wait3A_688 = tpu.memref_slice %arg8[%dma_wait3A_672, %dma_wait3A_673, %dma_wait3A_686, %dma_wait3A_687] : memref<2x4x128x64xf32, #tpu.memory_space<vmem>> -> memref<1x1x128x64xf32, #tpu.memory_space<vmem>>
        %dma_wait3A_689 = tpu.memref_squeeze %dma_wait3A_688 : memref<1x1x128x64xf32, #tpu.memory_space<vmem>> -> memref<128x64xf32, #tpu.memory_space<vmem>>
        tpu.wait_dma2 semaphore(%arg10 : memref<!tpu.dma_semaphore, #tpu.memory_space<semaphore_mem>>) src(%dma_wait3A_689 : memref<128x64xf32, #tpu.memory_space<vmem>>) dst(%dma_wait3A_685 : memref<128x64xf32, #tpu.memory_space<hbm>>)
        %dma_wait3A_690 = arith.constant 0 : i32
        %dma_wait3A_691 = arith.constant 2 : i32
        %dma_wait3A_692 = arith.constant 0 : i32
        %dma_wait3A_693 = arith.constant 0 : i32
        %dma_wait3A_694 = tpu.memref_slice %arg8[%dma_wait3A_690, %dma_wait3A_691, %dma_wait3A_692, %dma_wait3A_693] : memref<2x4x128x64xf32, #tpu.memory_space<vmem>> -> memref<1x1x128x64xf32, #tpu.memory_space<vmem>>
        %dma_wait3A_695 = tpu.memref_squeeze %dma_wait3A_694 : memref<1x1x128x64xf32, #tpu.memory_space<vmem>> -> memref<128x64xf32, #tpu.memory_space<vmem>>
        %dma_wait3A_696 = arith.constant 0 : i32
        %dma_wait3A_697 = arith.constant 0 : i32
        %dma_wait3A_698 = tpu.memref_slice %arg5[%add3A_648, %dma_wait3A_696, %dma_wait3A_697] : memref<1024x128x64xf32, #tpu.memory_space<hbm>> -> memref<1x128x64xf32, #tpu.memory_space<hbm>>
        %dma_wait3A_699 = tpu.memref_squeeze %dma_wait3A_698 : memref<1x128x64xf32, #tpu.memory_space<hbm>> -> memref<128x64xf32, #tpu.memory_space<hbm>>
        %dma_wait3A_700 = arith.constant 0 : i32
        %dma_wait3A_701 = arith.constant 0 : i32
        %dma_wait3A_702 = tpu.memref_slice %arg5[%add3A_648, %dma_wait3A_700, %dma_wait3A_701] : memref<1024x128x64xf32, #tpu.memory_space<hbm>> -> memref<1x128x64xf32, #tpu.memory_space<hbm>>
        %dma_wait3A_703 = tpu.memref_squeeze %dma_wait3A_702 : memref<1x128x64xf32, #tpu.memory_space<hbm>> -> memref<128x64xf32, #tpu.memory_space<hbm>>
        %dma_wait3A_704 = arith.constant 0 : i32
        %dma_wait3A_705 = arith.constant 0 : i32
        %dma_wait3A_706 = tpu.memref_slice %arg8[%dma_wait3A_690, %dma_wait3A_691, %dma_wait3A_704, %dma_wait3A_705] : memref<2x4x128x64xf32, #tpu.memory_space<vmem>> -> memref<1x1x128x64xf32, #tpu.memory_space<vmem>>
        %dma_wait3A_707 = tpu.memref_squeeze %dma_wait3A_706 : memref<1x1x128x64xf32, #tpu.memory_space<vmem>> -> memref<128x64xf32, #tpu.memory_space<vmem>>
        tpu.wait_dma2 semaphore(%arg10 : memref<!tpu.dma_semaphore, #tpu.memory_space<semaphore_mem>>) src(%dma_wait3A_707 : memref<128x64xf32, #tpu.memory_space<vmem>>) dst(%dma_wait3A_703 : memref<128x64xf32, #tpu.memory_space<hbm>>)
        %dma_wait3A_708 = arith.constant 0 : i32
        %dma_wait3A_709 = arith.constant 3 : i32
        %dma_wait3A_710 = arith.constant 0 : i32
        %dma_wait3A_711 = arith.constant 0 : i32
        %dma_wait3A_712 = tpu.memref_slice %arg8[%dma_wait3A_708, %dma_wait3A_709, %dma_wait3A_710, %dma_wait3A_711] : memref<2x4x128x64xf32, #tpu.memory_space<vmem>> -> memref<1x1x128x64xf32, #tpu.memory_space<vmem>>
        %dma_wait3A_713 = tpu.memref_squeeze %dma_wait3A_712 : memref<1x1x128x64xf32, #tpu.memory_space<vmem>> -> memref<128x64xf32, #tpu.memory_space<vmem>>
        %dma_wait3A_714 = arith.constant 0 : i32
        %dma_wait3A_715 = arith.constant 0 : i32
        %dma_wait3A_716 = tpu.memref_slice %arg6[%add3A_653, %dma_wait3A_714, %dma_wait3A_715] : memref<1024x128x64xf32, #tpu.memory_space<hbm>> -> memref<1x128x64xf32, #tpu.memory_space<hbm>>
        %dma_wait3A_717 = tpu.memref_squeeze %dma_wait3A_716 : memref<1x128x64xf32, #tpu.memory_space<hbm>> -> memref<128x64xf32, #tpu.memory_space<hbm>>
        %dma_wait3A_718 = arith.constant 0 : i32
        %dma_wait3A_719 = arith.constant 0 : i32
        %dma_wait3A_720 = tpu.memref_slice %arg6[%add3A_653, %dma_wait3A_718, %dma_wait3A_719] : memref<1024x128x64xf32, #tpu.memory_space<hbm>> -> memref<1x128x64xf32, #tpu.memory_space<hbm>>
        %dma_wait3A_721 = tpu.memref_squeeze %dma_wait3A_720 : memref<1x128x64xf32, #tpu.memory_space<hbm>> -> memref<128x64xf32, #tpu.memory_space<hbm>>
        %dma_wait3A_722 = arith.constant 0 : i32
        %dma_wait3A_723 = arith.constant 0 : i32
        %dma_wait3A_724 = tpu.memref_slice %arg8[%dma_wait3A_708, %dma_wait3A_709, %dma_wait3A_722, %dma_wait3A_723] : memref<2x4x128x64xf32, #tpu.memory_space<vmem>> -> memref<1x1x128x64xf32, #tpu.memory_space<vmem>>
        %dma_wait3A_725 = tpu.memref_squeeze %dma_wait3A_724 : memref<1x1x128x64xf32, #tpu.memory_space<vmem>> -> memref<128x64xf32, #tpu.memory_space<vmem>>
        tpu.wait_dma2 semaphore(%arg10 : memref<!tpu.dma_semaphore, #tpu.memory_space<semaphore_mem>>) src(%dma_wait3A_725 : memref<128x64xf32, #tpu.memory_space<vmem>>) dst(%dma_wait3A_721 : memref<128x64xf32, #tpu.memory_space<hbm>>)
        %add3A_726 = arith.constant 1 : i32
        %add3A_727 = arith.addi %add3A_468, %add3A_726 : i32
        %mul3A_728 = arith.constant 2 : i32
        %mul3A_729 = arith.muli %mul3A_728, %add3A_727 : i32
        %add3A_730 = arith.constant 0 : i32
        %add3A_731 = arith.addi %mul3A_729, %add3A_730 : i32
        %add3A_732 = arith.addi %mul3A_4, %add3A_731 : i32
        %mul3A_733 = arith.constant 2 : i32
        %mul3A_734 = arith.muli %mul3A_733, %add3A_727 : i32
        %add3A_735 = arith.constant 0 : i32
        %add3A_736 = arith.addi %mul3A_734, %add3A_735 : i32
        %add3A_737 = arith.addi %mul3A_4, %add3A_736 : i32
        %mul3A_738 = arith.constant 2 : i32
        %mul3A_739 = arith.muli %mul3A_738, %add3A_727 : i32
        %add3A_740 = arith.constant 1 : i32
        %add3A_741 = arith.addi %mul3A_739, %add3A_740 : i32
        %add3A_742 = arith.addi %mul3A_4, %add3A_741 : i32
        %mul3A_743 = arith.constant 2 : i32
        %mul3A_744 = arith.muli %mul3A_743, %add3A_727 : i32
        %add3A_745 = arith.constant 1 : i32
        %add3A_746 = arith.addi %mul3A_744, %add3A_745 : i32
        %add3A_747 = arith.addi %mul3A_4, %add3A_746 : i32
        %dma_start3A_748 = arith.constant 0 : i32
        %dma_start3A_749 = arith.constant 0 : i32
        %dma_start3A_750 = arith.constant 0 : i32
        %dma_start3A_751 = arith.constant 0 : i32
        %dma_start3A_752 = tpu.memref_slice %arg8[%dma_start3A_748, %dma_start3A_749, %dma_start3A_750, %dma_start3A_751] : memref<2x4x128x64xf32, #tpu.memory_space<vmem>> -> memref<1x1x128x64xf32, #tpu.memory_space<vmem>>
        %dma_start3A_753 = tpu.memref_squeeze %dma_start3A_752 : memref<1x1x128x64xf32, #tpu.memory_space<vmem>> -> memref<128x64xf32, #tpu.memory_space<vmem>>
        %dma_start3A_754 = arith.constant 0 : i32
        %dma_start3A_755 = tpu.memref_slice %arg7[%add3A_731, %dma_start3A_754] : memref<32x128xi32, #tpu.memory_space<vmem>> -> memref<1x128xi32, #tpu.memory_space<vmem>>
        %dma_start3A_756 = tpu.memref_squeeze %dma_start3A_755 : memref<1x128xi32, #tpu.memory_space<vmem>> -> memref<128xi32, #tpu.memory_space<vmem>>
        %dma_start3A_757 = arith.constant 0 : i32
        %dma_start3A_758 = arith.constant 0 : i32
        %dma_start3A_759 = tpu.memref_slice %arg2[%dma_start3A_757, %dma_start3A_758] : memref<65536x64xf32, #tpu.memory_space<hbm>> -> memref<65536x64xf32, #tpu.memory_space<hbm>>
        tpu.enqueue_indirect_dma source(%dma_start3A_759 : memref<65536x64xf32, #tpu.memory_space<hbm>>) target(%dma_start3A_753 : memref<128x64xf32, #tpu.memory_space<vmem>>) offsets(%dma_start3A_756 : memref<128xi32, #tpu.memory_space<vmem>>) semaphore(%arg9 : memref<!tpu.dma_semaphore, #tpu.memory_space<semaphore_mem>>)
        %dma_start3A_760 = arith.constant 0 : i32
        %dma_start3A_761 = arith.constant 1 : i32
        %dma_start3A_762 = arith.constant 0 : i32
        %dma_start3A_763 = arith.constant 0 : i32
        %dma_start3A_764 = tpu.memref_slice %arg8[%dma_start3A_760, %dma_start3A_761, %dma_start3A_762, %dma_start3A_763] : memref<2x4x128x64xf32, #tpu.memory_space<vmem>> -> memref<1x1x128x64xf32, #tpu.memory_space<vmem>>
        %dma_start3A_765 = tpu.memref_squeeze %dma_start3A_764 : memref<1x1x128x64xf32, #tpu.memory_space<vmem>> -> memref<128x64xf32, #tpu.memory_space<vmem>>
        %dma_start3A_766 = arith.constant 0 : i32
        %dma_start3A_767 = tpu.memref_slice %arg7[%add3A_736, %dma_start3A_766] : memref<32x128xi32, #tpu.memory_space<vmem>> -> memref<1x128xi32, #tpu.memory_space<vmem>>
        %dma_start3A_768 = tpu.memref_squeeze %dma_start3A_767 : memref<1x128xi32, #tpu.memory_space<vmem>> -> memref<128xi32, #tpu.memory_space<vmem>>
        %dma_start3A_769 = arith.constant 0 : i32
        %dma_start3A_770 = arith.constant 0 : i32
        %dma_start3A_771 = tpu.memref_slice %arg3[%dma_start3A_769, %dma_start3A_770] : memref<65536x64xf32, #tpu.memory_space<hbm>> -> memref<65536x64xf32, #tpu.memory_space<hbm>>
        tpu.enqueue_indirect_dma source(%dma_start3A_771 : memref<65536x64xf32, #tpu.memory_space<hbm>>) target(%dma_start3A_765 : memref<128x64xf32, #tpu.memory_space<vmem>>) offsets(%dma_start3A_768 : memref<128xi32, #tpu.memory_space<vmem>>) semaphore(%arg9 : memref<!tpu.dma_semaphore, #tpu.memory_space<semaphore_mem>>)
        %dma_start3A_772 = arith.constant 0 : i32
        %dma_start3A_773 = arith.constant 2 : i32
        %dma_start3A_774 = arith.constant 0 : i32
        %dma_start3A_775 = arith.constant 0 : i32
        %dma_start3A_776 = tpu.memref_slice %arg8[%dma_start3A_772, %dma_start3A_773, %dma_start3A_774, %dma_start3A_775] : memref<2x4x128x64xf32, #tpu.memory_space<vmem>> -> memref<1x1x128x64xf32, #tpu.memory_space<vmem>>
        %dma_start3A_777 = tpu.memref_squeeze %dma_start3A_776 : memref<1x1x128x64xf32, #tpu.memory_space<vmem>> -> memref<128x64xf32, #tpu.memory_space<vmem>>
        %dma_start3A_778 = arith.constant 0 : i32
        %dma_start3A_779 = tpu.memref_slice %arg7[%add3A_741, %dma_start3A_778] : memref<32x128xi32, #tpu.memory_space<vmem>> -> memref<1x128xi32, #tpu.memory_space<vmem>>
        %dma_start3A_780 = tpu.memref_squeeze %dma_start3A_779 : memref<1x128xi32, #tpu.memory_space<vmem>> -> memref<128xi32, #tpu.memory_space<vmem>>
        %dma_start3A_781 = arith.constant 0 : i32
        %dma_start3A_782 = arith.constant 0 : i32
        %dma_start3A_783 = tpu.memref_slice %arg2[%dma_start3A_781, %dma_start3A_782] : memref<65536x64xf32, #tpu.memory_space<hbm>> -> memref<65536x64xf32, #tpu.memory_space<hbm>>
        tpu.enqueue_indirect_dma source(%dma_start3A_783 : memref<65536x64xf32, #tpu.memory_space<hbm>>) target(%dma_start3A_777 : memref<128x64xf32, #tpu.memory_space<vmem>>) offsets(%dma_start3A_780 : memref<128xi32, #tpu.memory_space<vmem>>) semaphore(%arg9 : memref<!tpu.dma_semaphore, #tpu.memory_space<semaphore_mem>>)
        %dma_start3A_784 = arith.constant 0 : i32
        %dma_start3A_785 = arith.constant 3 : i32
        %dma_start3A_786 = arith.constant 0 : i32
        %dma_start3A_787 = arith.constant 0 : i32
        %dma_start3A_788 = tpu.memref_slice %arg8[%dma_start3A_784, %dma_start3A_785, %dma_start3A_786, %dma_start3A_787] : memref<2x4x128x64xf32, #tpu.memory_space<vmem>> -> memref<1x1x128x64xf32, #tpu.memory_space<vmem>>
        %dma_start3A_789 = tpu.memref_squeeze %dma_start3A_788 : memref<1x1x128x64xf32, #tpu.memory_space<vmem>> -> memref<128x64xf32, #tpu.memory_space<vmem>>
        %dma_start3A_790 = arith.constant 0 : i32
        %dma_start3A_791 = tpu.memref_slice %arg7[%add3A_746, %dma_start3A_790] : memref<32x128xi32, #tpu.memory_space<vmem>> -> memref<1x128xi32, #tpu.memory_space<vmem>>
        %dma_start3A_792 = tpu.memref_squeeze %dma_start3A_791 : memref<1x128xi32, #tpu.memory_space<vmem>> -> memref<128xi32, #tpu.memory_space<vmem>>
        %dma_start3A_793 = arith.constant 0 : i32
        %dma_start3A_794 = arith.constant 0 : i32
        %dma_start3A_795 = tpu.memref_slice %arg3[%dma_start3A_793, %dma_start3A_794] : memref<65536x64xf32, #tpu.memory_space<hbm>> -> memref<65536x64xf32, #tpu.memory_space<hbm>>
        tpu.enqueue_indirect_dma source(%dma_start3A_795 : memref<65536x64xf32, #tpu.memory_space<hbm>>) target(%dma_start3A_789 : memref<128x64xf32, #tpu.memory_space<vmem>>) offsets(%dma_start3A_792 : memref<128xi32, #tpu.memory_space<vmem>>) semaphore(%arg9 : memref<!tpu.dma_semaphore, #tpu.memory_space<semaphore_mem>>)
      } else {
      }
      %mul3A_541 = arith.constant 2 : i32
      %mul3A_542 = arith.muli %mul3A_541, %add3A_468 : i32
      %add3A_543 = arith.constant 0 : i32
      %add3A_544 = arith.addi %mul3A_542, %add3A_543 : i32
      %add3A_545 = arith.addi %mul3A_4, %add3A_544 : i32
      %mul3A_546 = arith.constant 2 : i32
      %mul3A_547 = arith.muli %mul3A_546, %add3A_468 : i32
      %add3A_548 = arith.constant 0 : i32
      %add3A_549 = arith.addi %mul3A_547, %add3A_548 : i32
      %add3A_550 = arith.addi %mul3A_4, %add3A_549 : i32
      %mul3A_551 = arith.constant 2 : i32
      %mul3A_552 = arith.muli %mul3A_551, %add3A_468 : i32
      %add3A_553 = arith.constant 1 : i32
      %add3A_554 = arith.addi %mul3A_552, %add3A_553 : i32
      %add3A_555 = arith.addi %mul3A_4, %add3A_554 : i32
      %mul3A_556 = arith.constant 2 : i32
      %mul3A_557 = arith.muli %mul3A_556, %add3A_468 : i32
      %add3A_558 = arith.constant 1 : i32
      %add3A_559 = arith.addi %mul3A_557, %add3A_558 : i32
      %add3A_560 = arith.addi %mul3A_4, %add3A_559 : i32
      %dma_start3A_561 = arith.constant 1 : i32
      %dma_start3A_562 = arith.constant 0 : i32
      %dma_start3A_563 = arith.constant 0 : i32
      %dma_start3A_564 = arith.constant 0 : i32
      %dma_start3A_565 = tpu.memref_slice %arg8[%dma_start3A_561, %dma_start3A_562, %dma_start3A_563, %dma_start3A_564] : memref<2x4x128x64xf32, #tpu.memory_space<vmem>> -> memref<1x1x128x64xf32, #tpu.memory_space<vmem>>
      %dma_start3A_566 = tpu.memref_squeeze %dma_start3A_565 : memref<1x1x128x64xf32, #tpu.memory_space<vmem>> -> memref<128x64xf32, #tpu.memory_space<vmem>>
      %dma_start3A_567 = arith.constant 0 : i32
      %dma_start3A_568 = arith.constant 0 : i32
      %dma_start3A_569 = tpu.memref_slice %arg5[%add3A_545, %dma_start3A_567, %dma_start3A_568] : memref<1024x128x64xf32, #tpu.memory_space<hbm>> -> memref<1x128x64xf32, #tpu.memory_space<hbm>>
      %dma_start3A_570 = tpu.memref_squeeze %dma_start3A_569 : memref<1x128x64xf32, #tpu.memory_space<hbm>> -> memref<128x64xf32, #tpu.memory_space<hbm>>
      %dma_start3A_571 = arith.constant 0 : i32
      %dma_start3A_572 = arith.constant 0 : i32
      %dma_start3A_573 = tpu.memref_slice %arg5[%add3A_545, %dma_start3A_571, %dma_start3A_572] : memref<1024x128x64xf32, #tpu.memory_space<hbm>> -> memref<1x128x64xf32, #tpu.memory_space<hbm>>
      %dma_start3A_574 = tpu.memref_squeeze %dma_start3A_573 : memref<1x128x64xf32, #tpu.memory_space<hbm>> -> memref<128x64xf32, #tpu.memory_space<hbm>>
      %dma_start3A_575 = arith.constant 0 : i32
      %dma_start3A_576 = arith.constant 0 : i32
      %dma_start3A_577 = tpu.memref_slice %arg8[%dma_start3A_561, %dma_start3A_562, %dma_start3A_575, %dma_start3A_576] : memref<2x4x128x64xf32, #tpu.memory_space<vmem>> -> memref<1x1x128x64xf32, #tpu.memory_space<vmem>>
      %dma_start3A_578 = tpu.memref_squeeze %dma_start3A_577 : memref<1x1x128x64xf32, #tpu.memory_space<vmem>> -> memref<128x64xf32, #tpu.memory_space<vmem>>
      tpu.enqueue_dma source(%dma_start3A_578 : memref<128x64xf32, #tpu.memory_space<vmem>>) target(%dma_start3A_574 : memref<128x64xf32, #tpu.memory_space<hbm>>) target_semaphore(%arg10 : memref<!tpu.dma_semaphore, #tpu.memory_space<semaphore_mem>>)
      %dma_start3A_579 = arith.constant 1 : i32
      %dma_start3A_580 = arith.constant 1 : i32
      %dma_start3A_581 = arith.constant 0 : i32
      %dma_start3A_582 = arith.constant 0 : i32
      %dma_start3A_583 = tpu.memref_slice %arg8[%dma_start3A_579, %dma_start3A_580, %dma_start3A_581, %dma_start3A_582] : memref<2x4x128x64xf32, #tpu.memory_space<vmem>> -> memref<1x1x128x64xf32, #tpu.memory_space<vmem>>
      %dma_start3A_584 = tpu.memref_squeeze %dma_start3A_583 : memref<1x1x128x64xf32, #tpu.memory_space<vmem>> -> memref<128x64xf32, #tpu.memory_space<vmem>>
      %dma_start3A_585 = arith.constant 0 : i32
      %dma_start3A_586 = arith.constant 0 : i32
      %dma_start3A_587 = tpu.memref_slice %arg6[%add3A_550, %dma_start3A_585, %dma_start3A_586] : memref<1024x128x64xf32, #tpu.memory_space<hbm>> -> memref<1x128x64xf32, #tpu.memory_space<hbm>>
      %dma_start3A_588 = tpu.memref_squeeze %dma_start3A_587 : memref<1x128x64xf32, #tpu.memory_space<hbm>> -> memref<128x64xf32, #tpu.memory_space<hbm>>
      %dma_start3A_589 = arith.constant 0 : i32
      %dma_start3A_590 = arith.constant 0 : i32
      %dma_start3A_591 = tpu.memref_slice %arg6[%add3A_550, %dma_start3A_589, %dma_start3A_590] : memref<1024x128x64xf32, #tpu.memory_space<hbm>> -> memref<1x128x64xf32, #tpu.memory_space<hbm>>
      %dma_start3A_592 = tpu.memref_squeeze %dma_start3A_591 : memref<1x128x64xf32, #tpu.memory_space<hbm>> -> memref<128x64xf32, #tpu.memory_space<hbm>>
      %dma_start3A_593 = arith.constant 0 : i32
      %dma_start3A_594 = arith.constant 0 : i32
      %dma_start3A_595 = tpu.memref_slice %arg8[%dma_start3A_579, %dma_start3A_580, %dma_start3A_593, %dma_start3A_594] : memref<2x4x128x64xf32, #tpu.memory_space<vmem>> -> memref<1x1x128x64xf32, #tpu.memory_space<vmem>>
      %dma_start3A_596 = tpu.memref_squeeze %dma_start3A_595 : memref<1x1x128x64xf32, #tpu.memory_space<vmem>> -> memref<128x64xf32, #tpu.memory_space<vmem>>
      tpu.enqueue_dma source(%dma_start3A_596 : memref<128x64xf32, #tpu.memory_space<vmem>>) target(%dma_start3A_592 : memref<128x64xf32, #tpu.memory_space<hbm>>) target_semaphore(%arg10 : memref<!tpu.dma_semaphore, #tpu.memory_space<semaphore_mem>>)
      %dma_start3A_597 = arith.constant 1 : i32
      %dma_start3A_598 = arith.constant 2 : i32
      %dma_start3A_599 = arith.constant 0 : i32
      %dma_start3A_600 = arith.constant 0 : i32
      %dma_start3A_601 = tpu.memref_slice %arg8[%dma_start3A_597, %dma_start3A_598, %dma_start3A_599, %dma_start3A_600] : memref<2x4x128x64xf32, #tpu.memory_space<vmem>> -> memref<1x1x128x64xf32, #tpu.memory_space<vmem>>
      %dma_start3A_602 = tpu.memref_squeeze %dma_start3A_601 : memref<1x1x128x64xf32, #tpu.memory_space<vmem>> -> memref<128x64xf32, #tpu.memory_space<vmem>>
      %dma_start3A_603 = arith.constant 0 : i32
      %dma_start3A_604 = arith.constant 0 : i32
      %dma_start3A_605 = tpu.memref_slice %arg5[%add3A_555, %dma_start3A_603, %dma_start3A_604] : memref<1024x128x64xf32, #tpu.memory_space<hbm>> -> memref<1x128x64xf32, #tpu.memory_space<hbm>>
      %dma_start3A_606 = tpu.memref_squeeze %dma_start3A_605 : memref<1x128x64xf32, #tpu.memory_space<hbm>> -> memref<128x64xf32, #tpu.memory_space<hbm>>
      %dma_start3A_607 = arith.constant 0 : i32
      %dma_start3A_608 = arith.constant 0 : i32
      %dma_start3A_609 = tpu.memref_slice %arg5[%add3A_555, %dma_start3A_607, %dma_start3A_608] : memref<1024x128x64xf32, #tpu.memory_space<hbm>> -> memref<1x128x64xf32, #tpu.memory_space<hbm>>
      %dma_start3A_610 = tpu.memref_squeeze %dma_start3A_609 : memref<1x128x64xf32, #tpu.memory_space<hbm>> -> memref<128x64xf32, #tpu.memory_space<hbm>>
      %dma_start3A_611 = arith.constant 0 : i32
      %dma_start3A_612 = arith.constant 0 : i32
      %dma_start3A_613 = tpu.memref_slice %arg8[%dma_start3A_597, %dma_start3A_598, %dma_start3A_611, %dma_start3A_612] : memref<2x4x128x64xf32, #tpu.memory_space<vmem>> -> memref<1x1x128x64xf32, #tpu.memory_space<vmem>>
      %dma_start3A_614 = tpu.memref_squeeze %dma_start3A_613 : memref<1x1x128x64xf32, #tpu.memory_space<vmem>> -> memref<128x64xf32, #tpu.memory_space<vmem>>
      tpu.enqueue_dma source(%dma_start3A_614 : memref<128x64xf32, #tpu.memory_space<vmem>>) target(%dma_start3A_610 : memref<128x64xf32, #tpu.memory_space<hbm>>) target_semaphore(%arg10 : memref<!tpu.dma_semaphore, #tpu.memory_space<semaphore_mem>>)
      %dma_start3A_615 = arith.constant 1 : i32
      %dma_start3A_616 = arith.constant 3 : i32
      %dma_start3A_617 = arith.constant 0 : i32
      %dma_start3A_618 = arith.constant 0 : i32
      %dma_start3A_619 = tpu.memref_slice %arg8[%dma_start3A_615, %dma_start3A_616, %dma_start3A_617, %dma_start3A_618] : memref<2x4x128x64xf32, #tpu.memory_space<vmem>> -> memref<1x1x128x64xf32, #tpu.memory_space<vmem>>
      %dma_start3A_620 = tpu.memref_squeeze %dma_start3A_619 : memref<1x1x128x64xf32, #tpu.memory_space<vmem>> -> memref<128x64xf32, #tpu.memory_space<vmem>>
      %dma_start3A_621 = arith.constant 0 : i32
      %dma_start3A_622 = arith.constant 0 : i32
      %dma_start3A_623 = tpu.memref_slice %arg6[%add3A_560, %dma_start3A_621, %dma_start3A_622] : memref<1024x128x64xf32, #tpu.memory_space<hbm>> -> memref<1x128x64xf32, #tpu.memory_space<hbm>>
      %dma_start3A_624 = tpu.memref_squeeze %dma_start3A_623 : memref<1x128x64xf32, #tpu.memory_space<hbm>> -> memref<128x64xf32, #tpu.memory_space<hbm>>
      %dma_start3A_625 = arith.constant 0 : i32
      %dma_start3A_626 = arith.constant 0 : i32
      %dma_start3A_627 = tpu.memref_slice %arg6[%add3A_560, %dma_start3A_625, %dma_start3A_626] : memref<1024x128x64xf32, #tpu.memory_space<hbm>> -> memref<1x128x64xf32, #tpu.memory_space<hbm>>
      %dma_start3A_628 = tpu.memref_squeeze %dma_start3A_627 : memref<1x128x64xf32, #tpu.memory_space<hbm>> -> memref<128x64xf32, #tpu.memory_space<hbm>>
      %dma_start3A_629 = arith.constant 0 : i32
      %dma_start3A_630 = arith.constant 0 : i32
      %dma_start3A_631 = tpu.memref_slice %arg8[%dma_start3A_615, %dma_start3A_616, %dma_start3A_629, %dma_start3A_630] : memref<2x4x128x64xf32, #tpu.memory_space<vmem>> -> memref<1x1x128x64xf32, #tpu.memory_space<vmem>>
      %dma_start3A_632 = tpu.memref_squeeze %dma_start3A_631 : memref<1x1x128x64xf32, #tpu.memory_space<vmem>> -> memref<128x64xf32, #tpu.memory_space<vmem>>
      tpu.enqueue_dma source(%dma_start3A_632 : memref<128x64xf32, #tpu.memory_space<vmem>>) target(%dma_start3A_628 : memref<128x64xf32, #tpu.memory_space<hbm>>) target_semaphore(%arg10 : memref<!tpu.dma_semaphore, #tpu.memory_space<semaphore_mem>>)
    }
    %scan3A_68 = arith.constant 8 : i32
    %add3A_69 = arith.constant 28 : i32
    %add3A_70 = arith.addi %mul3A_4, %add3A_69 : i32
    %add3A_71 = arith.constant 28 : i32
    %add3A_72 = arith.addi %mul3A_4, %add3A_71 : i32
    %add3A_73 = arith.constant 29 : i32
    %add3A_74 = arith.addi %mul3A_4, %add3A_73 : i32
    %add3A_75 = arith.constant 29 : i32
    %add3A_76 = arith.addi %mul3A_4, %add3A_75 : i32
    %dma_wait3A = arith.constant 0 : i32
    %dma_wait3A_77 = arith.constant 0 : i32
    %dma_wait3A_78 = arith.constant 0 : i32
    %dma_wait3A_79 = arith.constant 0 : i32
    %dma_wait3A_80 = tpu.memref_slice %arg8[%dma_wait3A, %dma_wait3A_77, %dma_wait3A_78, %dma_wait3A_79] : memref<2x4x128x64xf32, #tpu.memory_space<vmem>> -> memref<1x1x128x64xf32, #tpu.memory_space<vmem>>
    %dma_wait3A_81 = tpu.memref_squeeze %dma_wait3A_80 : memref<1x1x128x64xf32, #tpu.memory_space<vmem>> -> memref<128x64xf32, #tpu.memory_space<vmem>>
    %dma_wait3A_82 = arith.constant 0 : i32
    %dma_wait3A_83 = arith.constant 0 : i32
    %dma_wait3A_84 = tpu.memref_slice %arg5[%add3A_70, %dma_wait3A_82, %dma_wait3A_83] : memref<1024x128x64xf32, #tpu.memory_space<hbm>> -> memref<1x128x64xf32, #tpu.memory_space<hbm>>
    %dma_wait3A_85 = tpu.memref_squeeze %dma_wait3A_84 : memref<1x128x64xf32, #tpu.memory_space<hbm>> -> memref<128x64xf32, #tpu.memory_space<hbm>>
    %dma_wait3A_86 = arith.constant 0 : i32
    %dma_wait3A_87 = arith.constant 0 : i32
    %dma_wait3A_88 = tpu.memref_slice %arg5[%add3A_70, %dma_wait3A_86, %dma_wait3A_87] : memref<1024x128x64xf32, #tpu.memory_space<hbm>> -> memref<1x128x64xf32, #tpu.memory_space<hbm>>
    %dma_wait3A_89 = tpu.memref_squeeze %dma_wait3A_88 : memref<1x128x64xf32, #tpu.memory_space<hbm>> -> memref<128x64xf32, #tpu.memory_space<hbm>>
    %dma_wait3A_90 = arith.constant 0 : i32
    %dma_wait3A_91 = arith.constant 0 : i32
    %dma_wait3A_92 = tpu.memref_slice %arg8[%dma_wait3A, %dma_wait3A_77, %dma_wait3A_90, %dma_wait3A_91] : memref<2x4x128x64xf32, #tpu.memory_space<vmem>> -> memref<1x1x128x64xf32, #tpu.memory_space<vmem>>
    %dma_wait3A_93 = tpu.memref_squeeze %dma_wait3A_92 : memref<1x1x128x64xf32, #tpu.memory_space<vmem>> -> memref<128x64xf32, #tpu.memory_space<vmem>>
    tpu.wait_dma2 semaphore(%arg10 : memref<!tpu.dma_semaphore, #tpu.memory_space<semaphore_mem>>) src(%dma_wait3A_93 : memref<128x64xf32, #tpu.memory_space<vmem>>) dst(%dma_wait3A_89 : memref<128x64xf32, #tpu.memory_space<hbm>>)
    %dma_wait3A_94 = arith.constant 0 : i32
    %dma_wait3A_95 = arith.constant 1 : i32
    %dma_wait3A_96 = arith.constant 0 : i32
    %dma_wait3A_97 = arith.constant 0 : i32
    %dma_wait3A_98 = tpu.memref_slice %arg8[%dma_wait3A_94, %dma_wait3A_95, %dma_wait3A_96, %dma_wait3A_97] : memref<2x4x128x64xf32, #tpu.memory_space<vmem>> -> memref<1x1x128x64xf32, #tpu.memory_space<vmem>>
    %dma_wait3A_99 = tpu.memref_squeeze %dma_wait3A_98 : memref<1x1x128x64xf32, #tpu.memory_space<vmem>> -> memref<128x64xf32, #tpu.memory_space<vmem>>
    %dma_wait3A_100 = arith.constant 0 : i32
    %dma_wait3A_101 = arith.constant 0 : i32
    %dma_wait3A_102 = tpu.memref_slice %arg6[%add3A_72, %dma_wait3A_100, %dma_wait3A_101] : memref<1024x128x64xf32, #tpu.memory_space<hbm>> -> memref<1x128x64xf32, #tpu.memory_space<hbm>>
    %dma_wait3A_103 = tpu.memref_squeeze %dma_wait3A_102 : memref<1x128x64xf32, #tpu.memory_space<hbm>> -> memref<128x64xf32, #tpu.memory_space<hbm>>
    %dma_wait3A_104 = arith.constant 0 : i32
    %dma_wait3A_105 = arith.constant 0 : i32
    %dma_wait3A_106 = tpu.memref_slice %arg6[%add3A_72, %dma_wait3A_104, %dma_wait3A_105] : memref<1024x128x64xf32, #tpu.memory_space<hbm>> -> memref<1x128x64xf32, #tpu.memory_space<hbm>>
    %dma_wait3A_107 = tpu.memref_squeeze %dma_wait3A_106 : memref<1x128x64xf32, #tpu.memory_space<hbm>> -> memref<128x64xf32, #tpu.memory_space<hbm>>
    %dma_wait3A_108 = arith.constant 0 : i32
    %dma_wait3A_109 = arith.constant 0 : i32
    %dma_wait3A_110 = tpu.memref_slice %arg8[%dma_wait3A_94, %dma_wait3A_95, %dma_wait3A_108, %dma_wait3A_109] : memref<2x4x128x64xf32, #tpu.memory_space<vmem>> -> memref<1x1x128x64xf32, #tpu.memory_space<vmem>>
    %dma_wait3A_111 = tpu.memref_squeeze %dma_wait3A_110 : memref<1x1x128x64xf32, #tpu.memory_space<vmem>> -> memref<128x64xf32, #tpu.memory_space<vmem>>
    tpu.wait_dma2 semaphore(%arg10 : memref<!tpu.dma_semaphore, #tpu.memory_space<semaphore_mem>>) src(%dma_wait3A_111 : memref<128x64xf32, #tpu.memory_space<vmem>>) dst(%dma_wait3A_107 : memref<128x64xf32, #tpu.memory_space<hbm>>)
    %dma_wait3A_112 = arith.constant 0 : i32
    %dma_wait3A_113 = arith.constant 2 : i32
    %dma_wait3A_114 = arith.constant 0 : i32
    %dma_wait3A_115 = arith.constant 0 : i32
    %dma_wait3A_116 = tpu.memref_slice %arg8[%dma_wait3A_112, %dma_wait3A_113, %dma_wait3A_114, %dma_wait3A_115] : memref<2x4x128x64xf32, #tpu.memory_space<vmem>> -> memref<1x1x128x64xf32, #tpu.memory_space<vmem>>
    %dma_wait3A_117 = tpu.memref_squeeze %dma_wait3A_116 : memref<1x1x128x64xf32, #tpu.memory_space<vmem>> -> memref<128x64xf32, #tpu.memory_space<vmem>>
    %dma_wait3A_118 = arith.constant 0 : i32
    %dma_wait3A_119 = arith.constant 0 : i32
    %dma_wait3A_120 = tpu.memref_slice %arg5[%add3A_74, %dma_wait3A_118, %dma_wait3A_119] : memref<1024x128x64xf32, #tpu.memory_space<hbm>> -> memref<1x128x64xf32, #tpu.memory_space<hbm>>
    %dma_wait3A_121 = tpu.memref_squeeze %dma_wait3A_120 : memref<1x128x64xf32, #tpu.memory_space<hbm>> -> memref<128x64xf32, #tpu.memory_space<hbm>>
    %dma_wait3A_122 = arith.constant 0 : i32
    %dma_wait3A_123 = arith.constant 0 : i32
    %dma_wait3A_124 = tpu.memref_slice %arg5[%add3A_74, %dma_wait3A_122, %dma_wait3A_123] : memref<1024x128x64xf32, #tpu.memory_space<hbm>> -> memref<1x128x64xf32, #tpu.memory_space<hbm>>
    %dma_wait3A_125 = tpu.memref_squeeze %dma_wait3A_124 : memref<1x128x64xf32, #tpu.memory_space<hbm>> -> memref<128x64xf32, #tpu.memory_space<hbm>>
    %dma_wait3A_126 = arith.constant 0 : i32
    %dma_wait3A_127 = arith.constant 0 : i32
    %dma_wait3A_128 = tpu.memref_slice %arg8[%dma_wait3A_112, %dma_wait3A_113, %dma_wait3A_126, %dma_wait3A_127] : memref<2x4x128x64xf32, #tpu.memory_space<vmem>> -> memref<1x1x128x64xf32, #tpu.memory_space<vmem>>
    %dma_wait3A_129 = tpu.memref_squeeze %dma_wait3A_128 : memref<1x1x128x64xf32, #tpu.memory_space<vmem>> -> memref<128x64xf32, #tpu.memory_space<vmem>>
    tpu.wait_dma2 semaphore(%arg10 : memref<!tpu.dma_semaphore, #tpu.memory_space<semaphore_mem>>) src(%dma_wait3A_129 : memref<128x64xf32, #tpu.memory_space<vmem>>) dst(%dma_wait3A_125 : memref<128x64xf32, #tpu.memory_space<hbm>>)
    %dma_wait3A_130 = arith.constant 0 : i32
    %dma_wait3A_131 = arith.constant 3 : i32
    %dma_wait3A_132 = arith.constant 0 : i32
    %dma_wait3A_133 = arith.constant 0 : i32
    %dma_wait3A_134 = tpu.memref_slice %arg8[%dma_wait3A_130, %dma_wait3A_131, %dma_wait3A_132, %dma_wait3A_133] : memref<2x4x128x64xf32, #tpu.memory_space<vmem>> -> memref<1x1x128x64xf32, #tpu.memory_space<vmem>>
    %dma_wait3A_135 = tpu.memref_squeeze %dma_wait3A_134 : memref<1x1x128x64xf32, #tpu.memory_space<vmem>> -> memref<128x64xf32, #tpu.memory_space<vmem>>
    %dma_wait3A_136 = arith.constant 0 : i32
    %dma_wait3A_137 = arith.constant 0 : i32
    %dma_wait3A_138 = tpu.memref_slice %arg6[%add3A_76, %dma_wait3A_136, %dma_wait3A_137] : memref<1024x128x64xf32, #tpu.memory_space<hbm>> -> memref<1x128x64xf32, #tpu.memory_space<hbm>>
    %dma_wait3A_139 = tpu.memref_squeeze %dma_wait3A_138 : memref<1x128x64xf32, #tpu.memory_space<hbm>> -> memref<128x64xf32, #tpu.memory_space<hbm>>
    %dma_wait3A_140 = arith.constant 0 : i32
    %dma_wait3A_141 = arith.constant 0 : i32
    %dma_wait3A_142 = tpu.memref_slice %arg6[%add3A_76, %dma_wait3A_140, %dma_wait3A_141] : memref<1024x128x64xf32, #tpu.memory_space<hbm>> -> memref<1x128x64xf32, #tpu.memory_space<hbm>>
    %dma_wait3A_143 = tpu.memref_squeeze %dma_wait3A_142 : memref<1x128x64xf32, #tpu.memory_space<hbm>> -> memref<128x64xf32, #tpu.memory_space<hbm>>
    %dma_wait3A_144 = arith.constant 0 : i32
    %dma_wait3A_145 = arith.constant 0 : i32
    %dma_wait3A_146 = tpu.memref_slice %arg8[%dma_wait3A_130, %dma_wait3A_131, %dma_wait3A_144, %dma_wait3A_145] : memref<2x4x128x64xf32, #tpu.memory_space<vmem>> -> memref<1x1x128x64xf32, #tpu.memory_space<vmem>>
    %dma_wait3A_147 = tpu.memref_squeeze %dma_wait3A_146 : memref<1x1x128x64xf32, #tpu.memory_space<vmem>> -> memref<128x64xf32, #tpu.memory_space<vmem>>
    tpu.wait_dma2 semaphore(%arg10 : memref<!tpu.dma_semaphore, #tpu.memory_space<semaphore_mem>>) src(%dma_wait3A_147 : memref<128x64xf32, #tpu.memory_space<vmem>>) dst(%dma_wait3A_143 : memref<128x64xf32, #tpu.memory_space<hbm>>)
    %add3A_148 = arith.constant 30 : i32
    %add3A_149 = arith.addi %mul3A_4, %add3A_148 : i32
    %add3A_150 = arith.constant 30 : i32
    %add3A_151 = arith.addi %mul3A_4, %add3A_150 : i32
    %add3A_152 = arith.constant 31 : i32
    %add3A_153 = arith.addi %mul3A_4, %add3A_152 : i32
    %add3A_154 = arith.constant 31 : i32
    %add3A_155 = arith.addi %mul3A_4, %add3A_154 : i32
    %dma_wait3A_156 = arith.constant 1 : i32
    %dma_wait3A_157 = arith.constant 0 : i32
    %dma_wait3A_158 = arith.constant 0 : i32
    %dma_wait3A_159 = arith.constant 0 : i32
    %dma_wait3A_160 = tpu.memref_slice %arg8[%dma_wait3A_156, %dma_wait3A_157, %dma_wait3A_158, %dma_wait3A_159] : memref<2x4x128x64xf32, #tpu.memory_space<vmem>> -> memref<1x1x128x64xf32, #tpu.memory_space<vmem>>
    %dma_wait3A_161 = tpu.memref_squeeze %dma_wait3A_160 : memref<1x1x128x64xf32, #tpu.memory_space<vmem>> -> memref<128x64xf32, #tpu.memory_space<vmem>>
    %dma_wait3A_162 = arith.constant 0 : i32
    %dma_wait3A_163 = arith.constant 0 : i32
    %dma_wait3A_164 = tpu.memref_slice %arg5[%add3A_149, %dma_wait3A_162, %dma_wait3A_163] : memref<1024x128x64xf32, #tpu.memory_space<hbm>> -> memref<1x128x64xf32, #tpu.memory_space<hbm>>
    %dma_wait3A_165 = tpu.memref_squeeze %dma_wait3A_164 : memref<1x128x64xf32, #tpu.memory_space<hbm>> -> memref<128x64xf32, #tpu.memory_space<hbm>>
    %dma_wait3A_166 = arith.constant 0 : i32
    %dma_wait3A_167 = arith.constant 0 : i32
    %dma_wait3A_168 = tpu.memref_slice %arg5[%add3A_149, %dma_wait3A_166, %dma_wait3A_167] : memref<1024x128x64xf32, #tpu.memory_space<hbm>> -> memref<1x128x64xf32, #tpu.memory_space<hbm>>
    %dma_wait3A_169 = tpu.memref_squeeze %dma_wait3A_168 : memref<1x128x64xf32, #tpu.memory_space<hbm>> -> memref<128x64xf32, #tpu.memory_space<hbm>>
    %dma_wait3A_170 = arith.constant 0 : i32
    %dma_wait3A_171 = arith.constant 0 : i32
    %dma_wait3A_172 = tpu.memref_slice %arg8[%dma_wait3A_156, %dma_wait3A_157, %dma_wait3A_170, %dma_wait3A_171] : memref<2x4x128x64xf32, #tpu.memory_space<vmem>> -> memref<1x1x128x64xf32, #tpu.memory_space<vmem>>
    %dma_wait3A_173 = tpu.memref_squeeze %dma_wait3A_172 : memref<1x1x128x64xf32, #tpu.memory_space<vmem>> -> memref<128x64xf32, #tpu.memory_space<vmem>>
    tpu.wait_dma2 semaphore(%arg10 : memref<!tpu.dma_semaphore, #tpu.memory_space<semaphore_mem>>) src(%dma_wait3A_173 : memref<128x64xf32, #tpu.memory_space<vmem>>) dst(%dma_wait3A_169 : memref<128x64xf32, #tpu.memory_space<hbm>>)
    %dma_wait3A_174 = arith.constant 1 : i32
    %dma_wait3A_175 = arith.constant 1 : i32
    %dma_wait3A_176 = arith.constant 0 : i32
    %dma_wait3A_177 = arith.constant 0 : i32
    %dma_wait3A_178 = tpu.memref_slice %arg8[%dma_wait3A_174, %dma_wait3A_175, %dma_wait3A_176, %dma_wait3A_177] : memref<2x4x128x64xf32, #tpu.memory_space<vmem>> -> memref<1x1x128x64xf32, #tpu.memory_space<vmem>>
    %dma_wait3A_179 = tpu.memref_squeeze %dma_wait3A_178 : memref<1x1x128x64xf32, #tpu.memory_space<vmem>> -> memref<128x64xf32, #tpu.memory_space<vmem>>
    %dma_wait3A_180 = arith.constant 0 : i32
    %dma_wait3A_181 = arith.constant 0 : i32
    %dma_wait3A_182 = tpu.memref_slice %arg6[%add3A_151, %dma_wait3A_180, %dma_wait3A_181] : memref<1024x128x64xf32, #tpu.memory_space<hbm>> -> memref<1x128x64xf32, #tpu.memory_space<hbm>>
    %dma_wait3A_183 = tpu.memref_squeeze %dma_wait3A_182 : memref<1x128x64xf32, #tpu.memory_space<hbm>> -> memref<128x64xf32, #tpu.memory_space<hbm>>
    %dma_wait3A_184 = arith.constant 0 : i32
    %dma_wait3A_185 = arith.constant 0 : i32
    %dma_wait3A_186 = tpu.memref_slice %arg6[%add3A_151, %dma_wait3A_184, %dma_wait3A_185] : memref<1024x128x64xf32, #tpu.memory_space<hbm>> -> memref<1x128x64xf32, #tpu.memory_space<hbm>>
    %dma_wait3A_187 = tpu.memref_squeeze %dma_wait3A_186 : memref<1x128x64xf32, #tpu.memory_space<hbm>> -> memref<128x64xf32, #tpu.memory_space<hbm>>
    %dma_wait3A_188 = arith.constant 0 : i32
    %dma_wait3A_189 = arith.constant 0 : i32
    %dma_wait3A_190 = tpu.memref_slice %arg8[%dma_wait3A_174, %dma_wait3A_175, %dma_wait3A_188, %dma_wait3A_189] : memref<2x4x128x64xf32, #tpu.memory_space<vmem>> -> memref<1x1x128x64xf32, #tpu.memory_space<vmem>>
    %dma_wait3A_191 = tpu.memref_squeeze %dma_wait3A_190 : memref<1x1x128x64xf32, #tpu.memory_space<vmem>> -> memref<128x64xf32, #tpu.memory_space<vmem>>
    tpu.wait_dma2 semaphore(%arg10 : memref<!tpu.dma_semaphore, #tpu.memory_space<semaphore_mem>>) src(%dma_wait3A_191 : memref<128x64xf32, #tpu.memory_space<vmem>>) dst(%dma_wait3A_187 : memref<128x64xf32, #tpu.memory_space<hbm>>)
    %dma_wait3A_192 = arith.constant 1 : i32
    %dma_wait3A_193 = arith.constant 2 : i32
    %dma_wait3A_194 = arith.constant 0 : i32
    %dma_wait3A_195 = arith.constant 0 : i32
    %dma_wait3A_196 = tpu.memref_slice %arg8[%dma_wait3A_192, %dma_wait3A_193, %dma_wait3A_194, %dma_wait3A_195] : memref<2x4x128x64xf32, #tpu.memory_space<vmem>> -> memref<1x1x128x64xf32, #tpu.memory_space<vmem>>
    %dma_wait3A_197 = tpu.memref_squeeze %dma_wait3A_196 : memref<1x1x128x64xf32, #tpu.memory_space<vmem>> -> memref<128x64xf32, #tpu.memory_space<vmem>>
    %dma_wait3A_198 = arith.constant 0 : i32
    %dma_wait3A_199 = arith.constant 0 : i32
    %dma_wait3A_200 = tpu.memref_slice %arg5[%add3A_153, %dma_wait3A_198, %dma_wait3A_199] : memref<1024x128x64xf32, #tpu.memory_space<hbm>> -> memref<1x128x64xf32, #tpu.memory_space<hbm>>
    %dma_wait3A_201 = tpu.memref_squeeze %dma_wait3A_200 : memref<1x128x64xf32, #tpu.memory_space<hbm>> -> memref<128x64xf32, #tpu.memory_space<hbm>>
    %dma_wait3A_202 = arith.constant 0 : i32
    %dma_wait3A_203 = arith.constant 0 : i32
    %dma_wait3A_204 = tpu.memref_slice %arg5[%add3A_153, %dma_wait3A_202, %dma_wait3A_203] : memref<1024x128x64xf32, #tpu.memory_space<hbm>> -> memref<1x128x64xf32, #tpu.memory_space<hbm>>
    %dma_wait3A_205 = tpu.memref_squeeze %dma_wait3A_204 : memref<1x128x64xf32, #tpu.memory_space<hbm>> -> memref<128x64xf32, #tpu.memory_space<hbm>>
    %dma_wait3A_206 = arith.constant 0 : i32
    %dma_wait3A_207 = arith.constant 0 : i32
    %dma_wait3A_208 = tpu.memref_slice %arg8[%dma_wait3A_192, %dma_wait3A_193, %dma_wait3A_206, %dma_wait3A_207] : memref<2x4x128x64xf32, #tpu.memory_space<vmem>> -> memref<1x1x128x64xf32, #tpu.memory_space<vmem>>
    %dma_wait3A_209 = tpu.memref_squeeze %dma_wait3A_208 : memref<1x1x128x64xf32, #tpu.memory_space<vmem>> -> memref<128x64xf32, #tpu.memory_space<vmem>>
    tpu.wait_dma2 semaphore(%arg10 : memref<!tpu.dma_semaphore, #tpu.memory_space<semaphore_mem>>) src(%dma_wait3A_209 : memref<128x64xf32, #tpu.memory_space<vmem>>) dst(%dma_wait3A_205 : memref<128x64xf32, #tpu.memory_space<hbm>>)
    %dma_wait3A_210 = arith.constant 1 : i32
    %dma_wait3A_211 = arith.constant 3 : i32
    %dma_wait3A_212 = arith.constant 0 : i32
    %dma_wait3A_213 = arith.constant 0 : i32
    %dma_wait3A_214 = tpu.memref_slice %arg8[%dma_wait3A_210, %dma_wait3A_211, %dma_wait3A_212, %dma_wait3A_213] : memref<2x4x128x64xf32, #tpu.memory_space<vmem>> -> memref<1x1x128x64xf32, #tpu.memory_space<vmem>>
    %dma_wait3A_215 = tpu.memref_squeeze %dma_wait3A_214 : memref<1x1x128x64xf32, #tpu.memory_space<vmem>> -> memref<128x64xf32, #tpu.memory_space<vmem>>
    %dma_wait3A_216 = arith.constant 0 : i32
    %dma_wait3A_217 = arith.constant 0 : i32
    %dma_wait3A_218 = tpu.memref_slice %arg6[%add3A_155, %dma_wait3A_216, %dma_wait3A_217] : memref<1024x128x64xf32, #tpu.memory_space<hbm>> -> memref<1x128x64xf32, #tpu.memory_space<hbm>>
    %dma_wait3A_219 = tpu.memref_squeeze %dma_wait3A_218 : memref<1x128x64xf32, #tpu.memory_space<hbm>> -> memref<128x64xf32, #tpu.memory_space<hbm>>
    %dma_wait3A_220 = arith.constant 0 : i32
    %dma_wait3A_221 = arith.constant 0 : i32
    %dma_wait3A_222 = tpu.memref_slice %arg6[%add3A_155, %dma_wait3A_220, %dma_wait3A_221] : memref<1024x128x64xf32, #tpu.memory_space<hbm>> -> memref<1x128x64xf32, #tpu.memory_space<hbm>>
    %dma_wait3A_223 = tpu.memref_squeeze %dma_wait3A_222 : memref<1x128x64xf32, #tpu.memory_space<hbm>> -> memref<128x64xf32, #tpu.memory_space<hbm>>
    %dma_wait3A_224 = arith.constant 0 : i32
    %dma_wait3A_225 = arith.constant 0 : i32
    %dma_wait3A_226 = tpu.memref_slice %arg8[%dma_wait3A_210, %dma_wait3A_211, %dma_wait3A_224, %dma_wait3A_225] : memref<2x4x128x64xf32, #tpu.memory_space<vmem>> -> memref<1x1x128x64xf32, #tpu.memory_space<vmem>>
    %dma_wait3A_227 = tpu.memref_squeeze %dma_wait3A_226 : memref<1x1x128x64xf32, #tpu.memory_space<vmem>> -> memref<128x64xf32, #tpu.memory_space<vmem>>
    tpu.wait_dma2 semaphore(%arg10 : memref<!tpu.dma_semaphore, #tpu.memory_space<semaphore_mem>>) src(%dma_wait3A_227 : memref<128x64xf32, #tpu.memory_space<vmem>>) dst(%dma_wait3A_223 : memref<128x64xf32, #tpu.memory_space<hbm>>)
    return
  }
}

module attributes {stable_mosaic.version = 14 : i64} {
  func.func @_stage1_body(%arg0: i32, %arg1: memref<1x256x1024xf32, #tpu.memory_space<vmem>>, %arg2: memref<1x256x1024xf32, #tpu.memory_space<vmem>>, %arg3: memref<2048xf32, #tpu.memory_space<vmem>>, %arg4: memref<2048xf32, #tpu.memory_space<vmem>>, %arg5: memref<1024xf32, #tpu.memory_space<vmem>>, %arg6: memref<1024xf32, #tpu.memory_space<vmem>>, %arg7: memref<1024xf32, #tpu.memory_space<vmem>>, %arg8: memref<1024xf32, #tpu.memory_space<vmem>>, %arg9: memref<1024x2048xf32, #tpu.memory_space<vmem>>, %arg10: memref<1024x1024xf32, #tpu.memory_space<vmem>>, %arg11: memref<1024x1024xf32, #tpu.memory_space<vmem>>, %arg12: memref<64x1024xf32, #tpu.memory_space<vmem>>, %arg13: memref<64xf32, #tpu.memory_space<vmem>>, %arg14: memref<64x1024xf32, #tpu.memory_space<vmem>>, %arg15: memref<64xf32, #tpu.memory_space<vmem>>, %arg16: memref<1x256x1024xf32, #tpu.memory_space<vmem>>, %arg17: memref<1x64x256xf32, #tpu.memory_space<vmem>>, %arg18: memref<1x256x64xi32, #tpu.memory_space<vmem>>, %arg19: memref<1x256x16x128xf32, #tpu.memory_space<vmem>>, %arg20: memref<1x256x16x128xf32, #tpu.memory_space<vmem>>) attributes {dimension_semantics = [#tpu.dimension_semantics<arbitrary>], iteration_bounds = array<i64: 8>, scalar_prefetch = 0 : i64, scratch_operands = 0 : i64, tpu.core_type = #tpu.core_type<tc>, window_params = [{transform_indices = @transform_0, window_bounds = array<i64: 1, 256, 1024>}, {transform_indices = @transform_1, window_bounds = array<i64: 1, 256, 1024>}, {pipeline_mode = #tpu.pipeline_mode<synchronous>, transform_indices = @transform_2, window_bounds = array<i64: 2048>}, {pipeline_mode = #tpu.pipeline_mode<synchronous>, transform_indices = @transform_3, window_bounds = array<i64: 2048>}, {pipeline_mode = #tpu.pipeline_mode<synchronous>, transform_indices = @transform_4, window_bounds = array<i64: 1024>}, {pipeline_mode = #tpu.pipeline_mode<synchronous>, transform_indices = @transform_5, window_bounds = array<i64: 1024>}, {pipeline_mode = #tpu.pipeline_mode<synchronous>, transform_indices = @transform_6, window_bounds = array<i64: 1024>}, {pipeline_mode = #tpu.pipeline_mode<synchronous>, transform_indices = @transform_7, window_bounds = array<i64: 1024>}, {pipeline_mode = #tpu.pipeline_mode<synchronous>, transform_indices = @transform_8, window_bounds = array<i64: 1024, 2048>}, {pipeline_mode = #tpu.pipeline_mode<synchronous>, transform_indices = @transform_9, window_bounds = array<i64: 1024, 1024>}, {pipeline_mode = #tpu.pipeline_mode<synchronous>, transform_indices = @transform_10, window_bounds = array<i64: 1024, 1024>}, {pipeline_mode = #tpu.pipeline_mode<synchronous>, transform_indices = @transform_11, window_bounds = array<i64: 64, 1024>}, {pipeline_mode = #tpu.pipeline_mode<synchronous>, transform_indices = @transform_12, window_bounds = array<i64: 64>}, {pipeline_mode = #tpu.pipeline_mode<synchronous>, transform_indices = @transform_13, window_bounds = array<i64: 64, 1024>}, {pipeline_mode = #tpu.pipeline_mode<synchronous>, transform_indices = @transform_14, window_bounds = array<i64: 64>}, {transform_indices = @transform_15, window_bounds = array<i64: 1, 256, 1024>}, {transform_indices = @transform_16, window_bounds = array<i64: 1, 64, 256>}, {transform_indices = @transform_17, window_bounds = array<i64: 1, 256, 64>}, {transform_indices = @transform_18, window_bounds = array<i64: 1, 256, 16, 128>}, {transform_indices = @transform_19, window_bounds = array<i64: 1, 256, 16, 128>}]} {
    %get3A = arith.constant 0 : index
    %get3A_0 = arith.constant 0 : index
    %get3A_1 = arith.constant 0 : index
    %get3A_2 = vector.load %arg1[%get3A, %get3A_0, %get3A_1] : memref<1x256x1024xf32, #tpu.memory_space<vmem>>, vector<1x256x1024xf32>
    %get3A_3 = vector.shape_cast %get3A_2 : vector<1x256x1024xf32> to vector<256x1024xf32>
    %get3A_4 = arith.constant 0 : index
    %get3A_5 = arith.constant 0 : index
    %get3A_6 = arith.constant 0 : index
    %get3A_7 = vector.load %arg2[%get3A_4, %get3A_5, %get3A_6] : memref<1x256x1024xf32, #tpu.memory_space<vmem>>, vector<1x256x1024xf32>
    %get3A_8 = vector.shape_cast %get3A_7 : vector<1x256x1024xf32> to vector<256x1024xf32>
    %concatenate3A = tpu.concatenate %get3A_3, %get3A_8 in 1 : vector<256x1024xf32>, vector<256x1024xf32> -> vector<256x2048xf32>
    %reduce_sum3A = arith.constant dense<0.000000e+00> : vector<256xf32>
    %reduce_sum3A_9 = vector.multi_reduction <add>, %concatenate3A, %reduce_sum3A [1] : vector<256x2048xf32> to vector<256xf32>
    %broadcast_in_dim3A = vector.shape_cast %reduce_sum3A_9 : vector<256xf32> to vector<256x1xf32>
    %div3A = arith.constant 2.048000e+03 : f32
    %div3A_10 = vector.broadcast %div3A : f32 to vector<256x1xf32>
    %div3A_11 = arith.divf %broadcast_in_dim3A, %div3A_10 : vector<256x1xf32>
    %sub3A = vector.broadcast %div3A_11 : vector<256x1xf32> to vector<256x2048xf32>
    %sub3A_12 = arith.subf %concatenate3A, %sub3A : vector<256x2048xf32>
    %integer_pow3A = arith.mulf %sub3A_12, %sub3A_12 : vector<256x2048xf32>
    %reduce_sum3A_13 = arith.constant dense<0.000000e+00> : vector<256xf32>
    %reduce_sum3A_14 = vector.multi_reduction <add>, %integer_pow3A, %reduce_sum3A_13 [1] : vector<256x2048xf32> to vector<256xf32>
    %broadcast_in_dim3A_15 = vector.shape_cast %reduce_sum3A_14 : vector<256xf32> to vector<256x1xf32>
    %div3A_16 = arith.constant 2.048000e+03 : f32
    %div3A_17 = vector.broadcast %div3A_16 : f32 to vector<256x1xf32>
    %div3A_18 = arith.divf %broadcast_in_dim3A_15, %div3A_17 : vector<256x1xf32>
    %sub3A_19 = vector.broadcast %div3A_11 : vector<256x1xf32> to vector<256x2048xf32>
    %sub3A_20 = arith.subf %concatenate3A, %sub3A_19 : vector<256x2048xf32>
    %add3A = arith.constant 9.99999974E-6 : f32
    %add3A_21 = vector.broadcast %add3A : f32 to vector<256x1xf32>
    %add3A_22 = arith.addf %div3A_18, %add3A_21 : vector<256x1xf32>
    %sqrt3A = math.sqrt %add3A_22 : vector<256x1xf32>
    %div3A_23 = vector.broadcast %sqrt3A : vector<256x1xf32> to vector<256x2048xf32>
    %div3A_24 = arith.divf %sub3A_20, %div3A_23 : vector<256x2048xf32>
    %get3A_25 = arith.constant 0 : index
    %get3A_26 = vector.load %arg3[%get3A_25] : memref<2048xf32, #tpu.memory_space<vmem>>, vector<2048xf32>
    %broadcast_in_dim3A_27 = vector.shape_cast %get3A_26 : vector<2048xf32> to vector<1x2048xf32>
    %mul3A = vector.broadcast %broadcast_in_dim3A_27 : vector<1x2048xf32> to vector<256x2048xf32>
    %mul3A_28 = arith.mulf %div3A_24, %mul3A : vector<256x2048xf32>
    %get3A_29 = arith.constant 0 : index
    %get3A_30 = vector.load %arg4[%get3A_29] : memref<2048xf32, #tpu.memory_space<vmem>>, vector<2048xf32>
    %broadcast_in_dim3A_31 = vector.shape_cast %get3A_30 : vector<2048xf32> to vector<1x2048xf32>
    %add3A_32 = vector.broadcast %broadcast_in_dim3A_31 : vector<1x2048xf32> to vector<256x2048xf32>
    %add3A_33 = arith.addf %mul3A_28, %add3A_32 : vector<256x2048xf32>
    %get3A_34 = arith.constant 0 : index
    %get3A_35 = arith.constant 0 : index
    %get3A_36 = vector.load %arg9[%get3A_34, %get3A_35] : memref<1024x2048xf32, #tpu.memory_space<vmem>>, vector<1024x2048xf32>
    %dot_general3A = arith.constant dense<0.000000e+00> : vector<256x1024xf32>
    %dot_general3A_37 = tpu.matmul %add3A_33, %get3A_36, %dot_general3A {dimension_numbers = #tpu.dot_dimension_numbers<[1], [1], [0], [0], [0, 0, 1, 0], [], []>, transpose_lhs_hint = false} : vector<256x2048xf32>, vector<1024x2048xf32>, vector<256x1024xf32> -> vector<256x1024xf32>
    %swap3A = arith.constant 0 : index
    %swap3A_38 = arith.constant 0 : index
    %swap3A_39 = arith.constant 0 : index
    %swap3A_40 = vector.load %arg16[%swap3A, %swap3A_38, %swap3A_39] : memref<1x256x1024xf32, #tpu.memory_space<vmem>>, vector<1x256x1024xf32>
    %swap3A_41 = vector.shape_cast %swap3A_40 : vector<1x256x1024xf32> to vector<256x1024xf32>
    %swap3A_42 = vector.shape_cast %dot_general3A_37 : vector<256x1024xf32> to vector<1x256x1024xf32>
    tpu.vector_store %arg16[%swap3A, %swap3A_38, %swap3A_39], %swap3A_42 {strides = array<i32>} : memref<1x256x1024xf32, #tpu.memory_space<vmem>>, vector<1x256x1024xf32>,
    %get3A_43 = arith.constant 0 : index
    %get3A_44 = arith.constant 0 : index
    %get3A_45 = vector.load %arg12[%get3A_43, %get3A_44] : memref<64x1024xf32, #tpu.memory_space<vmem>>, vector<64x1024xf32>
    %dot_general3A_46 = arith.constant dense<0.000000e+00> : vector<256x64xf32>
    %dot_general3A_47 = tpu.matmul %dot_general3A_37, %get3A_45, %dot_general3A_46 {dimension_numbers = #tpu.dot_dimension_numbers<[1], [1], [0], [0], [0, 0, 1, 0], [], []>, transpose_lhs_hint = false} : vector<256x1024xf32>, vector<64x1024xf32>, vector<256x64xf32> -> vector<256x64xf32>
    %get3A_48 = arith.constant 0 : index
    %get3A_49 = vector.load %arg13[%get3A_48] : memref<64xf32, #tpu.memory_space<vmem>>, vector<64xf32>
    %broadcast_in_dim3A_50 = vector.shape_cast %get3A_49 : vector<64xf32> to vector<1x64xf32>
    %add3A_51 = vector.broadcast %broadcast_in_dim3A_50 : vector<1x64xf32> to vector<256x64xf32>
    %add3A_52 = arith.addf %dot_general3A_47, %add3A_51 : vector<256x64xf32>
    %get3A_53 = arith.constant 0 : index
    %get3A_54 = arith.constant 0 : index
    %get3A_55 = vector.load %arg14[%get3A_53, %get3A_54] : memref<64x1024xf32, #tpu.memory_space<vmem>>, vector<64x1024xf32>
    %dot_general3A_56 = arith.constant dense<0.000000e+00> : vector<256x64xf32>
    %dot_general3A_57 = tpu.matmul %dot_general3A_37, %get3A_55, %dot_general3A_56 {dimension_numbers = #tpu.dot_dimension_numbers<[1], [1], [0], [0], [0, 0, 1, 0], [], []>, transpose_lhs_hint = false} : vector<256x1024xf32>, vector<64x1024xf32>, vector<256x64xf32> -> vector<256x64xf32>
    %get3A_58 = arith.constant 0 : index
    %get3A_59 = vector.load %arg15[%get3A_58] : memref<64xf32, #tpu.memory_space<vmem>>, vector<64xf32>
    %broadcast_in_dim3A_60 = vector.shape_cast %get3A_59 : vector<64xf32> to vector<1x64xf32>
    %add3A_61 = vector.broadcast %broadcast_in_dim3A_60 : vector<1x64xf32> to vector<256x64xf32>
    %add3A_62 = arith.addf %dot_general3A_57, %add3A_61 : vector<256x64xf32>
    %transpose3A = tpu.transpose %add3A_62, [1, 0] : vector<256x64xf32> -> vector<64x256xf32>
    %swap3A_63 = arith.constant 0 : index
    %swap3A_64 = arith.constant 0 : index
    %swap3A_65 = arith.constant 0 : index
    %swap3A_66 = vector.load %arg17[%swap3A_63, %swap3A_64, %swap3A_65] : memref<1x64x256xf32, #tpu.memory_space<vmem>>, vector<1x64x256xf32>
    %swap3A_67 = vector.shape_cast %swap3A_66 : vector<1x64x256xf32> to vector<64x256xf32>
    %swap3A_68 = vector.shape_cast %transpose3A : vector<64x256xf32> to vector<1x64x256xf32>
    tpu.vector_store %arg17[%swap3A_63, %swap3A_64, %swap3A_65], %swap3A_68 {strides = array<i32>} : memref<1x64x256xf32, #tpu.memory_space<vmem>>, vector<1x64x256xf32>,
    %iota3A = tpu.iota {dimensions = array<i32: 0>} : vector<256x64xi32>
    %mul3A_69 = arith.constant 256 : i32
    %mul3A_70 = arith.muli %arg0, %mul3A_69 : i32
    %add3A_71 = vector.broadcast %mul3A_70 : i32 to vector<256x64xi32>
    %add3A_72 = arith.addi %iota3A, %add3A_71 : vector<256x64xi32>
    %convert_element_type3A = arith.sitofp %add3A_72 : vector<256x64xi32> to vector<256x64xf32>
    %add3A_73 = arith.addf %convert_element_type3A, %add3A_52 : vector<256x64xf32>
    %jit3A = arith.constant 0.000000e+00 : f32
    %jit3A_74 = arith.constant 4.095000e+03 : f32
    %max3A = vector.broadcast %jit3A : f32 to vector<256x64xf32>
    %max3A_75 = arith.maximumf %max3A, %add3A_73 : vector<256x64xf32>
    %min3A = vector.broadcast %jit3A_74 : f32 to vector<256x64xf32>
    %min3A_76 = arith.minimumf %min3A, %max3A_75 : vector<256x64xf32>
    %convert_element_type3A_77 = arith.fptosi %min3A_76 : vector<256x64xf32> to vector<256x64xi32>
    %ge3A = arith.constant 2048 : i32
    %ge3A_78 = vector.broadcast %ge3A : i32 to vector<256x64xi32>
    %ge3A_79 = arith.cmpi sge, %convert_element_type3A_77, %ge3A_78 : vector<256x64xi32>
    %convert_element_type3A_80 = arith.extui %ge3A_79 : vector<256x64xi1> to vector<256x64xi32>
    %mul3A_81 = arith.constant 2048 : i32
    %mul3A_82 = vector.broadcast %mul3A_81 : i32 to vector<256x64xi32>
    %mul3A_83 = arith.muli %convert_element_type3A_80, %mul3A_82 : vector<256x64xi32>
    %sub3A_84 = arith.subi %convert_element_type3A_77, %mul3A_83 : vector<256x64xi32>
    %iota3A_85 = tpu.iota {dimensions = array<i32: 1>} : vector<256x64xi32>
    %jit3A_86 = arith.constant 16 : i32
    %eq3A = arith.constant 0 : i32
    %eq3A_87 = arith.cmpi eq, %jit3A_86, %eq3A : i32
    %jit3A_88 = arith.constant 1 : i32
    %select_n3A = arith.select %eq3A_87, %jit3A_88, %jit3A_86 : i32
    %rem3A = vector.broadcast %select_n3A : i32 to vector<256x64xi32>
    %rem3A_89 = arith.remsi %iota3A_85, %rem3A : vector<256x64xi32>
    %ne3A = arith.constant 0 : i32
    %ne3A_90 = vector.broadcast %ne3A : i32 to vector<256x64xi32>
    %ne3A_91 = arith.cmpi ne, %rem3A_89, %ne3A_90 : vector<256x64xi32>
    %lt3A = arith.constant 0 : i32
    %lt3A_92 = vector.broadcast %lt3A : i32 to vector<256x64xi32>
    %lt3A_93 = arith.cmpi slt, %rem3A_89, %lt3A_92 : vector<256x64xi32>
    %lt3A_94 = arith.constant 0 : i32
    %lt3A_95 = arith.cmpi slt, %select_n3A, %lt3A_94 : i32
    %ne3A_96 = vector.broadcast %lt3A_95 : i1 to vector<256x64xi1>
    %ne3A_97 = vector.broadcast %ne3A_96 : vector<256x64xi1> to vector<256x64xi1>
    %ne3A_98 = arith.xori %lt3A_93, %ne3A_97 : vector<256x64xi1>
    %and3A = arith.andi %ne3A_98, %ne3A_91 : vector<256x64xi1>
    %add3A_99 = vector.broadcast %select_n3A : i32 to vector<256x64xi32>
    %add3A_100 = arith.addi %rem3A_89, %add3A_99 : vector<256x64xi32>
    %select_n3A_101 = arith.select %and3A, %add3A_100, %rem3A_89 : vector<256x64xi1>, vector<256x64xi32>
    %mul3A_102 = arith.constant 2 : i32
    %mul3A_103 = vector.broadcast %mul3A_102 : i32 to vector<256x64xi32>
    %mul3A_104 = arith.muli %sub3A_84, %mul3A_103 : vector<256x64xi32>
    %add3A_105 = arith.addi %mul3A_104, %convert_element_type3A_80 : vector<256x64xi32>
    %mul3A_106 = arith.constant 16 : i32
    %mul3A_107 = vector.broadcast %mul3A_106 : i32 to vector<256x64xi32>
    %mul3A_108 = arith.muli %add3A_105, %mul3A_107 : vector<256x64xi32>
    %add3A_109 = arith.addi %mul3A_108, %select_n3A_101 : vector<256x64xi32>
    %swap3A_110 = arith.constant 0 : index
    %swap3A_111 = arith.constant 0 : index
    %swap3A_112 = arith.constant 0 : index
    %swap3A_113 = vector.load %arg18[%swap3A_110, %swap3A_111, %swap3A_112] : memref<1x256x64xi32, #tpu.memory_space<vmem>>, vector<1x256x64xi32>
    %swap3A_114 = vector.shape_cast %swap3A_113 : vector<1x256x64xi32> to vector<256x64xi32>
    %swap3A_115 = vector.shape_cast %add3A_109 : vector<256x64xi32> to vector<1x256x64xi32>
    tpu.vector_store %arg18[%swap3A_110, %swap3A_111, %swap3A_112], %swap3A_115 {strides = array<i32>} : memref<1x256x64xi32, #tpu.memory_space<vmem>>, vector<1x256x64xi32>,
    %reduce_sum3A_116 = arith.constant dense<0.000000e+00> : vector<256xf32>
    %reduce_sum3A_117 = vector.multi_reduction <add>, %get3A_3, %reduce_sum3A_116 [1] : vector<256x1024xf32> to vector<256xf32>
    %broadcast_in_dim3A_118 = vector.shape_cast %reduce_sum3A_117 : vector<256xf32> to vector<256x1xf32>
    %div3A_119 = arith.constant 1.024000e+03 : f32
    %div3A_120 = vector.broadcast %div3A_119 : f32 to vector<256x1xf32>
    %div3A_121 = arith.divf %broadcast_in_dim3A_118, %div3A_120 : vector<256x1xf32>
    %sub3A_122 = vector.broadcast %div3A_121 : vector<256x1xf32> to vector<256x1024xf32>
    %sub3A_123 = arith.subf %get3A_3, %sub3A_122 : vector<256x1024xf32>
    %integer_pow3A_124 = arith.mulf %sub3A_123, %sub3A_123 : vector<256x1024xf32>
    %reduce_sum3A_125 = arith.constant dense<0.000000e+00> : vector<256xf32>
    %reduce_sum3A_126 = vector.multi_reduction <add>, %integer_pow3A_124, %reduce_sum3A_125 [1] : vector<256x1024xf32> to vector<256xf32>
    %broadcast_in_dim3A_127 = vector.shape_cast %reduce_sum3A_126 : vector<256xf32> to vector<256x1xf32>
    %div3A_128 = arith.constant 1.024000e+03 : f32
    %div3A_129 = vector.broadcast %div3A_128 : f32 to vector<256x1xf32>
    %div3A_130 = arith.divf %broadcast_in_dim3A_127, %div3A_129 : vector<256x1xf32>
    %sub3A_131 = vector.broadcast %div3A_121 : vector<256x1xf32> to vector<256x1024xf32>
    %sub3A_132 = arith.subf %get3A_3, %sub3A_131 : vector<256x1024xf32>
    %add3A_133 = arith.constant 9.99999974E-6 : f32
    %add3A_134 = vector.broadcast %add3A_133 : f32 to vector<256x1xf32>
    %add3A_135 = arith.addf %div3A_130, %add3A_134 : vector<256x1xf32>
    %sqrt3A_136 = math.sqrt %add3A_135 : vector<256x1xf32>
    %div3A_137 = vector.broadcast %sqrt3A_136 : vector<256x1xf32> to vector<256x1024xf32>
    %div3A_138 = arith.divf %sub3A_132, %div3A_137 : vector<256x1024xf32>
    %reduce_sum3A_139 = arith.constant dense<0.000000e+00> : vector<256xf32>
    %reduce_sum3A_140 = vector.multi_reduction <add>, %get3A_8, %reduce_sum3A_139 [1] : vector<256x1024xf32> to vector<256xf32>
    %broadcast_in_dim3A_141 = vector.shape_cast %reduce_sum3A_140 : vector<256xf32> to vector<256x1xf32>
    %div3A_142 = arith.constant 1.024000e+03 : f32
    %div3A_143 = vector.broadcast %div3A_142 : f32 to vector<256x1xf32>
    %div3A_144 = arith.divf %broadcast_in_dim3A_141, %div3A_143 : vector<256x1xf32>
    %sub3A_145 = vector.broadcast %div3A_144 : vector<256x1xf32> to vector<256x1024xf32>
    %sub3A_146 = arith.subf %get3A_8, %sub3A_145 : vector<256x1024xf32>
    %integer_pow3A_147 = arith.mulf %sub3A_146, %sub3A_146 : vector<256x1024xf32>
    %reduce_sum3A_148 = arith.constant dense<0.000000e+00> : vector<256xf32>
    %reduce_sum3A_149 = vector.multi_reduction <add>, %integer_pow3A_147, %reduce_sum3A_148 [1] : vector<256x1024xf32> to vector<256xf32>
    %broadcast_in_dim3A_150 = vector.shape_cast %reduce_sum3A_149 : vector<256xf32> to vector<256x1xf32>
    %div3A_151 = arith.constant 1.024000e+03 : f32
    %div3A_152 = vector.broadcast %div3A_151 : f32 to vector<256x1xf32>
    %div3A_153 = arith.divf %broadcast_in_dim3A_150, %div3A_152 : vector<256x1xf32>
    %sub3A_154 = vector.broadcast %div3A_144 : vector<256x1xf32> to vector<256x1024xf32>
    %sub3A_155 = arith.subf %get3A_8, %sub3A_154 : vector<256x1024xf32>
    %add3A_156 = arith.constant 9.99999974E-6 : f32
    %add3A_157 = vector.broadcast %add3A_156 : f32 to vector<256x1xf32>
    %add3A_158 = arith.addf %div3A_153, %add3A_157 : vector<256x1xf32>
    %sqrt3A_159 = math.sqrt %add3A_158 : vector<256x1xf32>
    %div3A_160 = vector.broadcast %sqrt3A_159 : vector<256x1xf32> to vector<256x1024xf32>
    %div3A_161 = arith.divf %sub3A_155, %div3A_160 : vector<256x1024xf32>
    %get3A_162 = arith.constant 0 : index
    %get3A_163 = vector.load %arg5[%get3A_162] : memref<1024xf32, #tpu.memory_space<vmem>>, vector<1024xf32>
    %broadcast_in_dim3A_164 = vector.shape_cast %get3A_163 : vector<1024xf32> to vector<1x1024xf32>
    %get3A_165 = arith.constant 0 : index
    %get3A_166 = vector.load %arg6[%get3A_165] : memref<1024xf32, #tpu.memory_space<vmem>>, vector<1024xf32>
    %broadcast_in_dim3A_167 = vector.shape_cast %get3A_166 : vector<1024xf32> to vector<1x1024xf32>
    %get3A_168 = arith.constant 0 : index
    %get3A_169 = vector.load %arg7[%get3A_168] : memref<1024xf32, #tpu.memory_space<vmem>>, vector<1024xf32>
    %broadcast_in_dim3A_170 = vector.shape_cast %get3A_169 : vector<1024xf32> to vector<1x1024xf32>
    %get3A_171 = arith.constant 0 : index
    %get3A_172 = vector.load %arg8[%get3A_171] : memref<1024xf32, #tpu.memory_space<vmem>>, vector<1024xf32>
    %broadcast_in_dim3A_173 = vector.shape_cast %get3A_172 : vector<1024xf32> to vector<1x1024xf32>
    %mul3A_174 = vector.broadcast %broadcast_in_dim3A_164 : vector<1x1024xf32> to vector<256x1024xf32>
    %mul3A_175 = arith.mulf %div3A_138, %mul3A_174 : vector<256x1024xf32>
    %add3A_176 = vector.broadcast %broadcast_in_dim3A_167 : vector<1x1024xf32> to vector<256x1024xf32>
    %add3A_177 = arith.addf %mul3A_175, %add3A_176 : vector<256x1024xf32>
    %get3A_178 = arith.constant 0 : index
    %get3A_179 = arith.constant 0 : index
    %get3A_180 = vector.load %arg10[%get3A_178, %get3A_179] : memref<1024x1024xf32, #tpu.memory_space<vmem>>, vector<1024x1024xf32>
    %dot_general3A_181 = arith.constant dense<0.000000e+00> : vector<256x1024xf32>
    %dot_general3A_182 = tpu.matmul %add3A_177, %get3A_180, %dot_general3A_181 {dimension_numbers = #tpu.dot_dimension_numbers<[1], [1], [0], [0], [0, 0, 1, 0], [], []>, transpose_lhs_hint = false} : vector<256x1024xf32>, vector<1024x1024xf32>, vector<256x1024xf32> -> vector<256x1024xf32>
    %mul3A_183 = vector.broadcast %broadcast_in_dim3A_164 : vector<1x1024xf32> to vector<256x1024xf32>
    %mul3A_184 = arith.mulf %div3A_161, %mul3A_183 : vector<256x1024xf32>
    %add3A_185 = vector.broadcast %broadcast_in_dim3A_167 : vector<1x1024xf32> to vector<256x1024xf32>
    %add3A_186 = arith.addf %mul3A_184, %add3A_185 : vector<256x1024xf32>
    %get3A_187 = arith.constant 0 : index
    %get3A_188 = arith.constant 0 : index
    %get3A_189 = vector.load %arg10[%get3A_187, %get3A_188] : memref<1024x1024xf32, #tpu.memory_space<vmem>>, vector<1024x1024xf32>
    %dot_general3A_190 = arith.constant dense<0.000000e+00> : vector<256x1024xf32>
    %dot_general3A_191 = tpu.matmul %add3A_186, %get3A_189, %dot_general3A_190 {dimension_numbers = #tpu.dot_dimension_numbers<[1], [1], [0], [0], [0, 0, 1, 0], [], []>, transpose_lhs_hint = false} : vector<256x1024xf32>, vector<1024x1024xf32>, vector<256x1024xf32> -> vector<256x1024xf32>
    %reshape3A = vector.shape_cast %dot_general3A_182 : vector<256x1024xf32> to vector<256x8x128xf32>
    %broadcast_in_dim3A_192 = vector.shape_cast %reshape3A : vector<256x8x128xf32> to vector<256x1x8x128xf32>
    %reshape3A_193 = vector.shape_cast %dot_general3A_191 : vector<256x1024xf32> to vector<256x8x128xf32>
    %broadcast_in_dim3A_194 = vector.shape_cast %reshape3A_193 : vector<256x8x128xf32> to vector<256x1x8x128xf32>
    %concatenate3A_195 = tpu.concatenate %broadcast_in_dim3A_192, %broadcast_in_dim3A_194 in 1 : vector<256x1x8x128xf32>, vector<256x1x8x128xf32> -> vector<256x2x8x128xf32>
    %reshape3A_196 = vector.shape_cast %concatenate3A_195 : vector<256x2x8x128xf32> to vector<256x16x128xf32>
    %swap3A_197 = arith.constant 0 : index
    %swap3A_198 = arith.constant 0 : index
    %swap3A_199 = arith.constant 0 : index
    %swap3A_200 = arith.constant 0 : index
    %swap3A_201 = vector.load %arg19[%swap3A_197, %swap3A_198, %swap3A_199, %swap3A_200] : memref<1x256x16x128xf32, #tpu.memory_space<vmem>>, vector<1x256x16x128xf32>
    %swap3A_202 = vector.shape_cast %swap3A_201 : vector<1x256x16x128xf32> to vector<256x16x128xf32>
    %swap3A_203 = vector.shape_cast %reshape3A_196 : vector<256x16x128xf32> to vector<1x256x16x128xf32>
    tpu.vector_store %arg19[%swap3A_197, %swap3A_198, %swap3A_199, %swap3A_200], %swap3A_203 {strides = array<i32>} : memref<1x256x16x128xf32, #tpu.memory_space<vmem>>, vector<1x256x16x128xf32>,
    %mul3A_204 = vector.broadcast %broadcast_in_dim3A_170 : vector<1x1024xf32> to vector<256x1024xf32>
    %mul3A_205 = arith.mulf %div3A_138, %mul3A_204 : vector<256x1024xf32>
    %add3A_206 = vector.broadcast %broadcast_in_dim3A_173 : vector<1x1024xf32> to vector<256x1024xf32>
    %add3A_207 = arith.addf %mul3A_205, %add3A_206 : vector<256x1024xf32>
    %get3A_208 = arith.constant 0 : index
    %get3A_209 = arith.constant 0 : index
    %get3A_210 = vector.load %arg11[%get3A_208, %get3A_209] : memref<1024x1024xf32, #tpu.memory_space<vmem>>, vector<1024x1024xf32>
    %dot_general3A_211 = arith.constant dense<0.000000e+00> : vector<256x1024xf32>
    %dot_general3A_212 = tpu.matmul %add3A_207, %get3A_210, %dot_general3A_211 {dimension_numbers = #tpu.dot_dimension_numbers<[1], [1], [0], [0], [0, 0, 1, 0], [], []>, transpose_lhs_hint = false} : vector<256x1024xf32>, vector<1024x1024xf32>, vector<256x1024xf32> -> vector<256x1024xf32>
    %mul3A_213 = vector.broadcast %broadcast_in_dim3A_170 : vector<1x1024xf32> to vector<256x1024xf32>
    %mul3A_214 = arith.mulf %div3A_161, %mul3A_213 : vector<256x1024xf32>
    %add3A_215 = vector.broadcast %broadcast_in_dim3A_173 : vector<1x1024xf32> to vector<256x1024xf32>
    %add3A_216 = arith.addf %mul3A_214, %add3A_215 : vector<256x1024xf32>
    %get3A_217 = arith.constant 0 : index
    %get3A_218 = arith.constant 0 : index
    %get3A_219 = vector.load %arg11[%get3A_217, %get3A_218] : memref<1024x1024xf32, #tpu.memory_space<vmem>>, vector<1024x1024xf32>
    %dot_general3A_220 = arith.constant dense<0.000000e+00> : vector<256x1024xf32>
    %dot_general3A_221 = tpu.matmul %add3A_216, %get3A_219, %dot_general3A_220 {dimension_numbers = #tpu.dot_dimension_numbers<[1], [1], [0], [0], [0, 0, 1, 0], [], []>, transpose_lhs_hint = false} : vector<256x1024xf32>, vector<1024x1024xf32>, vector<256x1024xf32> -> vector<256x1024xf32>
    %reshape3A_222 = vector.shape_cast %dot_general3A_212 : vector<256x1024xf32> to vector<256x8x128xf32>
    %broadcast_in_dim3A_223 = vector.shape_cast %reshape3A_222 : vector<256x8x128xf32> to vector<256x1x8x128xf32>
    %reshape3A_224 = vector.shape_cast %dot_general3A_221 : vector<256x1024xf32> to vector<256x8x128xf32>
    %broadcast_in_dim3A_225 = vector.shape_cast %reshape3A_224 : vector<256x8x128xf32> to vector<256x1x8x128xf32>
    %concatenate3A_226 = tpu.concatenate %broadcast_in_dim3A_223, %broadcast_in_dim3A_225 in 1 : vector<256x1x8x128xf32>, vector<256x1x8x128xf32> -> vector<256x2x8x128xf32>
    %reshape3A_227 = vector.shape_cast %concatenate3A_226 : vector<256x2x8x128xf32> to vector<256x16x128xf32>
    %swap3A_228 = arith.constant 0 : index
    %swap3A_229 = arith.constant 0 : index
    %swap3A_230 = arith.constant 0 : index
    %swap3A_231 = arith.constant 0 : index
    %swap3A_232 = vector.load %arg20[%swap3A_228, %swap3A_229, %swap3A_230, %swap3A_231] : memref<1x256x16x128xf32, #tpu.memory_space<vmem>>, vector<1x256x16x128xf32>
    %swap3A_233 = vector.shape_cast %swap3A_232 : vector<1x256x16x128xf32> to vector<256x16x128xf32>
    %swap3A_234 = vector.shape_cast %reshape3A_227 : vector<256x16x128xf32> to vector<1x256x16x128xf32>
    tpu.vector_store %arg20[%swap3A_228, %swap3A_229, %swap3A_230, %swap3A_231], %swap3A_234 {strides = array<i32>} : memref<1x256x16x128xf32, #tpu.memory_space<vmem>>, vector<1x256x16x128xf32>,
    return
  }
  func.func @transform_0(%arg0: i32) -> (i32, i32, i32) {
    %c0_i32 = arith.constant 0 : i32
    %c0_i32_0 = arith.constant 0 : i32
    %c0_i32_1 = arith.constant 0 : i32
    return %c0_i32, %arg0, %c0_i32_0 : i32, i32, i32
  }
  func.func @transform_1(%arg0: i32) -> (i32, i32, i32) {
    %c0_i32 = arith.constant 0 : i32
    %c0_i32_0 = arith.constant 0 : i32
    %c0_i32_1 = arith.constant 0 : i32
    return %c0_i32, %arg0, %c0_i32_0 : i32, i32, i32
  }
  func.func @transform_2(%arg0: i32) -> i32 {
    %c0_i32 = arith.constant 0 : i32
    %c0_i32_0 = arith.constant 0 : i32
    return %c0_i32 : i32
  }
  func.func @transform_3(%arg0: i32) -> i32 {
    %c0_i32 = arith.constant 0 : i32
    %c0_i32_0 = arith.constant 0 : i32
    return %c0_i32 : i32
  }
  func.func @transform_4(%arg0: i32) -> i32 {
    %c0_i32 = arith.constant 0 : i32
    %c0_i32_0 = arith.constant 0 : i32
    return %c0_i32 : i32
  }
  func.func @transform_5(%arg0: i32) -> i32 {
    %c0_i32 = arith.constant 0 : i32
    %c0_i32_0 = arith.constant 0 : i32
    return %c0_i32 : i32
  }
  func.func @transform_6(%arg0: i32) -> i32 {
    %c0_i32 = arith.constant 0 : i32
    %c0_i32_0 = arith.constant 0 : i32
    return %c0_i32 : i32
  }
  func.func @transform_7(%arg0: i32) -> i32 {
    %c0_i32 = arith.constant 0 : i32
    %c0_i32_0 = arith.constant 0 : i32
    return %c0_i32 : i32
  }
  func.func @transform_8(%arg0: i32) -> (i32, i32) {
    %c0_i32 = arith.constant 0 : i32
    %c0_i32_0 = arith.constant 0 : i32
    %c0_i32_1 = arith.constant 0 : i32
    return %c0_i32, %c0_i32_0 : i32, i32
  }
  func.func @transform_9(%arg0: i32) -> (i32, i32) {
    %c0_i32 = arith.constant 0 : i32
    %c0_i32_0 = arith.constant 0 : i32
    %c0_i32_1 = arith.constant 0 : i32
    return %c0_i32, %c0_i32_0 : i32, i32
  }
  func.func @transform_10(%arg0: i32) -> (i32, i32) {
    %c0_i32 = arith.constant 0 : i32
    %c0_i32_0 = arith.constant 0 : i32
    %c0_i32_1 = arith.constant 0 : i32
    return %c0_i32, %c0_i32_0 : i32, i32
  }
  func.func @transform_11(%arg0: i32) -> (i32, i32) {
    %c0_i32 = arith.constant 0 : i32
    %c0_i32_0 = arith.constant 0 : i32
    %c0_i32_1 = arith.constant 0 : i32
    return %c0_i32, %c0_i32_0 : i32, i32
  }
  func.func @transform_12(%arg0: i32) -> i32 {
    %c0_i32 = arith.constant 0 : i32
    %c0_i32_0 = arith.constant 0 : i32
    return %c0_i32 : i32
  }
  func.func @transform_13(%arg0: i32) -> (i32, i32) {
    %c0_i32 = arith.constant 0 : i32
    %c0_i32_0 = arith.constant 0 : i32
    %c0_i32_1 = arith.constant 0 : i32
    return %c0_i32, %c0_i32_0 : i32, i32
  }
  func.func @transform_14(%arg0: i32) -> i32 {
    %c0_i32 = arith.constant 0 : i32
    %c0_i32_0 = arith.constant 0 : i32
    return %c0_i32 : i32
  }
  func.func @transform_15(%arg0: i32) -> (i32, i32, i32) {
    %c0_i32 = arith.constant 0 : i32
    %c0_i32_0 = arith.constant 0 : i32
    %c0_i32_1 = arith.constant 0 : i32
    return %c0_i32, %arg0, %c0_i32_0 : i32, i32, i32
  }
  func.func @transform_16(%arg0: i32) -> (i32, i32, i32) {
    %c0_i32 = arith.constant 0 : i32
    %c0_i32_0 = arith.constant 0 : i32
    %c0_i32_1 = arith.constant 0 : i32
    return %c0_i32, %c0_i32_0, %arg0 : i32, i32, i32
  }
  func.func @transform_17(%arg0: i32) -> (i32, i32, i32) {
    %c0_i32 = arith.constant 0 : i32
    %c0_i32_0 = arith.constant 0 : i32
    %c0_i32_1 = arith.constant 0 : i32
    return %c0_i32, %arg0, %c0_i32_0 : i32, i32, i32
  }
  func.func @transform_18(%arg0: i32) -> (i32, i32, i32, i32) {
    %c0_i32 = arith.constant 0 : i32
    %c0_i32_0 = arith.constant 0 : i32
    %c0_i32_1 = arith.constant 0 : i32
    %c0_i32_2 = arith.constant 0 : i32
    return %c0_i32, %arg0, %c0_i32_0, %c0_i32_1 : i32, i32, i32, i32
  }
  func.func @transform_19(%arg0: i32) -> (i32, i32, i32, i32) {
    %c0_i32 = arith.constant 0 : i32
    %c0_i32_0 = arith.constant 0 : i32
    %c0_i32_1 = arith.constant 0 : i32
    %c0_i32_2 = arith.constant 0 : i32
    return %c0_i32, %arg0, %c0_i32_0, %c0_i32_1 : i32, i32, i32, i32
  }
}

module attributes {stable_mosaic.version = 14 : i64} {
  func.func @_stage1_body(%arg0: i32, %arg1: memref<1x256x1024xf32, #tpu.memory_space<vmem>>, %arg2: memref<1x256x1024xf32, #tpu.memory_space<vmem>>, %arg3: memref<2048xf32, #tpu.memory_space<vmem>>, %arg4: memref<2048xf32, #tpu.memory_space<vmem>>, %arg5: memref<1024xf32, #tpu.memory_space<vmem>>, %arg6: memref<1024xf32, #tpu.memory_space<vmem>>, %arg7: memref<1024xf32, #tpu.memory_space<vmem>>, %arg8: memref<1024xf32, #tpu.memory_space<vmem>>, %arg9: memref<1024x2048xf32, #tpu.memory_space<vmem>>, %arg10: memref<1024x1024xf32, #tpu.memory_space<vmem>>, %arg11: memref<1024x1024xf32, #tpu.memory_space<vmem>>, %arg12: memref<64x1024xf32, #tpu.memory_space<vmem>>, %arg13: memref<64xf32, #tpu.memory_space<vmem>>, %arg14: memref<64x1024xf32, #tpu.memory_space<vmem>>, %arg15: memref<64xf32, #tpu.memory_space<vmem>>, %arg16: memref<1x256x1024xf32, #tpu.memory_space<vmem>>, %arg17: memref<1x64x256xf32, #tpu.memory_space<vmem>>, %arg18: memref<1x256x64xi32, #tpu.memory_space<vmem>>, %arg19: memref<1x256x16x128xf32, #tpu.memory_space<vmem>>, %arg20: memref<1x256x16x128xf32, #tpu.memory_space<vmem>>) attributes {dimension_semantics = [#tpu.dimension_semantics<arbitrary>], iteration_bounds = array<i64: 8>, scalar_prefetch = 0 : i64, scratch_operands = 0 : i64, tpu.core_type = #tpu.core_type<tc>, window_params = [{transform_indices = @transform_0, window_bounds = array<i64: 1, 256, 1024>}, {transform_indices = @transform_1, window_bounds = array<i64: 1, 256, 1024>}, {pipeline_mode = #tpu.pipeline_mode<synchronous>, transform_indices = @transform_2, window_bounds = array<i64: 2048>}, {pipeline_mode = #tpu.pipeline_mode<synchronous>, transform_indices = @transform_3, window_bounds = array<i64: 2048>}, {pipeline_mode = #tpu.pipeline_mode<synchronous>, transform_indices = @transform_4, window_bounds = array<i64: 1024>}, {pipeline_mode = #tpu.pipeline_mode<synchronous>, transform_indices = @transform_5, window_bounds = array<i64: 1024>}, {pipeline_mode = #tpu.pipeline_mode<synchronous>, transform_indices = @transform_6, window_bounds = array<i64: 1024>}, {pipeline_mode = #tpu.pipeline_mode<synchronous>, transform_indices = @transform_7, window_bounds = array<i64: 1024>}, {pipeline_mode = #tpu.pipeline_mode<synchronous>, transform_indices = @transform_8, window_bounds = array<i64: 1024, 2048>}, {pipeline_mode = #tpu.pipeline_mode<synchronous>, transform_indices = @transform_9, window_bounds = array<i64: 1024, 1024>}, {pipeline_mode = #tpu.pipeline_mode<synchronous>, transform_indices = @transform_10, window_bounds = array<i64: 1024, 1024>}, {pipeline_mode = #tpu.pipeline_mode<synchronous>, transform_indices = @transform_11, window_bounds = array<i64: 64, 1024>}, {pipeline_mode = #tpu.pipeline_mode<synchronous>, transform_indices = @transform_12, window_bounds = array<i64: 64>}, {pipeline_mode = #tpu.pipeline_mode<synchronous>, transform_indices = @transform_13, window_bounds = array<i64: 64, 1024>}, {pipeline_mode = #tpu.pipeline_mode<synchronous>, transform_indices = @transform_14, window_bounds = array<i64: 64>}, {transform_indices = @transform_15, window_bounds = array<i64: 1, 256, 1024>}, {transform_indices = @transform_16, window_bounds = array<i64: 1, 64, 256>}, {transform_indices = @transform_17, window_bounds = array<i64: 1, 256, 64>}, {transform_indices = @transform_18, window_bounds = array<i64: 1, 256, 16, 128>}, {transform_indices = @transform_19, window_bounds = array<i64: 1, 256, 16, 128>}]} {
    %get3A = arith.constant 0 : index
    %get3A_0 = arith.constant 0 : index
    %get3A_1 = arith.constant 0 : index
    %get3A_2 = vector.load %arg1[%get3A, %get3A_0, %get3A_1] : memref<1x256x1024xf32, #tpu.memory_space<vmem>>, vector<1x256x1024xf32>
    %get3A_3 = vector.shape_cast %get3A_2 : vector<1x256x1024xf32> to vector<256x1024xf32>
    %get3A_4 = arith.constant 0 : index
    %get3A_5 = arith.constant 0 : index
    %get3A_6 = arith.constant 0 : index
    %get3A_7 = vector.load %arg2[%get3A_4, %get3A_5, %get3A_6] : memref<1x256x1024xf32, #tpu.memory_space<vmem>>, vector<1x256x1024xf32>
    %get3A_8 = vector.shape_cast %get3A_7 : vector<1x256x1024xf32> to vector<256x1024xf32>
    %concatenate3A = tpu.concatenate %get3A_3, %get3A_8 in 1 : vector<256x1024xf32>, vector<256x1024xf32> -> vector<256x2048xf32>
    %reduce_sum3A = arith.constant dense<0.000000e+00> : vector<256xf32>
    %reduce_sum3A_9 = vector.multi_reduction <add>, %concatenate3A, %reduce_sum3A [1] : vector<256x2048xf32> to vector<256xf32>
    %broadcast_in_dim3A = vector.shape_cast %reduce_sum3A_9 : vector<256xf32> to vector<256x1xf32>
    %div3A = arith.constant 2.048000e+03 : f32
    %div3A_10 = vector.broadcast %div3A : f32 to vector<256x1xf32>
    %div3A_11 = arith.divf %broadcast_in_dim3A, %div3A_10 : vector<256x1xf32>
    %sub3A = vector.broadcast %div3A_11 : vector<256x1xf32> to vector<256x2048xf32>
    %sub3A_12 = arith.subf %concatenate3A, %sub3A : vector<256x2048xf32>
    %integer_pow3A = arith.mulf %sub3A_12, %sub3A_12 : vector<256x2048xf32>
    %reduce_sum3A_13 = arith.constant dense<0.000000e+00> : vector<256xf32>
    %reduce_sum3A_14 = vector.multi_reduction <add>, %integer_pow3A, %reduce_sum3A_13 [1] : vector<256x2048xf32> to vector<256xf32>
    %broadcast_in_dim3A_15 = vector.shape_cast %reduce_sum3A_14 : vector<256xf32> to vector<256x1xf32>
    %div3A_16 = arith.constant 2.048000e+03 : f32
    %div3A_17 = vector.broadcast %div3A_16 : f32 to vector<256x1xf32>
    %div3A_18 = arith.divf %broadcast_in_dim3A_15, %div3A_17 : vector<256x1xf32>
    %sub3A_19 = vector.broadcast %div3A_11 : vector<256x1xf32> to vector<256x2048xf32>
    %sub3A_20 = arith.subf %concatenate3A, %sub3A_19 : vector<256x2048xf32>
    %add3A = arith.constant 9.99999974E-6 : f32
    %add3A_21 = vector.broadcast %add3A : f32 to vector<256x1xf32>
    %add3A_22 = arith.addf %div3A_18, %add3A_21 : vector<256x1xf32>
    %sqrt3A = math.sqrt %add3A_22 : vector<256x1xf32>
    %div3A_23 = vector.broadcast %sqrt3A : vector<256x1xf32> to vector<256x2048xf32>
    %div3A_24 = arith.divf %sub3A_20, %div3A_23 : vector<256x2048xf32>
    %get3A_25 = arith.constant 0 : index
    %get3A_26 = vector.load %arg3[%get3A_25] : memref<2048xf32, #tpu.memory_space<vmem>>, vector<2048xf32>
    %broadcast_in_dim3A_27 = vector.shape_cast %get3A_26 : vector<2048xf32> to vector<1x2048xf32>
    %mul3A = vector.broadcast %broadcast_in_dim3A_27 : vector<1x2048xf32> to vector<256x2048xf32>
    %mul3A_28 = arith.mulf %div3A_24, %mul3A : vector<256x2048xf32>
    %get3A_29 = arith.constant 0 : index
    %get3A_30 = vector.load %arg4[%get3A_29] : memref<2048xf32, #tpu.memory_space<vmem>>, vector<2048xf32>
    %broadcast_in_dim3A_31 = vector.shape_cast %get3A_30 : vector<2048xf32> to vector<1x2048xf32>
    %add3A_32 = vector.broadcast %broadcast_in_dim3A_31 : vector<1x2048xf32> to vector<256x2048xf32>
    %add3A_33 = arith.addf %mul3A_28, %add3A_32 : vector<256x2048xf32>
    %get3A_34 = arith.constant 0 : index
    %get3A_35 = arith.constant 0 : index
    %get3A_36 = vector.load %arg9[%get3A_34, %get3A_35] : memref<1024x2048xf32, #tpu.memory_space<vmem>>, vector<1024x2048xf32>
    %dot_general3A = arith.constant dense<0.000000e+00> : vector<256x1024xf32>
    %dot_general3A_37 = tpu.matmul %add3A_33, %get3A_36, %dot_general3A {dimension_numbers = #tpu.dot_dimension_numbers<[1], [1], [0], [0], [0, 0, 1, 0], [], []>, transpose_lhs_hint = false} : vector<256x2048xf32>, vector<1024x2048xf32>, vector<256x1024xf32> -> vector<256x1024xf32>
    %swap3A = arith.constant 0 : index
    %swap3A_38 = arith.constant 0 : index
    %swap3A_39 = arith.constant 0 : index
    %swap3A_40 = vector.load %arg16[%swap3A, %swap3A_38, %swap3A_39] : memref<1x256x1024xf32, #tpu.memory_space<vmem>>, vector<1x256x1024xf32>
    %swap3A_41 = vector.shape_cast %swap3A_40 : vector<1x256x1024xf32> to vector<256x1024xf32>
    %swap3A_42 = vector.shape_cast %dot_general3A_37 : vector<256x1024xf32> to vector<1x256x1024xf32>
    tpu.vector_store %arg16[%swap3A, %swap3A_38, %swap3A_39], %swap3A_42 {strides = array<i32>} : memref<1x256x1024xf32, #tpu.memory_space<vmem>>, vector<1x256x1024xf32>,
    %get3A_43 = arith.constant 0 : index
    %get3A_44 = arith.constant 0 : index
    %get3A_45 = vector.load %arg12[%get3A_43, %get3A_44] : memref<64x1024xf32, #tpu.memory_space<vmem>>, vector<64x1024xf32>
    %dot_general3A_46 = arith.constant dense<0.000000e+00> : vector<256x64xf32>
    %dot_general3A_47 = tpu.matmul %dot_general3A_37, %get3A_45, %dot_general3A_46 {dimension_numbers = #tpu.dot_dimension_numbers<[1], [1], [0], [0], [0, 0, 1, 0], [], []>, transpose_lhs_hint = false} : vector<256x1024xf32>, vector<64x1024xf32>, vector<256x64xf32> -> vector<256x64xf32>
    %get3A_48 = arith.constant 0 : index
    %get3A_49 = vector.load %arg13[%get3A_48] : memref<64xf32, #tpu.memory_space<vmem>>, vector<64xf32>
    %broadcast_in_dim3A_50 = vector.shape_cast %get3A_49 : vector<64xf32> to vector<1x64xf32>
    %add3A_51 = vector.broadcast %broadcast_in_dim3A_50 : vector<1x64xf32> to vector<256x64xf32>
    %add3A_52 = arith.addf %dot_general3A_47, %add3A_51 : vector<256x64xf32>
    %get3A_53 = arith.constant 0 : index
    %get3A_54 = arith.constant 0 : index
    %get3A_55 = vector.load %arg14[%get3A_53, %get3A_54] : memref<64x1024xf32, #tpu.memory_space<vmem>>, vector<64x1024xf32>
    %dot_general3A_56 = arith.constant dense<0.000000e+00> : vector<256x64xf32>
    %dot_general3A_57 = tpu.matmul %dot_general3A_37, %get3A_55, %dot_general3A_56 {dimension_numbers = #tpu.dot_dimension_numbers<[1], [1], [0], [0], [0, 0, 1, 0], [], []>, transpose_lhs_hint = false} : vector<256x1024xf32>, vector<64x1024xf32>, vector<256x64xf32> -> vector<256x64xf32>
    %get3A_58 = arith.constant 0 : index
    %get3A_59 = vector.load %arg15[%get3A_58] : memref<64xf32, #tpu.memory_space<vmem>>, vector<64xf32>
    %broadcast_in_dim3A_60 = vector.shape_cast %get3A_59 : vector<64xf32> to vector<1x64xf32>
    %add3A_61 = vector.broadcast %broadcast_in_dim3A_60 : vector<1x64xf32> to vector<256x64xf32>
    %add3A_62 = arith.addf %dot_general3A_57, %add3A_61 : vector<256x64xf32>
    %transpose3A = tpu.transpose %add3A_62, [1, 0] : vector<256x64xf32> -> vector<64x256xf32>
    %swap3A_63 = arith.constant 0 : index
    %swap3A_64 = arith.constant 0 : index
    %swap3A_65 = arith.constant 0 : index
    %swap3A_66 = vector.load %arg17[%swap3A_63, %swap3A_64, %swap3A_65] : memref<1x64x256xf32, #tpu.memory_space<vmem>>, vector<1x64x256xf32>
    %swap3A_67 = vector.shape_cast %swap3A_66 : vector<1x64x256xf32> to vector<64x256xf32>
    %swap3A_68 = vector.shape_cast %transpose3A : vector<64x256xf32> to vector<1x64x256xf32>
    tpu.vector_store %arg17[%swap3A_63, %swap3A_64, %swap3A_65], %swap3A_68 {strides = array<i32>} : memref<1x64x256xf32, #tpu.memory_space<vmem>>, vector<1x64x256xf32>,
    %iota3A = tpu.iota {dimensions = array<i32: 0>} : vector<256x64xi32>
    %mul3A_69 = arith.constant 256 : i32
    %mul3A_70 = arith.muli %arg0, %mul3A_69 : i32
    %add3A_71 = vector.broadcast %mul3A_70 : i32 to vector<256x64xi32>
    %add3A_72 = arith.addi %iota3A, %add3A_71 : vector<256x64xi32>
    %convert_element_type3A = arith.sitofp %add3A_72 : vector<256x64xi32> to vector<256x64xf32>
    %add3A_73 = arith.addf %convert_element_type3A, %add3A_52 : vector<256x64xf32>
    %jit3A = arith.constant 0.000000e+00 : f32
    %jit3A_74 = arith.constant 4.095000e+03 : f32
    %max3A = vector.broadcast %jit3A : f32 to vector<256x64xf32>
    %max3A_75 = arith.maximumf %max3A, %add3A_73 : vector<256x64xf32>
    %min3A = vector.broadcast %jit3A_74 : f32 to vector<256x64xf32>
    %min3A_76 = arith.minimumf %min3A, %max3A_75 : vector<256x64xf32>
    %convert_element_type3A_77 = arith.fptosi %min3A_76 : vector<256x64xf32> to vector<256x64xi32>
    %ge3A = arith.constant 2048 : i32
    %ge3A_78 = vector.broadcast %ge3A : i32 to vector<256x64xi32>
    %ge3A_79 = arith.cmpi sge, %convert_element_type3A_77, %ge3A_78 : vector<256x64xi32>
    %convert_element_type3A_80 = arith.extui %ge3A_79 : vector<256x64xi1> to vector<256x64xi32>
    %mul3A_81 = arith.constant 2048 : i32
    %mul3A_82 = vector.broadcast %mul3A_81 : i32 to vector<256x64xi32>
    %mul3A_83 = arith.muli %convert_element_type3A_80, %mul3A_82 : vector<256x64xi32>
    %sub3A_84 = arith.subi %convert_element_type3A_77, %mul3A_83 : vector<256x64xi32>
    %iota3A_85 = tpu.iota {dimensions = array<i32: 1>} : vector<256x64xi32>
    %jit3A_86 = arith.constant 16 : i32
    %eq3A = arith.constant 0 : i32
    %eq3A_87 = arith.cmpi eq, %jit3A_86, %eq3A : i32
    %jit3A_88 = arith.constant 1 : i32
    %select_n3A = arith.select %eq3A_87, %jit3A_88, %jit3A_86 : i32
    %rem3A = vector.broadcast %select_n3A : i32 to vector<256x64xi32>
    %rem3A_89 = arith.remsi %iota3A_85, %rem3A : vector<256x64xi32>
    %ne3A = arith.constant 0 : i32
    %ne3A_90 = vector.broadcast %ne3A : i32 to vector<256x64xi32>
    %ne3A_91 = arith.cmpi ne, %rem3A_89, %ne3A_90 : vector<256x64xi32>
    %lt3A = arith.constant 0 : i32
    %lt3A_92 = vector.broadcast %lt3A : i32 to vector<256x64xi32>
    %lt3A_93 = arith.cmpi slt, %rem3A_89, %lt3A_92 : vector<256x64xi32>
    %lt3A_94 = arith.constant 0 : i32
    %lt3A_95 = arith.cmpi slt, %select_n3A, %lt3A_94 : i32
    %ne3A_96 = vector.broadcast %lt3A_95 : i1 to vector<256x64xi1>
    %ne3A_97 = vector.broadcast %ne3A_96 : vector<256x64xi1> to vector<256x64xi1>
    %ne3A_98 = arith.xori %lt3A_93, %ne3A_97 : vector<256x64xi1>
    %and3A = arith.andi %ne3A_98, %ne3A_91 : vector<256x64xi1>
    %add3A_99 = vector.broadcast %select_n3A : i32 to vector<256x64xi32>
    %add3A_100 = arith.addi %rem3A_89, %add3A_99 : vector<256x64xi32>
    %select_n3A_101 = arith.select %and3A, %add3A_100, %rem3A_89 : vector<256x64xi1>, vector<256x64xi32>
    %mul3A_102 = arith.constant 2 : i32
    %mul3A_103 = vector.broadcast %mul3A_102 : i32 to vector<256x64xi32>
    %mul3A_104 = arith.muli %sub3A_84, %mul3A_103 : vector<256x64xi32>
    %add3A_105 = arith.addi %mul3A_104, %convert_element_type3A_80 : vector<256x64xi32>
    %mul3A_106 = arith.constant 16 : i32
    %mul3A_107 = vector.broadcast %mul3A_106 : i32 to vector<256x64xi32>
    %mul3A_108 = arith.muli %add3A_105, %mul3A_107 : vector<256x64xi32>
    %add3A_109 = arith.addi %mul3A_108, %select_n3A_101 : vector<256x64xi32>
    %swap3A_110 = arith.constant 0 : index
    %swap3A_111 = arith.constant 0 : index
    %swap3A_112 = arith.constant 0 : index
    %swap3A_113 = vector.load %arg18[%swap3A_110, %swap3A_111, %swap3A_112] : memref<1x256x64xi32, #tpu.memory_space<vmem>>, vector<1x256x64xi32>
    %swap3A_114 = vector.shape_cast %swap3A_113 : vector<1x256x64xi32> to vector<256x64xi32>
    %swap3A_115 = vector.shape_cast %add3A_109 : vector<256x64xi32> to vector<1x256x64xi32>
    tpu.vector_store %arg18[%swap3A_110, %swap3A_111, %swap3A_112], %swap3A_115 {strides = array<i32>} : memref<1x256x64xi32, #tpu.memory_space<vmem>>, vector<1x256x64xi32>,
    %reduce_sum3A_116 = arith.constant dense<0.000000e+00> : vector<256xf32>
    %reduce_sum3A_117 = vector.multi_reduction <add>, %get3A_3, %reduce_sum3A_116 [1] : vector<256x1024xf32> to vector<256xf32>
    %broadcast_in_dim3A_118 = vector.shape_cast %reduce_sum3A_117 : vector<256xf32> to vector<256x1xf32>
    %div3A_119 = arith.constant 1.024000e+03 : f32
    %div3A_120 = vector.broadcast %div3A_119 : f32 to vector<256x1xf32>
    %div3A_121 = arith.divf %broadcast_in_dim3A_118, %div3A_120 : vector<256x1xf32>
    %sub3A_122 = vector.broadcast %div3A_121 : vector<256x1xf32> to vector<256x1024xf32>
    %sub3A_123 = arith.subf %get3A_3, %sub3A_122 : vector<256x1024xf32>
    %integer_pow3A_124 = arith.mulf %sub3A_123, %sub3A_123 : vector<256x1024xf32>
    %reduce_sum3A_125 = arith.constant dense<0.000000e+00> : vector<256xf32>
    %reduce_sum3A_126 = vector.multi_reduction <add>, %integer_pow3A_124, %reduce_sum3A_125 [1] : vector<256x1024xf32> to vector<256xf32>
    %broadcast_in_dim3A_127 = vector.shape_cast %reduce_sum3A_126 : vector<256xf32> to vector<256x1xf32>
    %div3A_128 = arith.constant 1.024000e+03 : f32
    %div3A_129 = vector.broadcast %div3A_128 : f32 to vector<256x1xf32>
    %div3A_130 = arith.divf %broadcast_in_dim3A_127, %div3A_129 : vector<256x1xf32>
    %sub3A_131 = vector.broadcast %div3A_121 : vector<256x1xf32> to vector<256x1024xf32>
    %sub3A_132 = arith.subf %get3A_3, %sub3A_131 : vector<256x1024xf32>
    %add3A_133 = arith.constant 9.99999974E-6 : f32
    %add3A_134 = vector.broadcast %add3A_133 : f32 to vector<256x1xf32>
    %add3A_135 = arith.addf %div3A_130, %add3A_134 : vector<256x1xf32>
    %sqrt3A_136 = math.sqrt %add3A_135 : vector<256x1xf32>
    %div3A_137 = vector.broadcast %sqrt3A_136 : vector<256x1xf32> to vector<256x1024xf32>
    %div3A_138 = arith.divf %sub3A_132, %div3A_137 : vector<256x1024xf32>
    %reduce_sum3A_139 = arith.constant dense<0.000000e+00> : vector<256xf32>
    %reduce_sum3A_140 = vector.multi_reduction <add>, %get3A_8, %reduce_sum3A_139 [1] : vector<256x1024xf32> to vector<256xf32>
    %broadcast_in_dim3A_141 = vector.shape_cast %reduce_sum3A_140 : vector<256xf32> to vector<256x1xf32>
    %div3A_142 = arith.constant 1.024000e+03 : f32
    %div3A_143 = vector.broadcast %div3A_142 : f32 to vector<256x1xf32>
    %div3A_144 = arith.divf %broadcast_in_dim3A_141, %div3A_143 : vector<256x1xf32>
    %sub3A_145 = vector.broadcast %div3A_144 : vector<256x1xf32> to vector<256x1024xf32>
    %sub3A_146 = arith.subf %get3A_8, %sub3A_145 : vector<256x1024xf32>
    %integer_pow3A_147 = arith.mulf %sub3A_146, %sub3A_146 : vector<256x1024xf32>
    %reduce_sum3A_148 = arith.constant dense<0.000000e+00> : vector<256xf32>
    %reduce_sum3A_149 = vector.multi_reduction <add>, %integer_pow3A_147, %reduce_sum3A_148 [1] : vector<256x1024xf32> to vector<256xf32>
    %broadcast_in_dim3A_150 = vector.shape_cast %reduce_sum3A_149 : vector<256xf32> to vector<256x1xf32>
    %div3A_151 = arith.constant 1.024000e+03 : f32
    %div3A_152 = vector.broadcast %div3A_151 : f32 to vector<256x1xf32>
    %div3A_153 = arith.divf %broadcast_in_dim3A_150, %div3A_152 : vector<256x1xf32>
    %sub3A_154 = vector.broadcast %div3A_144 : vector<256x1xf32> to vector<256x1024xf32>
    %sub3A_155 = arith.subf %get3A_8, %sub3A_154 : vector<256x1024xf32>
    %add3A_156 = arith.constant 9.99999974E-6 : f32
    %add3A_157 = vector.broadcast %add3A_156 : f32 to vector<256x1xf32>
    %add3A_158 = arith.addf %div3A_153, %add3A_157 : vector<256x1xf32>
    %sqrt3A_159 = math.sqrt %add3A_158 : vector<256x1xf32>
    %div3A_160 = vector.broadcast %sqrt3A_159 : vector<256x1xf32> to vector<256x1024xf32>
    %div3A_161 = arith.divf %sub3A_155, %div3A_160 : vector<256x1024xf32>
    %get3A_162 = arith.constant 0 : index
    %get3A_163 = vector.load %arg5[%get3A_162] : memref<1024xf32, #tpu.memory_space<vmem>>, vector<1024xf32>
    %broadcast_in_dim3A_164 = vector.shape_cast %get3A_163 : vector<1024xf32> to vector<1x1024xf32>
    %get3A_165 = arith.constant 0 : index
    %get3A_166 = vector.load %arg6[%get3A_165] : memref<1024xf32, #tpu.memory_space<vmem>>, vector<1024xf32>
    %broadcast_in_dim3A_167 = vector.shape_cast %get3A_166 : vector<1024xf32> to vector<1x1024xf32>
    %get3A_168 = arith.constant 0 : index
    %get3A_169 = vector.load %arg7[%get3A_168] : memref<1024xf32, #tpu.memory_space<vmem>>, vector<1024xf32>
    %broadcast_in_dim3A_170 = vector.shape_cast %get3A_169 : vector<1024xf32> to vector<1x1024xf32>
    %get3A_171 = arith.constant 0 : index
    %get3A_172 = vector.load %arg8[%get3A_171] : memref<1024xf32, #tpu.memory_space<vmem>>, vector<1024xf32>
    %broadcast_in_dim3A_173 = vector.shape_cast %get3A_172 : vector<1024xf32> to vector<1x1024xf32>
    %mul3A_174 = vector.broadcast %broadcast_in_dim3A_164 : vector<1x1024xf32> to vector<256x1024xf32>
    %mul3A_175 = arith.mulf %div3A_138, %mul3A_174 : vector<256x1024xf32>
    %add3A_176 = vector.broadcast %broadcast_in_dim3A_167 : vector<1x1024xf32> to vector<256x1024xf32>
    %add3A_177 = arith.addf %mul3A_175, %add3A_176 : vector<256x1024xf32>
    %get3A_178 = arith.constant 0 : index
    %get3A_179 = arith.constant 0 : index
    %get3A_180 = vector.load %arg10[%get3A_178, %get3A_179] : memref<1024x1024xf32, #tpu.memory_space<vmem>>, vector<1024x1024xf32>
    %dot_general3A_181 = arith.constant dense<0.000000e+00> : vector<256x1024xf32>
    %dot_general3A_182 = tpu.matmul %add3A_177, %get3A_180, %dot_general3A_181 {dimension_numbers = #tpu.dot_dimension_numbers<[1], [1], [0], [0], [0, 0, 1, 0], [], []>, transpose_lhs_hint = false} : vector<256x1024xf32>, vector<1024x1024xf32>, vector<256x1024xf32> -> vector<256x1024xf32>
    %mul3A_183 = vector.broadcast %broadcast_in_dim3A_164 : vector<1x1024xf32> to vector<256x1024xf32>
    %mul3A_184 = arith.mulf %div3A_161, %mul3A_183 : vector<256x1024xf32>
    %add3A_185 = vector.broadcast %broadcast_in_dim3A_167 : vector<1x1024xf32> to vector<256x1024xf32>
    %add3A_186 = arith.addf %mul3A_184, %add3A_185 : vector<256x1024xf32>
    %get3A_187 = arith.constant 0 : index
    %get3A_188 = arith.constant 0 : index
    %get3A_189 = vector.load %arg10[%get3A_187, %get3A_188] : memref<1024x1024xf32, #tpu.memory_space<vmem>>, vector<1024x1024xf32>
    %dot_general3A_190 = arith.constant dense<0.000000e+00> : vector<256x1024xf32>
    %dot_general3A_191 = tpu.matmul %add3A_186, %get3A_189, %dot_general3A_190 {dimension_numbers = #tpu.dot_dimension_numbers<[1], [1], [0], [0], [0, 0, 1, 0], [], []>, transpose_lhs_hint = false} : vector<256x1024xf32>, vector<1024x1024xf32>, vector<256x1024xf32> -> vector<256x1024xf32>
    %reshape3A = vector.shape_cast %dot_general3A_182 : vector<256x1024xf32> to vector<256x8x128xf32>
    %broadcast_in_dim3A_192 = vector.shape_cast %reshape3A : vector<256x8x128xf32> to vector<256x1x8x128xf32>
    %reshape3A_193 = vector.shape_cast %dot_general3A_191 : vector<256x1024xf32> to vector<256x8x128xf32>
    %broadcast_in_dim3A_194 = vector.shape_cast %reshape3A_193 : vector<256x8x128xf32> to vector<256x1x8x128xf32>
    %concatenate3A_195 = tpu.concatenate %broadcast_in_dim3A_192, %broadcast_in_dim3A_194 in 1 : vector<256x1x8x128xf32>, vector<256x1x8x128xf32> -> vector<256x2x8x128xf32>
    %reshape3A_196 = vector.shape_cast %concatenate3A_195 : vector<256x2x8x128xf32> to vector<256x16x128xf32>
    %swap3A_197 = arith.constant 0 : index
    %swap3A_198 = arith.constant 0 : index
    %swap3A_199 = arith.constant 0 : index
    %swap3A_200 = arith.constant 0 : index
    %swap3A_201 = vector.load %arg19[%swap3A_197, %swap3A_198, %swap3A_199, %swap3A_200] : memref<1x256x16x128xf32, #tpu.memory_space<vmem>>, vector<1x256x16x128xf32>
    %swap3A_202 = vector.shape_cast %swap3A_201 : vector<1x256x16x128xf32> to vector<256x16x128xf32>
    %swap3A_203 = vector.shape_cast %reshape3A_196 : vector<256x16x128xf32> to vector<1x256x16x128xf32>
    tpu.vector_store %arg19[%swap3A_197, %swap3A_198, %swap3A_199, %swap3A_200], %swap3A_203 {strides = array<i32>} : memref<1x256x16x128xf32, #tpu.memory_space<vmem>>, vector<1x256x16x128xf32>,
    %mul3A_204 = vector.broadcast %broadcast_in_dim3A_170 : vector<1x1024xf32> to vector<256x1024xf32>
    %mul3A_205 = arith.mulf %div3A_138, %mul3A_204 : vector<256x1024xf32>
    %add3A_206 = vector.broadcast %broadcast_in_dim3A_173 : vector<1x1024xf32> to vector<256x1024xf32>
    %add3A_207 = arith.addf %mul3A_205, %add3A_206 : vector<256x1024xf32>
    %get3A_208 = arith.constant 0 : index
    %get3A_209 = arith.constant 0 : index
    %get3A_210 = vector.load %arg11[%get3A_208, %get3A_209] : memref<1024x1024xf32, #tpu.memory_space<vmem>>, vector<1024x1024xf32>
    %dot_general3A_211 = arith.constant dense<0.000000e+00> : vector<256x1024xf32>
    %dot_general3A_212 = tpu.matmul %add3A_207, %get3A_210, %dot_general3A_211 {dimension_numbers = #tpu.dot_dimension_numbers<[1], [1], [0], [0], [0, 0, 1, 0], [], []>, transpose_lhs_hint = false} : vector<256x1024xf32>, vector<1024x1024xf32>, vector<256x1024xf32> -> vector<256x1024xf32>
    %mul3A_213 = vector.broadcast %broadcast_in_dim3A_170 : vector<1x1024xf32> to vector<256x1024xf32>
    %mul3A_214 = arith.mulf %div3A_161, %mul3A_213 : vector<256x1024xf32>
    %add3A_215 = vector.broadcast %broadcast_in_dim3A_173 : vector<1x1024xf32> to vector<256x1024xf32>
    %add3A_216 = arith.addf %mul3A_214, %add3A_215 : vector<256x1024xf32>
    %get3A_217 = arith.constant 0 : index
    %get3A_218 = arith.constant 0 : index
    %get3A_219 = vector.load %arg11[%get3A_217, %get3A_218] : memref<1024x1024xf32, #tpu.memory_space<vmem>>, vector<1024x1024xf32>
    %dot_general3A_220 = arith.constant dense<0.000000e+00> : vector<256x1024xf32>
    %dot_general3A_221 = tpu.matmul %add3A_216, %get3A_219, %dot_general3A_220 {dimension_numbers = #tpu.dot_dimension_numbers<[1], [1], [0], [0], [0, 0, 1, 0], [], []>, transpose_lhs_hint = false} : vector<256x1024xf32>, vector<1024x1024xf32>, vector<256x1024xf32> -> vector<256x1024xf32>
    %reshape3A_222 = vector.shape_cast %dot_general3A_212 : vector<256x1024xf32> to vector<256x8x128xf32>
    %broadcast_in_dim3A_223 = vector.shape_cast %reshape3A_222 : vector<256x8x128xf32> to vector<256x1x8x128xf32>
    %reshape3A_224 = vector.shape_cast %dot_general3A_221 : vector<256x1024xf32> to vector<256x8x128xf32>
    %broadcast_in_dim3A_225 = vector.shape_cast %reshape3A_224 : vector<256x8x128xf32> to vector<256x1x8x128xf32>
    %concatenate3A_226 = tpu.concatenate %broadcast_in_dim3A_223, %broadcast_in_dim3A_225 in 1 : vector<256x1x8x128xf32>, vector<256x1x8x128xf32> -> vector<256x2x8x128xf32>
    %reshape3A_227 = vector.shape_cast %concatenate3A_226 : vector<256x2x8x128xf32> to vector<256x16x128xf32>
    %swap3A_228 = arith.constant 0 : index
    %swap3A_229 = arith.constant 0 : index
    %swap3A_230 = arith.constant 0 : index
    %swap3A_231 = arith.constant 0 : index
    %swap3A_232 = vector.load %arg20[%swap3A_228, %swap3A_229, %swap3A_230, %swap3A_231] : memref<1x256x16x128xf32, #tpu.memory_space<vmem>>, vector<1x256x16x128xf32>
    %swap3A_233 = vector.shape_cast %swap3A_232 : vector<1x256x16x128xf32> to vector<256x16x128xf32>
    %swap3A_234 = vector.shape_cast %reshape3A_227 : vector<256x16x128xf32> to vector<1x256x16x128xf32>
    tpu.vector_store %arg20[%swap3A_228, %swap3A_229, %swap3A_230, %swap3A_231], %swap3A_234 {strides = array<i32>} : memref<1x256x16x128xf32, #tpu.memory_space<vmem>>, vector<1x256x16x128xf32>,
    return
  }
  func.func @transform_0(%arg0: i32) -> (i32, i32, i32) {
    %c1_i32 = arith.constant 1 : i32
    %c0_i32 = arith.constant 0 : i32
    %c0_i32_0 = arith.constant 0 : i32
    return %c1_i32, %arg0, %c0_i32 : i32, i32, i32
  }
  func.func @transform_1(%arg0: i32) -> (i32, i32, i32) {
    %c1_i32 = arith.constant 1 : i32
    %c0_i32 = arith.constant 0 : i32
    %c0_i32_0 = arith.constant 0 : i32
    return %c1_i32, %arg0, %c0_i32 : i32, i32, i32
  }
  func.func @transform_2(%arg0: i32) -> i32 {
    %c0_i32 = arith.constant 0 : i32
    %c0_i32_0 = arith.constant 0 : i32
    return %c0_i32 : i32
  }
  func.func @transform_3(%arg0: i32) -> i32 {
    %c0_i32 = arith.constant 0 : i32
    %c0_i32_0 = arith.constant 0 : i32
    return %c0_i32 : i32
  }
  func.func @transform_4(%arg0: i32) -> i32 {
    %c0_i32 = arith.constant 0 : i32
    %c0_i32_0 = arith.constant 0 : i32
    return %c0_i32 : i32
  }
  func.func @transform_5(%arg0: i32) -> i32 {
    %c0_i32 = arith.constant 0 : i32
    %c0_i32_0 = arith.constant 0 : i32
    return %c0_i32 : i32
  }
  func.func @transform_6(%arg0: i32) -> i32 {
    %c0_i32 = arith.constant 0 : i32
    %c0_i32_0 = arith.constant 0 : i32
    return %c0_i32 : i32
  }
  func.func @transform_7(%arg0: i32) -> i32 {
    %c0_i32 = arith.constant 0 : i32
    %c0_i32_0 = arith.constant 0 : i32
    return %c0_i32 : i32
  }
  func.func @transform_8(%arg0: i32) -> (i32, i32) {
    %c0_i32 = arith.constant 0 : i32
    %c0_i32_0 = arith.constant 0 : i32
    %c0_i32_1 = arith.constant 0 : i32
    return %c0_i32, %c0_i32_0 : i32, i32
  }
  func.func @transform_9(%arg0: i32) -> (i32, i32) {
    %c0_i32 = arith.constant 0 : i32
    %c0_i32_0 = arith.constant 0 : i32
    %c0_i32_1 = arith.constant 0 : i32
    return %c0_i32, %c0_i32_0 : i32, i32
  }
  func.func @transform_10(%arg0: i32) -> (i32, i32) {
    %c0_i32 = arith.constant 0 : i32
    %c0_i32_0 = arith.constant 0 : i32
    %c0_i32_1 = arith.constant 0 : i32
    return %c0_i32, %c0_i32_0 : i32, i32
  }
  func.func @transform_11(%arg0: i32) -> (i32, i32) {
    %c0_i32 = arith.constant 0 : i32
    %c0_i32_0 = arith.constant 0 : i32
    %c0_i32_1 = arith.constant 0 : i32
    return %c0_i32, %c0_i32_0 : i32, i32
  }
  func.func @transform_12(%arg0: i32) -> i32 {
    %c0_i32 = arith.constant 0 : i32
    %c0_i32_0 = arith.constant 0 : i32
    return %c0_i32 : i32
  }
  func.func @transform_13(%arg0: i32) -> (i32, i32) {
    %c0_i32 = arith.constant 0 : i32
    %c0_i32_0 = arith.constant 0 : i32
    %c0_i32_1 = arith.constant 0 : i32
    return %c0_i32, %c0_i32_0 : i32, i32
  }
  func.func @transform_14(%arg0: i32) -> i32 {
    %c0_i32 = arith.constant 0 : i32
    %c0_i32_0 = arith.constant 0 : i32
    return %c0_i32 : i32
  }
  func.func @transform_15(%arg0: i32) -> (i32, i32, i32) {
    %c0_i32 = arith.constant 0 : i32
    %c0_i32_0 = arith.constant 0 : i32
    %c0_i32_1 = arith.constant 0 : i32
    return %c0_i32, %arg0, %c0_i32_0 : i32, i32, i32
  }
  func.func @transform_16(%arg0: i32) -> (i32, i32, i32) {
    %c0_i32 = arith.constant 0 : i32
    %c0_i32_0 = arith.constant 0 : i32
    %c0_i32_1 = arith.constant 0 : i32
    return %c0_i32, %c0_i32_0, %arg0 : i32, i32, i32
  }
  func.func @transform_17(%arg0: i32) -> (i32, i32, i32) {
    %c0_i32 = arith.constant 0 : i32
    %c0_i32_0 = arith.constant 0 : i32
    %c0_i32_1 = arith.constant 0 : i32
    return %c0_i32, %arg0, %c0_i32_0 : i32, i32, i32
  }
  func.func @transform_18(%arg0: i32) -> (i32, i32, i32, i32) {
    %c0_i32 = arith.constant 0 : i32
    %c0_i32_0 = arith.constant 0 : i32
    %c0_i32_1 = arith.constant 0 : i32
    %c0_i32_2 = arith.constant 0 : i32
    return %c0_i32, %arg0, %c0_i32_0, %c0_i32_1 : i32, i32, i32, i32
  }
  func.func @transform_19(%arg0: i32) -> (i32, i32, i32, i32) {
    %c0_i32 = arith.constant 0 : i32
    %c0_i32_0 = arith.constant 0 : i32
    %c0_i32_1 = arith.constant 0 : i32
    %c0_i32_2 = arith.constant 0 : i32
    return %c0_i32, %arg0, %c0_i32_0, %c0_i32_1 : i32, i32, i32, i32
  }
}

module attributes {stable_mosaic.version = 14 : i64} {
  func.func @_attn_body(%arg0: i32, %arg1: memref<1x256x1024xf32, #tpu.memory_space<vmem>>, %arg2: memref<1x8192x128xf32, #tpu.memory_space<vmem>>, %arg3: memref<1x8192x128xf32, #tpu.memory_space<vmem>>, %arg4: memref<1024x1024xf32, #tpu.memory_space<vmem>>, %arg5: memref<1024xf32, #tpu.memory_space<vmem>>, %arg6: memref<1x256x1024xf32, #tpu.memory_space<vmem>>) attributes {dimension_semantics = [#tpu.dimension_semantics<arbitrary>], iteration_bounds = array<i64: 8>, scalar_prefetch = 0 : i64, scratch_operands = 0 : i64, tpu.core_type = #tpu.core_type<tc>, window_params = [{transform_indices = @transform_0, window_bounds = array<i64: 1, 256, 1024>}, {transform_indices = @transform_1, window_bounds = array<i64: 1, 8192, 128>}, {transform_indices = @transform_2, window_bounds = array<i64: 1, 8192, 128>}, {pipeline_mode = #tpu.pipeline_mode<synchronous>, transform_indices = @transform_3, window_bounds = array<i64: 1024, 1024>}, {pipeline_mode = #tpu.pipeline_mode<synchronous>, transform_indices = @transform_4, window_bounds = array<i64: 1024>}, {transform_indices = @transform_5, window_bounds = array<i64: 1, 256, 1024>}]} {
    %get3A = arith.constant 0 : index
    %get3A_0 = arith.constant 0 : index
    %get3A_1 = arith.constant 0 : index
    %get3A_2 = vector.load %arg1[%get3A, %get3A_0, %get3A_1] : memref<1x256x1024xf32, #tpu.memory_space<vmem>>, vector<1x256x1024xf32>
    %get3A_3 = vector.shape_cast %get3A_2 : vector<1x256x1024xf32> to vector<256x1024xf32>
    %get3A_4 = arith.constant 0 : index
    %get3A_5 = arith.constant 0 : index
    %get3A_6 = arith.constant 0 : index
    %get3A_7 = vector.load %arg2[%get3A_4, %get3A_5, %get3A_6] : memref<1x8192x128xf32, #tpu.memory_space<vmem>>, vector<1x8192x128xf32>
    %get3A_8 = vector.shape_cast %get3A_7 : vector<1x8192x128xf32> to vector<8192x128xf32>
    %reshape3A = vector.shape_cast %get3A_8 : vector<8192x128xf32> to vector<1024x8x128xf32>
    %reshape3A_9 = vector.shape_cast %reshape3A : vector<1024x8x128xf32> to vector<1024x1024xf32>
    %reshape3A_10 = vector.shape_cast %reshape3A_9 : vector<1024x1024xf32> to vector<256x4x1024xf32>
    %get3A_11 = arith.constant 0 : index
    %get3A_12 = arith.constant 0 : index
    %get3A_13 = arith.constant 0 : index
    %get3A_14 = vector.load %arg3[%get3A_11, %get3A_12, %get3A_13] : memref<1x8192x128xf32, #tpu.memory_space<vmem>>, vector<1x8192x128xf32>
    %get3A_15 = vector.shape_cast %get3A_14 : vector<1x8192x128xf32> to vector<8192x128xf32>
    %reshape3A_16 = vector.shape_cast %get3A_15 : vector<8192x128xf32> to vector<1024x8x128xf32>
    %reshape3A_17 = vector.shape_cast %reshape3A_16 : vector<1024x8x128xf32> to vector<1024x1024xf32>
    %reshape3A_18 = vector.shape_cast %reshape3A_17 : vector<1024x1024xf32> to vector<256x4x1024xf32>
    %iota3A = tpu.iota {dimensions = array<i32: 0>} : vector<1024x16xi32>
    %jit3A = arith.constant 64 : i32
    %div3A = vector.broadcast %jit3A : i32 to vector<1024x16xi32>
    %div3A_19 = arith.divsi %iota3A, %div3A : vector<1024x16xi32>
    %sign3A = arith.constant 0 : i32
    %sign3A_20 = vector.broadcast %sign3A : i32 to vector<1024x16xi32>
    %sign3A_21 = arith.cmpi sgt, %iota3A, %sign3A_20 : vector<1024x16xi32>
    %sign3A_22 = arith.extui %sign3A_21 : vector<1024x16xi1> to vector<1024x16xi32>
    %sign3A_23 = arith.constant 0 : i32
    %sign3A_24 = vector.broadcast %sign3A_23 : i32 to vector<1024x16xi32>
    %sign3A_25 = arith.cmpi slt, %iota3A, %sign3A_24 : vector<1024x16xi32>
    %sign3A_26 = arith.extui %sign3A_25 : vector<1024x16xi1> to vector<1024x16xi32>
    %sign3A_27 = arith.subi %sign3A_22, %sign3A_26 : vector<1024x16xi32>
    %sign3A_28 = arith.constant 0 : i32
    %sign3A_29 = arith.cmpi sgt, %jit3A, %sign3A_28 : i32
    %sign3A_30 = arith.extui %sign3A_29 : i1 to i32
    %sign3A_31 = arith.constant 0 : i32
    %sign3A_32 = arith.cmpi slt, %jit3A, %sign3A_31 : i32
    %sign3A_33 = arith.extui %sign3A_32 : i1 to i32
    %sign3A_34 = arith.subi %sign3A_30, %sign3A_33 : i32
    %ne3A = vector.broadcast %sign3A_34 : i32 to vector<1024x16xi32>
    %ne3A_35 = arith.cmpi ne, %sign3A_27, %ne3A : vector<1024x16xi32>
    %rem3A = vector.broadcast %jit3A : i32 to vector<1024x16xi32>
    %rem3A_36 = arith.remsi %iota3A, %rem3A : vector<1024x16xi32>
    %ne3A_37 = arith.constant 0 : i32
    %ne3A_38 = vector.broadcast %ne3A_37 : i32 to vector<1024x16xi32>
    %ne3A_39 = arith.cmpi ne, %rem3A_36, %ne3A_38 : vector<1024x16xi32>
    %and3A = arith.andi %ne3A_35, %ne3A_39 : vector<1024x16xi1>
    %sub3A = arith.constant 1 : i32
    %sub3A_40 = vector.broadcast %sub3A : i32 to vector<1024x16xi32>
    %sub3A_41 = arith.subi %div3A_19, %sub3A_40 : vector<1024x16xi32>
    %select_n3A = arith.select %and3A, %sub3A_41, %div3A_19 : vector<1024x16xi1>, vector<1024x16xi32>
    %iota3A_42 = tpu.iota {dimensions = array<i32: 1>} : vector<1024x16xi32>
    %eq3A = arith.cmpi eq, %select_n3A, %iota3A_42 : vector<1024x16xi32>
    %convert_element_type3A = arith.extui %eq3A : vector<1024x16xi1> to vector<1024x16xi32>
    %convert_element_type3A_43 = arith.sitofp %convert_element_type3A : vector<1024x16xi32> to vector<1024x16xf32>
    %broadcast_in_dim3A = vector.shape_cast %get3A_3 : vector<256x1024xf32> to vector<256x1x1024xf32>
    %mul3A = vector.broadcast %broadcast_in_dim3A : vector<256x1x1024xf32> to vector<256x4x1024xf32>
    %mul3A_44 = arith.mulf %mul3A, %reshape3A_10 : vector<256x4x1024xf32>
    %reshape3A_45 = vector.shape_cast %mul3A_44 : vector<256x4x1024xf32> to vector<1024x1024xf32>
    %dot_general3A = arith.constant dense<0.000000e+00> : vector<1024x16xf32>
    %dot_general3A_46 = tpu.matmul %reshape3A_45, %convert_element_type3A_43, %dot_general3A {dimension_numbers = #tpu.dot_dimension_numbers<[1], [0], [0], [1], [0, 0, 1, 1], [], []>, transpose_lhs_hint = false} : vector<1024x1024xf32>, vector<1024x16xf32>, vector<1024x16xf32> -> vector<1024x16xf32>
    %mul3A_47 = arith.constant 1.250000e-01 : f32
    %mul3A_48 = vector.broadcast %mul3A_47 : f32 to vector<1024x16xf32>
    %mul3A_49 = arith.mulf %dot_general3A_46, %mul3A_48 : vector<1024x16xf32>
    %reshape3A_50 = vector.shape_cast %mul3A_49 : vector<1024x16xf32> to vector<256x4x16xf32>
    %reduce_max3A = arith.constant dense<0xFF800000> : vector<256x16xf32>
    %reduce_max3A_51 = vector.multi_reduction <maximumf>, %reshape3A_50, %reduce_max3A [1] : vector<256x4x16xf32> to vector<256x16xf32>
    %broadcast_in_dim3A_52 = vector.shape_cast %reduce_max3A_51 : vector<256x16xf32> to vector<256x1x16xf32>
    %sub3A_53 = vector.broadcast %broadcast_in_dim3A_52 : vector<256x1x16xf32> to vector<256x4x16xf32>
    %sub3A_54 = arith.subf %reshape3A_50, %sub3A_53 : vector<256x4x16xf32>
    %exp3A = math.exp %sub3A_54 : vector<256x4x16xf32>
    %reduce_sum3A = arith.constant dense<0.000000e+00> : vector<256x16xf32>
    %reduce_sum3A_55 = vector.multi_reduction <add>, %exp3A, %reduce_sum3A [1] : vector<256x4x16xf32> to vector<256x16xf32>
    %broadcast_in_dim3A_56 = vector.shape_cast %reduce_sum3A_55 : vector<256x16xf32> to vector<256x1x16xf32>
    %div3A_57 = vector.broadcast %broadcast_in_dim3A_56 : vector<256x1x16xf32> to vector<256x4x16xf32>
    %div3A_58 = arith.divf %exp3A, %div3A_57 : vector<256x4x16xf32>
    %reshape3A_59 = vector.shape_cast %div3A_58 : vector<256x4x16xf32> to vector<1024x16xf32>
    %dot_general3A_60 = arith.constant dense<0.000000e+00> : vector<1024x1024xf32>
    %dot_general3A_61 = tpu.matmul %reshape3A_59, %convert_element_type3A_43, %dot_general3A_60 {dimension_numbers = #tpu.dot_dimension_numbers<[1], [1], [0], [0], [0, 0, 1, 0], [], []>, transpose_lhs_hint = false} : vector<1024x16xf32>, vector<1024x16xf32>, vector<1024x1024xf32> -> vector<1024x1024xf32>
    %reshape3A_62 = vector.shape_cast %dot_general3A_61 : vector<1024x1024xf32> to vector<256x4x1024xf32>
    %mul3A_63 = arith.mulf %reshape3A_62, %reshape3A_18 : vector<256x4x1024xf32>
    %reduce_sum3A_64 = arith.constant dense<0.000000e+00> : vector<256x1024xf32>
    %reduce_sum3A_65 = vector.multi_reduction <add>, %mul3A_63, %reduce_sum3A_64 [1] : vector<256x4x1024xf32> to vector<256x1024xf32>
    %get3A_66 = arith.constant 0 : index
    %get3A_67 = arith.constant 0 : index
    %get3A_68 = vector.load %arg4[%get3A_66, %get3A_67] : memref<1024x1024xf32, #tpu.memory_space<vmem>>, vector<1024x1024xf32>
    %dot_general3A_69 = arith.constant dense<0.000000e+00> : vector<256x1024xf32>
    %dot_general3A_70 = tpu.matmul %reduce_sum3A_65, %get3A_68, %dot_general3A_69 {dimension_numbers = #tpu.dot_dimension_numbers<[1], [1], [0], [0], [0, 0, 1, 0], [], []>, transpose_lhs_hint = false} : vector<256x1024xf32>, vector<1024x1024xf32>, vector<256x1024xf32> -> vector<256x1024xf32>
    %get3A_71 = arith.constant 0 : index
    %get3A_72 = vector.load %arg5[%get3A_71] : memref<1024xf32, #tpu.memory_space<vmem>>, vector<1024xf32>
    %broadcast_in_dim3A_73 = vector.shape_cast %get3A_72 : vector<1024xf32> to vector<1x1024xf32>
    %add3A = vector.broadcast %broadcast_in_dim3A_73 : vector<1x1024xf32> to vector<256x1024xf32>
    %add3A_74 = arith.addf %dot_general3A_70, %add3A : vector<256x1024xf32>
    %swap3A = arith.constant 0 : index
    %swap3A_75 = arith.constant 0 : index
    %swap3A_76 = arith.constant 0 : index
    %swap3A_77 = vector.load %arg6[%swap3A, %swap3A_75, %swap3A_76] : memref<1x256x1024xf32, #tpu.memory_space<vmem>>, vector<1x256x1024xf32>
    %swap3A_78 = vector.shape_cast %swap3A_77 : vector<1x256x1024xf32> to vector<256x1024xf32>
    %swap3A_79 = vector.shape_cast %add3A_74 : vector<256x1024xf32> to vector<1x256x1024xf32>
    tpu.vector_store %arg6[%swap3A, %swap3A_75, %swap3A_76], %swap3A_79 {strides = array<i32>} : memref<1x256x1024xf32, #tpu.memory_space<vmem>>, vector<1x256x1024xf32>,
    return
  }
  func.func @transform_0(%arg0: i32) -> (i32, i32, i32) {
    %c0_i32 = arith.constant 0 : i32
    %c0_i32_0 = arith.constant 0 : i32
    %c0_i32_1 = arith.constant 0 : i32
    return %c0_i32, %arg0, %c0_i32_0 : i32, i32, i32
  }
  func.func @transform_1(%arg0: i32) -> (i32, i32, i32) {
    %c0_i32 = arith.constant 0 : i32
    %c0_i32_0 = arith.constant 0 : i32
    %c0_i32_1 = arith.constant 0 : i32
    return %c0_i32, %arg0, %c0_i32_0 : i32, i32, i32
  }
  func.func @transform_2(%arg0: i32) -> (i32, i32, i32) {
    %c0_i32 = arith.constant 0 : i32
    %c0_i32_0 = arith.constant 0 : i32
    %c0_i32_1 = arith.constant 0 : i32
    return %c0_i32, %arg0, %c0_i32_0 : i32, i32, i32
  }
  func.func @transform_3(%arg0: i32) -> (i32, i32) {
    %c0_i32 = arith.constant 0 : i32
    %c0_i32_0 = arith.constant 0 : i32
    %c0_i32_1 = arith.constant 0 : i32
    return %c0_i32, %c0_i32_0 : i32, i32
  }
  func.func @transform_4(%arg0: i32) -> i32 {
    %c0_i32 = arith.constant 0 : i32
    %c0_i32_0 = arith.constant 0 : i32
    return %c0_i32 : i32
  }
  func.func @transform_5(%arg0: i32) -> (i32, i32, i32) {
    %c0_i32 = arith.constant 0 : i32
    %c0_i32_0 = arith.constant 0 : i32
    %c0_i32_1 = arith.constant 0 : i32
    return %c0_i32, %arg0, %c0_i32_0 : i32, i32, i32
  }
}

</mosaic_0001>

<sc_bundles>
// kernel: kernel.11.cloned.1.call-start
scs
__scs_entry_jumppad:
0x0: {  	(pc) =	sbr.rel $0x88, $3  }
0x1: {  	(tag) =	ssettag $0x0;
	lr =	simm.s32 $0x1  }
0x2: {  	[smem:$0x3F92] =	sst lr;
	_ =	strace $0xD0000000  }
0x3: {  	_ = 	snop  }
0x4: {  	_ = 	snop  }
0x5: {  	_ = 	snop  }
0x6: {  	_ = 	snop  }
0x7: {  	_ = 	snop  }
__scs_overlays_trampoline_lowered:
0x8: {  	[smem:$0x3FA1] =	sst s0  }
0x9: {  	[smem:$0x3FA2] =	sst s1  }
0xa: {  	[smem:$0x3FA3] =	sst s2  }
0xb: {  	[smem:$0x3FA4] =	sst s3  }
0xc: {  	[smem:$0x3FA5] =	sst s4  }
0xd: {  	[smem:$0x3FA6] =	sst s5  }
0xe: {  	[smem:$0x3FA7] =	sst s6  }
0xf: {  	[smem:$0x3FA8] =	sst s7  }
0x10: {  	[smem:$0x3FA9] =	sst s8  }
0x11: {  	[smem:$0x3FAA] =	sst s9;
	s0 =	simm.s32 @!p0 $0x0  }
0x12: {  	s1 =	sld [smem:$0x3F90];
	s0 =	simm.s32 @p0 $0x1  }
0x13: {  	[smem:$0x3FAB] =	sst s0;
	s0 =	simm.s32 @!p1 $0x0  }
0x14: {  	s2 =	sld [smem:$0x3F8F];
	s0 =	simm.s32 @p1 $0x1  }
0x15: {  	[smem:$0x3FAC] =	sst s0;
	s0 =	simm.s32 @!p2 $0x0  }
0x16: {  	s3 =	sld [smem:$0x3FDB];
	s0 =	simm.s32 @p2 $0x1  }
0x17: {  	s4 =	simm.s32 $0x1BF5;
	[smem:$0x3FAE] =	sst s0  }
0x18: {  	s0 =	sld [smem:$0x3F91];
	_ =	swait.ge [sflag:s4], $0x0  }
0x19: {  	s7 =	sld [smem:$0x3F92]  }
0x1a: {  	s8 =	sadd.s32 $0xFFFFE003, lr  }
0x1b: {  	s9 =	sadd.s32 $0xFFFFFEF7, lr;
	s5 =	simm.s32 $0xFFFFFFFF;
	p2 =	slt.u32 s8, $0xFFFFF086  }
0x1c: {  	p1 =	slt.u32 s9, $0xF7A;
	s5 =	simm.s32 @!p2 $0x0  }
0x1d: {  	s5 =	simm.s32 @p1 $0x1;
	p0 =	seq.s32 s7, s2  }
0x1e: {  	s7 =	smul.u32 @!p0 $0xF7A, s2;
	p2 =	seq.s32 @!p0 s5, $0x0  }
0x1f: {  	s9 =	smul.u32 $0xF7A, s1;
	s8 =	simm.s32 @!p0 $0x1BF5;
	p2 =	por !p2, p0  }
0x20: {  	[sflag:s8] =	ssyncset.s32 @!p0 $0xFFFFF086;
	s6 =	sadd.s32 @!p0 s3, s7;
	s7 =	simm.s32 @!p0 $0x108  }
0x21: {  	s3 =	sadd.s32 s3, s9;
	s6 =	sadd.s32 @!p0 $0x88, s6;
	s7 =	simm.s32 @p2 $0x1082  }
0x22: {  	[simem:s7], [sflag:s8] =	dma.local @!p0 [hbm:s6], $0xF7A  }
0x23: {  	s9 =	sor.u32 $0xD0000000, s2;
	s6 =	simm.s32 $0x108;
	_ =	swait.ge @!p0 [sflag:s8], $0x0  }
0x24: {  	s3 =	sadd.s32 $0x88, s3;
	s6 =	simm.s32 @!p1 $0x1082;
	[sflag:s4] =	ssyncset.s32 $0xFFFFF086  }
0x25: {  	[simem:s6], [sflag:s4] =	dma.local [hbm:s3], $0xF7A  }
0x26: {  	[smem:$0x3F92] =	sst s1;
	(tag) =	ssettag s2;
	_ =	strace s9  }
0x27: {  	s1 =	sld [smem:$0x3FA2]  }
0x28: {  	s2 =	sld [smem:$0x3FA3]  }
0x29: {  	s4 =	sld [smem:$0x3FA5]  }
0x2a: {  	p0 =	seq.s32 s5, $0x0;
	s5 =	sld [smem:$0x3FA6]  }
0x2b: {  	s6 =	sld [smem:$0x3FA7]  }
0x2c: {  	s7 =	sld [smem:$0x3FA8]  }
0x2d: {  	s3 =	simm.s32 $0x108;
	s8 =	sld [smem:$0x3FA9]  }
0x2e: {  	s3 =	simm.s32 @!p0 $0x1082;
	s9 =	sld [smem:$0x3FAA]  }
0x2f: {  	lr =	sadd.s32 s0, s3;
	s0 =	sld [smem:$0x3FA1]  }
0x30: {  	s3 =	sld [smem:$0x3FA4]  }
0x31: {  	[smem:$0x3FAD] =	sst s10  }
0x32: {  	s10 =	sld [smem:$0x3FAB];
	_ =	sdelay $0x3  }
0x33: {  	p0 =	seq.s32 s10, $0x1;
	s10 =	sld [smem:$0x3FAD];
	_ =	sdelay $0x3  }
0x34: {  	[smem:$0x3FAD] =	sst s10  }
0x35: {  	s10 =	sld [smem:$0x3FAC];
	_ =	sdelay $0x3  }
0x36: {  	p1 =	seq.s32 s10, $0x1;
	s10 =	sld [smem:$0x3FAD];
	_ =	sdelay $0x3  }
0x37: {  	[smem:$0x3FAD] =	sst s10  }
0x38: {  	s10 =	sld [smem:$0x3FAE]  }
0x39: {  	_ = 	snop;
	(pc) =	sbr.ind lr, $3  }
0x3a: {  	_ = 	snop  }
0x3b: {  	_ = 	snop  }
0x3c: {  	p2 =	seq.s32 s10, $0x1;
	s10 =	sld [smem:$0x3FAD]  }
0x3d: {  	_ =	shalt  }
0x3e: {  	_ =	shalt  }
0x3f: {  	_ =	shalt  }
0x40: {  	_ =	shalt  }
0x41: {  	_ =	shalt  }
0x42: {  	_ =	shalt  }
0x43: {  	_ =	shalt  }
0x44: {  	_ =	shalt  }
0x45: {  	_ =	shalt  }
0x46: {  	_ =	shalt  }
0x47: {  	_ =	shalt  }
0x48: {  	_ =	shalt  }
0x49: {  	_ =	shalt  }
0x4a: {  	_ =	shalt  }
0x4b: {  	_ =	shalt  }
0x4c: {  	_ =	shalt  }
0x4d: {  	_ =	shalt  }
0x4e: {  	_ =	shalt  }
0x4f: {  	_ =	shalt  }
0x50: {  	_ =	shalt  }
0x51: {  	_ =	shalt  }
0x52: {  	_ =	shalt  }
0x53: {  	_ =	shalt  }
0x54: {  	_ =	shalt  }
0x55: {  	_ =	shalt  }
0x56: {  	_ =	shalt  }
0x57: {  	_ =	shalt  }
0x58: {  	_ =	shalt  }
0x59: {  	_ =	shalt  }
0x5a: {  	_ =	shalt  }
0x5b: {  	_ =	shalt  }
0x5c: {  	_ =	shalt  }
0x5d: {  	_ =	shalt  }
0x5e: {  	_ =	shalt  }
0x5f: {  	_ =	shalt  }
0x60: {  	_ =	shalt  }
0x61: {  	_ =	shalt  }
0x62: {  	_ =	shalt  }
0x63: {  	_ =	shalt  }
0x64: {  	_ =	shalt  }
0x65: {  	_ =	shalt  }
0x66: {  	_ =	shalt  }
0x67: {  	_ =	shalt  }
0x68: {  	_ =	shalt  }
0x69: {  	_ =	shalt  }
0x6a: {  	_ =	shalt  }
0x6b: {  	_ =	shalt  }
0x6c: {  	_ =	shalt  }
0x6d: {  	_ =	shalt  }
0x6e: {  	_ =	shalt  }
0x6f: {  	_ =	shalt  }
0x70: {  	_ =	shalt  }
0x71: {  	_ =	shalt  }
0x72: {  	_ =	shalt  }
0x73: {  	_ =	shalt  }
0x74: {  	_ =	shalt  }
0x75: {  	_ =	shalt  }
0x76: {  	_ =	shalt  }
0x77: {  	_ =	shalt  }
0x78: {  	_ =	shalt  }
0x79: {  	_ =	shalt  }
0x7a: {  	_ =	shalt  }
0x7b: {  	_ =	shalt  }
0x7c: {  	_ =	shalt  }
0x7d: {  	_ =	shalt  }
0x7e: {  	_ =	shalt  }
0x7f: {  	_ =	shalt  }
0x80: {  	_ =	shalt  }
0x81: {  	_ =	shalt  }
0x82: {  	_ =	shalt  }
0x83: {  	_ =	shalt  }
0x84: {  	_ =	shalt  }
0x85: {  	_ =	shalt  }
0x86: {  	_ =	shalt  }
0x87: {  	_ =	shalt  }
.Lfunc_end0:
.L_simem_size_0:
called_computation.1_lowered:
.L_overlay_start_0:
0x88: {  	s2 =	sld [smem:$0x3FD9]  }
0x89: {  	s3 =	sld [smem:$0x3FFE];
	_ =	sdelay $0x1  }
0x8a: {  	s1 =	srdreg.scid  }
0x8b: {  	s0 =	sand.u32 $0x1, s1  }
0x8c: {  	s15 =	sshll.u32 s0, $0xA;
	s2 =	sadd.s32 s3, s2  }
0x8d: {  	s2 =	sadd.s32 s2, s15  }
0x8e: {  	[smem:$0x3FB9] =	sst s2  }
0x8f: {  	_ = 	snop  }
0x90: {  	s2 =	sld [smem:$0x3FD0];
	_ =	sdelay $0x2  }
0x91: {  	s16 =	simm.s32 $0xB;
	s4 =	simm.s32 $0x10  }
0x92: {  	[smem:s4], [sflag:s16] =	dma.local [hbm:s2], $0x1  }
0x93: {  	_ =	swait.eq [sflag:s16], $0x1  }
0x94: {  	[sflag:s16] =	ssyncset.done $0x0  }
0x95: {  	[sflag:s16] =	ssyncadd.s32 $0xFFFFFFFF  }
0x96: {  	s17 =	sld [smem:$0x10];
	(tm) =	ssettm $0x1  }
0x97: {  	s18 =	sld [smem:$0x3FFB];
	_ =	sdelay $0x3  }
0x98: {  	_ =	strace s18  }
0x99: {  	s2 =	sld [smem:$0x3FFC];
	_ =	sdelay $0x3  }
0x9a: {  	_ =	strace s2  }
0x9b: {  	s2 =	sld [smem:$0x3FFD];
	_ =	sdelay $0x3  }
0x9c: {  	_ =	strace s2  }
0x9d: {  	_ =	strace $0x8FFFFFFF  }
0x9e: {  	s19 =	sld [smem:$0x3FDB];
	_ =	sdelay $0x1  }
0x9f: {  	s20 =	simm.s32 $_scs_section_size  }
0xa0: {  	s5 =	simm.s32 $_size__tile_overlayer_lowered;
	s6 =	simm.s32 $_tile_overlayer_lowered  }
0xa1: {  	s7 =	simm.s32 $0x1BFF;
	s21 =	sshll.u32 s6, $0x1;
	s4 =	sadd.s32 s20, s19  }
0xa2: {  	s22 =	simm.s32 $0x0;
	s5 =	sshll.u32 s5, $0x1;
	s6 =	sadd.s32 s21, s4  }
0xa3: {  	[timem:s22], [sflag:s7] =	dma.local [hbm:s6], s5  }
0xa4: {  	_ =	swait.ge [sflag:s7], s5  }
0xa5: {  	s5 =	ssub.s32 $0x0, s5;
	[sflag:s7] =	ssyncset.done $0x0  }
0xa6: {  	[sflag:s7] =	ssyncadd.s32 s5;
	_ =	sdelay $0x1  }
0xa7: {  	s23 =	simm.s32 $0x1B8B  }
0xa8: {  	_ =	swait.ge [sflag:s23], $0x1  }
0xa9: {  	[sflag:s23] =	ssyncset.done $0x0  }
0xaa: {  	[sflag:s23] =	ssyncadd.s32 $0xFFFFFFFF  }
0xab: {  	s5 =	sld [smem:$0x0]  }
0xac: {  	s6 =	sand.u32 $0xFFFFFFFE, s1  }
0xad: {  	p0 =	sne.s32 s1, s6  }
0xae: {  	s6 =	sshll.u32 @p0 s6, $0xE  }
0xaf: {  	s6 =	sadd.s32 @p0 $0x11B8D, s6;
	s7 =	sshll.u32 @p0 s5, $0x11  }
0xb0: {  	s6 =	sor.u32 @p0 s7, s6  }
0xb1: {  	[sflag:s6] =	ssyncadd.remote.s32 @p0 $0x1;
	_ =	sdelay $0x1  }
0xb2: {  	s6 =	simm.s32 @p0 $0x1B8D  }
0xb3: {  	_ =	swait.eq @p0 [sflag:s6], $0x1  }
0xb4: {  	[sflag:s6] =	ssyncadd.s32 @p0 $0xFFFFFFFF  }
0xb5: {  	s7 =	sshll.u32 @!p0 s1, $0xE  }
0xb6: {  	s7 =	sor.u32 @!p0 $0x4000, s7;
	s6 =	simm.s32 @!p0 $0x1B8D  }
0xb7: {  	s5 =	sshll.u32 @!p0 s5, $0x11;
	s7 =	sadd.s32 @!p0 $0x11B8D, s7;
	_ =	swait.eq @!p0 [sflag:s6], $0x1  }
0xb8: {  	s5 =	sor.u32 @!p0 s5, s7;
	[sflag:s6] =	ssyncadd.s32 @!p0 $0xFFFFFFFF  }
0xb9: {  	s25 =	simm.s32 $0x1B8E;
	s24 =	sld [smem:$0x3FFE];
	[sflag:s5] =	ssyncadd.remote.s32 @!p0 $0x1  }
0xba: {  	s26 =	simm.s32 $execute0_lowered;
	[smem:$0x3FD2] =	sst s25  }
0xbb: {  	s6 =	sshll.u32 s26, $0x1;
	_ =	strace $0x80000049;
	[dreg:$0x1] =	wrdreg $0xFFFFFFFF  }
0xbc: {  	s28 =	simm.s32 $_size_execute0_lowered;
	s4 =	sadd.s32 s4, s6;
	[dreg:$0x0] =	wrdreg $0x0  }
0xbd: {  	s6 =	sshll.u32 s28, $0x1;
	[dreg:$0x2] =	wrdreg s4  }
0xbe: {  	[dreg:$0x3] =	wrdreg s6  }
0xbf: {  	[dreg:$0x4] =	wrdreg $0xC0  }
0xc0: {  	_ =	task [dreg:s22], $0x5FFFF  }
0xc1: {  	[dreg:$0x1] =	wrdreg $0xFFFFFFFF  }
0xc2: {  	[dreg:$0x0] =	wrdreg $0x60  }
0xc3: {  	[dreg:$0x2] =	wrdreg s17  }
0xc4: {  	[dreg:$0x3] =	wrdreg s24  }
0xc5: {  	[dreg:$0x4] =	wrdreg $0xA  }
0xc6: {  	_ =	task.clear_ibuf [dreg:s22], $0x5FFFF;
	_ =	strace $0x90000049  }
0xc7: {  	s29 =	simm.s32 $0xA;
	_ =	strace $0x8000004B  }
0xc8: {  	_ =	swait.ge [sflag:s29], $0x1  }
0xc9: {  	[sflag:s29] =	ssyncadd.s32 $0xFFFFFFFF  }
0xca: {  	_ =	strace $0x9000004B  }
0xcb: {  	_ =	sfence  }
0xcc: {  	s30 =	sld [smem:$0x0];
	_ =	sdelay $0x2  }
0xcd: {  	s31 =	sshll.u32 s1, $0xD;
	s1 =	sshrl.u32 s1, $0x2  }
0xce: {  	s4 =	sand.u32 $0x4000, s31;
	s1 =	sadd.s32 s1, s30  }
0xcf: {  	s0 =	sor.u32 s4, s0;
	s1 =	sshll.u32 s1, $0x11  }
0xd0: {  	s0 =	sor.u32 s1, s0  }
0xd1: {  	s0 =	sadd.s32 $0x8F2B, s0  }
0xd2: {  	[sflag:s0] =	ssyncadd.remote.s32 $0x1  }
0xd3: {  	_ =	sfence.sel $0xFFFF  }
0xd4: {  	[dreg:$0x0] =	wrdreg $0xFFFFFFFF;
	(pc) =	sbr.abs _section_cstart, $3  }
0xd5: {  	[dreg:$0x1] =	wrdreg $0xFFFFFFFF  }
0xd6: {  	_ =	task.clear_ibuf [dreg:s22], $0x2FFFF;
	_ =	strace $0x9FFFFFFF  }
0xd7: {  	(tm) =	ssettm $0x7FFFFFFF  }
tec
execute0_lowered:
.L_overlay_start_1:
0x0: {  	(tag) =	ssettag $0x1  }
0x1: {  	s1 =	rddreg [dreg:$0x0]  }
0x2: {  	s5 =	rddreg [dreg:$0x1]  }
0x3: {  	s0 =	rddreg [dreg:$0x2];
	s2 =	simm.s32 $0x0  }
0x4: {  	s6 =	srdreg.scid;
	s3 =	stileid.u32;
	s11 =	simm.s32 $0x5000  }
0x5: {  	s12 =	simm.s32 $0x7000;
	s13 =	simm.s32 $0x1;
	s14 =	simm.s32 $0x9000  }
0x6: {  	s15 =	simm.s32 $0xB000;
	s16 =	simm.s32 $0xD000;
	s17 =	simm.s32 $0xF000  }
0x7: {  	s18 =	simm.s32 $0x2;
	s19 =	simm.s32 $0x0;
	[smem:$0x7FF] =	sst s2  }
0x8: {  	s4 =	sadd.s32 $0x347400, s5;
	s6 =	sand.u32 $0x1, s6;
	s7 =	sshll.u32 s3, $0xA  }
0x9: {  	s9 =	sshll.u32 s3, $0x10;
	_ =	strace $0x8000004A;
	s8 =	sshll.u32 s6, $0x9  }
0xa: {  	s9 =	sadd.s32 s9, s5;
	s10 =	ssub.s32 $0x2, s6;
	s6 =	sshll.u32 s6, $0xF  }
0xb: {  	s7 =	sor.u32 s8, s7;
	s28 =	sshrl.u32 s10, $0x1;
	s6 =	sadd.s32 s6, s9  }
0xc: {  	s8 =	simm.s32 $0x80;
	s9 =	simm.s32 $0x1000;
	s5 =	sadd.s32 s7, s5  }
0xd: {  	s29 =	ssub.s32 s10, s28;
	s30 =	sadd.s32 $0x40B400, s6;
	s31 =	sadd.s32 $0x50B400, s6  }
0xe: {  	s7 =	simm.s32 $0x3;
	s10 =	simm.s32 $0x3000;
	[dreg:$0x3] =	wrdreg s30  }
0xf: {  	s5 =	sadd.s32 $0x407400, s5;
	s6 =	smax.u32 s29, $0x1;
	[dreg:$0x4] =	wrdreg s31  }
.LBB2_1:
0x10: {  	[tilespmem:s2], [sflag:$0x3] =	stream.linear.gather [hbm4b:s5+s2], $0x1000, $0x38;
	[tilespmem:$0x11000] =	vst v63  }
0x11: {  	_ =	swait.ge [sflag:s7], $0x1000  }
0x12: {  	[sflag:s7] =	ssyncset.done $0x0  }
0x13: {  	[sflag:s7] =	ssyncadd.s32 $0xFFFFF000  }
0x14: {  	[tilespmem:s9], [sflag:$0x1] =	stream.indirect.gather [hbm4b:s1+s8], $0x40, s2, s8, $0xb8;
	[tilespmem:$0x11000] =	vst v63  }
0x15: {  	_ = 	snop  }
0x16: {  	[tilespmem:s10], [sflag:$0x1] =	stream.indirect.gather [hbm4b:s4+s8], $0x40, s2, s8, $0xb8;
	[tilespmem:$0x11000] =	vst v63  }
0x17: {  	_ = 	snop  }
0x18: {  	[tilespmem:s11], [sflag:$0x1] =	stream.indirect.gather [hbm4b:s1+s8], $0x40, s8, s8, $0xb8;
	[tilespmem:$0x11000] =	vst v63  }
0x19: {  	_ = 	snop  }
0x1a: {  	[tilespmem:s12], [sflag:$0x1] =	stream.indirect.gather [hbm4b:s4+s8], $0x40, s8, s8, $0xb8;
	[tilespmem:$0x11000] =	vst v63  }
0x1b: {  	_ =	swait.ge [sflag:s13], $0x2000  }
0x1c: {  	[sflag:s13] =	ssyncset.done $0x0  }
0x1d: {  	[sflag:s13] =	ssyncadd.s32 $0xFFFFE000  }
0x1e: {  	_ =	swait.ge [sflag:s13], $0x2000  }
0x1f: {  	[sflag:s13] =	ssyncset.done $0x0  }
0x20: {  	[sflag:s13] =	ssyncadd.s32 $0xFFFFE000  }
0x21: {  	_ =	swait.ge [sflag:s13], $0x2000  }
0x22: {  	[sflag:s13] =	ssyncset.done $0x0  }
0x23: {  	[sflag:s13] =	ssyncadd.s32 $0xFFFFE000  }
0x24: {  	_ =	swait.ge [sflag:s13], $0x2000  }
0x25: {  	p0 =	por $0x1, $0x1;
	[sflag:s13] =	ssyncset.done $0x0  }
0x26: {  	s20 =	simm.s32 @!p0 $0x2;
	[sflag:s13] =	ssyncadd.s32 $0xFFFFE000  }
0x27: {  	_ =	swait.ge @!p0 [sflag:s20], $0x2000  }
0x28: {  	[sflag:s20] =	ssyncset.done @!p0 $0x0  }
0x29: {  	[sflag:s20] =	ssyncadd.s32 @!p0 $0xFFFFE000  }
0x2a: {  	_ =	swait.ge @!p0 [sflag:s20], $0x2000  }
0x2b: {  	[sflag:s20] =	ssyncset.done @!p0 $0x0  }
0x2c: {  	[sflag:s20] =	ssyncadd.s32 @!p0 $0xFFFFE000  }
0x2d: {  	_ =	swait.ge @!p0 [sflag:s20], $0x2000  }
0x2e: {  	[sflag:s20] =	ssyncset.done @!p0 $0x0  }
0x2f: {  	[sflag:s20] =	ssyncadd.s32 @!p0 $0xFFFFE000  }
0x30: {  	_ =	swait.ge @!p0 [sflag:s20], $0x2000  }
0x31: {  	[sflag:s20] =	ssyncset.done @!p0 $0x0  }
0x32: {  	s23 =	simm.s32 $0x100;
	[sflag:s20] =	ssyncadd.s32 @!p0 $0xFFFFE000  }
0x33: {  	[tilespmem:s14], [sflag:$0x1] =	stream.indirect.gather [hbm4b:s1+s8], $0x40, s23, s8, $0xb8;
	[tilespmem:$0x11000] =	vst v63  }
0x34: {  	_ = 	snop  }
0x35: {  	[tilespmem:s15], [sflag:$0x1] =	stream.indirect.gather [hbm4b:s4+s8], $0x40, s23, s8, $0xb8;
	[tilespmem:$0x11000] =	vst v63  }
0x36: {  	s24 =	simm.s32 $0x180  }
0x37: {  	[tilespmem:s16], [sflag:$0x1] =	stream.indirect.gather [hbm4b:s1+s8], $0x40, s24, s8, $0xb8;
	[tilespmem:$0x11000] =	vst v63  }
0x38: {  	s21 =	rddreg [dreg:$0x3]  }
0x39: {  	[tilespmem:s17], [sflag:$0x1] =	stream.indirect.gather [hbm4b:s4+s8], $0x40, s24, s8, $0xb8;
	[tilespmem:$0x11000] =	vst v63  }
0x3a: {  	s22 =	rddreg [dreg:$0x4];
	s25 =	sadd.s32 $0x0, s21  }
0x3b: {  	[hbm4b:s25+s2] =	stream.linear.scatter [tilespmem:s9], [sflag:$0x2], $0x2000, $0x38;
	[tilespmem:$0x11000] =	vst v63  }
0x3c: {  	s26 =	sadd.s32 $0x0, s22  }
0x3d: {  	[hbm4b:s26+s2] =	stream.linear.scatter [tilespmem:s10], [sflag:$0x2], $0x2000, $0x38;
	[tilespmem:$0x11000] =	vst v63  }
0x3e: {  	s28 =	sadd.s32 $0x400, s25  }
0x3f: {  	[hbm4b:s28+s2] =	stream.linear.scatter [tilespmem:s11], [sflag:$0x2], $0x2000, $0x38;
	[tilespmem:$0x11000] =	vst v63  }
0x40: {  	s29 =	sadd.s32 $0x400, s26  }
0x41: {  	[hbm4b:s29+s2] =	stream.linear.scatter [tilespmem:s12], [sflag:$0x2], $0x2000, $0x38;
	[tilespmem:$0x11000] =	vst v63  }
0x42: {  	_ =	swait.ge [sflag:s13], $0x2000  }
0x43: {  	[sflag:s13] =	ssyncset.done $0x0  }
0x44: {  	[sflag:s13] =	ssyncadd.s32 $0xFFFFE000  }
0x45: {  	_ =	swait.ge [sflag:s13], $0x2000  }
0x46: {  	[sflag:s13] =	ssyncset.done $0x0  }
0x47: {  	[sflag:s13] =	ssyncadd.s32 $0xFFFFE000  }
0x48: {  	_ =	swait.ge [sflag:s13], $0x2000  }
0x49: {  	[sflag:s13] =	ssyncset.done $0x0  }
0x4a: {  	[sflag:s13] =	ssyncadd.s32 $0xFFFFE000  }
0x4b: {  	_ =	swait.ge [sflag:s13], $0x2000  }
0x4c: {  	p0 =	por $0x0, $0x0;
	[sflag:s13] =	ssyncset.done $0x0  }
0x4d: {  	s22 =	simm.s32 @!p0 $0x2;
	[sflag:s13] =	ssyncadd.s32 $0xFFFFE000  }
0x4e: {  	_ =	swait.ge @!p0 [sflag:s22], $0x2000  }
0x4f: {  	[sflag:s22] =	ssyncset.done @!p0 $0x0  }
0x50: {  	[sflag:s22] =	ssyncadd.s32 @!p0 $0xFFFFE000  }
0x51: {  	_ =	swait.ge @!p0 [sflag:s22], $0x2000  }
0x52: {  	[sflag:s22] =	ssyncset.done @!p0 $0x0  }
0x53: {  	[sflag:s22] =	ssyncadd.s32 @!p0 $0xFFFFE000  }
0x54: {  	_ =	swait.ge @!p0 [sflag:s22], $0x2000  }
0x55: {  	[sflag:s22] =	ssyncset.done @!p0 $0x0  }
0x56: {  	[sflag:s22] =	ssyncadd.s32 @!p0 $0xFFFFE000  }
0x57: {  	_ =	swait.ge @!p0 [sflag:s22], $0x2000  }
0x58: {  	s23 =	simm.s32 @!p0 $0x1000;
	[sflag:s22] =	ssyncset.done @!p0 $0x0  }
0x59: {  	s24 =	simm.s32 @!p0 $0x80;
	[sflag:s22] =	ssyncadd.s32 @!p0 $0xFFFFE000;
	s22 =	simm.s32 @!p0 $0x200  }
0x5a: {  	[tilespmem:s23], [sflag:$0x1] =	stream.indirect.gather @!p0 [hbm4b:s1+s24], $0x40, s22, s24, $0xb8;
	[tilespmem:$0x11000] =	vst v63  }
0x5b: {  	s23 =	simm.s32 @!p0 $0x3000  }
0x5c: {  	[tilespmem:s23], [sflag:$0x1] =	stream.indirect.gather @!p0 [hbm4b:s4+s24], $0x40, s22, s24, $0xb8;
	[tilespmem:$0x11000] =	vst v63  }
0x5d: {  	s22 =	simm.s32 $0x280;
	s23 =	simm.s32 @!p0 $0x5000  }
0x5e: {  	[tilespmem:s23], [sflag:$0x1] =	stream.indirect.gather @!p0 [hbm4b:s1+s24], $0x40, s22, s24, $0xb8;
	[tilespmem:$0x11000] =	vst v63  }
0x5f: {  	s23 =	simm.s32 @!p0 $0x7000  }
0x60: {  	[tilespmem:s23], [sflag:$0x1] =	stream.indirect.gather @!p0 [hbm4b:s4+s24], $0x40, s22, s24, $0xb8;
	[tilespmem:$0x11000] =	vst v63  }
0x61: {  	s30 =	sadd.s32 $0x800, s25  }
0x62: {  	[hbm4b:s30+s2] =	stream.linear.scatter [tilespmem:s14], [sflag:$0x2], $0x2000, $0x38;
	[tilespmem:$0x11000] =	vst v63  }
0x63: {  	s31 =	sadd.s32 $0x800, s26  }
0x64: {  	[hbm4b:s31+s2] =	stream.linear.scatter [tilespmem:s15], [sflag:$0x2], $0x2000, $0x38;
	[tilespmem:$0x11000] =	vst v63  }
0x65: {  	s20 =	sadd.s32 $0xC00, s25  }
0x66: {  	[hbm4b:s20+s2] =	stream.linear.scatter [tilespmem:s16], [sflag:$0x2], $0x2000, $0x38;
	[tilespmem:$0x11000] =	vst v63  }
0x67: {  	s21 =	simm.s32 $0x480;
	s22 =	sadd.s32 $0xC00, s26;
	s20 =	simm.s32 $0x1000  }
.LBB2_2:
0x68: {  	[hbm4b:s22+s2] =	stream.linear.scatter [tilespmem:s17], [sflag:$0x2], $0x2000, $0x38;
	[tilespmem:$0x11000] =	vst v63  }
0x69: {  	_ =	swait.ge [sflag:s13], $0x2000  }
0x6a: {  	[sflag:s13] =	ssyncset.done $0x0  }
0x6b: {  	[sflag:s13] =	ssyncadd.s32 $0xFFFFE000  }
0x6c: {  	_ =	swait.ge [sflag:s13], $0x2000  }
0x6d: {  	[sflag:s13] =	ssyncset.done $0x0  }
0x6e: {  	[sflag:s13] =	ssyncadd.s32 $0xFFFFE000  }
0x6f: {  	_ =	swait.ge [sflag:s13], $0x2000  }
0x70: {  	[sflag:s13] =	ssyncset.done $0x0  }
0x71: {  	[sflag:s13] =	ssyncadd.s32 $0xFFFFE000  }
0x72: {  	s22 =	smov.u32 s20;
	_ =	swait.ge [sflag:s13], $0x2000  }
0x73: {  	p1 =	seq.s32 s22, $0x0;
	[sflag:s13] =	ssyncset.done $0x0  }
0x74: {  	s23 =	simm.s32 @!p1 $0x2;
	[sflag:s13] =	ssyncadd.s32 $0xFFFFE000  }
0x75: {  	_ =	swait.ge @!p1 [sflag:s23], $0x2000  }
0x76: {  	[sflag:s23] =	ssyncset.done @!p1 $0x0  }
0x77: {  	[sflag:s23] =	ssyncadd.s32 @!p1 $0xFFFFE000  }
0x78: {  	_ =	swait.ge @!p1 [sflag:s23], $0x2000  }
0x79: {  	[sflag:s23] =	ssyncset.done @!p1 $0x0  }
0x7a: {  	[sflag:s23] =	ssyncadd.s32 @!p1 $0xFFFFE000  }
0x7b: {  	_ =	swait.ge @!p1 [sflag:s23], $0x2000  }
0x7c: {  	[sflag:s23] =	ssyncset.done @!p1 $0x0  }
0x7d: {  	[sflag:s23] =	ssyncadd.s32 @!p1 $0xFFFFE000  }
0x7e: {  	_ =	swait.ge @!p1 [sflag:s23], $0x2000  }
0x7f: {  	[sflag:s23] =	ssyncset.done @!p1 $0x0  }
0x80: {  	s29 =	sadd.s32 $0xFFFFFE80, s21;
	[sflag:s23] =	ssyncadd.s32 @!p1 $0xFFFFE000  }
0x81: {  	[tilespmem:s14], [sflag:$0x1] =	stream.indirect.gather [hbm4b:s1+s8], $0x40, s29, s8, $0xb8;
	[tilespmem:$0x11000] =	vst v63  }
0x82: {  	_ = 	snop  }
0x83: {  	[tilespmem:s15], [sflag:$0x1] =	stream.indirect.gather [hbm4b:s4+s8], $0x40, s29, s8, $0xb8;
	[tilespmem:$0x11000] =	vst v63  }
0x84: {  	s30 =	sadd.s32 $0xFFFFFF00, s21  }
0x85: {  	[tilespmem:s16], [sflag:$0x1] =	stream.indirect.gather [hbm4b:s1+s8], $0x40, s30, s8, $0xb8;
	[tilespmem:$0x11000] =	vst v63  }
0x86: {  	s24 =	rddreg [dreg:$0x3]  }
0x87: {  	[tilespmem:s17], [sflag:$0x1] =	stream.indirect.gather [hbm4b:s4+s8], $0x40, s30, s8, $0xb8;
	[tilespmem:$0x11000] =	vst v63  }
0x88: {  	s25 =	rddreg [dreg:$0x4];
	s31 =	sadd.s32 s22, s24  }
0x89: {  	[hbm4b:s31+s2] =	stream.linear.scatter [tilespmem:s9], [sflag:$0x2], $0x2000, $0x38;
	[tilespmem:$0x11000] =	vst v63  }
0x8a: {  	s24 =	sadd.s32 s22, s25  }
0x8b: {  	[hbm4b:s24+s2] =	stream.linear.scatter [tilespmem:s10], [sflag:$0x2], $0x2000, $0x38;
	[tilespmem:$0x11000] =	vst v63  }
0x8c: {  	s26 =	sadd.s32 $0x400, s31  }
0x8d: {  	[hbm4b:s26+s2] =	stream.linear.scatter [tilespmem:s11], [sflag:$0x2], $0x2000, $0x38;
	[tilespmem:$0x11000] =	vst v63  }
0x8e: {  	s28 =	sadd.s32 $0x400, s24  }
0x8f: {  	[hbm4b:s28+s2] =	stream.linear.scatter [tilespmem:s12], [sflag:$0x2], $0x2000, $0x38;
	[tilespmem:$0x11000] =	vst v63  }
0x90: {  	_ =	swait.ge [sflag:s13], $0x2000  }
0x91: {  	[sflag:s13] =	ssyncset.done $0x0  }
0x92: {  	[sflag:s13] =	ssyncadd.s32 $0xFFFFE000  }
0x93: {  	_ =	swait.ge [sflag:s13], $0x2000  }
0x94: {  	[sflag:s13] =	ssyncset.done $0x0  }
0x95: {  	[sflag:s13] =	ssyncadd.s32 $0xFFFFE000  }
0x96: {  	_ =	swait.ge [sflag:s13], $0x2000  }
0x97: {  	[sflag:s13] =	ssyncset.done $0x0  }
0x98: {  	[sflag:s13] =	ssyncadd.s32 $0xFFFFE000  }
0x99: {  	_ =	swait.ge [sflag:s13], $0x2000  }
0x9a: {  	p1 =	seq.s32 s22, $0x7000;
	[sflag:s13] =	ssyncset.done $0x0  }
0x9b: {  	s22 =	simm.s32 @!p1 $0x2;
	[sflag:s13] =	ssyncadd.s32 $0xFFFFE000  }
0x9c: {  	_ =	swait.ge @!p1 [sflag:s22], $0x2000  }
0x9d: {  	[sflag:s22] =	ssyncset.done @!p1 $0x0  }
0x9e: {  	[sflag:s22] =	ssyncadd.s32 @!p1 $0xFFFFE000  }
0x9f: {  	_ =	swait.ge @!p1 [sflag:s22], $0x2000  }
0xa0: {  	[sflag:s22] =	ssyncset.done @!p1 $0x0  }
0xa1: {  	[sflag:s22] =	ssyncadd.s32 @!p1 $0xFFFFE000  }
0xa2: {  	_ =	swait.ge @!p1 [sflag:s22], $0x2000  }
0xa3: {  	[sflag:s22] =	ssyncset.done @!p1 $0x0  }
0xa4: {  	[sflag:s22] =	ssyncadd.s32 @!p1 $0xFFFFE000  }
0xa5: {  	_ =	swait.ge @!p1 [sflag:s22], $0x2000  }
0xa6: {  	s25 =	simm.s32 @!p1 $0x1000;
	[sflag:s22] =	ssyncset.done @!p1 $0x0  }
0xa7: {  	s26 =	simm.s32 @!p1 $0x80;
	[sflag:s22] =	ssyncadd.s32 @!p1 $0xFFFFE000;
	s22 =	sadd.s32 @!p1 $0xFFFFFF80, s21  }
0xa8: {  	[tilespmem:s25], [sflag:$0x1] =	stream.indirect.gather @!p1 [hbm4b:s1+s26], $0x40, s22, s26, $0xb8;
	[tilespmem:$0x11000] =	vst v63  }
0xa9: {  	s25 =	simm.s32 @!p1 $0x3000  }
0xaa: {  	[tilespmem:s25], [sflag:$0x1] =	stream.indirect.gather @!p1 [hbm4b:s4+s26], $0x40, s22, s26, $0xb8;
	[tilespmem:$0x11000] =	vst v63  }
0xab: {  	s22 =	simm.s32 @!p1 $0x5000  }
0xac: {  	[tilespmem:s22], [sflag:$0x1] =	stream.indirect.gather @!p1 [hbm4b:s1+s26], $0x40, s21, s26, $0xb8;
	[tilespmem:$0x11000] =	vst v63  }
0xad: {  	s20 =	sadd.s32 $0x1000, s20;
	s22 =	simm.s32 @!p1 $0x7000  }
0xae: {  	[tilespmem:s22], [sflag:$0x1] =	stream.indirect.gather @!p1 [hbm4b:s4+s26], $0x40, s21, s26, $0xb8;
	[tilespmem:$0x11000] =	vst v63  }
0xaf: {  	p0 =	sne.s32 s20, $0x8000;
	s29 =	sadd.s32 $0x800, s31  }
0xb0: {  	[hbm4b:s29+s2] =	stream.linear.scatter [tilespmem:s14], [sflag:$0x2], $0x2000, $0x38;
	[tilespmem:$0x11000] =	vst v63  }
.Ltmp0:
0xb1: {  	_ = 	snop;
	(pc) =	sbr.rel @p0 .LBB2_2-.Ltmp0, $4  }
0xb2: {  	s30 =	sadd.s32 $0x800, s24  }
0xb3: {  	[hbm4b:s30+s2] =	stream.linear.scatter [tilespmem:s15], [sflag:$0x2], $0x2000, $0x38;
	[tilespmem:$0x11000] =	vst v63  }
0xb4: {  	s31 =	sadd.s32 $0xC00, s31;
	s22 =	sadd.s32 $0xC00, s24;
	s21 =	sadd.s32 $0x200, s21  }
0xb5: {  	[hbm4b:s31+s2] =	stream.linear.scatter [tilespmem:s16], [sflag:$0x2], $0x2000, $0x38;
	[tilespmem:$0x11000] =	vst v63  }
0xb6: {  	[hbm4b:s22+s2] =	stream.linear.scatter [tilespmem:s17], [sflag:$0x2], $0x2000, $0x38;
	[tilespmem:$0x11000] =	vst v63  }
0xb7: {  	_ =	swait.ge [sflag:s18], $0x2000  }
0xb8: {  	[sflag:s18] =	ssyncset.done $0x0  }
0xb9: {  	[sflag:s18] =	ssyncadd.s32 $0xFFFFE000  }
0xba: {  	_ =	swait.ge [sflag:s18], $0x2000  }
0xbb: {  	[sflag:s18] =	ssyncset.done $0x0  }
0xbc: {  	[sflag:s18] =	ssyncadd.s32 $0xFFFFE000  }
0xbd: {  	_ =	swait.ge [sflag:s18], $0x2000  }
0xbe: {  	[sflag:s18] =	ssyncset.done $0x0  }
0xbf: {  	[sflag:s18] =	ssyncadd.s32 $0xFFFFE000  }
0xc0: {  	_ =	swait.ge [sflag:s18], $0x2000  }
0xc1: {  	[sflag:s18] =	ssyncset.done $0x0  }
0xc2: {  	[sflag:s18] =	ssyncadd.s32 $0xFFFFE000  }
0xc3: {  	_ =	swait.ge [sflag:s18], $0x2000  }
0xc4: {  	[sflag:s18] =	ssyncset.done $0x0  }
0xc5: {  	[sflag:s18] =	ssyncadd.s32 $0xFFFFE000  }
0xc6: {  	_ =	swait.ge [sflag:s18], $0x2000  }
0xc7: {  	[sflag:s18] =	ssyncset.done $0x0  }
0xc8: {  	s19 =	sadd.s32 $0x1, s19;
	[sflag:s18] =	ssyncadd.s32 $0xFFFFE000  }
0xc9: {  	p0 =	sne.s32 s19, s6;
	_ =	swait.ge [sflag:s18], $0x2000  }
.Ltmp1:
0xca: {  	[sflag:s18] =	ssyncset.done $0x0;
	(pc) =	sbr.rel @p0 .LBB2_1-.Ltmp1, $4  }
0xcb: {  	[sflag:s18] =	ssyncadd.s32 $0xFFFFE000  }
0xcc: {  	_ =	swait.ge [sflag:s18], $0x2000  }
0xcd: {  	[sflag:s18] =	ssyncset.done $0x0  }
0xce: {  	[sflag:s18] =	ssyncadd.s32 $0xFFFFE000  }
0xcf: {  	_ =	sfence.sel $0x180000  }
0xd0: {  	[bflag:$0x0] =	sbarrier.arrive $0xFFFF  }
0xd1: {  	p0 =	sne.s32 s3, $0x0;
	_ =	strace $0x9000004A  }
0xd2: {  	s0 =	sadd.s32 @!p0 $0x100000, s0;
	[bflag:$0x2] =	sbarrier.arrive $0xFFFF  }
0xd3: {  	[sflag:s0] =	ssyncadd.tile.s32 @!p0 $0x1;
	_ =	shalt  }
.Lfunc_end2:
_tile_overlayer_lowered:
.L_overlay_start_2:
0xd4: {  	(tag) =	ssettag $0x2  }
0xd5: {  	s0 =	rddreg [dreg:$0x0];
	s2 =	stileid.u32  }
0xd6: {  	s1 =	rddreg [dreg:$0x1];
	p0 =	sne.s32 s2, $0x0  }
0xd7: {  	s3 =	rddreg [dreg:$0x2];
	[bflag:$0x3] =	sbarrier.arrive $0xFFFF;
	s2 =	simm.s32 @!p0 $0x1C03  }
0xd8: {  	[timem:s3], [sflag:s2] =	dma.local @!p0 [hbm:s0], s1  }
0xd9: {  	s0 =	simm.s32 @!p0 $0x3  }
0xda: {  	_ =	swait.ge @!p0 [sflag:s0], s1  }
0xdb: {  	s1 =	ssub.s32 @!p0 $0x0, s1;
	[sflag:s0] =	ssyncset.done @!p0 $0x0  }
0xdc: {  	[sflag:s0] =	ssyncadd.s32 @!p0 s1  }
0xdd: {  	[bflag:$0x3] =	sbarrier.arrive $0xFFFF  }
0xde: {  	_ =	shalt  }

// kernel: kernel.8.cloned.1.call-start
scs
__scs_entry_jumppad:
0x0: {  	(pc) =	sbr.rel $0x88, $3  }
0x1: {  	(tag) =	ssettag $0x0;
	lr =	simm.s32 $0x1  }
0x2: {  	[smem:$0x3F92] =	sst lr;
	_ =	strace $0xD0000000  }
0x3: {  	_ = 	snop  }
0x4: {  	_ = 	snop  }
0x5: {  	_ = 	snop  }
0x6: {  	_ = 	snop  }
0x7: {  	_ = 	snop  }
__scs_overlays_trampoline_lowered:
0x8: {  	[smem:$0x3FA1] =	sst s0  }
0x9: {  	[smem:$0x3FA2] =	sst s1  }
0xa: {  	[smem:$0x3FA3] =	sst s2  }
0xb: {  	[smem:$0x3FA4] =	sst s3  }
0xc: {  	[smem:$0x3FA5] =	sst s4  }
0xd: {  	[smem:$0x3FA6] =	sst s5  }
0xe: {  	[smem:$0x3FA7] =	sst s6  }
0xf: {  	[smem:$0x3FA8] =	sst s7  }
0x10: {  	[smem:$0x3FA9] =	sst s8  }
0x11: {  	[smem:$0x3FAA] =	sst s9;
	s0 =	simm.s32 @!p0 $0x0  }
0x12: {  	s1 =	sld [smem:$0x3F90];
	s0 =	simm.s32 @p0 $0x1  }
0x13: {  	[smem:$0x3FAB] =	sst s0;
	s0 =	simm.s32 @!p1 $0x0  }
0x14: {  	s2 =	sld [smem:$0x3F8F];
	s0 =	simm.s32 @p1 $0x1  }
0x15: {  	[smem:$0x3FAC] =	sst s0;
	s0 =	simm.s32 @!p2 $0x0  }
0x16: {  	s3 =	sld [smem:$0x3FDB];
	s0 =	simm.s32 @p2 $0x1  }
0x17: {  	s4 =	simm.s32 $0x1BF5;
	[smem:$0x3FAE] =	sst s0  }
0x18: {  	s0 =	sld [smem:$0x3F91];
	_ =	swait.ge [sflag:s4], $0x0  }
0x19: {  	s7 =	sld [smem:$0x3F92]  }
0x1a: {  	s8 =	sadd.s32 $0xFFFFE003, lr  }
0x1b: {  	s9 =	sadd.s32 $0xFFFFFEF7, lr;
	s5 =	simm.s32 $0xFFFFFFFF;
	p2 =	slt.u32 s8, $0xFFFFF086  }
0x1c: {  	p1 =	slt.u32 s9, $0xF7A;
	s5 =	simm.s32 @!p2 $0x0  }
0x1d: {  	s5 =	simm.s32 @p1 $0x1;
	p0 =	seq.s32 s7, s2  }
0x1e: {  	s7 =	smul.u32 @!p0 $0xF7A, s2;
	p2 =	seq.s32 @!p0 s5, $0x0  }
0x1f: {  	s9 =	smul.u32 $0xF7A, s1;
	s8 =	simm.s32 @!p0 $0x1BF5;
	p2 =	por !p2, p0  }
0x20: {  	[sflag:s8] =	ssyncset.s32 @!p0 $0xFFFFF086;
	s6 =	sadd.s32 @!p0 s3, s7;
	s7 =	simm.s32 @!p0 $0x108  }
0x21: {  	s3 =	sadd.s32 s3, s9;
	s6 =	sadd.s32 @!p0 $0x88, s6;
	s7 =	simm.s32 @p2 $0x1082  }
0x22: {  	[simem:s7], [sflag:s8] =	dma.local @!p0 [hbm:s6], $0xF7A  }
0x23: {  	s9 =	sor.u32 $0xD0000000, s2;
	s6 =	simm.s32 $0x108;
	_ =	swait.ge @!p0 [sflag:s8], $0x0  }
0x24: {  	s3 =	sadd.s32 $0x88, s3;
	s6 =	simm.s32 @!p1 $0x1082;
	[sflag:s4] =	ssyncset.s32 $0xFFFFF086  }
0x25: {  	[simem:s6], [sflag:s4] =	dma.local [hbm:s3], $0xF7A  }
0x26: {  	[smem:$0x3F92] =	sst s1;
	(tag) =	ssettag s2;
	_ =	strace s9  }
0x27: {  	s1 =	sld [smem:$0x3FA2]  }
0x28: {  	s2 =	sld [smem:$0x3FA3]  }
0x29: {  	s4 =	sld [smem:$0x3FA5]  }
0x2a: {  	p0 =	seq.s32 s5, $0x0;
	s5 =	sld [smem:$0x3FA6]  }
0x2b: {  	s6 =	sld [smem:$0x3FA7]  }
0x2c: {  	s7 =	sld [smem:$0x3FA8]  }
0x2d: {  	s3 =	simm.s32 $0x108;
	s8 =	sld [smem:$0x3FA9]  }
0x2e: {  	s3 =	simm.s32 @!p0 $0x1082;
	s9 =	sld [smem:$0x3FAA]  }
0x2f: {  	lr =	sadd.s32 s0, s3;
	s0 =	sld [smem:$0x3FA1]  }
0x30: {  	s3 =	sld [smem:$0x3FA4]  }
0x31: {  	[smem:$0x3FAD] =	sst s10  }
0x32: {  	s10 =	sld [smem:$0x3FAB];
	_ =	sdelay $0x3  }
0x33: {  	p0 =	seq.s32 s10, $0x1;
	s10 =	sld [smem:$0x3FAD];
	_ =	sdelay $0x3  }
0x34: {  	[smem:$0x3FAD] =	sst s10  }
0x35: {  	s10 =	sld [smem:$0x3FAC];
	_ =	sdelay $0x3  }
0x36: {  	p1 =	seq.s32 s10, $0x1;
	s10 =	sld [smem:$0x3FAD];
	_ =	sdelay $0x3  }
0x37: {  	[smem:$0x3FAD] =	sst s10  }
0x38: {  	s10 =	sld [smem:$0x3FAE]  }
0x39: {  	_ = 	snop;
	(pc) =	sbr.ind lr, $3  }
0x3a: {  	_ = 	snop  }
0x3b: {  	_ = 	snop  }
0x3c: {  	p2 =	seq.s32 s10, $0x1;
	s10 =	sld [smem:$0x3FAD]  }
0x3d: {  	_ =	shalt  }
0x3e: {  	_ =	shalt  }
0x3f: {  	_ =	shalt  }
0x40: {  	_ =	shalt  }
0x41: {  	_ =	shalt  }
0x42: {  	_ =	shalt  }
0x43: {  	_ =	shalt  }
0x44: {  	_ =	shalt  }
0x45: {  	_ =	shalt  }
0x46: {  	_ =	shalt  }
0x47: {  	_ =	shalt  }
0x48: {  	_ =	shalt  }
0x49: {  	_ =	shalt  }
0x4a: {  	_ =	shalt  }
0x4b: {  	_ =	shalt  }
0x4c: {  	_ =	shalt  }
0x4d: {  	_ =	shalt  }
0x4e: {  	_ =	shalt  }
0x4f: {  	_ =	shalt  }
0x50: {  	_ =	shalt  }
0x51: {  	_ =	shalt  }
0x52: {  	_ =	shalt  }
0x53: {  	_ =	shalt  }
0x54: {  	_ =	shalt  }
0x55: {  	_ =	shalt  }
0x56: {  	_ =	shalt  }
0x57: {  	_ =	shalt  }
0x58: {  	_ =	shalt  }
0x59: {  	_ =	shalt  }
0x5a: {  	_ =	shalt  }
0x5b: {  	_ =	shalt  }
0x5c: {  	_ =	shalt  }
0x5d: {  	_ =	shalt  }
0x5e: {  	_ =	shalt  }
0x5f: {  	_ =	shalt  }
0x60: {  	_ =	shalt  }
0x61: {  	_ =	shalt  }
0x62: {  	_ =	shalt  }
0x63: {  	_ =	shalt  }
0x64: {  	_ =	shalt  }
0x65: {  	_ =	shalt  }
0x66: {  	_ =	shalt  }
0x67: {  	_ =	shalt  }
0x68: {  	_ =	shalt  }
0x69: {  	_ =	shalt  }
0x6a: {  	_ =	shalt  }
0x6b: {  	_ =	shalt  }
0x6c: {  	_ =	shalt  }
0x6d: {  	_ =	shalt  }
0x6e: {  	_ =	shalt  }
0x6f: {  	_ =	shalt  }
0x70: {  	_ =	shalt  }
0x71: {  	_ =	shalt  }
0x72: {  	_ =	shalt  }
0x73: {  	_ =	shalt  }
0x74: {  	_ =	shalt  }
0x75: {  	_ =	shalt  }
0x76: {  	_ =	shalt  }
0x77: {  	_ =	shalt  }
0x78: {  	_ =	shalt  }
0x79: {  	_ =	shalt  }
0x7a: {  	_ =	shalt  }
0x7b: {  	_ =	shalt  }
0x7c: {  	_ =	shalt  }
0x7d: {  	_ =	shalt  }
0x7e: {  	_ =	shalt  }
0x7f: {  	_ =	shalt  }
0x80: {  	_ =	shalt  }
0x81: {  	_ =	shalt  }
0x82: {  	_ =	shalt  }
0x83: {  	_ =	shalt  }
0x84: {  	_ =	shalt  }
0x85: {  	_ =	shalt  }
0x86: {  	_ =	shalt  }
0x87: {  	_ =	shalt  }
.Lfunc_end0:
.L_simem_size_0:
called_computation_lowered:
.L_overlay_start_0:
0x88: {  	s2 =	sld [smem:$0x3FD9]  }
0x89: {  	s3 =	sld [smem:$0x3FFE];
	_ =	sdelay $0x1  }
0x8a: {  	s1 =	srdreg.scid  }
0x8b: {  	s0 =	sand.u32 $0x1, s1  }
0x8c: {  	s16 =	sshll.u32 s0, $0xA;
	s2 =	sadd.s32 s3, s2  }
0x8d: {  	s2 =	sadd.s32 s2, s16  }
0x8e: {  	[smem:$0x3FB9] =	sst s2  }
0x8f: {  	_ = 	snop  }
0x90: {  	(tm) =	ssettm $0x1  }
0x91: {  	s17 =	sld [smem:$0x3FFB];
	_ =	sdelay $0x3  }
0x92: {  	_ =	strace s17  }
0x93: {  	s2 =	sld [smem:$0x3FFC];
	_ =	sdelay $0x3  }
0x94: {  	_ =	strace s2  }
0x95: {  	s2 =	sld [smem:$0x3FFD];
	_ =	sdelay $0x3  }
0x96: {  	_ =	strace s2  }
0x97: {  	_ =	strace $0x8FFFFFFF  }
0x98: {  	s18 =	sld [smem:$0x3FDB];
	_ =	sdelay $0x1  }
0x99: {  	s19 =	simm.s32 $_scs_section_size  }
0x9a: {  	s4 =	simm.s32 $_size__tile_overlayer_lowered;
	s5 =	simm.s32 $_tile_overlayer_lowered  }
0x9b: {  	s22 =	simm.s32 $0x1BFF;
	s21 =	sshll.u32 s5, $0x1;
	s2 =	sadd.s32 s19, s18  }
0x9c: {  	s6 =	simm.s32 $0x0;
	s20 =	sshll.u32 s4, $0x1;
	s4 =	sadd.s32 s21, s2  }
0x9d: {  	[timem:s6], [sflag:s22] =	dma.local [hbm:s4], s20  }
0x9e: {  	_ =	swait.ge [sflag:s22], s20  }
0x9f: {  	s3 =	ssub.s32 $0x0, s20;
	[sflag:s22] =	ssyncset.done $0x0  }
0xa0: {  	[sflag:s22] =	ssyncadd.s32 s3;
	_ =	sdelay $0x1  }
0xa1: {  	s23 =	simm.s32 $0x1B8B  }
0xa2: {  	_ =	swait.ge [sflag:s23], $0x1  }
0xa3: {  	[sflag:s23] =	ssyncset.done $0x0  }
0xa4: {  	s25 =	simm.s32 $0x1B8E;
	s24 =	sld [smem:$0x3FFE];
	[sflag:s23] =	ssyncadd.s32 $0xFFFFFFFF  }
0xa5: {  	s26 =	simm.s32 $execute0_lowered;
	[smem:$0x3FD2] =	sst s25  }
0xa6: {  	s4 =	sshll.u32 s26, $0x1;
	_ =	strace $0x80000046;
	[dreg:$0x1] =	wrdreg $0xFFFFFFFF  }
0xa7: {  	s28 =	simm.s32 $_size_execute0_lowered;
	s2 =	sadd.s32 s2, s4;
	[dreg:$0x0] =	wrdreg $0x0  }
0xa8: {  	s4 =	sshll.u32 s28, $0x1;
	[dreg:$0x2] =	wrdreg s2  }
0xa9: {  	[dreg:$0x3] =	wrdreg s4  }
0xaa: {  	[dreg:$0x4] =	wrdreg $0xC0  }
0xab: {  	_ =	task [dreg:s6], $0x5FFFF  }
0xac: {  	[dreg:$0x1] =	wrdreg $0xFFFFFFFF  }
0xad: {  	[dreg:$0x0] =	wrdreg $0x60  }
0xae: {  	[dreg:$0x2] =	wrdreg s24  }
0xaf: {  	[dreg:$0x3] =	wrdreg $0x9  }
0xb0: {  	_ =	task.clear_ibuf [dreg:s6], $0x4FFFF;
	_ =	strace $0x90000046  }
0xb1: {  	s29 =	simm.s32 $0x9;
	_ =	strace $0x80000048  }
0xb2: {  	_ =	swait.ge [sflag:s29], $0x1  }
0xb3: {  	[sflag:s29] =	ssyncadd.s32 $0xFFFFFFFF  }
0xb4: {  	_ =	strace $0x90000048  }
0xb5: {  	_ =	sfence  }
0xb6: {  	s30 =	sld [smem:$0x0];
	_ =	sdelay $0x2  }
0xb7: {  	s31 =	sshll.u32 s1, $0xD;
	s1 =	sshrl.u32 s1, $0x2  }
0xb8: {  	s3 =	sand.u32 $0x4000, s31;
	s1 =	sadd.s32 s1, s30  }
0xb9: {  	s0 =	sor.u32 s3, s0;
	s1 =	sshll.u32 s1, $0x11  }
0xba: {  	s0 =	sor.u32 s1, s0  }
0xbb: {  	s0 =	sadd.s32 $0x8F2B, s0  }
0xbc: {  	[sflag:s0] =	ssyncadd.remote.s32 $0x1  }
0xbd: {  	_ =	sfence.sel $0xFFFF  }
0xbe: {  	[dreg:$0x0] =	wrdreg $0xFFFFFFFF;
	(pc) =	sbr.abs _section_cstart, $3  }
0xbf: {  	[dreg:$0x1] =	wrdreg $0xFFFFFFFF  }
0xc0: {  	_ =	task.clear_ibuf [dreg:s6], $0x2FFFF;
	_ =	strace $0x9FFFFFFF  }
0xc1: {  	(tm) =	ssettm $0x7FFFFFFF  }
tec
execute0_lowered:
.L_overlay_start_1:
0x0: {  	(tag) =	ssettag $0x1  }
0x1: {  	s5 =	rddreg [dreg:$0x0]  }
0x2: {  	s0 =	rddreg [dreg:$0x1];
	s1 =	simm.s32 $0x0;
	s6 =	srdreg.scid  }
0x3: {  	s2 =	stileid.u32;
	s11 =	simm.s32 $0x5000;
	s12 =	simm.s32 $0x7000  }
0x4: {  	s13 =	simm.s32 $0x1;
	s14 =	simm.s32 $0x9000;
	s15 =	simm.s32 $0xB000  }
0x5: {  	s16 =	simm.s32 $0xD000;
	s17 =	simm.s32 $0xF000;
	s18 =	simm.s32 $0x2  }
0x6: {  	s19 =	simm.s32 $0x0;
	[smem:$0x7FF] =	sst s1;
	s3 =	sadd.s32 $0x3400, s5  }
0x7: {  	s4 =	sadd.s32 $0x83400, s5;
	s6 =	sand.u32 $0x1, s6;
	s7 =	sshll.u32 s2, $0xA  }
0x8: {  	s9 =	sshll.u32 s2, $0x10;
	_ =	strace $0x80000047;
	s8 =	sshll.u32 s6, $0x9  }
0x9: {  	s9 =	sadd.s32 s9, s5;
	s10 =	ssub.s32 $0x2, s6;
	s6 =	sshll.u32 s6, $0xF  }
0xa: {  	s7 =	sor.u32 s8, s7;
	s28 =	sshrl.u32 s10, $0x1;
	s6 =	sadd.s32 s6, s9  }
0xb: {  	s8 =	simm.s32 $0x80;
	s9 =	simm.s32 $0x1000;
	s5 =	sadd.s32 s7, s5  }
0xc: {  	s29 =	ssub.s32 s10, s28;
	s30 =	sadd.s32 $0x147400, s6;
	s31 =	sadd.s32 $0x247400, s6  }
0xd: {  	s7 =	simm.s32 $0x3;
	s10 =	simm.s32 $0x3000;
	[dreg:$0x2] =	wrdreg s30  }
0xe: {  	s5 =	sadd.s32 $0x143400, s5;
	s6 =	smax.u32 s29, $0x1;
	[dreg:$0x3] =	wrdreg s31  }
.LBB2_1:
0xf: {  	[tilespmem:s1], [sflag:$0x3] =	stream.linear.gather [hbm4b:s5+s1], $0x1000, $0x38;
	[tilespmem:$0x11000] =	vst v63  }
0x10: {  	_ =	swait.ge [sflag:s7], $0x1000  }
0x11: {  	[sflag:s7] =	ssyncset.done $0x0  }
0x12: {  	[sflag:s7] =	ssyncadd.s32 $0xFFFFF000  }
0x13: {  	[tilespmem:s9], [sflag:$0x1] =	stream.indirect.gather [hbm4b:s3+s8], $0x40, s1, s8, $0xb8;
	[tilespmem:$0x11000] =	vst v63  }
0x14: {  	_ = 	snop  }
0x15: {  	[tilespmem:s10], [sflag:$0x1] =	stream.indirect.gather [hbm4b:s4+s8], $0x40, s1, s8, $0xb8;
	[tilespmem:$0x11000] =	vst v63  }
0x16: {  	_ = 	snop  }
0x17: {  	[tilespmem:s11], [sflag:$0x1] =	stream.indirect.gather [hbm4b:s3+s8], $0x40, s8, s8, $0xb8;
	[tilespmem:$0x11000] =	vst v63  }
0x18: {  	_ = 	snop  }
0x19: {  	[tilespmem:s12], [sflag:$0x1] =	stream.indirect.gather [hbm4b:s4+s8], $0x40, s8, s8, $0xb8;
	[tilespmem:$0x11000] =	vst v63  }
0x1a: {  	_ =	swait.ge [sflag:s13], $0x2000  }
0x1b: {  	[sflag:s13] =	ssyncset.done $0x0  }
0x1c: {  	[sflag:s13] =	ssyncadd.s32 $0xFFFFE000  }
0x1d: {  	_ =	swait.ge [sflag:s13], $0x2000  }
0x1e: {  	[sflag:s13] =	ssyncset.done $0x0  }
0x1f: {  	[sflag:s13] =	ssyncadd.s32 $0xFFFFE000  }
0x20: {  	_ =	swait.ge [sflag:s13], $0x2000  }
0x21: {  	[sflag:s13] =	ssyncset.done $0x0  }
0x22: {  	[sflag:s13] =	ssyncadd.s32 $0xFFFFE000  }
0x23: {  	_ =	swait.ge [sflag:s13], $0x2000  }
0x24: {  	p0 =	por $0x1, $0x1;
	[sflag:s13] =	ssyncset.done $0x0  }
0x25: {  	s20 =	simm.s32 @!p0 $0x2;
	[sflag:s13] =	ssyncadd.s32 $0xFFFFE000  }
0x26: {  	_ =	swait.ge @!p0 [sflag:s20], $0x2000  }
0x27: {  	[sflag:s20] =	ssyncset.done @!p0 $0x0  }
0x28: {  	[sflag:s20] =	ssyncadd.s32 @!p0 $0xFFFFE000  }
0x29: {  	_ =	swait.ge @!p0 [sflag:s20], $0x2000  }
0x2a: {  	[sflag:s20] =	ssyncset.done @!p0 $0x0  }
0x2b: {  	[sflag:s20] =	ssyncadd.s32 @!p0 $0xFFFFE000  }
0x2c: {  	_ =	swait.ge @!p0 [sflag:s20], $0x2000  }
0x2d: {  	[sflag:s20] =	ssyncset.done @!p0 $0x0  }
0x2e: {  	[sflag:s20] =	ssyncadd.s32 @!p0 $0xFFFFE000  }
0x2f: {  	_ =	swait.ge @!p0 [sflag:s20], $0x2000  }
0x30: {  	[sflag:s20] =	ssyncset.done @!p0 $0x0  }
0x31: {  	s23 =	simm.s32 $0x100;
	[sflag:s20] =	ssyncadd.s32 @!p0 $0xFFFFE000  }
0x32: {  	[tilespmem:s14], [sflag:$0x1] =	stream.indirect.gather [hbm4b:s3+s8], $0x40, s23, s8, $0xb8;
	[tilespmem:$0x11000] =	vst v63  }
0x33: {  	_ = 	snop  }
0x34: {  	[tilespmem:s15], [sflag:$0x1] =	stream.indirect.gather [hbm4b:s4+s8], $0x40, s23, s8, $0xb8;
	[tilespmem:$0x11000] =	vst v63  }
0x35: {  	s24 =	simm.s32 $0x180  }
0x36: {  	[tilespmem:s16], [sflag:$0x1] =	stream.indirect.gather [hbm4b:s3+s8], $0x40, s24, s8, $0xb8;
	[tilespmem:$0x11000] =	vst v63  }
0x37: {  	s21 =	rddreg [dreg:$0x2]  }
0x38: {  	[tilespmem:s17], [sflag:$0x1] =	stream.indirect.gather [hbm4b:s4+s8], $0x40, s24, s8, $0xb8;
	[tilespmem:$0x11000] =	vst v63  }
0x39: {  	s22 =	rddreg [dreg:$0x3];
	s25 =	sadd.s32 $0x0, s21  }
0x3a: {  	[hbm4b:s25+s1] =	stream.linear.scatter [tilespmem:s9], [sflag:$0x2], $0x2000, $0x38;
	[tilespmem:$0x11000] =	vst v63  }
0x3b: {  	s26 =	sadd.s32 $0x0, s22  }
0x3c: {  	[hbm4b:s26+s1] =	stream.linear.scatter [tilespmem:s10], [sflag:$0x2], $0x2000, $0x38;
	[tilespmem:$0x11000] =	vst v63  }
0x3d: {  	s28 =	sadd.s32 $0x400, s25  }
0x3e: {  	[hbm4b:s28+s1] =	stream.linear.scatter [tilespmem:s11], [sflag:$0x2], $0x2000, $0x38;
	[tilespmem:$0x11000] =	vst v63  }
0x3f: {  	s29 =	sadd.s32 $0x400, s26  }
0x40: {  	[hbm4b:s29+s1] =	stream.linear.scatter [tilespmem:s12], [sflag:$0x2], $0x2000, $0x38;
	[tilespmem:$0x11000] =	vst v63  }
0x41: {  	_ =	swait.ge [sflag:s13], $0x2000  }
0x42: {  	[sflag:s13] =	ssyncset.done $0x0  }
0x43: {  	[sflag:s13] =	ssyncadd.s32 $0xFFFFE000  }
0x44: {  	_ =	swait.ge [sflag:s13], $0x2000  }
0x45: {  	[sflag:s13] =	ssyncset.done $0x0  }
0x46: {  	[sflag:s13] =	ssyncadd.s32 $0xFFFFE000  }
0x47: {  	_ =	swait.ge [sflag:s13], $0x2000  }
0x48: {  	[sflag:s13] =	ssyncset.done $0x0  }
0x49: {  	[sflag:s13] =	ssyncadd.s32 $0xFFFFE000  }
0x4a: {  	_ =	swait.ge [sflag:s13], $0x2000  }
0x4b: {  	p0 =	por $0x0, $0x0;
	[sflag:s13] =	ssyncset.done $0x0  }
0x4c: {  	s22 =	simm.s32 @!p0 $0x2;
	[sflag:s13] =	ssyncadd.s32 $0xFFFFE000  }
0x4d: {  	_ =	swait.ge @!p0 [sflag:s22], $0x2000  }
0x4e: {  	[sflag:s22] =	ssyncset.done @!p0 $0x0  }
0x4f: {  	[sflag:s22] =	ssyncadd.s32 @!p0 $0xFFFFE000  }
0x50: {  	_ =	swait.ge @!p0 [sflag:s22], $0x2000  }
0x51: {  	[sflag:s22] =	ssyncset.done @!p0 $0x0  }
0x52: {  	[sflag:s22] =	ssyncadd.s32 @!p0 $0xFFFFE000  }
0x53: {  	_ =	swait.ge @!p0 [sflag:s22], $0x2000  }
0x54: {  	[sflag:s22] =	ssyncset.done @!p0 $0x0  }
0x55: {  	[sflag:s22] =	ssyncadd.s32 @!p0 $0xFFFFE000  }
0x56: {  	_ =	swait.ge @!p0 [sflag:s22], $0x2000  }
0x57: {  	s23 =	simm.s32 @!p0 $0x1000;
	[sflag:s22] =	ssyncset.done @!p0 $0x0  }
0x58: {  	s24 =	simm.s32 @!p0 $0x80;
	[sflag:s22] =	ssyncadd.s32 @!p0 $0xFFFFE000;
	s22 =	simm.s32 @!p0 $0x200  }
0x59: {  	[tilespmem:s23], [sflag:$0x1] =	stream.indirect.gather @!p0 [hbm4b:s3+s24], $0x40, s22, s24, $0xb8;
	[tilespmem:$0x11000] =	vst v63  }
0x5a: {  	s23 =	simm.s32 @!p0 $0x3000  }
0x5b: {  	[tilespmem:s23], [sflag:$0x1] =	stream.indirect.gather @!p0 [hbm4b:s4+s24], $0x40, s22, s24, $0xb8;
	[tilespmem:$0x11000] =	vst v63  }
0x5c: {  	s22 =	simm.s32 $0x280;
	s23 =	simm.s32 @!p0 $0x5000  }
0x5d: {  	[tilespmem:s23], [sflag:$0x1] =	stream.indirect.gather @!p0 [hbm4b:s3+s24], $0x40, s22, s24, $0xb8;
	[tilespmem:$0x11000] =	vst v63  }
0x5e: {  	s23 =	simm.s32 @!p0 $0x7000  }
0x5f: {  	[tilespmem:s23], [sflag:$0x1] =	stream.indirect.gather @!p0 [hbm4b:s4+s24], $0x40, s22, s24, $0xb8;
	[tilespmem:$0x11000] =	vst v63  }
0x60: {  	s30 =	sadd.s32 $0x800, s25  }
0x61: {  	[hbm4b:s30+s1] =	stream.linear.scatter [tilespmem:s14], [sflag:$0x2], $0x2000, $0x38;
	[tilespmem:$0x11000] =	vst v63  }
0x62: {  	s31 =	sadd.s32 $0x800, s26  }
0x63: {  	[hbm4b:s31+s1] =	stream.linear.scatter [tilespmem:s15], [sflag:$0x2], $0x2000, $0x38;
	[tilespmem:$0x11000] =	vst v63  }
0x64: {  	s20 =	sadd.s32 $0xC00, s25  }
0x65: {  	[hbm4b:s20+s1] =	stream.linear.scatter [tilespmem:s16], [sflag:$0x2], $0x2000, $0x38;
	[tilespmem:$0x11000] =	vst v63  }
0x66: {  	s21 =	simm.s32 $0x480;
	s22 =	sadd.s32 $0xC00, s26;
	s20 =	simm.s32 $0x1000  }
.LBB2_2:
0x67: {  	[hbm4b:s22+s1] =	stream.linear.scatter [tilespmem:s17], [sflag:$0x2], $0x2000, $0x38;
	[tilespmem:$0x11000] =	vst v63  }
0x68: {  	_ =	swait.ge [sflag:s13], $0x2000  }
0x69: {  	[sflag:s13] =	ssyncset.done $0x0  }
0x6a: {  	[sflag:s13] =	ssyncadd.s32 $0xFFFFE000  }
0x6b: {  	_ =	swait.ge [sflag:s13], $0x2000  }
0x6c: {  	[sflag:s13] =	ssyncset.done $0x0  }
0x6d: {  	[sflag:s13] =	ssyncadd.s32 $0xFFFFE000  }
0x6e: {  	_ =	swait.ge [sflag:s13], $0x2000  }
0x6f: {  	[sflag:s13] =	ssyncset.done $0x0  }
0x70: {  	[sflag:s13] =	ssyncadd.s32 $0xFFFFE000  }
0x71: {  	s22 =	smov.u32 s20;
	_ =	swait.ge [sflag:s13], $0x2000  }
0x72: {  	p1 =	seq.s32 s22, $0x0;
	[sflag:s13] =	ssyncset.done $0x0  }
0x73: {  	s23 =	simm.s32 @!p1 $0x2;
	[sflag:s13] =	ssyncadd.s32 $0xFFFFE000  }
0x74: {  	_ =	swait.ge @!p1 [sflag:s23], $0x2000  }
0x75: {  	[sflag:s23] =	ssyncset.done @!p1 $0x0  }
0x76: {  	[sflag:s23] =	ssyncadd.s32 @!p1 $0xFFFFE000  }
0x77: {  	_ =	swait.ge @!p1 [sflag:s23], $0x2000  }
0x78: {  	[sflag:s23] =	ssyncset.done @!p1 $0x0  }
0x79: {  	[sflag:s23] =	ssyncadd.s32 @!p1 $0xFFFFE000  }
0x7a: {  	_ =	swait.ge @!p1 [sflag:s23], $0x2000  }
0x7b: {  	[sflag:s23] =	ssyncset.done @!p1 $0x0  }
0x7c: {  	[sflag:s23] =	ssyncadd.s32 @!p1 $0xFFFFE000  }
0x7d: {  	_ =	swait.ge @!p1 [sflag:s23], $0x2000  }
0x7e: {  	[sflag:s23] =	ssyncset.done @!p1 $0x0  }
0x7f: {  	s29 =	sadd.s32 $0xFFFFFE80, s21;
	[sflag:s23] =	ssyncadd.s32 @!p1 $0xFFFFE000  }
0x80: {  	[tilespmem:s14], [sflag:$0x1] =	stream.indirect.gather [hbm4b:s3+s8], $0x40, s29, s8, $0xb8;
	[tilespmem:$0x11000] =	vst v63  }
0x81: {  	_ = 	snop  }
0x82: {  	[tilespmem:s15], [sflag:$0x1] =	stream.indirect.gather [hbm4b:s4+s8], $0x40, s29, s8, $0xb8;
	[tilespmem:$0x11000] =	vst v63  }
0x83: {  	s30 =	sadd.s32 $0xFFFFFF00, s21  }
0x84: {  	[tilespmem:s16], [sflag:$0x1] =	stream.indirect.gather [hbm4b:s3+s8], $0x40, s30, s8, $0xb8;
	[tilespmem:$0x11000] =	vst v63  }
0x85: {  	s24 =	rddreg [dreg:$0x2]  }
0x86: {  	[tilespmem:s17], [sflag:$0x1] =	stream.indirect.gather [hbm4b:s4+s8], $0x40, s30, s8, $0xb8;
	[tilespmem:$0x11000] =	vst v63  }
0x87: {  	s25 =	rddreg [dreg:$0x3];
	s31 =	sadd.s32 s22, s24  }
0x88: {  	[hbm4b:s31+s1] =	stream.linear.scatter [tilespmem:s9], [sflag:$0x2], $0x2000, $0x38;
	[tilespmem:$0x11000] =	vst v63  }
0x89: {  	s24 =	sadd.s32 s22, s25  }
0x8a: {  	[hbm4b:s24+s1] =	stream.linear.scatter [tilespmem:s10], [sflag:$0x2], $0x2000, $0x38;
	[tilespmem:$0x11000] =	vst v63  }
0x8b: {  	s26 =	sadd.s32 $0x400, s31  }
0x8c: {  	[hbm4b:s26+s1] =	stream.linear.scatter [tilespmem:s11], [sflag:$0x2], $0x2000, $0x38;
	[tilespmem:$0x11000] =	vst v63  }
0x8d: {  	s28 =	sadd.s32 $0x400, s24  }
0x8e: {  	[hbm4b:s28+s1] =	stream.linear.scatter [tilespmem:s12], [sflag:$0x2], $0x2000, $0x38;
	[tilespmem:$0x11000] =	vst v63  }
0x8f: {  	_ =	swait.ge [sflag:s13], $0x2000  }
0x90: {  	[sflag:s13] =	ssyncset.done $0x0  }
0x91: {  	[sflag:s13] =	ssyncadd.s32 $0xFFFFE000  }
0x92: {  	_ =	swait.ge [sflag:s13], $0x2000  }
0x93: {  	[sflag:s13] =	ssyncset.done $0x0  }
0x94: {  	[sflag:s13] =	ssyncadd.s32 $0xFFFFE000  }
0x95: {  	_ =	swait.ge [sflag:s13], $0x2000  }
0x96: {  	[sflag:s13] =	ssyncset.done $0x0  }
0x97: {  	[sflag:s13] =	ssyncadd.s32 $0xFFFFE000  }
0x98: {  	_ =	swait.ge [sflag:s13], $0x2000  }
0x99: {  	p1 =	seq.s32 s22, $0x7000;
	[sflag:s13] =	ssyncset.done $0x0  }
0x9a: {  	s22 =	simm.s32 @!p1 $0x2;
	[sflag:s13] =	ssyncadd.s32 $0xFFFFE000  }
0x9b: {  	_ =	swait.ge @!p1 [sflag:s22], $0x2000  }
0x9c: {  	[sflag:s22] =	ssyncset.done @!p1 $0x0  }
0x9d: {  	[sflag:s22] =	ssyncadd.s32 @!p1 $0xFFFFE000  }
0x9e: {  	_ =	swait.ge @!p1 [sflag:s22], $0x2000  }
0x9f: {  	[sflag:s22] =	ssyncset.done @!p1 $0x0  }
0xa0: {  	[sflag:s22] =	ssyncadd.s32 @!p1 $0xFFFFE000  }
0xa1: {  	_ =	swait.ge @!p1 [sflag:s22], $0x2000  }
0xa2: {  	[sflag:s22] =	ssyncset.done @!p1 $0x0  }
0xa3: {  	[sflag:s22] =	ssyncadd.s32 @!p1 $0xFFFFE000  }
0xa4: {  	_ =	swait.ge @!p1 [sflag:s22], $0x2000  }
0xa5: {  	s25 =	simm.s32 @!p1 $0x1000;
	[sflag:s22] =	ssyncset.done @!p1 $0x0  }
0xa6: {  	s26 =	simm.s32 @!p1 $0x80;
	[sflag:s22] =	ssyncadd.s32 @!p1 $0xFFFFE000;
	s22 =	sadd.s32 @!p1 $0xFFFFFF80, s21  }
0xa7: {  	[tilespmem:s25], [sflag:$0x1] =	stream.indirect.gather @!p1 [hbm4b:s3+s26], $0x40, s22, s26, $0xb8;
	[tilespmem:$0x11000] =	vst v63  }
0xa8: {  	s25 =	simm.s32 @!p1 $0x3000  }
0xa9: {  	[tilespmem:s25], [sflag:$0x1] =	stream.indirect.gather @!p1 [hbm4b:s4+s26], $0x40, s22, s26, $0xb8;
	[tilespmem:$0x11000] =	vst v63  }
0xaa: {  	s22 =	simm.s32 @!p1 $0x5000  }
0xab: {  	[tilespmem:s22], [sflag:$0x1] =	stream.indirect.gather @!p1 [hbm4b:s3+s26], $0x40, s21, s26, $0xb8;
	[tilespmem:$0x11000] =	vst v63  }
0xac: {  	s20 =	sadd.s32 $0x1000, s20;
	s22 =	simm.s32 @!p1 $0x7000  }
0xad: {  	[tilespmem:s22], [sflag:$0x1] =	stream.indirect.gather @!p1 [hbm4b:s4+s26], $0x40, s21, s26, $0xb8;
	[tilespmem:$0x11000] =	vst v63  }
0xae: {  	p0 =	sne.s32 s20, $0x8000;
	s29 =	sadd.s32 $0x800, s31  }
0xaf: {  	[hbm4b:s29+s1] =	stream.linear.scatter [tilespmem:s14], [sflag:$0x2], $0x2000, $0x38;
	[tilespmem:$0x11000] =	vst v63  }
.Ltmp0:
0xb0: {  	_ = 	snop;
	(pc) =	sbr.rel @p0 .LBB2_2-.Ltmp0, $4  }
0xb1: {  	s30 =	sadd.s32 $0x800, s24  }
0xb2: {  	[hbm4b:s30+s1] =	stream.linear.scatter [tilespmem:s15], [sflag:$0x2], $0x2000, $0x38;
	[tilespmem:$0x11000] =	vst v63  }
0xb3: {  	s31 =	sadd.s32 $0xC00, s31;
	s22 =	sadd.s32 $0xC00, s24;
	s21 =	sadd.s32 $0x200, s21  }
0xb4: {  	[hbm4b:s31+s1] =	stream.linear.scatter [tilespmem:s16], [sflag:$0x2], $0x2000, $0x38;
	[tilespmem:$0x11000] =	vst v63  }
0xb5: {  	[hbm4b:s22+s1] =	stream.linear.scatter [tilespmem:s17], [sflag:$0x2], $0x2000, $0x38;
	[tilespmem:$0x11000] =	vst v63  }
0xb6: {  	_ =	swait.ge [sflag:s18], $0x2000  }
0xb7: {  	[sflag:s18] =	ssyncset.done $0x0  }
0xb8: {  	[sflag:s18] =	ssyncadd.s32 $0xFFFFE000  }
0xb9: {  	_ =	swait.ge [sflag:s18], $0x2000  }
0xba: {  	[sflag:s18] =	ssyncset.done $0x0  }
0xbb: {  	[sflag:s18] =	ssyncadd.s32 $0xFFFFE000  }
0xbc: {  	_ =	swait.ge [sflag:s18], $0x2000  }
0xbd: {  	[sflag:s18] =	ssyncset.done $0x0  }
0xbe: {  	[sflag:s18] =	ssyncadd.s32 $0xFFFFE000  }
0xbf: {  	_ =	swait.ge [sflag:s18], $0x2000  }
0xc0: {  	[sflag:s18] =	ssyncset.done $0x0  }
0xc1: {  	[sflag:s18] =	ssyncadd.s32 $0xFFFFE000  }
0xc2: {  	_ =	swait.ge [sflag:s18], $0x2000  }
0xc3: {  	[sflag:s18] =	ssyncset.done $0x0  }
0xc4: {  	[sflag:s18] =	ssyncadd.s32 $0xFFFFE000  }
0xc5: {  	_ =	swait.ge [sflag:s18], $0x2000  }
0xc6: {  	[sflag:s18] =	ssyncset.done $0x0  }
0xc7: {  	s19 =	sadd.s32 $0x1, s19;
	[sflag:s18] =	ssyncadd.s32 $0xFFFFE000  }
0xc8: {  	p0 =	sne.s32 s19, s6;
	_ =	swait.ge [sflag:s18], $0x2000  }
.Ltmp1:
0xc9: {  	[sflag:s18] =	ssyncset.done $0x0;
	(pc) =	sbr.rel @p0 .LBB2_1-.Ltmp1, $4  }
0xca: {  	[sflag:s18] =	ssyncadd.s32 $0xFFFFE000  }
0xcb: {  	_ =	swait.ge [sflag:s18], $0x2000  }
0xcc: {  	[sflag:s18] =	ssyncset.done $0x0  }
0xcd: {  	[sflag:s18] =	ssyncadd.s32 $0xFFFFE000  }
0xce: {  	_ =	sfence.sel $0x180000  }
0xcf: {  	[bflag:$0x0] =	sbarrier.arrive $0xFFFF  }
0xd0: {  	p0 =	sne.s32 s2, $0x0;
	_ =	strace $0x90000047  }
0xd1: {  	s0 =	sadd.s32 @!p0 $0x100000, s0;
	[bflag:$0x2] =	sbarrier.arrive $0xFFFF  }
0xd2: {  	[sflag:s0] =	ssyncadd.tile.s32 @!p0 $0x1;
	_ =	shalt  }
.Lfunc_end2:
_tile_overlayer_lowered:
.L_overlay_start_2:
0xd3: {  	(tag) =	ssettag $0x2  }
0xd4: {  	s0 =	rddreg [dreg:$0x0];
	s2 =	stileid.u32  }
0xd5: {  	s1 =	rddreg [dreg:$0x1];
	p0 =	sne.s32 s2, $0x0  }
0xd6: {  	s3 =	rddreg [dreg:$0x2];
	[bflag:$0x3] =	sbarrier.arrive $0xFFFF;
	s2 =	simm.s32 @!p0 $0x1C03  }
0xd7: {  	[timem:s3], [sflag:s2] =	dma.local @!p0 [hbm:s0], s1  }
0xd8: {  	s0 =	simm.s32 @!p0 $0x3  }
0xd9: {  	_ =	swait.ge @!p0 [sflag:s0], s1  }
0xda: {  	s1 =	ssub.s32 @!p0 $0x0, s1;
	[sflag:s0] =	ssyncset.done @!p0 $0x0  }
0xdb: {  	[sflag:s0] =	ssyncadd.s32 @!p0 s1  }
0xdc: {  	[bflag:$0x3] =	sbarrier.arrive $0xFFFF  }
0xdd: {  	_ =	shalt  }

</sc_bundles>
